<compile_context>
chip_gen: v7x
topology: tpu7x:2x2x1
jax: 0.10.2.dev20260603
libtpu: 0.0.44.dev20260713+nightly
codegen_flags: <defaults>
</compile_context>

<pallas_src>
import functools

import jax
import jax.numpy as jnp
from jax import lax
from jax.experimental import pallas as pl
from jax.experimental.pallas import tpu as pltpu
from jax.experimental.pallas import tpu_sc as plsc

VOCAB = 1000
D = 1000
VP = 1024
B, T = 4096, 20
L = 16
NDT = 4
NKG = B // L

_info = plsc.get_sparse_core_info()
NC, NS = _info.num_cores, _info.num_subcores
NW = NC * NS
N_TILES = D // 8

_mesh = plsc.VectorSubcoreMesh(core_axis_name="c", subcore_axis_name="s")


@functools.partial(
    pl.kernel,
    mesh=_mesh,
    out_type=jax.ShapeDtypeStruct((T, D, B), jnp.float32),
    scratch_types=[
        [pltpu.VMEM((B,), jnp.int32) for _ in range(2)],
        pltpu.VMEM((NDT * 8 * VP,), jnp.float32),
        [pltpu.VMEM((8, B), jnp.float32) for _ in range(2)],
        [pltpu.SemaphoreType.DMA] * 2,
        [pltpu.SemaphoreType.DMA] * 2,
        pltpu.SemaphoreType.DMA,
    ],
    compiler_params=pltpu.CompilerParams(
        use_tc_tiling_on_sc=True, needs_layout_passes=False),
)
def _gather_kernel(idxT_hbm, ttf_hbm, out_hbm, idxs, tts, slabs, isem, wsem,
                   tsem):
    wid = lax.axis_index("s") * NC + lax.axis_index("c")
    dt0 = jnp.minimum(wid * N_TILES // NW, N_TILES - NDT)

    def i_load(t, sl):
        return pltpu.make_async_copy(idxT_hbm.at[t], idxs[sl], isem[sl])

    def w_copy(t, dt, sl):
        return pltpu.make_async_copy(
            slabs[sl], out_hbm.at[t, pl.ds((dt0 + dt) * 8, 8)], wsem[sl])

    def build_and_write(t, dt, sl):
        w_copy(0, 0, sl).wait()

        def per_kg(k, carry):
            iv = idxs[sl][pl.ds(L * k, L)]
            xs = [plsc.load_gather(
                tts.at[pl.ds((dt * 8 + i) * VP, VP)], [iv]) for i in range(8)]
            for i in range(8):
                slabs[sl][i, pl.ds(L * k, L)] = xs[i]
            return carry

        lax.fori_loop(0, NKG, per_kg, 0, unroll=4)
        w_copy(t, dt, sl).start()

    pltpu.make_async_copy(
        ttf_hbm.at[pl.ds(dt0 * (8 * VP), NDT * 8 * VP)], tts, tsem).start()

    w_copy(0, 0, 0).start()
    w_copy(0, 1, 1).start()

    i_load(0, 0).start()
    i_load(1, 1).start()
    pltpu.make_async_copy(ttf_hbm.at[pl.ds(0, NDT * 8 * VP)], tts, tsem).wait()

    def t_pair(p, carry):
        for sl in range(2):
            t = 2 * p + sl
            i_load(0, sl).wait()
            for dt in range(NDT):
                build_and_write(t, dt, dt & 1)

            @pl.when(p < T // 2 - 1)
            def _():
                i_load(t + 2, sl).start()
        return carry

    lax.fori_loop(0, T // 2, t_pair, 0)

    w_copy(0, 0, 0).wait()
    w_copy(0, 0, 1).wait()


def kernel(index, table):
    idxT = index.T.astype(jnp.int32)
    ttf = jnp.pad(table.T, ((0, 0), (0, VP - VOCAB))).reshape(-1)
    out_phys = _gather_kernel(idxT, ttf)
    return jnp.transpose(out_phys, (2, 0, 1))

# --- scband reference (transcript-rebuilt; emitter-appended) ---
"""Pipeline reference for scband-bigram-language-model-50233937494030 (READ-ONLY COPY).

The authoritative reference and input builder live on the scoring server;
editing this copy changes nothing except your own understanding.
"""

import jax, jax.numpy as jnp
import numpy as np

VOCAB = 1000
B, T = 4096, 20

def setup_inputs(seed: int = 0) -> dict:
    key = jax.random.key(seed)
    k_idx, k_tab = jax.random.split(key)
    index = jax.random.randint(k_idx, (B, T), 0, VOCAB, dtype=jnp.int64 if jax.config.jax_enable_x64 else jnp.int32)
    # nn.Embedding(vocab_size, vocab_size) weight, default init N(0,1)
    table = jax.random.normal(k_tab, (VOCAB, VOCAB), dtype=jnp.float32)
    return {"index": index, "table": table}

def reference(index, table):
    # BigramLanguageModel.forward with target=None:
    # logits = self.embeddings(index); loss = None; return (logits, loss)
    logits = jnp.take(table, index, axis=0)
    return logits

if __name__ == "__main__":
    import jax
    _d = setup_inputs()
    print(jax.jit(kernel)(*tuple(_d.values())))

</pallas_src>

<mosaic_0001>
#map = affine_map<(d0, d1) -> (0, 0)>
#map1 = affine_map<(d0, d1) -> (0)>
#map2 = affine_map<(d0, d1) -> (0, 0, 0)>
module attributes {stable_mosaic.version = 14 : i64} {
  func.func @_gather_kernel(%arg0: i32, %arg1: i32, %arg2: memref<20x4096xi32, #tpu.memory_space<hbm>>, %arg3: memref<1024000xf32, #tpu.memory_space<hbm>>, %arg4: memref<20x1000x4096xf32, #tpu.memory_space<hbm>>, %arg5: memref<4096xi32, #tpu.memory_space<vmem>>, %arg6: memref<4096xi32, #tpu.memory_space<vmem>>, %arg7: memref<32768xf32, #tpu.memory_space<vmem>>, %arg8: memref<8x4096xf32, #tpu.memory_space<vmem>>, %arg9: memref<8x4096xf32, #tpu.memory_space<vmem>>, %arg10: memref<!tpu.dma_semaphore, #tpu.memory_space<semaphore_mem>>, %arg11: memref<!tpu.dma_semaphore, #tpu.memory_space<semaphore_mem>>, %arg12: memref<!tpu.dma_semaphore, #tpu.memory_space<semaphore_mem>>, %arg13: memref<!tpu.dma_semaphore, #tpu.memory_space<semaphore_mem>>, %arg14: memref<!tpu.dma_semaphore, #tpu.memory_space<semaphore_mem>>) attributes {dimension_semantics = [#tpu.dimension_semantics<core_parallel>, #tpu.dimension_semantics<subcore_parallel>], iteration_bounds = array<i64: 2, 16>, scalar_prefetch = 0 : i64, scratch_operands = 10 : i64, tpu.core_type = #tpu.core_type<sc_vector_subcore>, window_params = [{transform_indices = #map}, {transform_indices = #map1}, {transform_indices = #map2}]} {
    %mul3A = arith.constant 2 : i32
    %mul3A_0 = arith.muli %arg1, %mul3A : i32
    %add3A = arith.addi %mul3A_0, %arg0 : i32
    %mul3A_1 = arith.constant 125 : i32
    %mul3A_2 = arith.muli %add3A, %mul3A_1 : i32
    %jit3A = arith.constant 32 : i32
    %div3A = arith.divsi %mul3A_2, %jit3A : i32
    %sign3A = arith.constant 0 : i32
    %sign3A_3 = arith.cmpi sgt, %mul3A_2, %sign3A : i32
    %sign3A_4 = arith.extui %sign3A_3 : i1 to i32
    %sign3A_5 = arith.constant 0 : i32
    %sign3A_6 = arith.cmpi slt, %mul3A_2, %sign3A_5 : i32
    %sign3A_7 = arith.extui %sign3A_6 : i1 to i32
    %sign3A_8 = arith.subi %sign3A_4, %sign3A_7 : i32
    %sign3A_9 = arith.constant 0 : i32
    %sign3A_10 = arith.cmpi sgt, %jit3A, %sign3A_9 : i32
    %sign3A_11 = arith.extui %sign3A_10 : i1 to i32
    %sign3A_12 = arith.constant 0 : i32
    %sign3A_13 = arith.cmpi slt, %jit3A, %sign3A_12 : i32
    %sign3A_14 = arith.extui %sign3A_13 : i1 to i32
    %sign3A_15 = arith.subi %sign3A_11, %sign3A_14 : i32
    %ne3A = arith.cmpi ne, %sign3A_8, %sign3A_15 : i32
    %rem3A = arith.remsi %mul3A_2, %jit3A : i32
    %ne3A_16 = arith.constant 0 : i32
    %ne3A_17 = arith.cmpi ne, %rem3A, %ne3A_16 : i32
    %and3A = arith.andi %ne3A, %ne3A_17 : i1
    %sub3A = arith.constant 1 : i32
    %sub3A_18 = arith.subi %div3A, %sub3A : i32
    %select_n3A = arith.select %and3A, %sub3A_18, %div3A : i32
    %min3A = arith.constant 121 : i32
    %min3A_19 = arith.minsi %select_n3A, %min3A : i32
    %mul3A_20 = arith.constant 8192 : i32
    %mul3A_21 = arith.muli %min3A_19, %mul3A_20 : i32
    %dma_start3A = tpu.memref_slice %arg3[%mul3A_21] : memref<1024000xf32, #tpu.memory_space<hbm>> -> memref<32768xf32, #tpu.memory_space<hbm>>
    %dma_start3A_22 = tpu.memref_slice %arg3[%mul3A_21] : memref<1024000xf32, #tpu.memory_space<hbm>> -> memref<32768xf32, #tpu.memory_space<hbm>>
    tpu.enqueue_dma source(%dma_start3A_22 : memref<32768xf32, #tpu.memory_space<hbm>>) target(%arg7 : memref<32768xf32, #tpu.memory_space<vmem>>) target_semaphore(%arg14 : memref<!tpu.dma_semaphore, #tpu.memory_space<semaphore_mem>>)
    %add3A_23 = arith.constant 0 : i32
    %add3A_24 = arith.addi %min3A_19, %add3A_23 : i32
    %mul3A_25 = arith.constant 8 : i32
    %mul3A_26 = arith.muli %add3A_24, %mul3A_25 : i32
    %dma_start3A_27 = arith.constant 0 : i32
    %dma_start3A_28 = arith.constant 0 : i32
    %dma_start3A_29 = tpu.memref_slice %arg4[%dma_start3A_27, %mul3A_26, %dma_start3A_28] : memref<20x1000x4096xf32, #tpu.memory_space<hbm>> -> memref<1x8x4096xf32, #tpu.memory_space<hbm>>
    %dma_start3A_30 = tpu.memref_squeeze %dma_start3A_29 : memref<1x8x4096xf32, #tpu.memory_space<hbm>> -> memref<8x4096xf32, #tpu.memory_space<hbm>>
    %dma_start3A_31 = arith.constant 0 : i32
    %dma_start3A_32 = tpu.memref_slice %arg4[%dma_start3A_27, %mul3A_26, %dma_start3A_31] : memref<20x1000x4096xf32, #tpu.memory_space<hbm>> -> memref<1x8x4096xf32, #tpu.memory_space<hbm>>
    %dma_start3A_33 = tpu.memref_squeeze %dma_start3A_32 : memref<1x8x4096xf32, #tpu.memory_space<hbm>> -> memref<8x4096xf32, #tpu.memory_space<hbm>>
    tpu.enqueue_dma source(%arg8 : memref<8x4096xf32, #tpu.memory_space<vmem>>) target(%dma_start3A_33 : memref<8x4096xf32, #tpu.memory_space<hbm>>) target_semaphore(%arg12 : memref<!tpu.dma_semaphore, #tpu.memory_space<semaphore_mem>>)
    %add3A_34 = arith.constant 1 : i32
    %add3A_35 = arith.addi %min3A_19, %add3A_34 : i32
    %mul3A_36 = arith.constant 8 : i32
    %mul3A_37 = arith.muli %add3A_35, %mul3A_36 : i32
    %dma_start3A_38 = arith.constant 0 : i32
    %dma_start3A_39 = arith.constant 0 : i32
    %dma_start3A_40 = tpu.memref_slice %arg4[%dma_start3A_38, %mul3A_37, %dma_start3A_39] : memref<20x1000x4096xf32, #tpu.memory_space<hbm>> -> memref<1x8x4096xf32, #tpu.memory_space<hbm>>
    %dma_start3A_41 = tpu.memref_squeeze %dma_start3A_40 : memref<1x8x4096xf32, #tpu.memory_space<hbm>> -> memref<8x4096xf32, #tpu.memory_space<hbm>>
    %dma_start3A_42 = arith.constant 0 : i32
    %dma_start3A_43 = tpu.memref_slice %arg4[%dma_start3A_38, %mul3A_37, %dma_start3A_42] : memref<20x1000x4096xf32, #tpu.memory_space<hbm>> -> memref<1x8x4096xf32, #tpu.memory_space<hbm>>
    %dma_start3A_44 = tpu.memref_squeeze %dma_start3A_43 : memref<1x8x4096xf32, #tpu.memory_space<hbm>> -> memref<8x4096xf32, #tpu.memory_space<hbm>>
    tpu.enqueue_dma source(%arg9 : memref<8x4096xf32, #tpu.memory_space<vmem>>) target(%dma_start3A_44 : memref<8x4096xf32, #tpu.memory_space<hbm>>) target_semaphore(%arg13 : memref<!tpu.dma_semaphore, #tpu.memory_space<semaphore_mem>>)
    %dma_start3A_45 = arith.constant 0 : i32
    %dma_start3A_46 = arith.constant 0 : i32
    %dma_start3A_47 = tpu.memref_slice %arg2[%dma_start3A_45, %dma_start3A_46] : memref<20x4096xi32, #tpu.memory_space<hbm>> -> memref<1x4096xi32, #tpu.memory_space<hbm>>
    %dma_start3A_48 = tpu.memref_squeeze %dma_start3A_47 : memref<1x4096xi32, #tpu.memory_space<hbm>> -> memref<4096xi32, #tpu.memory_space<hbm>>
    %dma_start3A_49 = arith.constant 0 : i32
    %dma_start3A_50 = tpu.memref_slice %arg2[%dma_start3A_45, %dma_start3A_49] : memref<20x4096xi32, #tpu.memory_space<hbm>> -> memref<1x4096xi32, #tpu.memory_space<hbm>>
    %dma_start3A_51 = tpu.memref_squeeze %dma_start3A_50 : memref<1x4096xi32, #tpu.memory_space<hbm>> -> memref<4096xi32, #tpu.memory_space<hbm>>
    tpu.enqueue_dma source(%dma_start3A_51 : memref<4096xi32, #tpu.memory_space<hbm>>) target(%arg5 : memref<4096xi32, #tpu.memory_space<vmem>>) target_semaphore(%arg10 : memref<!tpu.dma_semaphore, #tpu.memory_space<semaphore_mem>>)
    %dma_start3A_52 = arith.constant 1 : i32
    %dma_start3A_53 = arith.constant 0 : i32
    %dma_start3A_54 = tpu.memref_slice %arg2[%dma_start3A_52, %dma_start3A_53] : memref<20x4096xi32, #tpu.memory_space<hbm>> -> memref<1x4096xi32, #tpu.memory_space<hbm>>
    %dma_start3A_55 = tpu.memref_squeeze %dma_start3A_54 : memref<1x4096xi32, #tpu.memory_space<hbm>> -> memref<4096xi32, #tpu.memory_space<hbm>>
    %dma_start3A_56 = arith.constant 0 : i32
    %dma_start3A_57 = tpu.memref_slice %arg2[%dma_start3A_52, %dma_start3A_56] : memref<20x4096xi32, #tpu.memory_space<hbm>> -> memref<1x4096xi32, #tpu.memory_space<hbm>>
    %dma_start3A_58 = tpu.memref_squeeze %dma_start3A_57 : memref<1x4096xi32, #tpu.memory_space<hbm>> -> memref<4096xi32, #tpu.memory_space<hbm>>
    tpu.enqueue_dma source(%dma_start3A_58 : memref<4096xi32, #tpu.memory_space<hbm>>) target(%arg6 : memref<4096xi32, #tpu.memory_space<vmem>>) target_semaphore(%arg11 : memref<!tpu.dma_semaphore, #tpu.memory_space<semaphore_mem>>)
    %dma_wait3A = arith.constant 0 : i32
    %dma_wait3A_59 = tpu.memref_slice %arg3[%dma_wait3A] : memref<1024000xf32, #tpu.memory_space<hbm>> -> memref<32768xf32, #tpu.memory_space<hbm>>
    %dma_wait3A_60 = arith.constant 0 : i32
    %dma_wait3A_61 = tpu.memref_slice %arg3[%dma_wait3A_60] : memref<1024000xf32, #tpu.memory_space<hbm>> -> memref<32768xf32, #tpu.memory_space<hbm>>
    tpu.wait_dma2 semaphore(%arg14 : memref<!tpu.dma_semaphore, #tpu.memory_space<semaphore_mem>>) src(%dma_wait3A_61 : memref<32768xf32, #tpu.memory_space<hbm>>) dst(%arg7 : memref<32768xf32, #tpu.memory_space<vmem>>)
    %scan3A = arith.constant 0 : i32
    %scan3A_62 = arith.constant 0 : i32
    %scan3A_63 = arith.constant 10 : i32
    %scan3A_64 = arith.addi %scan3A_62, %scan3A_63 : i32
    %scan3A_65 = arith.constant 1 : i32
    scf.for %scan3A_89 = %scan3A_62 to %scan3A_64 step %scan3A_65  : i32 {
      %mul3A_90 = arith.constant 2 : i32
      %mul3A_91 = arith.muli %mul3A_90, %scan3A_89 : i32
      %add3A_92 = arith.constant 0 : i32
      %add3A_93 = arith.addi %mul3A_91, %add3A_92 : i32
      %dma_wait3A_94 = arith.constant 0 : i32
      %dma_wait3A_95 = arith.constant 0 : i32
      %dma_wait3A_96 = tpu.memref_slice %arg2[%dma_wait3A_94, %dma_wait3A_95] : memref<20x4096xi32, #tpu.memory_space<hbm>> -> memref<1x4096xi32, #tpu.memory_space<hbm>>
      %dma_wait3A_97 = tpu.memref_squeeze %dma_wait3A_96 : memref<1x4096xi32, #tpu.memory_space<hbm>> -> memref<4096xi32, #tpu.memory_space<hbm>>
      %dma_wait3A_98 = arith.constant 0 : i32
      %dma_wait3A_99 = tpu.memref_slice %arg2[%dma_wait3A_94, %dma_wait3A_98] : memref<20x4096xi32, #tpu.memory_space<hbm>> -> memref<1x4096xi32, #tpu.memory_space<hbm>>
      %dma_wait3A_100 = tpu.memref_squeeze %dma_wait3A_99 : memref<1x4096xi32, #tpu.memory_space<hbm>> -> memref<4096xi32, #tpu.memory_space<hbm>>
      tpu.wait_dma2 semaphore(%arg10 : memref<!tpu.dma_semaphore, #tpu.memory_space<semaphore_mem>>) src(%dma_wait3A_100 : memref<4096xi32, #tpu.memory_space<hbm>>) dst(%arg5 : memref<4096xi32, #tpu.memory_space<vmem>>)
      %add3A_101 = arith.constant 0 : i32
      %add3A_102 = arith.addi %min3A_19, %add3A_101 : i32
      %mul3A_103 = arith.constant 8 : i32
      %mul3A_104 = arith.muli %add3A_102, %mul3A_103 : i32
      %dma_wait3A_105 = arith.constant 0 : i32
      %dma_wait3A_106 = arith.constant 0 : i32
      %dma_wait3A_107 = tpu.memref_slice %arg4[%dma_wait3A_105, %mul3A_104, %dma_wait3A_106] : memref<20x1000x4096xf32, #tpu.memory_space<hbm>> -> memref<1x8x4096xf32, #tpu.memory_space<hbm>>
      %dma_wait3A_108 = tpu.memref_squeeze %dma_wait3A_107 : memref<1x8x4096xf32, #tpu.memory_space<hbm>> -> memref<8x4096xf32, #tpu.memory_space<hbm>>
      %dma_wait3A_109 = arith.constant 0 : i32
      %dma_wait3A_110 = tpu.memref_slice %arg4[%dma_wait3A_105, %mul3A_104, %dma_wait3A_109] : memref<20x1000x4096xf32, #tpu.memory_space<hbm>> -> memref<1x8x4096xf32, #tpu.memory_space<hbm>>
      %dma_wait3A_111 = tpu.memref_squeeze %dma_wait3A_110 : memref<1x8x4096xf32, #tpu.memory_space<hbm>> -> memref<8x4096xf32, #tpu.memory_space<hbm>>
      tpu.wait_dma2 semaphore(%arg12 : memref<!tpu.dma_semaphore, #tpu.memory_space<semaphore_mem>>) src(%arg8 : memref<8x4096xf32, #tpu.memory_space<vmem>>) dst(%dma_wait3A_111 : memref<8x4096xf32, #tpu.memory_space<hbm>>)
      %scan3A_112 = arith.constant 0 : i32
      %scan3A_113 = arith.constant 0 : i32
      %scan3A_114 = arith.constant 256 : i32
      %scan3A_115 = arith.addi %scan3A_113, %scan3A_114 : i32
      %scan3A_116 = arith.constant 4 : i32
      scf.for %scan3A_335 = %scan3A_113 to %scan3A_115 step %scan3A_116  : i32 {
        %mul3A_336 = arith.constant 16 : i32
        %mul3A_337 = arith.muli %mul3A_336, %scan3A_335 : i32
        %get3A = arith.index_cast %mul3A_337 : i32 to index
        %get3A_338 = tpu.vector_load %arg5[%get3A] {strides = array<i32>} : memref<4096xi32, #tpu.memory_space<vmem>>, vector<16xi32>,
        %gather3A = arith.constant 0 : i32
        %gather3A_339 = tpu.memref_slice %arg7[%gather3A] : memref<32768xf32, #tpu.memory_space<vmem>> -> memref<1024xf32, #tpu.memory_space<vmem>>
        %gather3A_340 = tpu.vector_load_idx %gather3A_339[%get3A_338] : memref<1024xf32, #tpu.memory_space<vmem>>[vector<16xi32>], vector<16xf32>,
        %gather3A_341 = arith.constant 1024 : i32
        %gather3A_342 = tpu.memref_slice %arg7[%gather3A_341] : memref<32768xf32, #tpu.memory_space<vmem>> -> memref<1024xf32, #tpu.memory_space<vmem>>
        %gather3A_343 = tpu.vector_load_idx %gather3A_342[%get3A_338] : memref<1024xf32, #tpu.memory_space<vmem>>[vector<16xi32>], vector<16xf32>,
        %gather3A_344 = arith.constant 2048 : i32
        %gather3A_345 = tpu.memref_slice %arg7[%gather3A_344] : memref<32768xf32, #tpu.memory_space<vmem>> -> memref<1024xf32, #tpu.memory_space<vmem>>
        %gather3A_346 = tpu.vector_load_idx %gather3A_345[%get3A_338] : memref<1024xf32, #tpu.memory_space<vmem>>[vector<16xi32>], vector<16xf32>,
        %gather3A_347 = arith.constant 3072 : i32
        %gather3A_348 = tpu.memref_slice %arg7[%gather3A_347] : memref<32768xf32, #tpu.memory_space<vmem>> -> memref<1024xf32, #tpu.memory_space<vmem>>
        %gather3A_349 = tpu.vector_load_idx %gather3A_348[%get3A_338] : memref<1024xf32, #tpu.memory_space<vmem>>[vector<16xi32>], vector<16xf32>,
        %gather3A_350 = arith.constant 4096 : i32
        %gather3A_351 = tpu.memref_slice %arg7[%gather3A_350] : memref<32768xf32, #tpu.memory_space<vmem>> -> memref<1024xf32, #tpu.memory_space<vmem>>
        %gather3A_352 = tpu.vector_load_idx %gather3A_351[%get3A_338] : memref<1024xf32, #tpu.memory_space<vmem>>[vector<16xi32>], vector<16xf32>,
        %gather3A_353 = arith.constant 5120 : i32
        %gather3A_354 = tpu.memref_slice %arg7[%gather3A_353] : memref<32768xf32, #tpu.memory_space<vmem>> -> memref<1024xf32, #tpu.memory_space<vmem>>
        %gather3A_355 = tpu.vector_load_idx %gather3A_354[%get3A_338] : memref<1024xf32, #tpu.memory_space<vmem>>[vector<16xi32>], vector<16xf32>,
        %gather3A_356 = arith.constant 6144 : i32
        %gather3A_357 = tpu.memref_slice %arg7[%gather3A_356] : memref<32768xf32, #tpu.memory_space<vmem>> -> memref<1024xf32, #tpu.memory_space<vmem>>
        %gather3A_358 = tpu.vector_load_idx %gather3A_357[%get3A_338] : memref<1024xf32, #tpu.memory_space<vmem>>[vector<16xi32>], vector<16xf32>,
        %gather3A_359 = arith.constant 7168 : i32
        %gather3A_360 = tpu.memref_slice %arg7[%gather3A_359] : memref<32768xf32, #tpu.memory_space<vmem>> -> memref<1024xf32, #tpu.memory_space<vmem>>
        %gather3A_361 = tpu.vector_load_idx %gather3A_360[%get3A_338] : memref<1024xf32, #tpu.memory_space<vmem>>[vector<16xi32>], vector<16xf32>,
        %mul3A_362 = arith.constant 16 : i32
        %mul3A_363 = arith.muli %mul3A_362, %scan3A_335 : i32
        %swap3A = arith.constant 0 : i32
        %swap3A_364 = arith.index_cast %swap3A : i32 to index
        %swap3A_365 = arith.index_cast %mul3A_363 : i32 to index
        %swap3A_366 = tpu.vector_load %arg8[%swap3A_364, %swap3A_365] {strides = array<i32>} : memref<8x4096xf32, #tpu.memory_space<vmem>>, vector<16xf32>,
        tpu.vector_store %arg8[%swap3A_364, %swap3A_365], %gather3A_340 {strides = array<i32>} : memref<8x4096xf32, #tpu.memory_space<vmem>>, vector<16xf32>,
        %mul3A_367 = arith.constant 16 : i32
        %mul3A_368 = arith.muli %mul3A_367, %scan3A_335 : i32
        %swap3A_369 = arith.constant 1 : i32
        %swap3A_370 = arith.index_cast %swap3A_369 : i32 to index
        %swap3A_371 = arith.index_cast %mul3A_368 : i32 to index
        %swap3A_372 = tpu.vector_load %arg8[%swap3A_370, %swap3A_371] {strides = array<i32>} : memref<8x4096xf32, #tpu.memory_space<vmem>>, vector<16xf32>,
        tpu.vector_store %arg8[%swap3A_370, %swap3A_371], %gather3A_343 {strides = array<i32>} : memref<8x4096xf32, #tpu.memory_space<vmem>>, vector<16xf32>,
        %mul3A_373 = arith.constant 16 : i32
        %mul3A_374 = arith.muli %mul3A_373, %scan3A_335 : i32
        %swap3A_375 = arith.constant 2 : i32
        %swap3A_376 = arith.index_cast %swap3A_375 : i32 to index
        %swap3A_377 = arith.index_cast %mul3A_374 : i32 to index
        %swap3A_378 = tpu.vector_load %arg8[%swap3A_376, %swap3A_377] {strides = array<i32>} : memref<8x4096xf32, #tpu.memory_space<vmem>>, vector<16xf32>,
        tpu.vector_store %arg8[%swap3A_376, %swap3A_377], %gather3A_346 {strides = array<i32>} : memref<8x4096xf32, #tpu.memory_space<vmem>>, vector<16xf32>,
        %mul3A_379 = arith.constant 16 : i32
        %mul3A_380 = arith.muli %mul3A_379, %scan3A_335 : i32
        %swap3A_381 = arith.constant 3 : i32
        %swap3A_382 = arith.index_cast %swap3A_381 : i32 to index
        %swap3A_383 = arith.index_cast %mul3A_380 : i32 to index
        %swap3A_384 = tpu.vector_load %arg8[%swap3A_382, %swap3A_383] {strides = array<i32>} : memref<8x4096xf32, #tpu.memory_space<vmem>>, vector<16xf32>,
        tpu.vector_store %arg8[%swap3A_382, %swap3A_383], %gather3A_349 {strides = array<i32>} : memref<8x4096xf32, #tpu.memory_space<vmem>>, vector<16xf32>,
        %mul3A_385 = arith.constant 16 : i32
        %mul3A_386 = arith.muli %mul3A_385, %scan3A_335 : i32
        %swap3A_387 = arith.constant 4 : i32
        %swap3A_388 = arith.index_cast %swap3A_387 : i32 to index
        %swap3A_389 = arith.index_cast %mul3A_386 : i32 to index
        %swap3A_390 = tpu.vector_load %arg8[%swap3A_388, %swap3A_389] {strides = array<i32>} : memref<8x4096xf32, #tpu.memory_space<vmem>>, vector<16xf32>,
        tpu.vector_store %arg8[%swap3A_388, %swap3A_389], %gather3A_352 {strides = array<i32>} : memref<8x4096xf32, #tpu.memory_space<vmem>>, vector<16xf32>,
        %mul3A_391 = arith.constant 16 : i32
        %mul3A_392 = arith.muli %mul3A_391, %scan3A_335 : i32
        %swap3A_393 = arith.constant 5 : i32
        %swap3A_394 = arith.index_cast %swap3A_393 : i32 to index
        %swap3A_395 = arith.index_cast %mul3A_392 : i32 to index
        %swap3A_396 = tpu.vector_load %arg8[%swap3A_394, %swap3A_395] {strides = array<i32>} : memref<8x4096xf32, #tpu.memory_space<vmem>>, vector<16xf32>,
        tpu.vector_store %arg8[%swap3A_394, %swap3A_395], %gather3A_355 {strides = array<i32>} : memref<8x4096xf32, #tpu.memory_space<vmem>>, vector<16xf32>,
        %mul3A_397 = arith.constant 16 : i32
        %mul3A_398 = arith.muli %mul3A_397, %scan3A_335 : i32
        %swap3A_399 = arith.constant 6 : i32
        %swap3A_400 = arith.index_cast %swap3A_399 : i32 to index
        %swap3A_401 = arith.index_cast %mul3A_398 : i32 to index
        %swap3A_402 = tpu.vector_load %arg8[%swap3A_400, %swap3A_401] {strides = array<i32>} : memref<8x4096xf32, #tpu.memory_space<vmem>>, vector<16xf32>,
        tpu.vector_store %arg8[%swap3A_400, %swap3A_401], %gather3A_358 {strides = array<i32>} : memref<8x4096xf32, #tpu.memory_space<vmem>>, vector<16xf32>,
        %mul3A_403 = arith.constant 16 : i32
        %mul3A_404 = arith.muli %mul3A_403, %scan3A_335 : i32
        %swap3A_405 = arith.constant 7 : i32
        %swap3A_406 = arith.index_cast %swap3A_405 : i32 to index
        %swap3A_407 = arith.index_cast %mul3A_404 : i32 to index
        %swap3A_408 = tpu.vector_load %arg8[%swap3A_406, %swap3A_407] {strides = array<i32>} : memref<8x4096xf32, #tpu.memory_space<vmem>>, vector<16xf32>,
        tpu.vector_store %arg8[%swap3A_406, %swap3A_407], %gather3A_361 {strides = array<i32>} : memref<8x4096xf32, #tpu.memory_space<vmem>>, vector<16xf32>,
        %scan3A_409 = arith.constant 1 : i32
        %scan3A_410 = arith.addi %scan3A_335, %scan3A_409 : i32
        %mul3A_411 = arith.constant 16 : i32
        %mul3A_412 = arith.muli %mul3A_411, %scan3A_410 : i32
        %get3A_413 = arith.index_cast %mul3A_412 : i32 to index
        %get3A_414 = tpu.vector_load %arg5[%get3A_413] {strides = array<i32>} : memref<4096xi32, #tpu.memory_space<vmem>>, vector<16xi32>,
        %gather3A_415 = arith.constant 0 : i32
        %gather3A_416 = tpu.memref_slice %arg7[%gather3A_415] : memref<32768xf32, #tpu.memory_space<vmem>> -> memref<1024xf32, #tpu.memory_space<vmem>>
        %gather3A_417 = tpu.vector_load_idx %gather3A_416[%get3A_414] : memref<1024xf32, #tpu.memory_space<vmem>>[vector<16xi32>], vector<16xf32>,
        %gather3A_418 = arith.constant 1024 : i32
        %gather3A_419 = tpu.memref_slice %arg7[%gather3A_418] : memref<32768xf32, #tpu.memory_space<vmem>> -> memref<1024xf32, #tpu.memory_space<vmem>>
        %gather3A_420 = tpu.vector_load_idx %gather3A_419[%get3A_414] : memref<1024xf32, #tpu.memory_space<vmem>>[vector<16xi32>], vector<16xf32>,
        %gather3A_421 = arith.constant 2048 : i32
        %gather3A_422 = tpu.memref_slice %arg7[%gather3A_421] : memref<32768xf32, #tpu.memory_space<vmem>> -> memref<1024xf32, #tpu.memory_space<vmem>>
        %gather3A_423 = tpu.vector_load_idx %gather3A_422[%get3A_414] : memref<1024xf32, #tpu.memory_space<vmem>>[vector<16xi32>], vector<16xf32>,
        %gather3A_424 = arith.constant 3072 : i32
        %gather3A_425 = tpu.memref_slice %arg7[%gather3A_424] : memref<32768xf32, #tpu.memory_space<vmem>> -> memref<1024xf32, #tpu.memory_space<vmem>>
        %gather3A_426 = tpu.vector_load_idx %gather3A_425[%get3A_414] : memref<1024xf32, #tpu.memory_space<vmem>>[vector<16xi32>], vector<16xf32>,
        %gather3A_427 = arith.constant 4096 : i32
        %gather3A_428 = tpu.memref_slice %arg7[%gather3A_427] : memref<32768xf32, #tpu.memory_space<vmem>> -> memref<1024xf32, #tpu.memory_space<vmem>>
        %gather3A_429 = tpu.vector_load_idx %gather3A_428[%get3A_414] : memref<1024xf32, #tpu.memory_space<vmem>>[vector<16xi32>], vector<16xf32>,
        %gather3A_430 = arith.constant 5120 : i32
        %gather3A_431 = tpu.memref_slice %arg7[%gather3A_430] : memref<32768xf32, #tpu.memory_space<vmem>> -> memref<1024xf32, #tpu.memory_space<vmem>>
        %gather3A_432 = tpu.vector_load_idx %gather3A_431[%get3A_414] : memref<1024xf32, #tpu.memory_space<vmem>>[vector<16xi32>], vector<16xf32>,
        %gather3A_433 = arith.constant 6144 : i32
        %gather3A_434 = tpu.memref_slice %arg7[%gather3A_433] : memref<32768xf32, #tpu.memory_space<vmem>> -> memref<1024xf32, #tpu.memory_space<vmem>>
        %gather3A_435 = tpu.vector_load_idx %gather3A_434[%get3A_414] : memref<1024xf32, #tpu.memory_space<vmem>>[vector<16xi32>], vector<16xf32>,
        %gather3A_436 = arith.constant 7168 : i32
        %gather3A_437 = tpu.memref_slice %arg7[%gather3A_436] : memref<32768xf32, #tpu.memory_space<vmem>> -> memref<1024xf32, #tpu.memory_space<vmem>>
        %gather3A_438 = tpu.vector_load_idx %gather3A_437[%get3A_414] : memref<1024xf32, #tpu.memory_space<vmem>>[vector<16xi32>], vector<16xf32>,
        %mul3A_439 = arith.constant 16 : i32
        %mul3A_440 = arith.muli %mul3A_439, %scan3A_410 : i32
        %swap3A_441 = arith.constant 0 : i32
        %swap3A_442 = arith.index_cast %swap3A_441 : i32 to index
        %swap3A_443 = arith.index_cast %mul3A_440 : i32 to index
        %swap3A_444 = tpu.vector_load %arg8[%swap3A_442, %swap3A_443] {strides = array<i32>} : memref<8x4096xf32, #tpu.memory_space<vmem>>, vector<16xf32>,
        tpu.vector_store %arg8[%swap3A_442, %swap3A_443], %gather3A_417 {strides = array<i32>} : memref<8x4096xf32, #tpu.memory_space<vmem>>, vector<16xf32>,
        %mul3A_445 = arith.constant 16 : i32
        %mul3A_446 = arith.muli %mul3A_445, %scan3A_410 : i32
        %swap3A_447 = arith.constant 1 : i32
        %swap3A_448 = arith.index_cast %swap3A_447 : i32 to index
        %swap3A_449 = arith.index_cast %mul3A_446 : i32 to index
        %swap3A_450 = tpu.vector_load %arg8[%swap3A_448, %swap3A_449] {strides = array<i32>} : memref<8x4096xf32, #tpu.memory_space<vmem>>, vector<16xf32>,
        tpu.vector_store %arg8[%swap3A_448, %swap3A_449], %gather3A_420 {strides = array<i32>} : memref<8x4096xf32, #tpu.memory_space<vmem>>, vector<16xf32>,
        %mul3A_451 = arith.constant 16 : i32
        %mul3A_452 = arith.muli %mul3A_451, %scan3A_410 : i32
        %swap3A_453 = arith.constant 2 : i32
        %swap3A_454 = arith.index_cast %swap3A_453 : i32 to index
        %swap3A_455 = arith.index_cast %mul3A_452 : i32 to index
        %swap3A_456 = tpu.vector_load %arg8[%swap3A_454, %swap3A_455] {strides = array<i32>} : memref<8x4096xf32, #tpu.memory_space<vmem>>, vector<16xf32>,
        tpu.vector_store %arg8[%swap3A_454, %swap3A_455], %gather3A_423 {strides = array<i32>} : memref<8x4096xf32, #tpu.memory_space<vmem>>, vector<16xf32>,
        %mul3A_457 = arith.constant 16 : i32
        %mul3A_458 = arith.muli %mul3A_457, %scan3A_410 : i32
        %swap3A_459 = arith.constant 3 : i32
        %swap3A_460 = arith.index_cast %swap3A_459 : i32 to index
        %swap3A_461 = arith.index_cast %mul3A_458 : i32 to index
        %swap3A_462 = tpu.vector_load %arg8[%swap3A_460, %swap3A_461] {strides = array<i32>} : memref<8x4096xf32, #tpu.memory_space<vmem>>, vector<16xf32>,
        tpu.vector_store %arg8[%swap3A_460, %swap3A_461], %gather3A_426 {strides = array<i32>} : memref<8x4096xf32, #tpu.memory_space<vmem>>, vector<16xf32>,
        %mul3A_463 = arith.constant 16 : i32
        %mul3A_464 = arith.muli %mul3A_463, %scan3A_410 : i32
        %swap3A_465 = arith.constant 4 : i32
        %swap3A_466 = arith.index_cast %swap3A_465 : i32 to index
        %swap3A_467 = arith.index_cast %mul3A_464 : i32 to index
        %swap3A_468 = tpu.vector_load %arg8[%swap3A_466, %swap3A_467] {strides = array<i32>} : memref<8x4096xf32, #tpu.memory_space<vmem>>, vector<16xf32>,
        tpu.vector_store %arg8[%swap3A_466, %swap3A_467], %gather3A_429 {strides = array<i32>} : memref<8x4096xf32, #tpu.memory_space<vmem>>, vector<16xf32>,
        %mul3A_469 = arith.constant 16 : i32
        %mul3A_470 = arith.muli %mul3A_469, %scan3A_410 : i32
        %swap3A_471 = arith.constant 5 : i32
        %swap3A_472 = arith.index_cast %swap3A_471 : i32 to index
        %swap3A_473 = arith.index_cast %mul3A_470 : i32 to index
        %swap3A_474 = tpu.vector_load %arg8[%swap3A_472, %swap3A_473] {strides = array<i32>} : memref<8x4096xf32, #tpu.memory_space<vmem>>, vector<16xf32>,
        tpu.vector_store %arg8[%swap3A_472, %swap3A_473], %gather3A_432 {strides = array<i32>} : memref<8x4096xf32, #tpu.memory_space<vmem>>, vector<16xf32>,
        %mul3A_475 = arith.constant 16 : i32
        %mul3A_476 = arith.muli %mul3A_475, %scan3A_410 : i32
        %swap3A_477 = arith.constant 6 : i32
        %swap3A_478 = arith.index_cast %swap3A_477 : i32 to index
        %swap3A_479 = arith.index_cast %mul3A_476 : i32 to index
        %swap3A_480 = tpu.vector_load %arg8[%swap3A_478, %swap3A_479] {strides = array<i32>} : memref<8x4096xf32, #tpu.memory_space<vmem>>, vector<16xf32>,
        tpu.vector_store %arg8[%swap3A_478, %swap3A_479], %gather3A_435 {strides = array<i32>} : memref<8x4096xf32, #tpu.memory_space<vmem>>, vector<16xf32>,
        %mul3A_481 = arith.constant 16 : i32
        %mul3A_482 = arith.muli %mul3A_481, %scan3A_410 : i32
        %swap3A_483 = arith.constant 7 : i32
        %swap3A_484 = arith.index_cast %swap3A_483 : i32 to index
        %swap3A_485 = arith.index_cast %mul3A_482 : i32 to index
        %swap3A_486 = tpu.vector_load %arg8[%swap3A_484, %swap3A_485] {strides = array<i32>} : memref<8x4096xf32, #tpu.memory_space<vmem>>, vector<16xf32>,
        tpu.vector_store %arg8[%swap3A_484, %swap3A_485], %gather3A_438 {strides = array<i32>} : memref<8x4096xf32, #tpu.memory_space<vmem>>, vector<16xf32>,
        %scan3A_487 = arith.constant 2 : i32
        %scan3A_488 = arith.addi %scan3A_335, %scan3A_487 : i32
        %mul3A_489 = arith.constant 16 : i32
        %mul3A_490 = arith.muli %mul3A_489, %scan3A_488 : i32
        %get3A_491 = arith.index_cast %mul3A_490 : i32 to index
        %get3A_492 = tpu.vector_load %arg5[%get3A_491] {strides = array<i32>} : memref<4096xi32, #tpu.memory_space<vmem>>, vector<16xi32>,
        %gather3A_493 = arith.constant 0 : i32
        %gather3A_494 = tpu.memref_slice %arg7[%gather3A_493] : memref<32768xf32, #tpu.memory_space<vmem>> -> memref<1024xf32, #tpu.memory_space<vmem>>
        %gather3A_495 = tpu.vector_load_idx %gather3A_494[%get3A_492] : memref<1024xf32, #tpu.memory_space<vmem>>[vector<16xi32>], vector<16xf32>,
        %gather3A_496 = arith.constant 1024 : i32
        %gather3A_497 = tpu.memref_slice %arg7[%gather3A_496] : memref<32768xf32, #tpu.memory_space<vmem>> -> memref<1024xf32, #tpu.memory_space<vmem>>
        %gather3A_498 = tpu.vector_load_idx %gather3A_497[%get3A_492] : memref<1024xf32, #tpu.memory_space<vmem>>[vector<16xi32>], vector<16xf32>,
        %gather3A_499 = arith.constant 2048 : i32
        %gather3A_500 = tpu.memref_slice %arg7[%gather3A_499] : memref<32768xf32, #tpu.memory_space<vmem>> -> memref<1024xf32, #tpu.memory_space<vmem>>
        %gather3A_501 = tpu.vector_load_idx %gather3A_500[%get3A_492] : memref<1024xf32, #tpu.memory_space<vmem>>[vector<16xi32>], vector<16xf32>,
        %gather3A_502 = arith.constant 3072 : i32
        %gather3A_503 = tpu.memref_slice %arg7[%gather3A_502] : memref<32768xf32, #tpu.memory_space<vmem>> -> memref<1024xf32, #tpu.memory_space<vmem>>
        %gather3A_504 = tpu.vector_load_idx %gather3A_503[%get3A_492] : memref<1024xf32, #tpu.memory_space<vmem>>[vector<16xi32>], vector<16xf32>,
        %gather3A_505 = arith.constant 4096 : i32
        %gather3A_506 = tpu.memref_slice %arg7[%gather3A_505] : memref<32768xf32, #tpu.memory_space<vmem>> -> memref<1024xf32, #tpu.memory_space<vmem>>
        %gather3A_507 = tpu.vector_load_idx %gather3A_506[%get3A_492] : memref<1024xf32, #tpu.memory_space<vmem>>[vector<16xi32>], vector<16xf32>,
        %gather3A_508 = arith.constant 5120 : i32
        %gather3A_509 = tpu.memref_slice %arg7[%gather3A_508] : memref<32768xf32, #tpu.memory_space<vmem>> -> memref<1024xf32, #tpu.memory_space<vmem>>
        %gather3A_510 = tpu.vector_load_idx %gather3A_509[%get3A_492] : memref<1024xf32, #tpu.memory_space<vmem>>[vector<16xi32>], vector<16xf32>,
        %gather3A_511 = arith.constant 6144 : i32
        %gather3A_512 = tpu.memref_slice %arg7[%gather3A_511] : memref<32768xf32, #tpu.memory_space<vmem>> -> memref<1024xf32, #tpu.memory_space<vmem>>
        %gather3A_513 = tpu.vector_load_idx %gather3A_512[%get3A_492] : memref<1024xf32, #tpu.memory_space<vmem>>[vector<16xi32>], vector<16xf32>,
        %gather3A_514 = arith.constant 7168 : i32
        %gather3A_515 = tpu.memref_slice %arg7[%gather3A_514] : memref<32768xf32, #tpu.memory_space<vmem>> -> memref<1024xf32, #tpu.memory_space<vmem>>
        %gather3A_516 = tpu.vector_load_idx %gather3A_515[%get3A_492] : memref<1024xf32, #tpu.memory_space<vmem>>[vector<16xi32>], vector<16xf32>,
        %mul3A_517 = arith.constant 16 : i32
        %mul3A_518 = arith.muli %mul3A_517, %scan3A_488 : i32
        %swap3A_519 = arith.constant 0 : i32
        %swap3A_520 = arith.index_cast %swap3A_519 : i32 to index
        %swap3A_521 = arith.index_cast %mul3A_518 : i32 to index
        %swap3A_522 = tpu.vector_load %arg8[%swap3A_520, %swap3A_521] {strides = array<i32>} : memref<8x4096xf32, #tpu.memory_space<vmem>>, vector<16xf32>,
        tpu.vector_store %arg8[%swap3A_520, %swap3A_521], %gather3A_495 {strides = array<i32>} : memref<8x4096xf32, #tpu.memory_space<vmem>>, vector<16xf32>,
        %mul3A_523 = arith.constant 16 : i32
        %mul3A_524 = arith.muli %mul3A_523, %scan3A_488 : i32
        %swap3A_525 = arith.constant 1 : i32
        %swap3A_526 = arith.index_cast %swap3A_525 : i32 to index
        %swap3A_527 = arith.index_cast %mul3A_524 : i32 to index
        %swap3A_528 = tpu.vector_load %arg8[%swap3A_526, %swap3A_527] {strides = array<i32>} : memref<8x4096xf32, #tpu.memory_space<vmem>>, vector<16xf32>,
        tpu.vector_store %arg8[%swap3A_526, %swap3A_527], %gather3A_498 {strides = array<i32>} : memref<8x4096xf32, #tpu.memory_space<vmem>>, vector<16xf32>,
        %mul3A_529 = arith.constant 16 : i32
        %mul3A_530 = arith.muli %mul3A_529, %scan3A_488 : i32
        %swap3A_531 = arith.constant 2 : i32
        %swap3A_532 = arith.index_cast %swap3A_531 : i32 to index
        %swap3A_533 = arith.index_cast %mul3A_530 : i32 to index
        %swap3A_534 = tpu.vector_load %arg8[%swap3A_532, %swap3A_533] {strides = array<i32>} : memref<8x4096xf32, #tpu.memory_space<vmem>>, vector<16xf32>,
        tpu.vector_store %arg8[%swap3A_532, %swap3A_533], %gather3A_501 {strides = array<i32>} : memref<8x4096xf32, #tpu.memory_space<vmem>>, vector<16xf32>,
        %mul3A_535 = arith.constant 16 : i32
        %mul3A_536 = arith.muli %mul3A_535, %scan3A_488 : i32
        %swap3A_537 = arith.constant 3 : i32
        %swap3A_538 = arith.index_cast %swap3A_537 : i32 to index
        %swap3A_539 = arith.index_cast %mul3A_536 : i32 to index
        %swap3A_540 = tpu.vector_load %arg8[%swap3A_538, %swap3A_539] {strides = array<i32>} : memref<8x4096xf32, #tpu.memory_space<vmem>>, vector<16xf32>,
        tpu.vector_store %arg8[%swap3A_538, %swap3A_539], %gather3A_504 {strides = array<i32>} : memref<8x4096xf32, #tpu.memory_space<vmem>>, vector<16xf32>,
        %mul3A_541 = arith.constant 16 : i32
        %mul3A_542 = arith.muli %mul3A_541, %scan3A_488 : i32
        %swap3A_543 = arith.constant 4 : i32
        %swap3A_544 = arith.index_cast %swap3A_543 : i32 to index
        %swap3A_545 = arith.index_cast %mul3A_542 : i32 to index
        %swap3A_546 = tpu.vector_load %arg8[%swap3A_544, %swap3A_545] {strides = array<i32>} : memref<8x4096xf32, #tpu.memory_space<vmem>>, vector<16xf32>,
        tpu.vector_store %arg8[%swap3A_544, %swap3A_545], %gather3A_507 {strides = array<i32>} : memref<8x4096xf32, #tpu.memory_space<vmem>>, vector<16xf32>,
        %mul3A_547 = arith.constant 16 : i32
        %mul3A_548 = arith.muli %mul3A_547, %scan3A_488 : i32
        %swap3A_549 = arith.constant 5 : i32
        %swap3A_550 = arith.index_cast %swap3A_549 : i32 to index
        %swap3A_551 = arith.index_cast %mul3A_548 : i32 to index
        %swap3A_552 = tpu.vector_load %arg8[%swap3A_550, %swap3A_551] {strides = array<i32>} : memref<8x4096xf32, #tpu.memory_space<vmem>>, vector<16xf32>,
        tpu.vector_store %arg8[%swap3A_550, %swap3A_551], %gather3A_510 {strides = array<i32>} : memref<8x4096xf32, #tpu.memory_space<vmem>>, vector<16xf32>,
        %mul3A_553 = arith.constant 16 : i32
        %mul3A_554 = arith.muli %mul3A_553, %scan3A_488 : i32
        %swap3A_555 = arith.constant 6 : i32
        %swap3A_556 = arith.index_cast %swap3A_555 : i32 to index
        %swap3A_557 = arith.index_cast %mul3A_554 : i32 to index
        %swap3A_558 = tpu.vector_load %arg8[%swap3A_556, %swap3A_557] {strides = array<i32>} : memref<8x4096xf32, #tpu.memory_space<vmem>>, vector<16xf32>,
        tpu.vector_store %arg8[%swap3A_556, %swap3A_557], %gather3A_513 {strides = array<i32>} : memref<8x4096xf32, #tpu.memory_space<vmem>>, vector<16xf32>,
        %mul3A_559 = arith.constant 16 : i32
        %mul3A_560 = arith.muli %mul3A_559, %scan3A_488 : i32
        %swap3A_561 = arith.constant 7 : i32
        %swap3A_562 = arith.index_cast %swap3A_561 : i32 to index
        %swap3A_563 = arith.index_cast %mul3A_560 : i32 to index
        %swap3A_564 = tpu.vector_load %arg8[%swap3A_562, %swap3A_563] {strides = array<i32>} : memref<8x4096xf32, #tpu.memory_space<vmem>>, vector<16xf32>,
        tpu.vector_store %arg8[%swap3A_562, %swap3A_563], %gather3A_516 {strides = array<i32>} : memref<8x4096xf32, #tpu.memory_space<vmem>>, vector<16xf32>,
        %scan3A_565 = arith.constant 3 : i32
        %scan3A_566 = arith.addi %scan3A_335, %scan3A_565 : i32
        %mul3A_567 = arith.constant 16 : i32
        %mul3A_568 = arith.muli %mul3A_567, %scan3A_566 : i32
        %get3A_569 = arith.index_cast %mul3A_568 : i32 to index
        %get3A_570 = tpu.vector_load %arg5[%get3A_569] {strides = array<i32>} : memref<4096xi32, #tpu.memory_space<vmem>>, vector<16xi32>,
        %gather3A_571 = arith.constant 0 : i32
        %gather3A_572 = tpu.memref_slice %arg7[%gather3A_571] : memref<32768xf32, #tpu.memory_space<vmem>> -> memref<1024xf32, #tpu.memory_space<vmem>>
        %gather3A_573 = tpu.vector_load_idx %gather3A_572[%get3A_570] : memref<1024xf32, #tpu.memory_space<vmem>>[vector<16xi32>], vector<16xf32>,
        %gather3A_574 = arith.constant 1024 : i32
        %gather3A_575 = tpu.memref_slice %arg7[%gather3A_574] : memref<32768xf32, #tpu.memory_space<vmem>> -> memref<1024xf32, #tpu.memory_space<vmem>>
        %gather3A_576 = tpu.vector_load_idx %gather3A_575[%get3A_570] : memref<1024xf32, #tpu.memory_space<vmem>>[vector<16xi32>], vector<16xf32>,
        %gather3A_577 = arith.constant 2048 : i32
        %gather3A_578 = tpu.memref_slice %arg7[%gather3A_577] : memref<32768xf32, #tpu.memory_space<vmem>> -> memref<1024xf32, #tpu.memory_space<vmem>>
        %gather3A_579 = tpu.vector_load_idx %gather3A_578[%get3A_570] : memref<1024xf32, #tpu.memory_space<vmem>>[vector<16xi32>], vector<16xf32>,
        %gather3A_580 = arith.constant 3072 : i32
        %gather3A_581 = tpu.memref_slice %arg7[%gather3A_580] : memref<32768xf32, #tpu.memory_space<vmem>> -> memref<1024xf32, #tpu.memory_space<vmem>>
        %gather3A_582 = tpu.vector_load_idx %gather3A_581[%get3A_570] : memref<1024xf32, #tpu.memory_space<vmem>>[vector<16xi32>], vector<16xf32>,
        %gather3A_583 = arith.constant 4096 : i32
        %gather3A_584 = tpu.memref_slice %arg7[%gather3A_583] : memref<32768xf32, #tpu.memory_space<vmem>> -> memref<1024xf32, #tpu.memory_space<vmem>>
        %gather3A_585 = tpu.vector_load_idx %gather3A_584[%get3A_570] : memref<1024xf32, #tpu.memory_space<vmem>>[vector<16xi32>], vector<16xf32>,
        %gather3A_586 = arith.constant 5120 : i32
        %gather3A_587 = tpu.memref_slice %arg7[%gather3A_586] : memref<32768xf32, #tpu.memory_space<vmem>> -> memref<1024xf32, #tpu.memory_space<vmem>>
        %gather3A_588 = tpu.vector_load_idx %gather3A_587[%get3A_570] : memref<1024xf32, #tpu.memory_space<vmem>>[vector<16xi32>], vector<16xf32>,
        %gather3A_589 = arith.constant 6144 : i32
        %gather3A_590 = tpu.memref_slice %arg7[%gather3A_589] : memref<32768xf32, #tpu.memory_space<vmem>> -> memref<1024xf32, #tpu.memory_space<vmem>>
        %gather3A_591 = tpu.vector_load_idx %gather3A_590[%get3A_570] : memref<1024xf32, #tpu.memory_space<vmem>>[vector<16xi32>], vector<16xf32>,
        %gather3A_592 = arith.constant 7168 : i32
        %gather3A_593 = tpu.memref_slice %arg7[%gather3A_592] : memref<32768xf32, #tpu.memory_space<vmem>> -> memref<1024xf32, #tpu.memory_space<vmem>>
        %gather3A_594 = tpu.vector_load_idx %gather3A_593[%get3A_570] : memref<1024xf32, #tpu.memory_space<vmem>>[vector<16xi32>], vector<16xf32>,
        %mul3A_595 = arith.constant 16 : i32
        %mul3A_596 = arith.muli %mul3A_595, %scan3A_566 : i32
        %swap3A_597 = arith.constant 0 : i32
        %swap3A_598 = arith.index_cast %swap3A_597 : i32 to index
        %swap3A_599 = arith.index_cast %mul3A_596 : i32 to index
        %swap3A_600 = tpu.vector_load %arg8[%swap3A_598, %swap3A_599] {strides = array<i32>} : memref<8x4096xf32, #tpu.memory_space<vmem>>, vector<16xf32>,
        tpu.vector_store %arg8[%swap3A_598, %swap3A_599], %gather3A_573 {strides = array<i32>} : memref<8x4096xf32, #tpu.memory_space<vmem>>, vector<16xf32>,
        %mul3A_601 = arith.constant 16 : i32
        %mul3A_602 = arith.muli %mul3A_601, %scan3A_566 : i32
        %swap3A_603 = arith.constant 1 : i32
        %swap3A_604 = arith.index_cast %swap3A_603 : i32 to index
        %swap3A_605 = arith.index_cast %mul3A_602 : i32 to index
        %swap3A_606 = tpu.vector_load %arg8[%swap3A_604, %swap3A_605] {strides = array<i32>} : memref<8x4096xf32, #tpu.memory_space<vmem>>, vector<16xf32>,
        tpu.vector_store %arg8[%swap3A_604, %swap3A_605], %gather3A_576 {strides = array<i32>} : memref<8x4096xf32, #tpu.memory_space<vmem>>, vector<16xf32>,
        %mul3A_607 = arith.constant 16 : i32
        %mul3A_608 = arith.muli %mul3A_607, %scan3A_566 : i32
        %swap3A_609 = arith.constant 2 : i32
        %swap3A_610 = arith.index_cast %swap3A_609 : i32 to index
        %swap3A_611 = arith.index_cast %mul3A_608 : i32 to index
        %swap3A_612 = tpu.vector_load %arg8[%swap3A_610, %swap3A_611] {strides = array<i32>} : memref<8x4096xf32, #tpu.memory_space<vmem>>, vector<16xf32>,
        tpu.vector_store %arg8[%swap3A_610, %swap3A_611], %gather3A_579 {strides = array<i32>} : memref<8x4096xf32, #tpu.memory_space<vmem>>, vector<16xf32>,
        %mul3A_613 = arith.constant 16 : i32
        %mul3A_614 = arith.muli %mul3A_613, %scan3A_566 : i32
        %swap3A_615 = arith.constant 3 : i32
        %swap3A_616 = arith.index_cast %swap3A_615 : i32 to index
        %swap3A_617 = arith.index_cast %mul3A_614 : i32 to index
        %swap3A_618 = tpu.vector_load %arg8[%swap3A_616, %swap3A_617] {strides = array<i32>} : memref<8x4096xf32, #tpu.memory_space<vmem>>, vector<16xf32>,
        tpu.vector_store %arg8[%swap3A_616, %swap3A_617], %gather3A_582 {strides = array<i32>} : memref<8x4096xf32, #tpu.memory_space<vmem>>, vector<16xf32>,
        %mul3A_619 = arith.constant 16 : i32
        %mul3A_620 = arith.muli %mul3A_619, %scan3A_566 : i32
        %swap3A_621 = arith.constant 4 : i32
        %swap3A_622 = arith.index_cast %swap3A_621 : i32 to index
        %swap3A_623 = arith.index_cast %mul3A_620 : i32 to index
        %swap3A_624 = tpu.vector_load %arg8[%swap3A_622, %swap3A_623] {strides = array<i32>} : memref<8x4096xf32, #tpu.memory_space<vmem>>, vector<16xf32>,
        tpu.vector_store %arg8[%swap3A_622, %swap3A_623], %gather3A_585 {strides = array<i32>} : memref<8x4096xf32, #tpu.memory_space<vmem>>, vector<16xf32>,
        %mul3A_625 = arith.constant 16 : i32
        %mul3A_626 = arith.muli %mul3A_625, %scan3A_566 : i32
        %swap3A_627 = arith.constant 5 : i32
        %swap3A_628 = arith.index_cast %swap3A_627 : i32 to index
        %swap3A_629 = arith.index_cast %mul3A_626 : i32 to index
        %swap3A_630 = tpu.vector_load %arg8[%swap3A_628, %swap3A_629] {strides = array<i32>} : memref<8x4096xf32, #tpu.memory_space<vmem>>, vector<16xf32>,
        tpu.vector_store %arg8[%swap3A_628, %swap3A_629], %gather3A_588 {strides = array<i32>} : memref<8x4096xf32, #tpu.memory_space<vmem>>, vector<16xf32>,
        %mul3A_631 = arith.constant 16 : i32
        %mul3A_632 = arith.muli %mul3A_631, %scan3A_566 : i32
        %swap3A_633 = arith.constant 6 : i32
        %swap3A_634 = arith.index_cast %swap3A_633 : i32 to index
        %swap3A_635 = arith.index_cast %mul3A_632 : i32 to index
        %swap3A_636 = tpu.vector_load %arg8[%swap3A_634, %swap3A_635] {strides = array<i32>} : memref<8x4096xf32, #tpu.memory_space<vmem>>, vector<16xf32>,
        tpu.vector_store %arg8[%swap3A_634, %swap3A_635], %gather3A_591 {strides = array<i32>} : memref<8x4096xf32, #tpu.memory_space<vmem>>, vector<16xf32>,
        %mul3A_637 = arith.constant 16 : i32
        %mul3A_638 = arith.muli %mul3A_637, %scan3A_566 : i32
        %swap3A_639 = arith.constant 7 : i32
        %swap3A_640 = arith.index_cast %swap3A_639 : i32 to index
        %swap3A_641 = arith.index_cast %mul3A_638 : i32 to index
        %swap3A_642 = tpu.vector_load %arg8[%swap3A_640, %swap3A_641] {strides = array<i32>} : memref<8x4096xf32, #tpu.memory_space<vmem>>, vector<16xf32>,
        tpu.vector_store %arg8[%swap3A_640, %swap3A_641], %gather3A_594 {strides = array<i32>} : memref<8x4096xf32, #tpu.memory_space<vmem>>, vector<16xf32>,
      }
      %scan3A_117 = arith.constant 256 : i32
      %add3A_118 = arith.constant 0 : i32
      %add3A_119 = arith.addi %min3A_19, %add3A_118 : i32
      %mul3A_120 = arith.constant 8 : i32
      %mul3A_121 = arith.muli %add3A_119, %mul3A_120 : i32
      %dma_start3A_122 = arith.constant 0 : i32
      %dma_start3A_123 = tpu.memref_slice %arg4[%add3A_93, %mul3A_121, %dma_start3A_122] : memref<20x1000x4096xf32, #tpu.memory_space<hbm>> -> memref<1x8x4096xf32, #tpu.memory_space<hbm>>
      %dma_start3A_124 = tpu.memref_squeeze %dma_start3A_123 : memref<1x8x4096xf32, #tpu.memory_space<hbm>> -> memref<8x4096xf32, #tpu.memory_space<hbm>>
      %dma_start3A_125 = arith.constant 0 : i32
      %dma_start3A_126 = tpu.memref_slice %arg4[%add3A_93, %mul3A_121, %dma_start3A_125] : memref<20x1000x4096xf32, #tpu.memory_space<hbm>> -> memref<1x8x4096xf32, #tpu.memory_space<hbm>>
      %dma_start3A_127 = tpu.memref_squeeze %dma_start3A_126 : memref<1x8x4096xf32, #tpu.memory_space<hbm>> -> memref<8x4096xf32, #tpu.memory_space<hbm>>
      tpu.enqueue_dma source(%arg8 : memref<8x4096xf32, #tpu.memory_space<vmem>>) target(%dma_start3A_127 : memref<8x4096xf32, #tpu.memory_space<hbm>>) target_semaphore(%arg12 : memref<!tpu.dma_semaphore, #tpu.memory_space<semaphore_mem>>)
      %add3A_128 = arith.constant 0 : i32
      %add3A_129 = arith.addi %min3A_19, %add3A_128 : i32
      %mul3A_130 = arith.constant 8 : i32
      %mul3A_131 = arith.muli %add3A_129, %mul3A_130 : i32
      %dma_wait3A_132 = arith.constant 0 : i32
      %dma_wait3A_133 = arith.constant 0 : i32
      %dma_wait3A_134 = tpu.memref_slice %arg4[%dma_wait3A_132, %mul3A_131, %dma_wait3A_133] : memref<20x1000x4096xf32, #tpu.memory_space<hbm>> -> memref<1x8x4096xf32, #tpu.memory_space<hbm>>
      %dma_wait3A_135 = tpu.memref_squeeze %dma_wait3A_134 : memref<1x8x4096xf32, #tpu.memory_space<hbm>> -> memref<8x4096xf32, #tpu.memory_space<hbm>>
      %dma_wait3A_136 = arith.constant 0 : i32
      %dma_wait3A_137 = tpu.memref_slice %arg4[%dma_wait3A_132, %mul3A_131, %dma_wait3A_136] : memref<20x1000x4096xf32, #tpu.memory_space<hbm>> -> memref<1x8x4096xf32, #tpu.memory_space<hbm>>
      %dma_wait3A_138 = tpu.memref_squeeze %dma_wait3A_137 : memref<1x8x4096xf32, #tpu.memory_space<hbm>> -> memref<8x4096xf32, #tpu.memory_space<hbm>>
      tpu.wait_dma2 semaphore(%arg13 : memref<!tpu.dma_semaphore, #tpu.memory_space<semaphore_mem>>) src(%arg9 : memref<8x4096xf32, #tpu.memory_space<vmem>>) dst(%dma_wait3A_138 : memref<8x4096xf32, #tpu.memory_space<hbm>>)
      %scan3A_139 = arith.constant 0 : i32
      %scan3A_140 = arith.constant 0 : i32
      %scan3A_141 = arith.constant 256 : i32
      %scan3A_142 = arith.addi %scan3A_140, %scan3A_141 : i32
      %scan3A_143 = arith.constant 4 : i32
      scf.for %scan3A_335 = %scan3A_140 to %scan3A_142 step %scan3A_143  : i32 {
        %mul3A_336 = arith.constant 16 : i32
        %mul3A_337 = arith.muli %mul3A_336, %scan3A_335 : i32
        %get3A = arith.index_cast %mul3A_337 : i32 to index
        %get3A_338 = tpu.vector_load %arg6[%get3A] {strides = array<i32>} : memref<4096xi32, #tpu.memory_space<vmem>>, vector<16xi32>,
        %gather3A = arith.constant 8192 : i32
        %gather3A_339 = tpu.memref_slice %arg7[%gather3A] : memref<32768xf32, #tpu.memory_space<vmem>> -> memref<1024xf32, #tpu.memory_space<vmem>>
        %gather3A_340 = tpu.vector_load_idx %gather3A_339[%get3A_338] : memref<1024xf32, #tpu.memory_space<vmem>>[vector<16xi32>], vector<16xf32>,
        %gather3A_341 = arith.constant 9216 : i32
        %gather3A_342 = tpu.memref_slice %arg7[%gather3A_341] : memref<32768xf32, #tpu.memory_space<vmem>> -> memref<1024xf32, #tpu.memory_space<vmem>>
        %gather3A_343 = tpu.vector_load_idx %gather3A_342[%get3A_338] : memref<1024xf32, #tpu.memory_space<vmem>>[vector<16xi32>], vector<16xf32>,
        %gather3A_344 = arith.constant 10240 : i32
        %gather3A_345 = tpu.memref_slice %arg7[%gather3A_344] : memref<32768xf32, #tpu.memory_space<vmem>> -> memref<1024xf32, #tpu.memory_space<vmem>>
        %gather3A_346 = tpu.vector_load_idx %gather3A_345[%get3A_338] : memref<1024xf32, #tpu.memory_space<vmem>>[vector<16xi32>], vector<16xf32>,
        %gather3A_347 = arith.constant 11264 : i32
        %gather3A_348 = tpu.memref_slice %arg7[%gather3A_347] : memref<32768xf32, #tpu.memory_space<vmem>> -> memref<1024xf32, #tpu.memory_space<vmem>>
        %gather3A_349 = tpu.vector_load_idx %gather3A_348[%get3A_338] : memref<1024xf32, #tpu.memory_space<vmem>>[vector<16xi32>], vector<16xf32>,
        %gather3A_350 = arith.constant 12288 : i32
        %gather3A_351 = tpu.memref_slice %arg7[%gather3A_350] : memref<32768xf32, #tpu.memory_space<vmem>> -> memref<1024xf32, #tpu.memory_space<vmem>>
        %gather3A_352 = tpu.vector_load_idx %gather3A_351[%get3A_338] : memref<1024xf32, #tpu.memory_space<vmem>>[vector<16xi32>], vector<16xf32>,
        %gather3A_353 = arith.constant 13312 : i32
        %gather3A_354 = tpu.memref_slice %arg7[%gather3A_353] : memref<32768xf32, #tpu.memory_space<vmem>> -> memref<1024xf32, #tpu.memory_space<vmem>>
        %gather3A_355 = tpu.vector_load_idx %gather3A_354[%get3A_338] : memref<1024xf32, #tpu.memory_space<vmem>>[vector<16xi32>], vector<16xf32>,
        %gather3A_356 = arith.constant 14336 : i32
        %gather3A_357 = tpu.memref_slice %arg7[%gather3A_356] : memref<32768xf32, #tpu.memory_space<vmem>> -> memref<1024xf32, #tpu.memory_space<vmem>>
        %gather3A_358 = tpu.vector_load_idx %gather3A_357[%get3A_338] : memref<1024xf32, #tpu.memory_space<vmem>>[vector<16xi32>], vector<16xf32>,
        %gather3A_359 = arith.constant 15360 : i32
        %gather3A_360 = tpu.memref_slice %arg7[%gather3A_359] : memref<32768xf32, #tpu.memory_space<vmem>> -> memref<1024xf32, #tpu.memory_space<vmem>>
        %gather3A_361 = tpu.vector_load_idx %gather3A_360[%get3A_338] : memref<1024xf32, #tpu.memory_space<vmem>>[vector<16xi32>], vector<16xf32>,
        %mul3A_362 = arith.constant 16 : i32
        %mul3A_363 = arith.muli %mul3A_362, %scan3A_335 : i32
        %swap3A = arith.constant 0 : i32
        %swap3A_364 = arith.index_cast %swap3A : i32 to index
        %swap3A_365 = arith.index_cast %mul3A_363 : i32 to index
        %swap3A_366 = tpu.vector_load %arg9[%swap3A_364, %swap3A_365] {strides = array<i32>} : memref<8x4096xf32, #tpu.memory_space<vmem>>, vector<16xf32>,
        tpu.vector_store %arg9[%swap3A_364, %swap3A_365], %gather3A_340 {strides = array<i32>} : memref<8x4096xf32, #tpu.memory_space<vmem>>, vector<16xf32>,
        %mul3A_367 = arith.constant 16 : i32
        %mul3A_368 = arith.muli %mul3A_367, %scan3A_335 : i32
        %swap3A_369 = arith.constant 1 : i32
        %swap3A_370 = arith.index_cast %swap3A_369 : i32 to index
        %swap3A_371 = arith.index_cast %mul3A_368 : i32 to index
        %swap3A_372 = tpu.vector_load %arg9[%swap3A_370, %swap3A_371] {strides = array<i32>} : memref<8x4096xf32, #tpu.memory_space<vmem>>, vector<16xf32>,
        tpu.vector_store %arg9[%swap3A_370, %swap3A_371], %gather3A_343 {strides = array<i32>} : memref<8x4096xf32, #tpu.memory_space<vmem>>, vector<16xf32>,
        %mul3A_373 = arith.constant 16 : i32
        %mul3A_374 = arith.muli %mul3A_373, %scan3A_335 : i32
        %swap3A_375 = arith.constant 2 : i32
        %swap3A_376 = arith.index_cast %swap3A_375 : i32 to index
        %swap3A_377 = arith.index_cast %mul3A_374 : i32 to index
        %swap3A_378 = tpu.vector_load %arg9[%swap3A_376, %swap3A_377] {strides = array<i32>} : memref<8x4096xf32, #tpu.memory_space<vmem>>, vector<16xf32>,
        tpu.vector_store %arg9[%swap3A_376, %swap3A_377], %gather3A_346 {strides = array<i32>} : memref<8x4096xf32, #tpu.memory_space<vmem>>, vector<16xf32>,
        %mul3A_379 = arith.constant 16 : i32
        %mul3A_380 = arith.muli %mul3A_379, %scan3A_335 : i32
        %swap3A_381 = arith.constant 3 : i32
        %swap3A_382 = arith.index_cast %swap3A_381 : i32 to index
        %swap3A_383 = arith.index_cast %mul3A_380 : i32 to index
        %swap3A_384 = tpu.vector_load %arg9[%swap3A_382, %swap3A_383] {strides = array<i32>} : memref<8x4096xf32, #tpu.memory_space<vmem>>, vector<16xf32>,
        tpu.vector_store %arg9[%swap3A_382, %swap3A_383], %gather3A_349 {strides = array<i32>} : memref<8x4096xf32, #tpu.memory_space<vmem>>, vector<16xf32>,
        %mul3A_385 = arith.constant 16 : i32
        %mul3A_386 = arith.muli %mul3A_385, %scan3A_335 : i32
        %swap3A_387 = arith.constant 4 : i32
        %swap3A_388 = arith.index_cast %swap3A_387 : i32 to index
        %swap3A_389 = arith.index_cast %mul3A_386 : i32 to index
        %swap3A_390 = tpu.vector_load %arg9[%swap3A_388, %swap3A_389] {strides = array<i32>} : memref<8x4096xf32, #tpu.memory_space<vmem>>, vector<16xf32>,
        tpu.vector_store %arg9[%swap3A_388, %swap3A_389], %gather3A_352 {strides = array<i32>} : memref<8x4096xf32, #tpu.memory_space<vmem>>, vector<16xf32>,
        %mul3A_391 = arith.constant 16 : i32
        %mul3A_392 = arith.muli %mul3A_391, %scan3A_335 : i32
        %swap3A_393 = arith.constant 5 : i32
        %swap3A_394 = arith.index_cast %swap3A_393 : i32 to index
        %swap3A_395 = arith.index_cast %mul3A_392 : i32 to index
        %swap3A_396 = tpu.vector_load %arg9[%swap3A_394, %swap3A_395] {strides = array<i32>} : memref<8x4096xf32, #tpu.memory_space<vmem>>, vector<16xf32>,
        tpu.vector_store %arg9[%swap3A_394, %swap3A_395], %gather3A_355 {strides = array<i32>} : memref<8x4096xf32, #tpu.memory_space<vmem>>, vector<16xf32>,
        %mul3A_397 = arith.constant 16 : i32
        %mul3A_398 = arith.muli %mul3A_397, %scan3A_335 : i32
        %swap3A_399 = arith.constant 6 : i32
        %swap3A_400 = arith.index_cast %swap3A_399 : i32 to index
        %swap3A_401 = arith.index_cast %mul3A_398 : i32 to index
        %swap3A_402 = tpu.vector_load %arg9[%swap3A_400, %swap3A_401] {strides = array<i32>} : memref<8x4096xf32, #tpu.memory_space<vmem>>, vector<16xf32>,
        tpu.vector_store %arg9[%swap3A_400, %swap3A_401], %gather3A_358 {strides = array<i32>} : memref<8x4096xf32, #tpu.memory_space<vmem>>, vector<16xf32>,
        %mul3A_403 = arith.constant 16 : i32
        %mul3A_404 = arith.muli %mul3A_403, %scan3A_335 : i32
        %swap3A_405 = arith.constant 7 : i32
        %swap3A_406 = arith.index_cast %swap3A_405 : i32 to index
        %swap3A_407 = arith.index_cast %mul3A_404 : i32 to index
        %swap3A_408 = tpu.vector_load %arg9[%swap3A_406, %swap3A_407] {strides = array<i32>} : memref<8x4096xf32, #tpu.memory_space<vmem>>, vector<16xf32>,
        tpu.vector_store %arg9[%swap3A_406, %swap3A_407], %gather3A_361 {strides = array<i32>} : memref<8x4096xf32, #tpu.memory_space<vmem>>, vector<16xf32>,
        %scan3A_409 = arith.constant 1 : i32
        %scan3A_410 = arith.addi %scan3A_335, %scan3A_409 : i32
        %mul3A_411 = arith.constant 16 : i32
        %mul3A_412 = arith.muli %mul3A_411, %scan3A_410 : i32
        %get3A_413 = arith.index_cast %mul3A_412 : i32 to index
        %get3A_414 = tpu.vector_load %arg6[%get3A_413] {strides = array<i32>} : memref<4096xi32, #tpu.memory_space<vmem>>, vector<16xi32>,
        %gather3A_415 = arith.constant 8192 : i32
        %gather3A_416 = tpu.memref_slice %arg7[%gather3A_415] : memref<32768xf32, #tpu.memory_space<vmem>> -> memref<1024xf32, #tpu.memory_space<vmem>>
        %gather3A_417 = tpu.vector_load_idx %gather3A_416[%get3A_414] : memref<1024xf32, #tpu.memory_space<vmem>>[vector<16xi32>], vector<16xf32>,
        %gather3A_418 = arith.constant 9216 : i32
        %gather3A_419 = tpu.memref_slice %arg7[%gather3A_418] : memref<32768xf32, #tpu.memory_space<vmem>> -> memref<1024xf32, #tpu.memory_space<vmem>>
        %gather3A_420 = tpu.vector_load_idx %gather3A_419[%get3A_414] : memref<1024xf32, #tpu.memory_space<vmem>>[vector<16xi32>], vector<16xf32>,
        %gather3A_421 = arith.constant 10240 : i32
        %gather3A_422 = tpu.memref_slice %arg7[%gather3A_421] : memref<32768xf32, #tpu.memory_space<vmem>> -> memref<1024xf32, #tpu.memory_space<vmem>>
        %gather3A_423 = tpu.vector_load_idx %gather3A_422[%get3A_414] : memref<1024xf32, #tpu.memory_space<vmem>>[vector<16xi32>], vector<16xf32>,
        %gather3A_424 = arith.constant 11264 : i32
        %gather3A_425 = tpu.memref_slice %arg7[%gather3A_424] : memref<32768xf32, #tpu.memory_space<vmem>> -> memref<1024xf32, #tpu.memory_space<vmem>>
        %gather3A_426 = tpu.vector_load_idx %gather3A_425[%get3A_414] : memref<1024xf32, #tpu.memory_space<vmem>>[vector<16xi32>], vector<16xf32>,
        %gather3A_427 = arith.constant 12288 : i32
        %gather3A_428 = tpu.memref_slice %arg7[%gather3A_427] : memref<32768xf32, #tpu.memory_space<vmem>> -> memref<1024xf32, #tpu.memory_space<vmem>>
        %gather3A_429 = tpu.vector_load_idx %gather3A_428[%get3A_414] : memref<1024xf32, #tpu.memory_space<vmem>>[vector<16xi32>], vector<16xf32>,
        %gather3A_430 = arith.constant 13312 : i32
        %gather3A_431 = tpu.memref_slice %arg7[%gather3A_430] : memref<32768xf32, #tpu.memory_space<vmem>> -> memref<1024xf32, #tpu.memory_space<vmem>>
        %gather3A_432 = tpu.vector_load_idx %gather3A_431[%get3A_414] : memref<1024xf32, #tpu.memory_space<vmem>>[vector<16xi32>], vector<16xf32>,
        %gather3A_433 = arith.constant 14336 : i32
        %gather3A_434 = tpu.memref_slice %arg7[%gather3A_433] : memref<32768xf32, #tpu.memory_space<vmem>> -> memref<1024xf32, #tpu.memory_space<vmem>>
        %gather3A_435 = tpu.vector_load_idx %gather3A_434[%get3A_414] : memref<1024xf32, #tpu.memory_space<vmem>>[vector<16xi32>], vector<16xf32>,
        %gather3A_436 = arith.constant 15360 : i32
        %gather3A_437 = tpu.memref_slice %arg7[%gather3A_436] : memref<32768xf32, #tpu.memory_space<vmem>> -> memref<1024xf32, #tpu.memory_space<vmem>>
        %gather3A_438 = tpu.vector_load_idx %gather3A_437[%get3A_414] : memref<1024xf32, #tpu.memory_space<vmem>>[vector<16xi32>], vector<16xf32>,
        %mul3A_439 = arith.constant 16 : i32
        %mul3A_440 = arith.muli %mul3A_439, %scan3A_410 : i32
        %swap3A_441 = arith.constant 0 : i32
        %swap3A_442 = arith.index_cast %swap3A_441 : i32 to index
        %swap3A_443 = arith.index_cast %mul3A_440 : i32 to index
        %swap3A_444 = tpu.vector_load %arg9[%swap3A_442, %swap3A_443] {strides = array<i32>} : memref<8x4096xf32, #tpu.memory_space<vmem>>, vector<16xf32>,
        tpu.vector_store %arg9[%swap3A_442, %swap3A_443], %gather3A_417 {strides = array<i32>} : memref<8x4096xf32, #tpu.memory_space<vmem>>, vector<16xf32>,
        %mul3A_445 = arith.constant 16 : i32
        %mul3A_446 = arith.muli %mul3A_445, %scan3A_410 : i32
        %swap3A_447 = arith.constant 1 : i32
        %swap3A_448 = arith.index_cast %swap3A_447 : i32 to index
        %swap3A_449 = arith.index_cast %mul3A_446 : i32 to index
        %swap3A_450 = tpu.vector_load %arg9[%swap3A_448, %swap3A_449] {strides = array<i32>} : memref<8x4096xf32, #tpu.memory_space<vmem>>, vector<16xf32>,
        tpu.vector_store %arg9[%swap3A_448, %swap3A_449], %gather3A_420 {strides = array<i32>} : memref<8x4096xf32, #tpu.memory_space<vmem>>, vector<16xf32>,
        %mul3A_451 = arith.constant 16 : i32
        %mul3A_452 = arith.muli %mul3A_451, %scan3A_410 : i32
        %swap3A_453 = arith.constant 2 : i32
        %swap3A_454 = arith.index_cast %swap3A_453 : i32 to index
        %swap3A_455 = arith.index_cast %mul3A_452 : i32 to index
        %swap3A_456 = tpu.vector_load %arg9[%swap3A_454, %swap3A_455] {strides = array<i32>} : memref<8x4096xf32, #tpu.memory_space<vmem>>, vector<16xf32>,
        tpu.vector_store %arg9[%swap3A_454, %swap3A_455], %gather3A_423 {strides = array<i32>} : memref<8x4096xf32, #tpu.memory_space<vmem>>, vector<16xf32>,
        %mul3A_457 = arith.constant 16 : i32
        %mul3A_458 = arith.muli %mul3A_457, %scan3A_410 : i32
        %swap3A_459 = arith.constant 3 : i32
        %swap3A_460 = arith.index_cast %swap3A_459 : i32 to index
        %swap3A_461 = arith.index_cast %mul3A_458 : i32 to index
        %swap3A_462 = tpu.vector_load %arg9[%swap3A_460, %swap3A_461] {strides = array<i32>} : memref<8x4096xf32, #tpu.memory_space<vmem>>, vector<16xf32>,
        tpu.vector_store %arg9[%swap3A_460, %swap3A_461], %gather3A_426 {strides = array<i32>} : memref<8x4096xf32, #tpu.memory_space<vmem>>, vector<16xf32>,
        %mul3A_463 = arith.constant 16 : i32
        %mul3A_464 = arith.muli %mul3A_463, %scan3A_410 : i32
        %swap3A_465 = arith.constant 4 : i32
        %swap3A_466 = arith.index_cast %swap3A_465 : i32 to index
        %swap3A_467 = arith.index_cast %mul3A_464 : i32 to index
        %swap3A_468 = tpu.vector_load %arg9[%swap3A_466, %swap3A_467] {strides = array<i32>} : memref<8x4096xf32, #tpu.memory_space<vmem>>, vector<16xf32>,
        tpu.vector_store %arg9[%swap3A_466, %swap3A_467], %gather3A_429 {strides = array<i32>} : memref<8x4096xf32, #tpu.memory_space<vmem>>, vector<16xf32>,
        %mul3A_469 = arith.constant 16 : i32
        %mul3A_470 = arith.muli %mul3A_469, %scan3A_410 : i32
        %swap3A_471 = arith.constant 5 : i32
        %swap3A_472 = arith.index_cast %swap3A_471 : i32 to index
        %swap3A_473 = arith.index_cast %mul3A_470 : i32 to index
        %swap3A_474 = tpu.vector_load %arg9[%swap3A_472, %swap3A_473] {strides = array<i32>} : memref<8x4096xf32, #tpu.memory_space<vmem>>, vector<16xf32>,
        tpu.vector_store %arg9[%swap3A_472, %swap3A_473], %gather3A_432 {strides = array<i32>} : memref<8x4096xf32, #tpu.memory_space<vmem>>, vector<16xf32>,
        %mul3A_475 = arith.constant 16 : i32
        %mul3A_476 = arith.muli %mul3A_475, %scan3A_410 : i32
        %swap3A_477 = arith.constant 6 : i32
        %swap3A_478 = arith.index_cast %swap3A_477 : i32 to index
        %swap3A_479 = arith.index_cast %mul3A_476 : i32 to index
        %swap3A_480 = tpu.vector_load %arg9[%swap3A_478, %swap3A_479] {strides = array<i32>} : memref<8x4096xf32, #tpu.memory_space<vmem>>, vector<16xf32>,
        tpu.vector_store %arg9[%swap3A_478, %swap3A_479], %gather3A_435 {strides = array<i32>} : memref<8x4096xf32, #tpu.memory_space<vmem>>, vector<16xf32>,
        %mul3A_481 = arith.constant 16 : i32
        %mul3A_482 = arith.muli %mul3A_481, %scan3A_410 : i32
        %swap3A_483 = arith.constant 7 : i32
        %swap3A_484 = arith.index_cast %swap3A_483 : i32 to index
        %swap3A_485 = arith.index_cast %mul3A_482 : i32 to index
        %swap3A_486 = tpu.vector_load %arg9[%swap3A_484, %swap3A_485] {strides = array<i32>} : memref<8x4096xf32, #tpu.memory_space<vmem>>, vector<16xf32>,
        tpu.vector_store %arg9[%swap3A_484, %swap3A_485], %gather3A_438 {strides = array<i32>} : memref<8x4096xf32, #tpu.memory_space<vmem>>, vector<16xf32>,
        %scan3A_487 = arith.constant 2 : i32
        %scan3A_488 = arith.addi %scan3A_335, %scan3A_487 : i32
        %mul3A_489 = arith.constant 16 : i32
        %mul3A_490 = arith.muli %mul3A_489, %scan3A_488 : i32
        %get3A_491 = arith.index_cast %mul3A_490 : i32 to index
        %get3A_492 = tpu.vector_load %arg6[%get3A_491] {strides = array<i32>} : memref<4096xi32, #tpu.memory_space<vmem>>, vector<16xi32>,
        %gather3A_493 = arith.constant 8192 : i32
        %gather3A_494 = tpu.memref_slice %arg7[%gather3A_493] : memref<32768xf32, #tpu.memory_space<vmem>> -> memref<1024xf32, #tpu.memory_space<vmem>>
        %gather3A_495 = tpu.vector_load_idx %gather3A_494[%get3A_492] : memref<1024xf32, #tpu.memory_space<vmem>>[vector<16xi32>], vector<16xf32>,
        %gather3A_496 = arith.constant 9216 : i32
        %gather3A_497 = tpu.memref_slice %arg7[%gather3A_496] : memref<32768xf32, #tpu.memory_space<vmem>> -> memref<1024xf32, #tpu.memory_space<vmem>>
        %gather3A_498 = tpu.vector_load_idx %gather3A_497[%get3A_492] : memref<1024xf32, #tpu.memory_space<vmem>>[vector<16xi32>], vector<16xf32>,
        %gather3A_499 = arith.constant 10240 : i32
        %gather3A_500 = tpu.memref_slice %arg7[%gather3A_499] : memref<32768xf32, #tpu.memory_space<vmem>> -> memref<1024xf32, #tpu.memory_space<vmem>>
        %gather3A_501 = tpu.vector_load_idx %gather3A_500[%get3A_492] : memref<1024xf32, #tpu.memory_space<vmem>>[vector<16xi32>], vector<16xf32>,
        %gather3A_502 = arith.constant 11264 : i32
        %gather3A_503 = tpu.memref_slice %arg7[%gather3A_502] : memref<32768xf32, #tpu.memory_space<vmem>> -> memref<1024xf32, #tpu.memory_space<vmem>>
        %gather3A_504 = tpu.vector_load_idx %gather3A_503[%get3A_492] : memref<1024xf32, #tpu.memory_space<vmem>>[vector<16xi32>], vector<16xf32>,
        %gather3A_505 = arith.constant 12288 : i32
        %gather3A_506 = tpu.memref_slice %arg7[%gather3A_505] : memref<32768xf32, #tpu.memory_space<vmem>> -> memref<1024xf32, #tpu.memory_space<vmem>>
        %gather3A_507 = tpu.vector_load_idx %gather3A_506[%get3A_492] : memref<1024xf32, #tpu.memory_space<vmem>>[vector<16xi32>], vector<16xf32>,
        %gather3A_508 = arith.constant 13312 : i32
        %gather3A_509 = tpu.memref_slice %arg7[%gather3A_508] : memref<32768xf32, #tpu.memory_space<vmem>> -> memref<1024xf32, #tpu.memory_space<vmem>>
        %gather3A_510 = tpu.vector_load_idx %gather3A_509[%get3A_492] : memref<1024xf32, #tpu.memory_space<vmem>>[vector<16xi32>], vector<16xf32>,
        %gather3A_511 = arith.constant 14336 : i32
        %gather3A_512 = tpu.memref_slice %arg7[%gather3A_511] : memref<32768xf32, #tpu.memory_space<vmem>> -> memref<1024xf32, #tpu.memory_space<vmem>>
        %gather3A_513 = tpu.vector_load_idx %gather3A_512[%get3A_492] : memref<1024xf32, #tpu.memory_space<vmem>>[vector<16xi32>], vector<16xf32>,
        %gather3A_514 = arith.constant 15360 : i32
        %gather3A_515 = tpu.memref_slice %arg7[%gather3A_514] : memref<32768xf32, #tpu.memory_space<vmem>> -> memref<1024xf32, #tpu.memory_space<vmem>>
        %gather3A_516 = tpu.vector_load_idx %gather3A_515[%get3A_492] : memref<1024xf32, #tpu.memory_space<vmem>>[vector<16xi32>], vector<16xf32>,
        %mul3A_517 = arith.constant 16 : i32
        %mul3A_518 = arith.muli %mul3A_517, %scan3A_488 : i32
        %swap3A_519 = arith.constant 0 : i32
        %swap3A_520 = arith.index_cast %swap3A_519 : i32 to index
        %swap3A_521 = arith.index_cast %mul3A_518 : i32 to index
        %swap3A_522 = tpu.vector_load %arg9[%swap3A_520, %swap3A_521] {strides = array<i32>} : memref<8x4096xf32, #tpu.memory_space<vmem>>, vector<16xf32>,
        tpu.vector_store %arg9[%swap3A_520, %swap3A_521], %gather3A_495 {strides = array<i32>} : memref<8x4096xf32, #tpu.memory_space<vmem>>, vector<16xf32>,
        %mul3A_523 = arith.constant 16 : i32
        %mul3A_524 = arith.muli %mul3A_523, %scan3A_488 : i32
        %swap3A_525 = arith.constant 1 : i32
        %swap3A_526 = arith.index_cast %swap3A_525 : i32 to index
        %swap3A_527 = arith.index_cast %mul3A_524 : i32 to index
        %swap3A_528 = tpu.vector_load %arg9[%swap3A_526, %swap3A_527] {strides = array<i32>} : memref<8x4096xf32, #tpu.memory_space<vmem>>, vector<16xf32>,
        tpu.vector_store %arg9[%swap3A_526, %swap3A_527], %gather3A_498 {strides = array<i32>} : memref<8x4096xf32, #tpu.memory_space<vmem>>, vector<16xf32>,
        %mul3A_529 = arith.constant 16 : i32
        %mul3A_530 = arith.muli %mul3A_529, %scan3A_488 : i32
        %swap3A_531 = arith.constant 2 : i32
        %swap3A_532 = arith.index_cast %swap3A_531 : i32 to index
        %swap3A_533 = arith.index_cast %mul3A_530 : i32 to index
        %swap3A_534 = tpu.vector_load %arg9[%swap3A_532, %swap3A_533] {strides = array<i32>} : memref<8x4096xf32, #tpu.memory_space<vmem>>, vector<16xf32>,
        tpu.vector_store %arg9[%swap3A_532, %swap3A_533], %gather3A_501 {strides = array<i32>} : memref<8x4096xf32, #tpu.memory_space<vmem>>, vector<16xf32>,
        %mul3A_535 = arith.constant 16 : i32
        %mul3A_536 = arith.muli %mul3A_535, %scan3A_488 : i32
        %swap3A_537 = arith.constant 3 : i32
        %swap3A_538 = arith.index_cast %swap3A_537 : i32 to index
        %swap3A_539 = arith.index_cast %mul3A_536 : i32 to index
        %swap3A_540 = tpu.vector_load %arg9[%swap3A_538, %swap3A_539] {strides = array<i32>} : memref<8x4096xf32, #tpu.memory_space<vmem>>, vector<16xf32>,
        tpu.vector_store %arg9[%swap3A_538, %swap3A_539], %gather3A_504 {strides = array<i32>} : memref<8x4096xf32, #tpu.memory_space<vmem>>, vector<16xf32>,
        %mul3A_541 = arith.constant 16 : i32
        %mul3A_542 = arith.muli %mul3A_541, %scan3A_488 : i32
        %swap3A_543 = arith.constant 4 : i32
        %swap3A_544 = arith.index_cast %swap3A_543 : i32 to index
        %swap3A_545 = arith.index_cast %mul3A_542 : i32 to index
        %swap3A_546 = tpu.vector_load %arg9[%swap3A_544, %swap3A_545] {strides = array<i32>} : memref<8x4096xf32, #tpu.memory_space<vmem>>, vector<16xf32>,
        tpu.vector_store %arg9[%swap3A_544, %swap3A_545], %gather3A_507 {strides = array<i32>} : memref<8x4096xf32, #tpu.memory_space<vmem>>, vector<16xf32>,
        %mul3A_547 = arith.constant 16 : i32
        %mul3A_548 = arith.muli %mul3A_547, %scan3A_488 : i32
        %swap3A_549 = arith.constant 5 : i32
        %swap3A_550 = arith.index_cast %swap3A_549 : i32 to index
        %swap3A_551 = arith.index_cast %mul3A_548 : i32 to index
        %swap3A_552 = tpu.vector_load %arg9[%swap3A_550, %swap3A_551] {strides = array<i32>} : memref<8x4096xf32, #tpu.memory_space<vmem>>, vector<16xf32>,
        tpu.vector_store %arg9[%swap3A_550, %swap3A_551], %gather3A_510 {strides = array<i32>} : memref<8x4096xf32, #tpu.memory_space<vmem>>, vector<16xf32>,
        %mul3A_553 = arith.constant 16 : i32
        %mul3A_554 = arith.muli %mul3A_553, %scan3A_488 : i32
        %swap3A_555 = arith.constant 6 : i32
        %swap3A_556 = arith.index_cast %swap3A_555 : i32 to index
        %swap3A_557 = arith.index_cast %mul3A_554 : i32 to index
        %swap3A_558 = tpu.vector_load %arg9[%swap3A_556, %swap3A_557] {strides = array<i32>} : memref<8x4096xf32, #tpu.memory_space<vmem>>, vector<16xf32>,
        tpu.vector_store %arg9[%swap3A_556, %swap3A_557], %gather3A_513 {strides = array<i32>} : memref<8x4096xf32, #tpu.memory_space<vmem>>, vector<16xf32>,
        %mul3A_559 = arith.constant 16 : i32
        %mul3A_560 = arith.muli %mul3A_559, %scan3A_488 : i32
        %swap3A_561 = arith.constant 7 : i32
        %swap3A_562 = arith.index_cast %swap3A_561 : i32 to index
        %swap3A_563 = arith.index_cast %mul3A_560 : i32 to index
        %swap3A_564 = tpu.vector_load %arg9[%swap3A_562, %swap3A_563] {strides = array<i32>} : memref<8x4096xf32, #tpu.memory_space<vmem>>, vector<16xf32>,
        tpu.vector_store %arg9[%swap3A_562, %swap3A_563], %gather3A_516 {strides = array<i32>} : memref<8x4096xf32, #tpu.memory_space<vmem>>, vector<16xf32>,
        %scan3A_565 = arith.constant 3 : i32
        %scan3A_566 = arith.addi %scan3A_335, %scan3A_565 : i32
        %mul3A_567 = arith.constant 16 : i32
        %mul3A_568 = arith.muli %mul3A_567, %scan3A_566 : i32
        %get3A_569 = arith.index_cast %mul3A_568 : i32 to index
        %get3A_570 = tpu.vector_load %arg6[%get3A_569] {strides = array<i32>} : memref<4096xi32, #tpu.memory_space<vmem>>, vector<16xi32>,
        %gather3A_571 = arith.constant 8192 : i32
        %gather3A_572 = tpu.memref_slice %arg7[%gather3A_571] : memref<32768xf32, #tpu.memory_space<vmem>> -> memref<1024xf32, #tpu.memory_space<vmem>>
        %gather3A_573 = tpu.vector_load_idx %gather3A_572[%get3A_570] : memref<1024xf32, #tpu.memory_space<vmem>>[vector<16xi32>], vector<16xf32>,
        %gather3A_574 = arith.constant 9216 : i32
        %gather3A_575 = tpu.memref_slice %arg7[%gather3A_574] : memref<32768xf32, #tpu.memory_space<vmem>> -> memref<1024xf32, #tpu.memory_space<vmem>>
        %gather3A_576 = tpu.vector_load_idx %gather3A_575[%get3A_570] : memref<1024xf32, #tpu.memory_space<vmem>>[vector<16xi32>], vector<16xf32>,
        %gather3A_577 = arith.constant 10240 : i32
        %gather3A_578 = tpu.memref_slice %arg7[%gather3A_577] : memref<32768xf32, #tpu.memory_space<vmem>> -> memref<1024xf32, #tpu.memory_space<vmem>>
        %gather3A_579 = tpu.vector_load_idx %gather3A_578[%get3A_570] : memref<1024xf32, #tpu.memory_space<vmem>>[vector<16xi32>], vector<16xf32>,
        %gather3A_580 = arith.constant 11264 : i32
        %gather3A_581 = tpu.memref_slice %arg7[%gather3A_580] : memref<32768xf32, #tpu.memory_space<vmem>> -> memref<1024xf32, #tpu.memory_space<vmem>>
        %gather3A_582 = tpu.vector_load_idx %gather3A_581[%get3A_570] : memref<1024xf32, #tpu.memory_space<vmem>>[vector<16xi32>], vector<16xf32>,
        %gather3A_583 = arith.constant 12288 : i32
        %gather3A_584 = tpu.memref_slice %arg7[%gather3A_583] : memref<32768xf32, #tpu.memory_space<vmem>> -> memref<1024xf32, #tpu.memory_space<vmem>>
        %gather3A_585 = tpu.vector_load_idx %gather3A_584[%get3A_570] : memref<1024xf32, #tpu.memory_space<vmem>>[vector<16xi32>], vector<16xf32>,
        %gather3A_586 = arith.constant 13312 : i32
        %gather3A_587 = tpu.memref_slice %arg7[%gather3A_586] : memref<32768xf32, #tpu.memory_space<vmem>> -> memref<1024xf32, #tpu.memory_space<vmem>>
        %gather3A_588 = tpu.vector_load_idx %gather3A_587[%get3A_570] : memref<1024xf32, #tpu.memory_space<vmem>>[vector<16xi32>], vector<16xf32>,
        %gather3A_589 = arith.constant 14336 : i32
        %gather3A_590 = tpu.memref_slice %arg7[%gather3A_589] : memref<32768xf32, #tpu.memory_space<vmem>> -> memref<1024xf32, #tpu.memory_space<vmem>>
        %gather3A_591 = tpu.vector_load_idx %gather3A_590[%get3A_570] : memref<1024xf32, #tpu.memory_space<vmem>>[vector<16xi32>], vector<16xf32>,
        %gather3A_592 = arith.constant 15360 : i32
        %gather3A_593 = tpu.memref_slice %arg7[%gather3A_592] : memref<32768xf32, #tpu.memory_space<vmem>> -> memref<1024xf32, #tpu.memory_space<vmem>>
        %gather3A_594 = tpu.vector_load_idx %gather3A_593[%get3A_570] : memref<1024xf32, #tpu.memory_space<vmem>>[vector<16xi32>], vector<16xf32>,
        %mul3A_595 = arith.constant 16 : i32
        %mul3A_596 = arith.muli %mul3A_595, %scan3A_566 : i32
        %swap3A_597 = arith.constant 0 : i32
        %swap3A_598 = arith.index_cast %swap3A_597 : i32 to index
        %swap3A_599 = arith.index_cast %mul3A_596 : i32 to index
        %swap3A_600 = tpu.vector_load %arg9[%swap3A_598, %swap3A_599] {strides = array<i32>} : memref<8x4096xf32, #tpu.memory_space<vmem>>, vector<16xf32>,
        tpu.vector_store %arg9[%swap3A_598, %swap3A_599], %gather3A_573 {strides = array<i32>} : memref<8x4096xf32, #tpu.memory_space<vmem>>, vector<16xf32>,
        %mul3A_601 = arith.constant 16 : i32
        %mul3A_602 = arith.muli %mul3A_601, %scan3A_566 : i32
        %swap3A_603 = arith.constant 1 : i32
        %swap3A_604 = arith.index_cast %swap3A_603 : i32 to index
        %swap3A_605 = arith.index_cast %mul3A_602 : i32 to index
        %swap3A_606 = tpu.vector_load %arg9[%swap3A_604, %swap3A_605] {strides = array<i32>} : memref<8x4096xf32, #tpu.memory_space<vmem>>, vector<16xf32>,
        tpu.vector_store %arg9[%swap3A_604, %swap3A_605], %gather3A_576 {strides = array<i32>} : memref<8x4096xf32, #tpu.memory_space<vmem>>, vector<16xf32>,
        %mul3A_607 = arith.constant 16 : i32
        %mul3A_608 = arith.muli %mul3A_607, %scan3A_566 : i32
        %swap3A_609 = arith.constant 2 : i32
        %swap3A_610 = arith.index_cast %swap3A_609 : i32 to index
        %swap3A_611 = arith.index_cast %mul3A_608 : i32 to index
        %swap3A_612 = tpu.vector_load %arg9[%swap3A_610, %swap3A_611] {strides = array<i32>} : memref<8x4096xf32, #tpu.memory_space<vmem>>, vector<16xf32>,
        tpu.vector_store %arg9[%swap3A_610, %swap3A_611], %gather3A_579 {strides = array<i32>} : memref<8x4096xf32, #tpu.memory_space<vmem>>, vector<16xf32>,
        %mul3A_613 = arith.constant 16 : i32
        %mul3A_614 = arith.muli %mul3A_613, %scan3A_566 : i32
        %swap3A_615 = arith.constant 3 : i32
        %swap3A_616 = arith.index_cast %swap3A_615 : i32 to index
        %swap3A_617 = arith.index_cast %mul3A_614 : i32 to index
        %swap3A_618 = tpu.vector_load %arg9[%swap3A_616, %swap3A_617] {strides = array<i32>} : memref<8x4096xf32, #tpu.memory_space<vmem>>, vector<16xf32>,
        tpu.vector_store %arg9[%swap3A_616, %swap3A_617], %gather3A_582 {strides = array<i32>} : memref<8x4096xf32, #tpu.memory_space<vmem>>, vector<16xf32>,
        %mul3A_619 = arith.constant 16 : i32
        %mul3A_620 = arith.muli %mul3A_619, %scan3A_566 : i32
        %swap3A_621 = arith.constant 4 : i32
        %swap3A_622 = arith.index_cast %swap3A_621 : i32 to index
        %swap3A_623 = arith.index_cast %mul3A_620 : i32 to index
        %swap3A_624 = tpu.vector_load %arg9[%swap3A_622, %swap3A_623] {strides = array<i32>} : memref<8x4096xf32, #tpu.memory_space<vmem>>, vector<16xf32>,
        tpu.vector_store %arg9[%swap3A_622, %swap3A_623], %gather3A_585 {strides = array<i32>} : memref<8x4096xf32, #tpu.memory_space<vmem>>, vector<16xf32>,
        %mul3A_625 = arith.constant 16 : i32
        %mul3A_626 = arith.muli %mul3A_625, %scan3A_566 : i32
        %swap3A_627 = arith.constant 5 : i32
        %swap3A_628 = arith.index_cast %swap3A_627 : i32 to index
        %swap3A_629 = arith.index_cast %mul3A_626 : i32 to index
        %swap3A_630 = tpu.vector_load %arg9[%swap3A_628, %swap3A_629] {strides = array<i32>} : memref<8x4096xf32, #tpu.memory_space<vmem>>, vector<16xf32>,
        tpu.vector_store %arg9[%swap3A_628, %swap3A_629], %gather3A_588 {strides = array<i32>} : memref<8x4096xf32, #tpu.memory_space<vmem>>, vector<16xf32>,
        %mul3A_631 = arith.constant 16 : i32
        %mul3A_632 = arith.muli %mul3A_631, %scan3A_566 : i32
        %swap3A_633 = arith.constant 6 : i32
        %swap3A_634 = arith.index_cast %swap3A_633 : i32 to index
        %swap3A_635 = arith.index_cast %mul3A_632 : i32 to index
        %swap3A_636 = tpu.vector_load %arg9[%swap3A_634, %swap3A_635] {strides = array<i32>} : memref<8x4096xf32, #tpu.memory_space<vmem>>, vector<16xf32>,
        tpu.vector_store %arg9[%swap3A_634, %swap3A_635], %gather3A_591 {strides = array<i32>} : memref<8x4096xf32, #tpu.memory_space<vmem>>, vector<16xf32>,
        %mul3A_637 = arith.constant 16 : i32
        %mul3A_638 = arith.muli %mul3A_637, %scan3A_566 : i32
        %swap3A_639 = arith.constant 7 : i32
        %swap3A_640 = arith.index_cast %swap3A_639 : i32 to index
        %swap3A_641 = arith.index_cast %mul3A_638 : i32 to index
        %swap3A_642 = tpu.vector_load %arg9[%swap3A_640, %swap3A_641] {strides = array<i32>} : memref<8x4096xf32, #tpu.memory_space<vmem>>, vector<16xf32>,
        tpu.vector_store %arg9[%swap3A_640, %swap3A_641], %gather3A_594 {strides = array<i32>} : memref<8x4096xf32, #tpu.memory_space<vmem>>, vector<16xf32>,
      }
      %scan3A_144 = arith.constant 256 : i32
      %add3A_145 = arith.constant 1 : i32
      %add3A_146 = arith.addi %min3A_19, %add3A_145 : i32
      %mul3A_147 = arith.constant 8 : i32
      %mul3A_148 = arith.muli %add3A_146, %mul3A_147 : i32
      %dma_start3A_149 = arith.constant 0 : i32
      %dma_start3A_150 = tpu.memref_slice %arg4[%add3A_93, %mul3A_148, %dma_start3A_149] : memref<20x1000x4096xf32, #tpu.memory_space<hbm>> -> memref<1x8x4096xf32, #tpu.memory_space<hbm>>
      %dma_start3A_151 = tpu.memref_squeeze %dma_start3A_150 : memref<1x8x4096xf32, #tpu.memory_space<hbm>> -> memref<8x4096xf32, #tpu.memory_space<hbm>>
      %dma_start3A_152 = arith.constant 0 : i32
      %dma_start3A_153 = tpu.memref_slice %arg4[%add3A_93, %mul3A_148, %dma_start3A_152] : memref<20x1000x4096xf32, #tpu.memory_space<hbm>> -> memref<1x8x4096xf32, #tpu.memory_space<hbm>>
      %dma_start3A_154 = tpu.memref_squeeze %dma_start3A_153 : memref<1x8x4096xf32, #tpu.memory_space<hbm>> -> memref<8x4096xf32, #tpu.memory_space<hbm>>
      tpu.enqueue_dma source(%arg9 : memref<8x4096xf32, #tpu.memory_space<vmem>>) target(%dma_start3A_154 : memref<8x4096xf32, #tpu.memory_space<hbm>>) target_semaphore(%arg13 : memref<!tpu.dma_semaphore, #tpu.memory_space<semaphore_mem>>)
      %add3A_155 = arith.constant 0 : i32
      %add3A_156 = arith.addi %min3A_19, %add3A_155 : i32
      %mul3A_157 = arith.constant 8 : i32
      %mul3A_158 = arith.muli %add3A_156, %mul3A_157 : i32
      %dma_wait3A_159 = arith.constant 0 : i32
      %dma_wait3A_160 = arith.constant 0 : i32
      %dma_wait3A_161 = tpu.memref_slice %arg4[%dma_wait3A_159, %mul3A_158, %dma_wait3A_160] : memref<20x1000x4096xf32, #tpu.memory_space<hbm>> -> memref<1x8x4096xf32, #tpu.memory_space<hbm>>
      %dma_wait3A_162 = tpu.memref_squeeze %dma_wait3A_161 : memref<1x8x4096xf32, #tpu.memory_space<hbm>> -> memref<8x4096xf32, #tpu.memory_space<hbm>>
      %dma_wait3A_163 = arith.constant 0 : i32
      %dma_wait3A_164 = tpu.memref_slice %arg4[%dma_wait3A_159, %mul3A_158, %dma_wait3A_163] : memref<20x1000x4096xf32, #tpu.memory_space<hbm>> -> memref<1x8x4096xf32, #tpu.memory_space<hbm>>
      %dma_wait3A_165 = tpu.memref_squeeze %dma_wait3A_164 : memref<1x8x4096xf32, #tpu.memory_space<hbm>> -> memref<8x4096xf32, #tpu.memory_space<hbm>>
      tpu.wait_dma2 semaphore(%arg12 : memref<!tpu.dma_semaphore, #tpu.memory_space<semaphore_mem>>) src(%arg8 : memref<8x4096xf32, #tpu.memory_space<vmem>>) dst(%dma_wait3A_165 : memref<8x4096xf32, #tpu.memory_space<hbm>>)
      %scan3A_166 = arith.constant 0 : i32
      %scan3A_167 = arith.constant 0 : i32
      %scan3A_168 = arith.constant 256 : i32
      %scan3A_169 = arith.addi %scan3A_167, %scan3A_168 : i32
      %scan3A_170 = arith.constant 4 : i32
      scf.for %scan3A_335 = %scan3A_167 to %scan3A_169 step %scan3A_170  : i32 {
        %mul3A_336 = arith.constant 16 : i32
        %mul3A_337 = arith.muli %mul3A_336, %scan3A_335 : i32
        %get3A = arith.index_cast %mul3A_337 : i32 to index
        %get3A_338 = tpu.vector_load %arg5[%get3A] {strides = array<i32>} : memref<4096xi32, #tpu.memory_space<vmem>>, vector<16xi32>,
        %gather3A = arith.constant 16384 : i32
        %gather3A_339 = tpu.memref_slice %arg7[%gather3A] : memref<32768xf32, #tpu.memory_space<vmem>> -> memref<1024xf32, #tpu.memory_space<vmem>>
        %gather3A_340 = tpu.vector_load_idx %gather3A_339[%get3A_338] : memref<1024xf32, #tpu.memory_space<vmem>>[vector<16xi32>], vector<16xf32>,
        %gather3A_341 = arith.constant 17408 : i32
        %gather3A_342 = tpu.memref_slice %arg7[%gather3A_341] : memref<32768xf32, #tpu.memory_space<vmem>> -> memref<1024xf32, #tpu.memory_space<vmem>>
        %gather3A_343 = tpu.vector_load_idx %gather3A_342[%get3A_338] : memref<1024xf32, #tpu.memory_space<vmem>>[vector<16xi32>], vector<16xf32>,
        %gather3A_344 = arith.constant 18432 : i32
        %gather3A_345 = tpu.memref_slice %arg7[%gather3A_344] : memref<32768xf32, #tpu.memory_space<vmem>> -> memref<1024xf32, #tpu.memory_space<vmem>>
        %gather3A_346 = tpu.vector_load_idx %gather3A_345[%get3A_338] : memref<1024xf32, #tpu.memory_space<vmem>>[vector<16xi32>], vector<16xf32>,
        %gather3A_347 = arith.constant 19456 : i32
        %gather3A_348 = tpu.memref_slice %arg7[%gather3A_347] : memref<32768xf32, #tpu.memory_space<vmem>> -> memref<1024xf32, #tpu.memory_space<vmem>>
        %gather3A_349 = tpu.vector_load_idx %gather3A_348[%get3A_338] : memref<1024xf32, #tpu.memory_space<vmem>>[vector<16xi32>], vector<16xf32>,
        %gather3A_350 = arith.constant 20480 : i32
        %gather3A_351 = tpu.memref_slice %arg7[%gather3A_350] : memref<32768xf32, #tpu.memory_space<vmem>> -> memref<1024xf32, #tpu.memory_space<vmem>>
        %gather3A_352 = tpu.vector_load_idx %gather3A_351[%get3A_338] : memref<1024xf32, #tpu.memory_space<vmem>>[vector<16xi32>], vector<16xf32>,
        %gather3A_353 = arith.constant 21504 : i32
        %gather3A_354 = tpu.memref_slice %arg7[%gather3A_353] : memref<32768xf32, #tpu.memory_space<vmem>> -> memref<1024xf32, #tpu.memory_space<vmem>>
        %gather3A_355 = tpu.vector_load_idx %gather3A_354[%get3A_338] : memref<1024xf32, #tpu.memory_space<vmem>>[vector<16xi32>], vector<16xf32>,
        %gather3A_356 = arith.constant 22528 : i32
        %gather3A_357 = tpu.memref_slice %arg7[%gather3A_356] : memref<32768xf32, #tpu.memory_space<vmem>> -> memref<1024xf32, #tpu.memory_space<vmem>>
        %gather3A_358 = tpu.vector_load_idx %gather3A_357[%get3A_338] : memref<1024xf32, #tpu.memory_space<vmem>>[vector<16xi32>], vector<16xf32>,
        %gather3A_359 = arith.constant 23552 : i32
        %gather3A_360 = tpu.memref_slice %arg7[%gather3A_359] : memref<32768xf32, #tpu.memory_space<vmem>> -> memref<1024xf32, #tpu.memory_space<vmem>>
        %gather3A_361 = tpu.vector_load_idx %gather3A_360[%get3A_338] : memref<1024xf32, #tpu.memory_space<vmem>>[vector<16xi32>], vector<16xf32>,
        %mul3A_362 = arith.constant 16 : i32
        %mul3A_363 = arith.muli %mul3A_362, %scan3A_335 : i32
        %swap3A = arith.constant 0 : i32
        %swap3A_364 = arith.index_cast %swap3A : i32 to index
        %swap3A_365 = arith.index_cast %mul3A_363 : i32 to index
        %swap3A_366 = tpu.vector_load %arg8[%swap3A_364, %swap3A_365] {strides = array<i32>} : memref<8x4096xf32, #tpu.memory_space<vmem>>, vector<16xf32>,
        tpu.vector_store %arg8[%swap3A_364, %swap3A_365], %gather3A_340 {strides = array<i32>} : memref<8x4096xf32, #tpu.memory_space<vmem>>, vector<16xf32>,
        %mul3A_367 = arith.constant 16 : i32
        %mul3A_368 = arith.muli %mul3A_367, %scan3A_335 : i32
        %swap3A_369 = arith.constant 1 : i32
        %swap3A_370 = arith.index_cast %swap3A_369 : i32 to index
        %swap3A_371 = arith.index_cast %mul3A_368 : i32 to index
        %swap3A_372 = tpu.vector_load %arg8[%swap3A_370, %swap3A_371] {strides = array<i32>} : memref<8x4096xf32, #tpu.memory_space<vmem>>, vector<16xf32>,
        tpu.vector_store %arg8[%swap3A_370, %swap3A_371], %gather3A_343 {strides = array<i32>} : memref<8x4096xf32, #tpu.memory_space<vmem>>, vector<16xf32>,
        %mul3A_373 = arith.constant 16 : i32
        %mul3A_374 = arith.muli %mul3A_373, %scan3A_335 : i32
        %swap3A_375 = arith.constant 2 : i32
        %swap3A_376 = arith.index_cast %swap3A_375 : i32 to index
        %swap3A_377 = arith.index_cast %mul3A_374 : i32 to index
        %swap3A_378 = tpu.vector_load %arg8[%swap3A_376, %swap3A_377] {strides = array<i32>} : memref<8x4096xf32, #tpu.memory_space<vmem>>, vector<16xf32>,
        tpu.vector_store %arg8[%swap3A_376, %swap3A_377], %gather3A_346 {strides = array<i32>} : memref<8x4096xf32, #tpu.memory_space<vmem>>, vector<16xf32>,
        %mul3A_379 = arith.constant 16 : i32
        %mul3A_380 = arith.muli %mul3A_379, %scan3A_335 : i32
        %swap3A_381 = arith.constant 3 : i32
        %swap3A_382 = arith.index_cast %swap3A_381 : i32 to index
        %swap3A_383 = arith.index_cast %mul3A_380 : i32 to index
        %swap3A_384 = tpu.vector_load %arg8[%swap3A_382, %swap3A_383] {strides = array<i32>} : memref<8x4096xf32, #tpu.memory_space<vmem>>, vector<16xf32>,
        tpu.vector_store %arg8[%swap3A_382, %swap3A_383], %gather3A_349 {strides = array<i32>} : memref<8x4096xf32, #tpu.memory_space<vmem>>, vector<16xf32>,
        %mul3A_385 = arith.constant 16 : i32
        %mul3A_386 = arith.muli %mul3A_385, %scan3A_335 : i32
        %swap3A_387 = arith.constant 4 : i32
        %swap3A_388 = arith.index_cast %swap3A_387 : i32 to index
        %swap3A_389 = arith.index_cast %mul3A_386 : i32 to index
        %swap3A_390 = tpu.vector_load %arg8[%swap3A_388, %swap3A_389] {strides = array<i32>} : memref<8x4096xf32, #tpu.memory_space<vmem>>, vector<16xf32>,
        tpu.vector_store %arg8[%swap3A_388, %swap3A_389], %gather3A_352 {strides = array<i32>} : memref<8x4096xf32, #tpu.memory_space<vmem>>, vector<16xf32>,
        %mul3A_391 = arith.constant 16 : i32
        %mul3A_392 = arith.muli %mul3A_391, %scan3A_335 : i32
        %swap3A_393 = arith.constant 5 : i32
        %swap3A_394 = arith.index_cast %swap3A_393 : i32 to index
        %swap3A_395 = arith.index_cast %mul3A_392 : i32 to index
        %swap3A_396 = tpu.vector_load %arg8[%swap3A_394, %swap3A_395] {strides = array<i32>} : memref<8x4096xf32, #tpu.memory_space<vmem>>, vector<16xf32>,
        tpu.vector_store %arg8[%swap3A_394, %swap3A_395], %gather3A_355 {strides = array<i32>} : memref<8x4096xf32, #tpu.memory_space<vmem>>, vector<16xf32>,
        %mul3A_397 = arith.constant 16 : i32
        %mul3A_398 = arith.muli %mul3A_397, %scan3A_335 : i32
        %swap3A_399 = arith.constant 6 : i32
        %swap3A_400 = arith.index_cast %swap3A_399 : i32 to index
        %swap3A_401 = arith.index_cast %mul3A_398 : i32 to index
        %swap3A_402 = tpu.vector_load %arg8[%swap3A_400, %swap3A_401] {strides = array<i32>} : memref<8x4096xf32, #tpu.memory_space<vmem>>, vector<16xf32>,
        tpu.vector_store %arg8[%swap3A_400, %swap3A_401], %gather3A_358 {strides = array<i32>} : memref<8x4096xf32, #tpu.memory_space<vmem>>, vector<16xf32>,
        %mul3A_403 = arith.constant 16 : i32
        %mul3A_404 = arith.muli %mul3A_403, %scan3A_335 : i32
        %swap3A_405 = arith.constant 7 : i32
        %swap3A_406 = arith.index_cast %swap3A_405 : i32 to index
        %swap3A_407 = arith.index_cast %mul3A_404 : i32 to index
        %swap3A_408 = tpu.vector_load %arg8[%swap3A_406, %swap3A_407] {strides = array<i32>} : memref<8x4096xf32, #tpu.memory_space<vmem>>, vector<16xf32>,
        tpu.vector_store %arg8[%swap3A_406, %swap3A_407], %gather3A_361 {strides = array<i32>} : memref<8x4096xf32, #tpu.memory_space<vmem>>, vector<16xf32>,
        %scan3A_409 = arith.constant 1 : i32
        %scan3A_410 = arith.addi %scan3A_335, %scan3A_409 : i32
        %mul3A_411 = arith.constant 16 : i32
        %mul3A_412 = arith.muli %mul3A_411, %scan3A_410 : i32
        %get3A_413 = arith.index_cast %mul3A_412 : i32 to index
        %get3A_414 = tpu.vector_load %arg5[%get3A_413] {strides = array<i32>} : memref<4096xi32, #tpu.memory_space<vmem>>, vector<16xi32>,
        %gather3A_415 = arith.constant 16384 : i32
        %gather3A_416 = tpu.memref_slice %arg7[%gather3A_415] : memref<32768xf32, #tpu.memory_space<vmem>> -> memref<1024xf32, #tpu.memory_space<vmem>>
        %gather3A_417 = tpu.vector_load_idx %gather3A_416[%get3A_414] : memref<1024xf32, #tpu.memory_space<vmem>>[vector<16xi32>], vector<16xf32>,
        %gather3A_418 = arith.constant 17408 : i32
        %gather3A_419 = tpu.memref_slice %arg7[%gather3A_418] : memref<32768xf32, #tpu.memory_space<vmem>> -> memref<1024xf32, #tpu.memory_space<vmem>>
        %gather3A_420 = tpu.vector_load_idx %gather3A_419[%get3A_414] : memref<1024xf32, #tpu.memory_space<vmem>>[vector<16xi32>], vector<16xf32>,
        %gather3A_421 = arith.constant 18432 : i32
        %gather3A_422 = tpu.memref_slice %arg7[%gather3A_421] : memref<32768xf32, #tpu.memory_space<vmem>> -> memref<1024xf32, #tpu.memory_space<vmem>>
        %gather3A_423 = tpu.vector_load_idx %gather3A_422[%get3A_414] : memref<1024xf32, #tpu.memory_space<vmem>>[vector<16xi32>], vector<16xf32>,
        %gather3A_424 = arith.constant 19456 : i32
        %gather3A_425 = tpu.memref_slice %arg7[%gather3A_424] : memref<32768xf32, #tpu.memory_space<vmem>> -> memref<1024xf32, #tpu.memory_space<vmem>>
        %gather3A_426 = tpu.vector_load_idx %gather3A_425[%get3A_414] : memref<1024xf32, #tpu.memory_space<vmem>>[vector<16xi32>], vector<16xf32>,
        %gather3A_427 = arith.constant 20480 : i32
        %gather3A_428 = tpu.memref_slice %arg7[%gather3A_427] : memref<32768xf32, #tpu.memory_space<vmem>> -> memref<1024xf32, #tpu.memory_space<vmem>>
        %gather3A_429 = tpu.vector_load_idx %gather3A_428[%get3A_414] : memref<1024xf32, #tpu.memory_space<vmem>>[vector<16xi32>], vector<16xf32>,
        %gather3A_430 = arith.constant 21504 : i32
        %gather3A_431 = tpu.memref_slice %arg7[%gather3A_430] : memref<32768xf32, #tpu.memory_space<vmem>> -> memref<1024xf32, #tpu.memory_space<vmem>>
        %gather3A_432 = tpu.vector_load_idx %gather3A_431[%get3A_414] : memref<1024xf32, #tpu.memory_space<vmem>>[vector<16xi32>], vector<16xf32>,
        %gather3A_433 = arith.constant 22528 : i32
        %gather3A_434 = tpu.memref_slice %arg7[%gather3A_433] : memref<32768xf32, #tpu.memory_space<vmem>> -> memref<1024xf32, #tpu.memory_space<vmem>>
        %gather3A_435 = tpu.vector_load_idx %gather3A_434[%get3A_414] : memref<1024xf32, #tpu.memory_space<vmem>>[vector<16xi32>], vector<16xf32>,
        %gather3A_436 = arith.constant 23552 : i32
        %gather3A_437 = tpu.memref_slice %arg7[%gather3A_436] : memref<32768xf32, #tpu.memory_space<vmem>> -> memref<1024xf32, #tpu.memory_space<vmem>>
        %gather3A_438 = tpu.vector_load_idx %gather3A_437[%get3A_414] : memref<1024xf32, #tpu.memory_space<vmem>>[vector<16xi32>], vector<16xf32>,
        %mul3A_439 = arith.constant 16 : i32
        %mul3A_440 = arith.muli %mul3A_439, %scan3A_410 : i32
        %swap3A_441 = arith.constant 0 : i32
        %swap3A_442 = arith.index_cast %swap3A_441 : i32 to index
        %swap3A_443 = arith.index_cast %mul3A_440 : i32 to index
        %swap3A_444 = tpu.vector_load %arg8[%swap3A_442, %swap3A_443] {strides = array<i32>} : memref<8x4096xf32, #tpu.memory_space<vmem>>, vector<16xf32>,
        tpu.vector_store %arg8[%swap3A_442, %swap3A_443], %gather3A_417 {strides = array<i32>} : memref<8x4096xf32, #tpu.memory_space<vmem>>, vector<16xf32>,
        %mul3A_445 = arith.constant 16 : i32
        %mul3A_446 = arith.muli %mul3A_445, %scan3A_410 : i32
        %swap3A_447 = arith.constant 1 : i32
        %swap3A_448 = arith.index_cast %swap3A_447 : i32 to index
        %swap3A_449 = arith.index_cast %mul3A_446 : i32 to index
        %swap3A_450 = tpu.vector_load %arg8[%swap3A_448, %swap3A_449] {strides = array<i32>} : memref<8x4096xf32, #tpu.memory_space<vmem>>, vector<16xf32>,
        tpu.vector_store %arg8[%swap3A_448, %swap3A_449], %gather3A_420 {strides = array<i32>} : memref<8x4096xf32, #tpu.memory_space<vmem>>, vector<16xf32>,
        %mul3A_451 = arith.constant 16 : i32
        %mul3A_452 = arith.muli %mul3A_451, %scan3A_410 : i32
        %swap3A_453 = arith.constant 2 : i32
        %swap3A_454 = arith.index_cast %swap3A_453 : i32 to index
        %swap3A_455 = arith.index_cast %mul3A_452 : i32 to index
        %swap3A_456 = tpu.vector_load %arg8[%swap3A_454, %swap3A_455] {strides = array<i32>} : memref<8x4096xf32, #tpu.memory_space<vmem>>, vector<16xf32>,
        tpu.vector_store %arg8[%swap3A_454, %swap3A_455], %gather3A_423 {strides = array<i32>} : memref<8x4096xf32, #tpu.memory_space<vmem>>, vector<16xf32>,
        %mul3A_457 = arith.constant 16 : i32
        %mul3A_458 = arith.muli %mul3A_457, %scan3A_410 : i32
        %swap3A_459 = arith.constant 3 : i32
        %swap3A_460 = arith.index_cast %swap3A_459 : i32 to index
        %swap3A_461 = arith.index_cast %mul3A_458 : i32 to index
        %swap3A_462 = tpu.vector_load %arg8[%swap3A_460, %swap3A_461] {strides = array<i32>} : memref<8x4096xf32, #tpu.memory_space<vmem>>, vector<16xf32>,
        tpu.vector_store %arg8[%swap3A_460, %swap3A_461], %gather3A_426 {strides = array<i32>} : memref<8x4096xf32, #tpu.memory_space<vmem>>, vector<16xf32>,
        %mul3A_463 = arith.constant 16 : i32
        %mul3A_464 = arith.muli %mul3A_463, %scan3A_410 : i32
        %swap3A_465 = arith.constant 4 : i32
        %swap3A_466 = arith.index_cast %swap3A_465 : i32 to index
        %swap3A_467 = arith.index_cast %mul3A_464 : i32 to index
        %swap3A_468 = tpu.vector_load %arg8[%swap3A_466, %swap3A_467] {strides = array<i32>} : memref<8x4096xf32, #tpu.memory_space<vmem>>, vector<16xf32>,
        tpu.vector_store %arg8[%swap3A_466, %swap3A_467], %gather3A_429 {strides = array<i32>} : memref<8x4096xf32, #tpu.memory_space<vmem>>, vector<16xf32>,
        %mul3A_469 = arith.constant 16 : i32
        %mul3A_470 = arith.muli %mul3A_469, %scan3A_410 : i32
        %swap3A_471 = arith.constant 5 : i32
        %swap3A_472 = arith.index_cast %swap3A_471 : i32 to index
        %swap3A_473 = arith.index_cast %mul3A_470 : i32 to index
        %swap3A_474 = tpu.vector_load %arg8[%swap3A_472, %swap3A_473] {strides = array<i32>} : memref<8x4096xf32, #tpu.memory_space<vmem>>, vector<16xf32>,
        tpu.vector_store %arg8[%swap3A_472, %swap3A_473], %gather3A_432 {strides = array<i32>} : memref<8x4096xf32, #tpu.memory_space<vmem>>, vector<16xf32>,
        %mul3A_475 = arith.constant 16 : i32
        %mul3A_476 = arith.muli %mul3A_475, %scan3A_410 : i32
        %swap3A_477 = arith.constant 6 : i32
        %swap3A_478 = arith.index_cast %swap3A_477 : i32 to index
        %swap3A_479 = arith.index_cast %mul3A_476 : i32 to index
        %swap3A_480 = tpu.vector_load %arg8[%swap3A_478, %swap3A_479] {strides = array<i32>} : memref<8x4096xf32, #tpu.memory_space<vmem>>, vector<16xf32>,
        tpu.vector_store %arg8[%swap3A_478, %swap3A_479], %gather3A_435 {strides = array<i32>} : memref<8x4096xf32, #tpu.memory_space<vmem>>, vector<16xf32>,
        %mul3A_481 = arith.constant 16 : i32
        %mul3A_482 = arith.muli %mul3A_481, %scan3A_410 : i32
        %swap3A_483 = arith.constant 7 : i32
        %swap3A_484 = arith.index_cast %swap3A_483 : i32 to index
        %swap3A_485 = arith.index_cast %mul3A_482 : i32 to index
        %swap3A_486 = tpu.vector_load %arg8[%swap3A_484, %swap3A_485] {strides = array<i32>} : memref<8x4096xf32, #tpu.memory_space<vmem>>, vector<16xf32>,
        tpu.vector_store %arg8[%swap3A_484, %swap3A_485], %gather3A_438 {strides = array<i32>} : memref<8x4096xf32, #tpu.memory_space<vmem>>, vector<16xf32>,
        %scan3A_487 = arith.constant 2 : i32
        %scan3A_488 = arith.addi %scan3A_335, %scan3A_487 : i32
        %mul3A_489 = arith.constant 16 : i32
        %mul3A_490 = arith.muli %mul3A_489, %scan3A_488 : i32
        %get3A_491 = arith.index_cast %mul3A_490 : i32 to index
        %get3A_492 = tpu.vector_load %arg5[%get3A_491] {strides = array<i32>} : memref<4096xi32, #tpu.memory_space<vmem>>, vector<16xi32>,
        %gather3A_493 = arith.constant 16384 : i32
        %gather3A_494 = tpu.memref_slice %arg7[%gather3A_493] : memref<32768xf32, #tpu.memory_space<vmem>> -> memref<1024xf32, #tpu.memory_space<vmem>>
        %gather3A_495 = tpu.vector_load_idx %gather3A_494[%get3A_492] : memref<1024xf32, #tpu.memory_space<vmem>>[vector<16xi32>], vector<16xf32>,
        %gather3A_496 = arith.constant 17408 : i32
        %gather3A_497 = tpu.memref_slice %arg7[%gather3A_496] : memref<32768xf32, #tpu.memory_space<vmem>> -> memref<1024xf32, #tpu.memory_space<vmem>>
        %gather3A_498 = tpu.vector_load_idx %gather3A_497[%get3A_492] : memref<1024xf32, #tpu.memory_space<vmem>>[vector<16xi32>], vector<16xf32>,
        %gather3A_499 = arith.constant 18432 : i32
        %gather3A_500 = tpu.memref_slice %arg7[%gather3A_499] : memref<32768xf32, #tpu.memory_space<vmem>> -> memref<1024xf32, #tpu.memory_space<vmem>>
        %gather3A_501 = tpu.vector_load_idx %gather3A_500[%get3A_492] : memref<1024xf32, #tpu.memory_space<vmem>>[vector<16xi32>], vector<16xf32>,
        %gather3A_502 = arith.constant 19456 : i32
        %gather3A_503 = tpu.memref_slice %arg7[%gather3A_502] : memref<32768xf32, #tpu.memory_space<vmem>> -> memref<1024xf32, #tpu.memory_space<vmem>>
        %gather3A_504 = tpu.vector_load_idx %gather3A_503[%get3A_492] : memref<1024xf32, #tpu.memory_space<vmem>>[vector<16xi32>], vector<16xf32>,
        %gather3A_505 = arith.constant 20480 : i32
        %gather3A_506 = tpu.memref_slice %arg7[%gather3A_505] : memref<32768xf32, #tpu.memory_space<vmem>> -> memref<1024xf32, #tpu.memory_space<vmem>>
        %gather3A_507 = tpu.vector_load_idx %gather3A_506[%get3A_492] : memref<1024xf32, #tpu.memory_space<vmem>>[vector<16xi32>], vector<16xf32>,
        %gather3A_508 = arith.constant 21504 : i32
        %gather3A_509 = tpu.memref_slice %arg7[%gather3A_508] : memref<32768xf32, #tpu.memory_space<vmem>> -> memref<1024xf32, #tpu.memory_space<vmem>>
        %gather3A_510 = tpu.vector_load_idx %gather3A_509[%get3A_492] : memref<1024xf32, #tpu.memory_space<vmem>>[vector<16xi32>], vector<16xf32>,
        %gather3A_511 = arith.constant 22528 : i32
        %gather3A_512 = tpu.memref_slice %arg7[%gather3A_511] : memref<32768xf32, #tpu.memory_space<vmem>> -> memref<1024xf32, #tpu.memory_space<vmem>>
        %gather3A_513 = tpu.vector_load_idx %gather3A_512[%get3A_492] : memref<1024xf32, #tpu.memory_space<vmem>>[vector<16xi32>], vector<16xf32>,
        %gather3A_514 = arith.constant 23552 : i32
        %gather3A_515 = tpu.memref_slice %arg7[%gather3A_514] : memref<32768xf32, #tpu.memory_space<vmem>> -> memref<1024xf32, #tpu.memory_space<vmem>>
        %gather3A_516 = tpu.vector_load_idx %gather3A_515[%get3A_492] : memref<1024xf32, #tpu.memory_space<vmem>>[vector<16xi32>], vector<16xf32>,
        %mul3A_517 = arith.constant 16 : i32
        %mul3A_518 = arith.muli %mul3A_517, %scan3A_488 : i32
        %swap3A_519 = arith.constant 0 : i32
        %swap3A_520 = arith.index_cast %swap3A_519 : i32 to index
        %swap3A_521 = arith.index_cast %mul3A_518 : i32 to index
        %swap3A_522 = tpu.vector_load %arg8[%swap3A_520, %swap3A_521] {strides = array<i32>} : memref<8x4096xf32, #tpu.memory_space<vmem>>, vector<16xf32>,
        tpu.vector_store %arg8[%swap3A_520, %swap3A_521], %gather3A_495 {strides = array<i32>} : memref<8x4096xf32, #tpu.memory_space<vmem>>, vector<16xf32>,
        %mul3A_523 = arith.constant 16 : i32
        %mul3A_524 = arith.muli %mul3A_523, %scan3A_488 : i32
        %swap3A_525 = arith.constant 1 : i32
        %swap3A_526 = arith.index_cast %swap3A_525 : i32 to index
        %swap3A_527 = arith.index_cast %mul3A_524 : i32 to index
        %swap3A_528 = tpu.vector_load %arg8[%swap3A_526, %swap3A_527] {strides = array<i32>} : memref<8x4096xf32, #tpu.memory_space<vmem>>, vector<16xf32>,
        tpu.vector_store %arg8[%swap3A_526, %swap3A_527], %gather3A_498 {strides = array<i32>} : memref<8x4096xf32, #tpu.memory_space<vmem>>, vector<16xf32>,
        %mul3A_529 = arith.constant 16 : i32
        %mul3A_530 = arith.muli %mul3A_529, %scan3A_488 : i32
        %swap3A_531 = arith.constant 2 : i32
        %swap3A_532 = arith.index_cast %swap3A_531 : i32 to index
        %swap3A_533 = arith.index_cast %mul3A_530 : i32 to index
        %swap3A_534 = tpu.vector_load %arg8[%swap3A_532, %swap3A_533] {strides = array<i32>} : memref<8x4096xf32, #tpu.memory_space<vmem>>, vector<16xf32>,
        tpu.vector_store %arg8[%swap3A_532, %swap3A_533], %gather3A_501 {strides = array<i32>} : memref<8x4096xf32, #tpu.memory_space<vmem>>, vector<16xf32>,
        %mul3A_535 = arith.constant 16 : i32
        %mul3A_536 = arith.muli %mul3A_535, %scan3A_488 : i32
        %swap3A_537 = arith.constant 3 : i32
        %swap3A_538 = arith.index_cast %swap3A_537 : i32 to index
        %swap3A_539 = arith.index_cast %mul3A_536 : i32 to index
        %swap3A_540 = tpu.vector_load %arg8[%swap3A_538, %swap3A_539] {strides = array<i32>} : memref<8x4096xf32, #tpu.memory_space<vmem>>, vector<16xf32>,
        tpu.vector_store %arg8[%swap3A_538, %swap3A_539], %gather3A_504 {strides = array<i32>} : memref<8x4096xf32, #tpu.memory_space<vmem>>, vector<16xf32>,
        %mul3A_541 = arith.constant 16 : i32
        %mul3A_542 = arith.muli %mul3A_541, %scan3A_488 : i32
        %swap3A_543 = arith.constant 4 : i32
        %swap3A_544 = arith.index_cast %swap3A_543 : i32 to index
        %swap3A_545 = arith.index_cast %mul3A_542 : i32 to index
        %swap3A_546 = tpu.vector_load %arg8[%swap3A_544, %swap3A_545] {strides = array<i32>} : memref<8x4096xf32, #tpu.memory_space<vmem>>, vector<16xf32>,
        tpu.vector_store %arg8[%swap3A_544, %swap3A_545], %gather3A_507 {strides = array<i32>} : memref<8x4096xf32, #tpu.memory_space<vmem>>, vector<16xf32>,
        %mul3A_547 = arith.constant 16 : i32
        %mul3A_548 = arith.muli %mul3A_547, %scan3A_488 : i32
        %swap3A_549 = arith.constant 5 : i32
        %swap3A_550 = arith.index_cast %swap3A_549 : i32 to index
        %swap3A_551 = arith.index_cast %mul3A_548 : i32 to index
        %swap3A_552 = tpu.vector_load %arg8[%swap3A_550, %swap3A_551] {strides = array<i32>} : memref<8x4096xf32, #tpu.memory_space<vmem>>, vector<16xf32>,
        tpu.vector_store %arg8[%swap3A_550, %swap3A_551], %gather3A_510 {strides = array<i32>} : memref<8x4096xf32, #tpu.memory_space<vmem>>, vector<16xf32>,
        %mul3A_553 = arith.constant 16 : i32
        %mul3A_554 = arith.muli %mul3A_553, %scan3A_488 : i32
        %swap3A_555 = arith.constant 6 : i32
        %swap3A_556 = arith.index_cast %swap3A_555 : i32 to index
        %swap3A_557 = arith.index_cast %mul3A_554 : i32 to index
        %swap3A_558 = tpu.vector_load %arg8[%swap3A_556, %swap3A_557] {strides = array<i32>} : memref<8x4096xf32, #tpu.memory_space<vmem>>, vector<16xf32>,
        tpu.vector_store %arg8[%swap3A_556, %swap3A_557], %gather3A_513 {strides = array<i32>} : memref<8x4096xf32, #tpu.memory_space<vmem>>, vector<16xf32>,
        %mul3A_559 = arith.constant 16 : i32
        %mul3A_560 = arith.muli %mul3A_559, %scan3A_488 : i32
        %swap3A_561 = arith.constant 7 : i32
        %swap3A_562 = arith.index_cast %swap3A_561 : i32 to index
        %swap3A_563 = arith.index_cast %mul3A_560 : i32 to index
        %swap3A_564 = tpu.vector_load %arg8[%swap3A_562, %swap3A_563] {strides = array<i32>} : memref<8x4096xf32, #tpu.memory_space<vmem>>, vector<16xf32>,
        tpu.vector_store %arg8[%swap3A_562, %swap3A_563], %gather3A_516 {strides = array<i32>} : memref<8x4096xf32, #tpu.memory_space<vmem>>, vector<16xf32>,
        %scan3A_565 = arith.constant 3 : i32
        %scan3A_566 = arith.addi %scan3A_335, %scan3A_565 : i32
        %mul3A_567 = arith.constant 16 : i32
        %mul3A_568 = arith.muli %mul3A_567, %scan3A_566 : i32
        %get3A_569 = arith.index_cast %mul3A_568 : i32 to index
        %get3A_570 = tpu.vector_load %arg5[%get3A_569] {strides = array<i32>} : memref<4096xi32, #tpu.memory_space<vmem>>, vector<16xi32>,
        %gather3A_571 = arith.constant 16384 : i32
        %gather3A_572 = tpu.memref_slice %arg7[%gather3A_571] : memref<32768xf32, #tpu.memory_space<vmem>> -> memref<1024xf32, #tpu.memory_space<vmem>>
        %gather3A_573 = tpu.vector_load_idx %gather3A_572[%get3A_570] : memref<1024xf32, #tpu.memory_space<vmem>>[vector<16xi32>], vector<16xf32>,
        %gather3A_574 = arith.constant 17408 : i32
        %gather3A_575 = tpu.memref_slice %arg7[%gather3A_574] : memref<32768xf32, #tpu.memory_space<vmem>> -> memref<1024xf32, #tpu.memory_space<vmem>>
        %gather3A_576 = tpu.vector_load_idx %gather3A_575[%get3A_570] : memref<1024xf32, #tpu.memory_space<vmem>>[vector<16xi32>], vector<16xf32>,
        %gather3A_577 = arith.constant 18432 : i32
        %gather3A_578 = tpu.memref_slice %arg7[%gather3A_577] : memref<32768xf32, #tpu.memory_space<vmem>> -> memref<1024xf32, #tpu.memory_space<vmem>>
        %gather3A_579 = tpu.vector_load_idx %gather3A_578[%get3A_570] : memref<1024xf32, #tpu.memory_space<vmem>>[vector<16xi32>], vector<16xf32>,
        %gather3A_580 = arith.constant 19456 : i32
        %gather3A_581 = tpu.memref_slice %arg7[%gather3A_580] : memref<32768xf32, #tpu.memory_space<vmem>> -> memref<1024xf32, #tpu.memory_space<vmem>>
        %gather3A_582 = tpu.vector_load_idx %gather3A_581[%get3A_570] : memref<1024xf32, #tpu.memory_space<vmem>>[vector<16xi32>], vector<16xf32>,
        %gather3A_583 = arith.constant 20480 : i32
        %gather3A_584 = tpu.memref_slice %arg7[%gather3A_583] : memref<32768xf32, #tpu.memory_space<vmem>> -> memref<1024xf32, #tpu.memory_space<vmem>>
        %gather3A_585 = tpu.vector_load_idx %gather3A_584[%get3A_570] : memref<1024xf32, #tpu.memory_space<vmem>>[vector<16xi32>], vector<16xf32>,
        %gather3A_586 = arith.constant 21504 : i32
        %gather3A_587 = tpu.memref_slice %arg7[%gather3A_586] : memref<32768xf32, #tpu.memory_space<vmem>> -> memref<1024xf32, #tpu.memory_space<vmem>>
        %gather3A_588 = tpu.vector_load_idx %gather3A_587[%get3A_570] : memref<1024xf32, #tpu.memory_space<vmem>>[vector<16xi32>], vector<16xf32>,
        %gather3A_589 = arith.constant 22528 : i32
        %gather3A_590 = tpu.memref_slice %arg7[%gather3A_589] : memref<32768xf32, #tpu.memory_space<vmem>> -> memref<1024xf32, #tpu.memory_space<vmem>>
        %gather3A_591 = tpu.vector_load_idx %gather3A_590[%get3A_570] : memref<1024xf32, #tpu.memory_space<vmem>>[vector<16xi32>], vector<16xf32>,
        %gather3A_592 = arith.constant 23552 : i32
        %gather3A_593 = tpu.memref_slice %arg7[%gather3A_592] : memref<32768xf32, #tpu.memory_space<vmem>> -> memref<1024xf32, #tpu.memory_space<vmem>>
        %gather3A_594 = tpu.vector_load_idx %gather3A_593[%get3A_570] : memref<1024xf32, #tpu.memory_space<vmem>>[vector<16xi32>], vector<16xf32>,
        %mul3A_595 = arith.constant 16 : i32
        %mul3A_596 = arith.muli %mul3A_595, %scan3A_566 : i32
        %swap3A_597 = arith.constant 0 : i32
        %swap3A_598 = arith.index_cast %swap3A_597 : i32 to index
        %swap3A_599 = arith.index_cast %mul3A_596 : i32 to index
        %swap3A_600 = tpu.vector_load %arg8[%swap3A_598, %swap3A_599] {strides = array<i32>} : memref<8x4096xf32, #tpu.memory_space<vmem>>, vector<16xf32>,
        tpu.vector_store %arg8[%swap3A_598, %swap3A_599], %gather3A_573 {strides = array<i32>} : memref<8x4096xf32, #tpu.memory_space<vmem>>, vector<16xf32>,
        %mul3A_601 = arith.constant 16 : i32
        %mul3A_602 = arith.muli %mul3A_601, %scan3A_566 : i32
        %swap3A_603 = arith.constant 1 : i32
        %swap3A_604 = arith.index_cast %swap3A_603 : i32 to index
        %swap3A_605 = arith.index_cast %mul3A_602 : i32 to index
        %swap3A_606 = tpu.vector_load %arg8[%swap3A_604, %swap3A_605] {strides = array<i32>} : memref<8x4096xf32, #tpu.memory_space<vmem>>, vector<16xf32>,
        tpu.vector_store %arg8[%swap3A_604, %swap3A_605], %gather3A_576 {strides = array<i32>} : memref<8x4096xf32, #tpu.memory_space<vmem>>, vector<16xf32>,
        %mul3A_607 = arith.constant 16 : i32
        %mul3A_608 = arith.muli %mul3A_607, %scan3A_566 : i32
        %swap3A_609 = arith.constant 2 : i32
        %swap3A_610 = arith.index_cast %swap3A_609 : i32 to index
        %swap3A_611 = arith.index_cast %mul3A_608 : i32 to index
        %swap3A_612 = tpu.vector_load %arg8[%swap3A_610, %swap3A_611] {strides = array<i32>} : memref<8x4096xf32, #tpu.memory_space<vmem>>, vector<16xf32>,
        tpu.vector_store %arg8[%swap3A_610, %swap3A_611], %gather3A_579 {strides = array<i32>} : memref<8x4096xf32, #tpu.memory_space<vmem>>, vector<16xf32>,
        %mul3A_613 = arith.constant 16 : i32
        %mul3A_614 = arith.muli %mul3A_613, %scan3A_566 : i32
        %swap3A_615 = arith.constant 3 : i32
        %swap3A_616 = arith.index_cast %swap3A_615 : i32 to index
        %swap3A_617 = arith.index_cast %mul3A_614 : i32 to index
        %swap3A_618 = tpu.vector_load %arg8[%swap3A_616, %swap3A_617] {strides = array<i32>} : memref<8x4096xf32, #tpu.memory_space<vmem>>, vector<16xf32>,
        tpu.vector_store %arg8[%swap3A_616, %swap3A_617], %gather3A_582 {strides = array<i32>} : memref<8x4096xf32, #tpu.memory_space<vmem>>, vector<16xf32>,
        %mul3A_619 = arith.constant 16 : i32
        %mul3A_620 = arith.muli %mul3A_619, %scan3A_566 : i32
        %swap3A_621 = arith.constant 4 : i32
        %swap3A_622 = arith.index_cast %swap3A_621 : i32 to index
        %swap3A_623 = arith.index_cast %mul3A_620 : i32 to index
        %swap3A_624 = tpu.vector_load %arg8[%swap3A_622, %swap3A_623] {strides = array<i32>} : memref<8x4096xf32, #tpu.memory_space<vmem>>, vector<16xf32>,
        tpu.vector_store %arg8[%swap3A_622, %swap3A_623], %gather3A_585 {strides = array<i32>} : memref<8x4096xf32, #tpu.memory_space<vmem>>, vector<16xf32>,
        %mul3A_625 = arith.constant 16 : i32
        %mul3A_626 = arith.muli %mul3A_625, %scan3A_566 : i32
        %swap3A_627 = arith.constant 5 : i32
        %swap3A_628 = arith.index_cast %swap3A_627 : i32 to index
        %swap3A_629 = arith.index_cast %mul3A_626 : i32 to index
        %swap3A_630 = tpu.vector_load %arg8[%swap3A_628, %swap3A_629] {strides = array<i32>} : memref<8x4096xf32, #tpu.memory_space<vmem>>, vector<16xf32>,
        tpu.vector_store %arg8[%swap3A_628, %swap3A_629], %gather3A_588 {strides = array<i32>} : memref<8x4096xf32, #tpu.memory_space<vmem>>, vector<16xf32>,
        %mul3A_631 = arith.constant 16 : i32
        %mul3A_632 = arith.muli %mul3A_631, %scan3A_566 : i32
        %swap3A_633 = arith.constant 6 : i32
        %swap3A_634 = arith.index_cast %swap3A_633 : i32 to index
        %swap3A_635 = arith.index_cast %mul3A_632 : i32 to index
        %swap3A_636 = tpu.vector_load %arg8[%swap3A_634, %swap3A_635] {strides = array<i32>} : memref<8x4096xf32, #tpu.memory_space<vmem>>, vector<16xf32>,
        tpu.vector_store %arg8[%swap3A_634, %swap3A_635], %gather3A_591 {strides = array<i32>} : memref<8x4096xf32, #tpu.memory_space<vmem>>, vector<16xf32>,
        %mul3A_637 = arith.constant 16 : i32
        %mul3A_638 = arith.muli %mul3A_637, %scan3A_566 : i32
        %swap3A_639 = arith.constant 7 : i32
        %swap3A_640 = arith.index_cast %swap3A_639 : i32 to index
        %swap3A_641 = arith.index_cast %mul3A_638 : i32 to index
        %swap3A_642 = tpu.vector_load %arg8[%swap3A_640, %swap3A_641] {strides = array<i32>} : memref<8x4096xf32, #tpu.memory_space<vmem>>, vector<16xf32>,
        tpu.vector_store %arg8[%swap3A_640, %swap3A_641], %gather3A_594 {strides = array<i32>} : memref<8x4096xf32, #tpu.memory_space<vmem>>, vector<16xf32>,
      }
      %scan3A_171 = arith.constant 256 : i32
      %add3A_172 = arith.constant 2 : i32
      %add3A_173 = arith.addi %min3A_19, %add3A_172 : i32
      %mul3A_174 = arith.constant 8 : i32
      %mul3A_175 = arith.muli %add3A_173, %mul3A_174 : i32
      %dma_start3A_176 = arith.constant 0 : i32
      %dma_start3A_177 = tpu.memref_slice %arg4[%add3A_93, %mul3A_175, %dma_start3A_176] : memref<20x1000x4096xf32, #tpu.memory_space<hbm>> -> memref<1x8x4096xf32, #tpu.memory_space<hbm>>
      %dma_start3A_178 = tpu.memref_squeeze %dma_start3A_177 : memref<1x8x4096xf32, #tpu.memory_space<hbm>> -> memref<8x4096xf32, #tpu.memory_space<hbm>>
      %dma_start3A_179 = arith.constant 0 : i32
      %dma_start3A_180 = tpu.memref_slice %arg4[%add3A_93, %mul3A_175, %dma_start3A_179] : memref<20x1000x4096xf32, #tpu.memory_space<hbm>> -> memref<1x8x4096xf32, #tpu.memory_space<hbm>>
      %dma_start3A_181 = tpu.memref_squeeze %dma_start3A_180 : memref<1x8x4096xf32, #tpu.memory_space<hbm>> -> memref<8x4096xf32, #tpu.memory_space<hbm>>
      tpu.enqueue_dma source(%arg8 : memref<8x4096xf32, #tpu.memory_space<vmem>>) target(%dma_start3A_181 : memref<8x4096xf32, #tpu.memory_space<hbm>>) target_semaphore(%arg12 : memref<!tpu.dma_semaphore, #tpu.memory_space<semaphore_mem>>)
      %add3A_182 = arith.constant 0 : i32
      %add3A_183 = arith.addi %min3A_19, %add3A_182 : i32
      %mul3A_184 = arith.constant 8 : i32
      %mul3A_185 = arith.muli %add3A_183, %mul3A_184 : i32
      %dma_wait3A_186 = arith.constant 0 : i32
      %dma_wait3A_187 = arith.constant 0 : i32
      %dma_wait3A_188 = tpu.memref_slice %arg4[%dma_wait3A_186, %mul3A_185, %dma_wait3A_187] : memref<20x1000x4096xf32, #tpu.memory_space<hbm>> -> memref<1x8x4096xf32, #tpu.memory_space<hbm>>
      %dma_wait3A_189 = tpu.memref_squeeze %dma_wait3A_188 : memref<1x8x4096xf32, #tpu.memory_space<hbm>> -> memref<8x4096xf32, #tpu.memory_space<hbm>>
      %dma_wait3A_190 = arith.constant 0 : i32
      %dma_wait3A_191 = tpu.memref_slice %arg4[%dma_wait3A_186, %mul3A_185, %dma_wait3A_190] : memref<20x1000x4096xf32, #tpu.memory_space<hbm>> -> memref<1x8x4096xf32, #tpu.memory_space<hbm>>
      %dma_wait3A_192 = tpu.memref_squeeze %dma_wait3A_191 : memref<1x8x4096xf32, #tpu.memory_space<hbm>> -> memref<8x4096xf32, #tpu.memory_space<hbm>>
      tpu.wait_dma2 semaphore(%arg13 : memref<!tpu.dma_semaphore, #tpu.memory_space<semaphore_mem>>) src(%arg9 : memref<8x4096xf32, #tpu.memory_space<vmem>>) dst(%dma_wait3A_192 : memref<8x4096xf32, #tpu.memory_space<hbm>>)
      %scan3A_193 = arith.constant 0 : i32
      %scan3A_194 = arith.constant 0 : i32
      %scan3A_195 = arith.constant 256 : i32
      %scan3A_196 = arith.addi %scan3A_194, %scan3A_195 : i32
      %scan3A_197 = arith.constant 4 : i32
      scf.for %scan3A_335 = %scan3A_194 to %scan3A_196 step %scan3A_197  : i32 {
        %mul3A_336 = arith.constant 16 : i32
        %mul3A_337 = arith.muli %mul3A_336, %scan3A_335 : i32
        %get3A = arith.index_cast %mul3A_337 : i32 to index
        %get3A_338 = tpu.vector_load %arg6[%get3A] {strides = array<i32>} : memref<4096xi32, #tpu.memory_space<vmem>>, vector<16xi32>,
        %gather3A = arith.constant 24576 : i32
        %gather3A_339 = tpu.memref_slice %arg7[%gather3A] : memref<32768xf32, #tpu.memory_space<vmem>> -> memref<1024xf32, #tpu.memory_space<vmem>>
        %gather3A_340 = tpu.vector_load_idx %gather3A_339[%get3A_338] : memref<1024xf32, #tpu.memory_space<vmem>>[vector<16xi32>], vector<16xf32>,
        %gather3A_341 = arith.constant 25600 : i32
        %gather3A_342 = tpu.memref_slice %arg7[%gather3A_341] : memref<32768xf32, #tpu.memory_space<vmem>> -> memref<1024xf32, #tpu.memory_space<vmem>>
        %gather3A_343 = tpu.vector_load_idx %gather3A_342[%get3A_338] : memref<1024xf32, #tpu.memory_space<vmem>>[vector<16xi32>], vector<16xf32>,
        %gather3A_344 = arith.constant 26624 : i32
        %gather3A_345 = tpu.memref_slice %arg7[%gather3A_344] : memref<32768xf32, #tpu.memory_space<vmem>> -> memref<1024xf32, #tpu.memory_space<vmem>>
        %gather3A_346 = tpu.vector_load_idx %gather3A_345[%get3A_338] : memref<1024xf32, #tpu.memory_space<vmem>>[vector<16xi32>], vector<16xf32>,
        %gather3A_347 = arith.constant 27648 : i32
        %gather3A_348 = tpu.memref_slice %arg7[%gather3A_347] : memref<32768xf32, #tpu.memory_space<vmem>> -> memref<1024xf32, #tpu.memory_space<vmem>>
        %gather3A_349 = tpu.vector_load_idx %gather3A_348[%get3A_338] : memref<1024xf32, #tpu.memory_space<vmem>>[vector<16xi32>], vector<16xf32>,
        %gather3A_350 = arith.constant 28672 : i32
        %gather3A_351 = tpu.memref_slice %arg7[%gather3A_350] : memref<32768xf32, #tpu.memory_space<vmem>> -> memref<1024xf32, #tpu.memory_space<vmem>>
        %gather3A_352 = tpu.vector_load_idx %gather3A_351[%get3A_338] : memref<1024xf32, #tpu.memory_space<vmem>>[vector<16xi32>], vector<16xf32>,
        %gather3A_353 = arith.constant 29696 : i32
        %gather3A_354 = tpu.memref_slice %arg7[%gather3A_353] : memref<32768xf32, #tpu.memory_space<vmem>> -> memref<1024xf32, #tpu.memory_space<vmem>>
        %gather3A_355 = tpu.vector_load_idx %gather3A_354[%get3A_338] : memref<1024xf32, #tpu.memory_space<vmem>>[vector<16xi32>], vector<16xf32>,
        %gather3A_356 = arith.constant 30720 : i32
        %gather3A_357 = tpu.memref_slice %arg7[%gather3A_356] : memref<32768xf32, #tpu.memory_space<vmem>> -> memref<1024xf32, #tpu.memory_space<vmem>>
        %gather3A_358 = tpu.vector_load_idx %gather3A_357[%get3A_338] : memref<1024xf32, #tpu.memory_space<vmem>>[vector<16xi32>], vector<16xf32>,
        %gather3A_359 = arith.constant 31744 : i32
        %gather3A_360 = tpu.memref_slice %arg7[%gather3A_359] : memref<32768xf32, #tpu.memory_space<vmem>> -> memref<1024xf32, #tpu.memory_space<vmem>>
        %gather3A_361 = tpu.vector_load_idx %gather3A_360[%get3A_338] : memref<1024xf32, #tpu.memory_space<vmem>>[vector<16xi32>], vector<16xf32>,
        %mul3A_362 = arith.constant 16 : i32
        %mul3A_363 = arith.muli %mul3A_362, %scan3A_335 : i32
        %swap3A = arith.constant 0 : i32
        %swap3A_364 = arith.index_cast %swap3A : i32 to index
        %swap3A_365 = arith.index_cast %mul3A_363 : i32 to index
        %swap3A_366 = tpu.vector_load %arg9[%swap3A_364, %swap3A_365] {strides = array<i32>} : memref<8x4096xf32, #tpu.memory_space<vmem>>, vector<16xf32>,
        tpu.vector_store %arg9[%swap3A_364, %swap3A_365], %gather3A_340 {strides = array<i32>} : memref<8x4096xf32, #tpu.memory_space<vmem>>, vector<16xf32>,
        %mul3A_367 = arith.constant 16 : i32
        %mul3A_368 = arith.muli %mul3A_367, %scan3A_335 : i32
        %swap3A_369 = arith.constant 1 : i32
        %swap3A_370 = arith.index_cast %swap3A_369 : i32 to index
        %swap3A_371 = arith.index_cast %mul3A_368 : i32 to index
        %swap3A_372 = tpu.vector_load %arg9[%swap3A_370, %swap3A_371] {strides = array<i32>} : memref<8x4096xf32, #tpu.memory_space<vmem>>, vector<16xf32>,
        tpu.vector_store %arg9[%swap3A_370, %swap3A_371], %gather3A_343 {strides = array<i32>} : memref<8x4096xf32, #tpu.memory_space<vmem>>, vector<16xf32>,
        %mul3A_373 = arith.constant 16 : i32
        %mul3A_374 = arith.muli %mul3A_373, %scan3A_335 : i32
        %swap3A_375 = arith.constant 2 : i32
        %swap3A_376 = arith.index_cast %swap3A_375 : i32 to index
        %swap3A_377 = arith.index_cast %mul3A_374 : i32 to index
        %swap3A_378 = tpu.vector_load %arg9[%swap3A_376, %swap3A_377] {strides = array<i32>} : memref<8x4096xf32, #tpu.memory_space<vmem>>, vector<16xf32>,
        tpu.vector_store %arg9[%swap3A_376, %swap3A_377], %gather3A_346 {strides = array<i32>} : memref<8x4096xf32, #tpu.memory_space<vmem>>, vector<16xf32>,
        %mul3A_379 = arith.constant 16 : i32
        %mul3A_380 = arith.muli %mul3A_379, %scan3A_335 : i32
        %swap3A_381 = arith.constant 3 : i32
        %swap3A_382 = arith.index_cast %swap3A_381 : i32 to index
        %swap3A_383 = arith.index_cast %mul3A_380 : i32 to index
        %swap3A_384 = tpu.vector_load %arg9[%swap3A_382, %swap3A_383] {strides = array<i32>} : memref<8x4096xf32, #tpu.memory_space<vmem>>, vector<16xf32>,
        tpu.vector_store %arg9[%swap3A_382, %swap3A_383], %gather3A_349 {strides = array<i32>} : memref<8x4096xf32, #tpu.memory_space<vmem>>, vector<16xf32>,
        %mul3A_385 = arith.constant 16 : i32
        %mul3A_386 = arith.muli %mul3A_385, %scan3A_335 : i32
        %swap3A_387 = arith.constant 4 : i32
        %swap3A_388 = arith.index_cast %swap3A_387 : i32 to index
        %swap3A_389 = arith.index_cast %mul3A_386 : i32 to index
        %swap3A_390 = tpu.vector_load %arg9[%swap3A_388, %swap3A_389] {strides = array<i32>} : memref<8x4096xf32, #tpu.memory_space<vmem>>, vector<16xf32>,
        tpu.vector_store %arg9[%swap3A_388, %swap3A_389], %gather3A_352 {strides = array<i32>} : memref<8x4096xf32, #tpu.memory_space<vmem>>, vector<16xf32>,
        %mul3A_391 = arith.constant 16 : i32
        %mul3A_392 = arith.muli %mul3A_391, %scan3A_335 : i32
        %swap3A_393 = arith.constant 5 : i32
        %swap3A_394 = arith.index_cast %swap3A_393 : i32 to index
        %swap3A_395 = arith.index_cast %mul3A_392 : i32 to index
        %swap3A_396 = tpu.vector_load %arg9[%swap3A_394, %swap3A_395] {strides = array<i32>} : memref<8x4096xf32, #tpu.memory_space<vmem>>, vector<16xf32>,
        tpu.vector_store %arg9[%swap3A_394, %swap3A_395], %gather3A_355 {strides = array<i32>} : memref<8x4096xf32, #tpu.memory_space<vmem>>, vector<16xf32>,
        %mul3A_397 = arith.constant 16 : i32
        %mul3A_398 = arith.muli %mul3A_397, %scan3A_335 : i32
        %swap3A_399 = arith.constant 6 : i32
        %swap3A_400 = arith.index_cast %swap3A_399 : i32 to index
        %swap3A_401 = arith.index_cast %mul3A_398 : i32 to index
        %swap3A_402 = tpu.vector_load %arg9[%swap3A_400, %swap3A_401] {strides = array<i32>} : memref<8x4096xf32, #tpu.memory_space<vmem>>, vector<16xf32>,
        tpu.vector_store %arg9[%swap3A_400, %swap3A_401], %gather3A_358 {strides = array<i32>} : memref<8x4096xf32, #tpu.memory_space<vmem>>, vector<16xf32>,
        %mul3A_403 = arith.constant 16 : i32
        %mul3A_404 = arith.muli %mul3A_403, %scan3A_335 : i32
        %swap3A_405 = arith.constant 7 : i32
        %swap3A_406 = arith.index_cast %swap3A_405 : i32 to index
        %swap3A_407 = arith.index_cast %mul3A_404 : i32 to index
        %swap3A_408 = tpu.vector_load %arg9[%swap3A_406, %swap3A_407] {strides = array<i32>} : memref<8x4096xf32, #tpu.memory_space<vmem>>, vector<16xf32>,
        tpu.vector_store %arg9[%swap3A_406, %swap3A_407], %gather3A_361 {strides = array<i32>} : memref<8x4096xf32, #tpu.memory_space<vmem>>, vector<16xf32>,
        %scan3A_409 = arith.constant 1 : i32
        %scan3A_410 = arith.addi %scan3A_335, %scan3A_409 : i32
        %mul3A_411 = arith.constant 16 : i32
        %mul3A_412 = arith.muli %mul3A_411, %scan3A_410 : i32
        %get3A_413 = arith.index_cast %mul3A_412 : i32 to index
        %get3A_414 = tpu.vector_load %arg6[%get3A_413] {strides = array<i32>} : memref<4096xi32, #tpu.memory_space<vmem>>, vector<16xi32>,
        %gather3A_415 = arith.constant 24576 : i32
        %gather3A_416 = tpu.memref_slice %arg7[%gather3A_415] : memref<32768xf32, #tpu.memory_space<vmem>> -> memref<1024xf32, #tpu.memory_space<vmem>>
        %gather3A_417 = tpu.vector_load_idx %gather3A_416[%get3A_414] : memref<1024xf32, #tpu.memory_space<vmem>>[vector<16xi32>], vector<16xf32>,
        %gather3A_418 = arith.constant 25600 : i32
        %gather3A_419 = tpu.memref_slice %arg7[%gather3A_418] : memref<32768xf32, #tpu.memory_space<vmem>> -> memref<1024xf32, #tpu.memory_space<vmem>>
        %gather3A_420 = tpu.vector_load_idx %gather3A_419[%get3A_414] : memref<1024xf32, #tpu.memory_space<vmem>>[vector<16xi32>], vector<16xf32>,
        %gather3A_421 = arith.constant 26624 : i32
        %gather3A_422 = tpu.memref_slice %arg7[%gather3A_421] : memref<32768xf32, #tpu.memory_space<vmem>> -> memref<1024xf32, #tpu.memory_space<vmem>>
        %gather3A_423 = tpu.vector_load_idx %gather3A_422[%get3A_414] : memref<1024xf32, #tpu.memory_space<vmem>>[vector<16xi32>], vector<16xf32>,
        %gather3A_424 = arith.constant 27648 : i32
        %gather3A_425 = tpu.memref_slice %arg7[%gather3A_424] : memref<32768xf32, #tpu.memory_space<vmem>> -> memref<1024xf32, #tpu.memory_space<vmem>>
        %gather3A_426 = tpu.vector_load_idx %gather3A_425[%get3A_414] : memref<1024xf32, #tpu.memory_space<vmem>>[vector<16xi32>], vector<16xf32>,
        %gather3A_427 = arith.constant 28672 : i32
        %gather3A_428 = tpu.memref_slice %arg7[%gather3A_427] : memref<32768xf32, #tpu.memory_space<vmem>> -> memref<1024xf32, #tpu.memory_space<vmem>>
        %gather3A_429 = tpu.vector_load_idx %gather3A_428[%get3A_414] : memref<1024xf32, #tpu.memory_space<vmem>>[vector<16xi32>], vector<16xf32>,
        %gather3A_430 = arith.constant 29696 : i32
        %gather3A_431 = tpu.memref_slice %arg7[%gather3A_430] : memref<32768xf32, #tpu.memory_space<vmem>> -> memref<1024xf32, #tpu.memory_space<vmem>>
        %gather3A_432 = tpu.vector_load_idx %gather3A_431[%get3A_414] : memref<1024xf32, #tpu.memory_space<vmem>>[vector<16xi32>], vector<16xf32>,
        %gather3A_433 = arith.constant 30720 : i32
        %gather3A_434 = tpu.memref_slice %arg7[%gather3A_433] : memref<32768xf32, #tpu.memory_space<vmem>> -> memref<1024xf32, #tpu.memory_space<vmem>>
        %gather3A_435 = tpu.vector_load_idx %gather3A_434[%get3A_414] : memref<1024xf32, #tpu.memory_space<vmem>>[vector<16xi32>], vector<16xf32>,
        %gather3A_436 = arith.constant 31744 : i32
        %gather3A_437 = tpu.memref_slice %arg7[%gather3A_436] : memref<32768xf32, #tpu.memory_space<vmem>> -> memref<1024xf32, #tpu.memory_space<vmem>>
        %gather3A_438 = tpu.vector_load_idx %gather3A_437[%get3A_414] : memref<1024xf32, #tpu.memory_space<vmem>>[vector<16xi32>], vector<16xf32>,
        %mul3A_439 = arith.constant 16 : i32
        %mul3A_440 = arith.muli %mul3A_439, %scan3A_410 : i32
        %swap3A_441 = arith.constant 0 : i32
        %swap3A_442 = arith.index_cast %swap3A_441 : i32 to index
        %swap3A_443 = arith.index_cast %mul3A_440 : i32 to index
        %swap3A_444 = tpu.vector_load %arg9[%swap3A_442, %swap3A_443] {strides = array<i32>} : memref<8x4096xf32, #tpu.memory_space<vmem>>, vector<16xf32>,
        tpu.vector_store %arg9[%swap3A_442, %swap3A_443], %gather3A_417 {strides = array<i32>} : memref<8x4096xf32, #tpu.memory_space<vmem>>, vector<16xf32>,
        %mul3A_445 = arith.constant 16 : i32
        %mul3A_446 = arith.muli %mul3A_445, %scan3A_410 : i32
        %swap3A_447 = arith.constant 1 : i32
        %swap3A_448 = arith.index_cast %swap3A_447 : i32 to index
        %swap3A_449 = arith.index_cast %mul3A_446 : i32 to index
        %swap3A_450 = tpu.vector_load %arg9[%swap3A_448, %swap3A_449] {strides = array<i32>} : memref<8x4096xf32, #tpu.memory_space<vmem>>, vector<16xf32>,
        tpu.vector_store %arg9[%swap3A_448, %swap3A_449], %gather3A_420 {strides = array<i32>} : memref<8x4096xf32, #tpu.memory_space<vmem>>, vector<16xf32>,
        %mul3A_451 = arith.constant 16 : i32
        %mul3A_452 = arith.muli %mul3A_451, %scan3A_410 : i32
        %swap3A_453 = arith.constant 2 : i32
        %swap3A_454 = arith.index_cast %swap3A_453 : i32 to index
        %swap3A_455 = arith.index_cast %mul3A_452 : i32 to index
        %swap3A_456 = tpu.vector_load %arg9[%swap3A_454, %swap3A_455] {strides = array<i32>} : memref<8x4096xf32, #tpu.memory_space<vmem>>, vector<16xf32>,
        tpu.vector_store %arg9[%swap3A_454, %swap3A_455], %gather3A_423 {strides = array<i32>} : memref<8x4096xf32, #tpu.memory_space<vmem>>, vector<16xf32>,
        %mul3A_457 = arith.constant 16 : i32
        %mul3A_458 = arith.muli %mul3A_457, %scan3A_410 : i32
        %swap3A_459 = arith.constant 3 : i32
        %swap3A_460 = arith.index_cast %swap3A_459 : i32 to index
        %swap3A_461 = arith.index_cast %mul3A_458 : i32 to index
        %swap3A_462 = tpu.vector_load %arg9[%swap3A_460, %swap3A_461] {strides = array<i32>} : memref<8x4096xf32, #tpu.memory_space<vmem>>, vector<16xf32>,
        tpu.vector_store %arg9[%swap3A_460, %swap3A_461], %gather3A_426 {strides = array<i32>} : memref<8x4096xf32, #tpu.memory_space<vmem>>, vector<16xf32>,
        %mul3A_463 = arith.constant 16 : i32
        %mul3A_464 = arith.muli %mul3A_463, %scan3A_410 : i32
        %swap3A_465 = arith.constant 4 : i32
        %swap3A_466 = arith.index_cast %swap3A_465 : i32 to index
        %swap3A_467 = arith.index_cast %mul3A_464 : i32 to index
        %swap3A_468 = tpu.vector_load %arg9[%swap3A_466, %swap3A_467] {strides = array<i32>} : memref<8x4096xf32, #tpu.memory_space<vmem>>, vector<16xf32>,
        tpu.vector_store %arg9[%swap3A_466, %swap3A_467], %gather3A_429 {strides = array<i32>} : memref<8x4096xf32, #tpu.memory_space<vmem>>, vector<16xf32>,
        %mul3A_469 = arith.constant 16 : i32
        %mul3A_470 = arith.muli %mul3A_469, %scan3A_410 : i32
        %swap3A_471 = arith.constant 5 : i32
        %swap3A_472 = arith.index_cast %swap3A_471 : i32 to index
        %swap3A_473 = arith.index_cast %mul3A_470 : i32 to index
        %swap3A_474 = tpu.vector_load %arg9[%swap3A_472, %swap3A_473] {strides = array<i32>} : memref<8x4096xf32, #tpu.memory_space<vmem>>, vector<16xf32>,
        tpu.vector_store %arg9[%swap3A_472, %swap3A_473], %gather3A_432 {strides = array<i32>} : memref<8x4096xf32, #tpu.memory_space<vmem>>, vector<16xf32>,
        %mul3A_475 = arith.constant 16 : i32
        %mul3A_476 = arith.muli %mul3A_475, %scan3A_410 : i32
        %swap3A_477 = arith.constant 6 : i32
        %swap3A_478 = arith.index_cast %swap3A_477 : i32 to index
        %swap3A_479 = arith.index_cast %mul3A_476 : i32 to index
        %swap3A_480 = tpu.vector_load %arg9[%swap3A_478, %swap3A_479] {strides = array<i32>} : memref<8x4096xf32, #tpu.memory_space<vmem>>, vector<16xf32>,
        tpu.vector_store %arg9[%swap3A_478, %swap3A_479], %gather3A_435 {strides = array<i32>} : memref<8x4096xf32, #tpu.memory_space<vmem>>, vector<16xf32>,
        %mul3A_481 = arith.constant 16 : i32
        %mul3A_482 = arith.muli %mul3A_481, %scan3A_410 : i32
        %swap3A_483 = arith.constant 7 : i32
        %swap3A_484 = arith.index_cast %swap3A_483 : i32 to index
        %swap3A_485 = arith.index_cast %mul3A_482 : i32 to index
        %swap3A_486 = tpu.vector_load %arg9[%swap3A_484, %swap3A_485] {strides = array<i32>} : memref<8x4096xf32, #tpu.memory_space<vmem>>, vector<16xf32>,
        tpu.vector_store %arg9[%swap3A_484, %swap3A_485], %gather3A_438 {strides = array<i32>} : memref<8x4096xf32, #tpu.memory_space<vmem>>, vector<16xf32>,
        %scan3A_487 = arith.constant 2 : i32
        %scan3A_488 = arith.addi %scan3A_335, %scan3A_487 : i32
        %mul3A_489 = arith.constant 16 : i32
        %mul3A_490 = arith.muli %mul3A_489, %scan3A_488 : i32
        %get3A_491 = arith.index_cast %mul3A_490 : i32 to index
        %get3A_492 = tpu.vector_load %arg6[%get3A_491] {strides = array<i32>} : memref<4096xi32, #tpu.memory_space<vmem>>, vector<16xi32>,
        %gather3A_493 = arith.constant 24576 : i32
        %gather3A_494 = tpu.memref_slice %arg7[%gather3A_493] : memref<32768xf32, #tpu.memory_space<vmem>> -> memref<1024xf32, #tpu.memory_space<vmem>>
        %gather3A_495 = tpu.vector_load_idx %gather3A_494[%get3A_492] : memref<1024xf32, #tpu.memory_space<vmem>>[vector<16xi32>], vector<16xf32>,
        %gather3A_496 = arith.constant 25600 : i32
        %gather3A_497 = tpu.memref_slice %arg7[%gather3A_496] : memref<32768xf32, #tpu.memory_space<vmem>> -> memref<1024xf32, #tpu.memory_space<vmem>>
        %gather3A_498 = tpu.vector_load_idx %gather3A_497[%get3A_492] : memref<1024xf32, #tpu.memory_space<vmem>>[vector<16xi32>], vector<16xf32>,
        %gather3A_499 = arith.constant 26624 : i32
        %gather3A_500 = tpu.memref_slice %arg7[%gather3A_499] : memref<32768xf32, #tpu.memory_space<vmem>> -> memref<1024xf32, #tpu.memory_space<vmem>>
        %gather3A_501 = tpu.vector_load_idx %gather3A_500[%get3A_492] : memref<1024xf32, #tpu.memory_space<vmem>>[vector<16xi32>], vector<16xf32>,
        %gather3A_502 = arith.constant 27648 : i32
        %gather3A_503 = tpu.memref_slice %arg7[%gather3A_502] : memref<32768xf32, #tpu.memory_space<vmem>> -> memref<1024xf32, #tpu.memory_space<vmem>>
        %gather3A_504 = tpu.vector_load_idx %gather3A_503[%get3A_492] : memref<1024xf32, #tpu.memory_space<vmem>>[vector<16xi32>], vector<16xf32>,
        %gather3A_505 = arith.constant 28672 : i32
        %gather3A_506 = tpu.memref_slice %arg7[%gather3A_505] : memref<32768xf32, #tpu.memory_space<vmem>> -> memref<1024xf32, #tpu.memory_space<vmem>>
        %gather3A_507 = tpu.vector_load_idx %gather3A_506[%get3A_492] : memref<1024xf32, #tpu.memory_space<vmem>>[vector<16xi32>], vector<16xf32>,
        %gather3A_508 = arith.constant 29696 : i32
        %gather3A_509 = tpu.memref_slice %arg7[%gather3A_508] : memref<32768xf32, #tpu.memory_space<vmem>> -> memref<1024xf32, #tpu.memory_space<vmem>>
        %gather3A_510 = tpu.vector_load_idx %gather3A_509[%get3A_492] : memref<1024xf32, #tpu.memory_space<vmem>>[vector<16xi32>], vector<16xf32>,
        %gather3A_511 = arith.constant 30720 : i32
        %gather3A_512 = tpu.memref_slice %arg7[%gather3A_511] : memref<32768xf32, #tpu.memory_space<vmem>> -> memref<1024xf32, #tpu.memory_space<vmem>>
        %gather3A_513 = tpu.vector_load_idx %gather3A_512[%get3A_492] : memref<1024xf32, #tpu.memory_space<vmem>>[vector<16xi32>], vector<16xf32>,
        %gather3A_514 = arith.constant 31744 : i32
        %gather3A_515 = tpu.memref_slice %arg7[%gather3A_514] : memref<32768xf32, #tpu.memory_space<vmem>> -> memref<1024xf32, #tpu.memory_space<vmem>>
        %gather3A_516 = tpu.vector_load_idx %gather3A_515[%get3A_492] : memref<1024xf32, #tpu.memory_space<vmem>>[vector<16xi32>], vector<16xf32>,
        %mul3A_517 = arith.constant 16 : i32
        %mul3A_518 = arith.muli %mul3A_517, %scan3A_488 : i32
        %swap3A_519 = arith.constant 0 : i32
        %swap3A_520 = arith.index_cast %swap3A_519 : i32 to index
        %swap3A_521 = arith.index_cast %mul3A_518 : i32 to index
        %swap3A_522 = tpu.vector_load %arg9[%swap3A_520, %swap3A_521] {strides = array<i32>} : memref<8x4096xf32, #tpu.memory_space<vmem>>, vector<16xf32>,
        tpu.vector_store %arg9[%swap3A_520, %swap3A_521], %gather3A_495 {strides = array<i32>} : memref<8x4096xf32, #tpu.memory_space<vmem>>, vector<16xf32>,
        %mul3A_523 = arith.constant 16 : i32
        %mul3A_524 = arith.muli %mul3A_523, %scan3A_488 : i32
        %swap3A_525 = arith.constant 1 : i32
        %swap3A_526 = arith.index_cast %swap3A_525 : i32 to index
        %swap3A_527 = arith.index_cast %mul3A_524 : i32 to index
        %swap3A_528 = tpu.vector_load %arg9[%swap3A_526, %swap3A_527] {strides = array<i32>} : memref<8x4096xf32, #tpu.memory_space<vmem>>, vector<16xf32>,
        tpu.vector_store %arg9[%swap3A_526, %swap3A_527], %gather3A_498 {strides = array<i32>} : memref<8x4096xf32, #tpu.memory_space<vmem>>, vector<16xf32>,
        %mul3A_529 = arith.constant 16 : i32
        %mul3A_530 = arith.muli %mul3A_529, %scan3A_488 : i32
        %swap3A_531 = arith.constant 2 : i32
        %swap3A_532 = arith.index_cast %swap3A_531 : i32 to index
        %swap3A_533 = arith.index_cast %mul3A_530 : i32 to index
        %swap3A_534 = tpu.vector_load %arg9[%swap3A_532, %swap3A_533] {strides = array<i32>} : memref<8x4096xf32, #tpu.memory_space<vmem>>, vector<16xf32>,
        tpu.vector_store %arg9[%swap3A_532, %swap3A_533], %gather3A_501 {strides = array<i32>} : memref<8x4096xf32, #tpu.memory_space<vmem>>, vector<16xf32>,
        %mul3A_535 = arith.constant 16 : i32
        %mul3A_536 = arith.muli %mul3A_535, %scan3A_488 : i32
        %swap3A_537 = arith.constant 3 : i32
        %swap3A_538 = arith.index_cast %swap3A_537 : i32 to index
        %swap3A_539 = arith.index_cast %mul3A_536 : i32 to index
        %swap3A_540 = tpu.vector_load %arg9[%swap3A_538, %swap3A_539] {strides = array<i32>} : memref<8x4096xf32, #tpu.memory_space<vmem>>, vector<16xf32>,
        tpu.vector_store %arg9[%swap3A_538, %swap3A_539], %gather3A_504 {strides = array<i32>} : memref<8x4096xf32, #tpu.memory_space<vmem>>, vector<16xf32>,
        %mul3A_541 = arith.constant 16 : i32
        %mul3A_542 = arith.muli %mul3A_541, %scan3A_488 : i32
        %swap3A_543 = arith.constant 4 : i32
        %swap3A_544 = arith.index_cast %swap3A_543 : i32 to index
        %swap3A_545 = arith.index_cast %mul3A_542 : i32 to index
        %swap3A_546 = tpu.vector_load %arg9[%swap3A_544, %swap3A_545] {strides = array<i32>} : memref<8x4096xf32, #tpu.memory_space<vmem>>, vector<16xf32>,
        tpu.vector_store %arg9[%swap3A_544, %swap3A_545], %gather3A_507 {strides = array<i32>} : memref<8x4096xf32, #tpu.memory_space<vmem>>, vector<16xf32>,
        %mul3A_547 = arith.constant 16 : i32
        %mul3A_548 = arith.muli %mul3A_547, %scan3A_488 : i32
        %swap3A_549 = arith.constant 5 : i32
        %swap3A_550 = arith.index_cast %swap3A_549 : i32 to index
        %swap3A_551 = arith.index_cast %mul3A_548 : i32 to index
        %swap3A_552 = tpu.vector_load %arg9[%swap3A_550, %swap3A_551] {strides = array<i32>} : memref<8x4096xf32, #tpu.memory_space<vmem>>, vector<16xf32>,
        tpu.vector_store %arg9[%swap3A_550, %swap3A_551], %gather3A_510 {strides = array<i32>} : memref<8x4096xf32, #tpu.memory_space<vmem>>, vector<16xf32>,
        %mul3A_553 = arith.constant 16 : i32
        %mul3A_554 = arith.muli %mul3A_553, %scan3A_488 : i32
        %swap3A_555 = arith.constant 6 : i32
        %swap3A_556 = arith.index_cast %swap3A_555 : i32 to index
        %swap3A_557 = arith.index_cast %mul3A_554 : i32 to index
        %swap3A_558 = tpu.vector_load %arg9[%swap3A_556, %swap3A_557] {strides = array<i32>} : memref<8x4096xf32, #tpu.memory_space<vmem>>, vector<16xf32>,
        tpu.vector_store %arg9[%swap3A_556, %swap3A_557], %gather3A_513 {strides = array<i32>} : memref<8x4096xf32, #tpu.memory_space<vmem>>, vector<16xf32>,
        %mul3A_559 = arith.constant 16 : i32
        %mul3A_560 = arith.muli %mul3A_559, %scan3A_488 : i32
        %swap3A_561 = arith.constant 7 : i32
        %swap3A_562 = arith.index_cast %swap3A_561 : i32 to index
        %swap3A_563 = arith.index_cast %mul3A_560 : i32 to index
        %swap3A_564 = tpu.vector_load %arg9[%swap3A_562, %swap3A_563] {strides = array<i32>} : memref<8x4096xf32, #tpu.memory_space<vmem>>, vector<16xf32>,
        tpu.vector_store %arg9[%swap3A_562, %swap3A_563], %gather3A_516 {strides = array<i32>} : memref<8x4096xf32, #tpu.memory_space<vmem>>, vector<16xf32>,
        %scan3A_565 = arith.constant 3 : i32
        %scan3A_566 = arith.addi %scan3A_335, %scan3A_565 : i32
        %mul3A_567 = arith.constant 16 : i32
        %mul3A_568 = arith.muli %mul3A_567, %scan3A_566 : i32
        %get3A_569 = arith.index_cast %mul3A_568 : i32 to index
        %get3A_570 = tpu.vector_load %arg6[%get3A_569] {strides = array<i32>} : memref<4096xi32, #tpu.memory_space<vmem>>, vector<16xi32>,
        %gather3A_571 = arith.constant 24576 : i32
        %gather3A_572 = tpu.memref_slice %arg7[%gather3A_571] : memref<32768xf32, #tpu.memory_space<vmem>> -> memref<1024xf32, #tpu.memory_space<vmem>>
        %gather3A_573 = tpu.vector_load_idx %gather3A_572[%get3A_570] : memref<1024xf32, #tpu.memory_space<vmem>>[vector<16xi32>], vector<16xf32>,
        %gather3A_574 = arith.constant 25600 : i32
        %gather3A_575 = tpu.memref_slice %arg7[%gather3A_574] : memref<32768xf32, #tpu.memory_space<vmem>> -> memref<1024xf32, #tpu.memory_space<vmem>>
        %gather3A_576 = tpu.vector_load_idx %gather3A_575[%get3A_570] : memref<1024xf32, #tpu.memory_space<vmem>>[vector<16xi32>], vector<16xf32>,
        %gather3A_577 = arith.constant 26624 : i32
        %gather3A_578 = tpu.memref_slice %arg7[%gather3A_577] : memref<32768xf32, #tpu.memory_space<vmem>> -> memref<1024xf32, #tpu.memory_space<vmem>>
        %gather3A_579 = tpu.vector_load_idx %gather3A_578[%get3A_570] : memref<1024xf32, #tpu.memory_space<vmem>>[vector<16xi32>], vector<16xf32>,
        %gather3A_580 = arith.constant 27648 : i32
        %gather3A_581 = tpu.memref_slice %arg7[%gather3A_580] : memref<32768xf32, #tpu.memory_space<vmem>> -> memref<1024xf32, #tpu.memory_space<vmem>>
        %gather3A_582 = tpu.vector_load_idx %gather3A_581[%get3A_570] : memref<1024xf32, #tpu.memory_space<vmem>>[vector<16xi32>], vector<16xf32>,
        %gather3A_583 = arith.constant 28672 : i32
        %gather3A_584 = tpu.memref_slice %arg7[%gather3A_583] : memref<32768xf32, #tpu.memory_space<vmem>> -> memref<1024xf32, #tpu.memory_space<vmem>>
        %gather3A_585 = tpu.vector_load_idx %gather3A_584[%get3A_570] : memref<1024xf32, #tpu.memory_space<vmem>>[vector<16xi32>], vector<16xf32>,
        %gather3A_586 = arith.constant 29696 : i32
        %gather3A_587 = tpu.memref_slice %arg7[%gather3A_586] : memref<32768xf32, #tpu.memory_space<vmem>> -> memref<1024xf32, #tpu.memory_space<vmem>>
        %gather3A_588 = tpu.vector_load_idx %gather3A_587[%get3A_570] : memref<1024xf32, #tpu.memory_space<vmem>>[vector<16xi32>], vector<16xf32>,
        %gather3A_589 = arith.constant 30720 : i32
        %gather3A_590 = tpu.memref_slice %arg7[%gather3A_589] : memref<32768xf32, #tpu.memory_space<vmem>> -> memref<1024xf32, #tpu.memory_space<vmem>>
        %gather3A_591 = tpu.vector_load_idx %gather3A_590[%get3A_570] : memref<1024xf32, #tpu.memory_space<vmem>>[vector<16xi32>], vector<16xf32>,
        %gather3A_592 = arith.constant 31744 : i32
        %gather3A_593 = tpu.memref_slice %arg7[%gather3A_592] : memref<32768xf32, #tpu.memory_space<vmem>> -> memref<1024xf32, #tpu.memory_space<vmem>>
        %gather3A_594 = tpu.vector_load_idx %gather3A_593[%get3A_570] : memref<1024xf32, #tpu.memory_space<vmem>>[vector<16xi32>], vector<16xf32>,
        %mul3A_595 = arith.constant 16 : i32
        %mul3A_596 = arith.muli %mul3A_595, %scan3A_566 : i32
        %swap3A_597 = arith.constant 0 : i32
        %swap3A_598 = arith.index_cast %swap3A_597 : i32 to index
        %swap3A_599 = arith.index_cast %mul3A_596 : i32 to index
        %swap3A_600 = tpu.vector_load %arg9[%swap3A_598, %swap3A_599] {strides = array<i32>} : memref<8x4096xf32, #tpu.memory_space<vmem>>, vector<16xf32>,
        tpu.vector_store %arg9[%swap3A_598, %swap3A_599], %gather3A_573 {strides = array<i32>} : memref<8x4096xf32, #tpu.memory_space<vmem>>, vector<16xf32>,
        %mul3A_601 = arith.constant 16 : i32
        %mul3A_602 = arith.muli %mul3A_601, %scan3A_566 : i32
        %swap3A_603 = arith.constant 1 : i32
        %swap3A_604 = arith.index_cast %swap3A_603 : i32 to index
        %swap3A_605 = arith.index_cast %mul3A_602 : i32 to index
        %swap3A_606 = tpu.vector_load %arg9[%swap3A_604, %swap3A_605] {strides = array<i32>} : memref<8x4096xf32, #tpu.memory_space<vmem>>, vector<16xf32>,
        tpu.vector_store %arg9[%swap3A_604, %swap3A_605], %gather3A_576 {strides = array<i32>} : memref<8x4096xf32, #tpu.memory_space<vmem>>, vector<16xf32>,
        %mul3A_607 = arith.constant 16 : i32
        %mul3A_608 = arith.muli %mul3A_607, %scan3A_566 : i32
        %swap3A_609 = arith.constant 2 : i32
        %swap3A_610 = arith.index_cast %swap3A_609 : i32 to index
        %swap3A_611 = arith.index_cast %mul3A_608 : i32 to index
        %swap3A_612 = tpu.vector_load %arg9[%swap3A_610, %swap3A_611] {strides = array<i32>} : memref<8x4096xf32, #tpu.memory_space<vmem>>, vector<16xf32>,
        tpu.vector_store %arg9[%swap3A_610, %swap3A_611], %gather3A_579 {strides = array<i32>} : memref<8x4096xf32, #tpu.memory_space<vmem>>, vector<16xf32>,
        %mul3A_613 = arith.constant 16 : i32
        %mul3A_614 = arith.muli %mul3A_613, %scan3A_566 : i32
        %swap3A_615 = arith.constant 3 : i32
        %swap3A_616 = arith.index_cast %swap3A_615 : i32 to index
        %swap3A_617 = arith.index_cast %mul3A_614 : i32 to index
        %swap3A_618 = tpu.vector_load %arg9[%swap3A_616, %swap3A_617] {strides = array<i32>} : memref<8x4096xf32, #tpu.memory_space<vmem>>, vector<16xf32>,
        tpu.vector_store %arg9[%swap3A_616, %swap3A_617], %gather3A_582 {strides = array<i32>} : memref<8x4096xf32, #tpu.memory_space<vmem>>, vector<16xf32>,
        %mul3A_619 = arith.constant 16 : i32
        %mul3A_620 = arith.muli %mul3A_619, %scan3A_566 : i32
        %swap3A_621 = arith.constant 4 : i32
        %swap3A_622 = arith.index_cast %swap3A_621 : i32 to index
        %swap3A_623 = arith.index_cast %mul3A_620 : i32 to index
        %swap3A_624 = tpu.vector_load %arg9[%swap3A_622, %swap3A_623] {strides = array<i32>} : memref<8x4096xf32, #tpu.memory_space<vmem>>, vector<16xf32>,
        tpu.vector_store %arg9[%swap3A_622, %swap3A_623], %gather3A_585 {strides = array<i32>} : memref<8x4096xf32, #tpu.memory_space<vmem>>, vector<16xf32>,
        %mul3A_625 = arith.constant 16 : i32
        %mul3A_626 = arith.muli %mul3A_625, %scan3A_566 : i32
        %swap3A_627 = arith.constant 5 : i32
        %swap3A_628 = arith.index_cast %swap3A_627 : i32 to index
        %swap3A_629 = arith.index_cast %mul3A_626 : i32 to index
        %swap3A_630 = tpu.vector_load %arg9[%swap3A_628, %swap3A_629] {strides = array<i32>} : memref<8x4096xf32, #tpu.memory_space<vmem>>, vector<16xf32>,
        tpu.vector_store %arg9[%swap3A_628, %swap3A_629], %gather3A_588 {strides = array<i32>} : memref<8x4096xf32, #tpu.memory_space<vmem>>, vector<16xf32>,
        %mul3A_631 = arith.constant 16 : i32
        %mul3A_632 = arith.muli %mul3A_631, %scan3A_566 : i32
        %swap3A_633 = arith.constant 6 : i32
        %swap3A_634 = arith.index_cast %swap3A_633 : i32 to index
        %swap3A_635 = arith.index_cast %mul3A_632 : i32 to index
        %swap3A_636 = tpu.vector_load %arg9[%swap3A_634, %swap3A_635] {strides = array<i32>} : memref<8x4096xf32, #tpu.memory_space<vmem>>, vector<16xf32>,
        tpu.vector_store %arg9[%swap3A_634, %swap3A_635], %gather3A_591 {strides = array<i32>} : memref<8x4096xf32, #tpu.memory_space<vmem>>, vector<16xf32>,
        %mul3A_637 = arith.constant 16 : i32
        %mul3A_638 = arith.muli %mul3A_637, %scan3A_566 : i32
        %swap3A_639 = arith.constant 7 : i32
        %swap3A_640 = arith.index_cast %swap3A_639 : i32 to index
        %swap3A_641 = arith.index_cast %mul3A_638 : i32 to index
        %swap3A_642 = tpu.vector_load %arg9[%swap3A_640, %swap3A_641] {strides = array<i32>} : memref<8x4096xf32, #tpu.memory_space<vmem>>, vector<16xf32>,
        tpu.vector_store %arg9[%swap3A_640, %swap3A_641], %gather3A_594 {strides = array<i32>} : memref<8x4096xf32, #tpu.memory_space<vmem>>, vector<16xf32>,
      }
      %scan3A_198 = arith.constant 256 : i32
      %add3A_199 = arith.constant 3 : i32
      %add3A_200 = arith.addi %min3A_19, %add3A_199 : i32
      %mul3A_201 = arith.constant 8 : i32
      %mul3A_202 = arith.muli %add3A_200, %mul3A_201 : i32
      %dma_start3A_203 = arith.constant 0 : i32
      %dma_start3A_204 = tpu.memref_slice %arg4[%add3A_93, %mul3A_202, %dma_start3A_203] : memref<20x1000x4096xf32, #tpu.memory_space<hbm>> -> memref<1x8x4096xf32, #tpu.memory_space<hbm>>
      %dma_start3A_205 = tpu.memref_squeeze %dma_start3A_204 : memref<1x8x4096xf32, #tpu.memory_space<hbm>> -> memref<8x4096xf32, #tpu.memory_space<hbm>>
      %dma_start3A_206 = arith.constant 0 : i32
      %dma_start3A_207 = tpu.memref_slice %arg4[%add3A_93, %mul3A_202, %dma_start3A_206] : memref<20x1000x4096xf32, #tpu.memory_space<hbm>> -> memref<1x8x4096xf32, #tpu.memory_space<hbm>>
      %dma_start3A_208 = tpu.memref_squeeze %dma_start3A_207 : memref<1x8x4096xf32, #tpu.memory_space<hbm>> -> memref<8x4096xf32, #tpu.memory_space<hbm>>
      tpu.enqueue_dma source(%arg9 : memref<8x4096xf32, #tpu.memory_space<vmem>>) target(%dma_start3A_208 : memref<8x4096xf32, #tpu.memory_space<hbm>>) target_semaphore(%arg13 : memref<!tpu.dma_semaphore, #tpu.memory_space<semaphore_mem>>)
      %lt3A = arith.constant 9 : i32
      %lt3A_209 = arith.cmpi slt, %scan3A_89, %lt3A : i32
      %convert_element_type3A = arith.extui %lt3A_209 : i1 to i32
      %cond3A = arith.constant 0 : i32
      %cond3A_210 = arith.cmpi ne, %convert_element_type3A, %cond3A : i32
      scf.if %cond3A_210 {
        %add3A_335 = arith.constant 2 : i32
        %add3A_336 = arith.addi %add3A_93, %add3A_335 : i32
        %dma_start3A_337 = arith.constant 0 : i32
        %dma_start3A_338 = tpu.memref_slice %arg2[%add3A_336, %dma_start3A_337] : memref<20x4096xi32, #tpu.memory_space<hbm>> -> memref<1x4096xi32, #tpu.memory_space<hbm>>
        %dma_start3A_339 = tpu.memref_squeeze %dma_start3A_338 : memref<1x4096xi32, #tpu.memory_space<hbm>> -> memref<4096xi32, #tpu.memory_space<hbm>>
        %dma_start3A_340 = arith.constant 0 : i32
        %dma_start3A_341 = tpu.memref_slice %arg2[%add3A_336, %dma_start3A_340] : memref<20x4096xi32, #tpu.memory_space<hbm>> -> memref<1x4096xi32, #tpu.memory_space<hbm>>
        %dma_start3A_342 = tpu.memref_squeeze %dma_start3A_341 : memref<1x4096xi32, #tpu.memory_space<hbm>> -> memref<4096xi32, #tpu.memory_space<hbm>>
        tpu.enqueue_dma source(%dma_start3A_342 : memref<4096xi32, #tpu.memory_space<hbm>>) target(%arg5 : memref<4096xi32, #tpu.memory_space<vmem>>) target_semaphore(%arg10 : memref<!tpu.dma_semaphore, #tpu.memory_space<semaphore_mem>>)
      } else {
      }
      %mul3A_211 = arith.constant 2 : i32
      %mul3A_212 = arith.muli %mul3A_211, %scan3A_89 : i32
      %add3A_213 = arith.constant 1 : i32
      %add3A_214 = arith.addi %mul3A_212, %add3A_213 : i32
      %dma_wait3A_215 = arith.constant 0 : i32
      %dma_wait3A_216 = arith.constant 0 : i32
      %dma_wait3A_217 = tpu.memref_slice %arg2[%dma_wait3A_215, %dma_wait3A_216] : memref<20x4096xi32, #tpu.memory_space<hbm>> -> memref<1x4096xi32, #tpu.memory_space<hbm>>
      %dma_wait3A_218 = tpu.memref_squeeze %dma_wait3A_217 : memref<1x4096xi32, #tpu.memory_space<hbm>> -> memref<4096xi32, #tpu.memory_space<hbm>>
      %dma_wait3A_219 = arith.constant 0 : i32
      %dma_wait3A_220 = tpu.memref_slice %arg2[%dma_wait3A_215, %dma_wait3A_219] : memref<20x4096xi32, #tpu.memory_space<hbm>> -> memref<1x4096xi32, #tpu.memory_space<hbm>>
      %dma_wait3A_221 = tpu.memref_squeeze %dma_wait3A_220 : memref<1x4096xi32, #tpu.memory_space<hbm>> -> memref<4096xi32, #tpu.memory_space<hbm>>
      tpu.wait_dma2 semaphore(%arg11 : memref<!tpu.dma_semaphore, #tpu.memory_space<semaphore_mem>>) src(%dma_wait3A_221 : memref<4096xi32, #tpu.memory_space<hbm>>) dst(%arg6 : memref<4096xi32, #tpu.memory_space<vmem>>)
      %add3A_222 = arith.constant 0 : i32
      %add3A_223 = arith.addi %min3A_19, %add3A_222 : i32
      %mul3A_224 = arith.constant 8 : i32
      %mul3A_225 = arith.muli %add3A_223, %mul3A_224 : i32
      %dma_wait3A_226 = arith.constant 0 : i32
      %dma_wait3A_227 = arith.constant 0 : i32
      %dma_wait3A_228 = tpu.memref_slice %arg4[%dma_wait3A_226, %mul3A_225, %dma_wait3A_227] : memref<20x1000x4096xf32, #tpu.memory_space<hbm>> -> memref<1x8x4096xf32, #tpu.memory_space<hbm>>
      %dma_wait3A_229 = tpu.memref_squeeze %dma_wait3A_228 : memref<1x8x4096xf32, #tpu.memory_space<hbm>> -> memref<8x4096xf32, #tpu.memory_space<hbm>>
      %dma_wait3A_230 = arith.constant 0 : i32
      %dma_wait3A_231 = tpu.memref_slice %arg4[%dma_wait3A_226, %mul3A_225, %dma_wait3A_230] : memref<20x1000x4096xf32, #tpu.memory_space<hbm>> -> memref<1x8x4096xf32, #tpu.memory_space<hbm>>
      %dma_wait3A_232 = tpu.memref_squeeze %dma_wait3A_231 : memref<1x8x4096xf32, #tpu.memory_space<hbm>> -> memref<8x4096xf32, #tpu.memory_space<hbm>>
      tpu.wait_dma2 semaphore(%arg12 : memref<!tpu.dma_semaphore, #tpu.memory_space<semaphore_mem>>) src(%arg8 : memref<8x4096xf32, #tpu.memory_space<vmem>>) dst(%dma_wait3A_232 : memref<8x4096xf32, #tpu.memory_space<hbm>>)
      %scan3A_233 = arith.constant 0 : i32
      %scan3A_234 = arith.constant 0 : i32
      %scan3A_235 = arith.constant 256 : i32
      %scan3A_236 = arith.addi %scan3A_234, %scan3A_235 : i32
      %scan3A_237 = arith.constant 4 : i32
      scf.for %scan3A_335 = %scan3A_234 to %scan3A_236 step %scan3A_237  : i32 {
        %mul3A_336 = arith.constant 16 : i32
        %mul3A_337 = arith.muli %mul3A_336, %scan3A_335 : i32
        %get3A = arith.index_cast %mul3A_337 : i32 to index
        %get3A_338 = tpu.vector_load %arg5[%get3A] {strides = array<i32>} : memref<4096xi32, #tpu.memory_space<vmem>>, vector<16xi32>,
        %gather3A = arith.constant 0 : i32
        %gather3A_339 = tpu.memref_slice %arg7[%gather3A] : memref<32768xf32, #tpu.memory_space<vmem>> -> memref<1024xf32, #tpu.memory_space<vmem>>
        %gather3A_340 = tpu.vector_load_idx %gather3A_339[%get3A_338] : memref<1024xf32, #tpu.memory_space<vmem>>[vector<16xi32>], vector<16xf32>,
        %gather3A_341 = arith.constant 1024 : i32
        %gather3A_342 = tpu.memref_slice %arg7[%gather3A_341] : memref<32768xf32, #tpu.memory_space<vmem>> -> memref<1024xf32, #tpu.memory_space<vmem>>
        %gather3A_343 = tpu.vector_load_idx %gather3A_342[%get3A_338] : memref<1024xf32, #tpu.memory_space<vmem>>[vector<16xi32>], vector<16xf32>,
        %gather3A_344 = arith.constant 2048 : i32
        %gather3A_345 = tpu.memref_slice %arg7[%gather3A_344] : memref<32768xf32, #tpu.memory_space<vmem>> -> memref<1024xf32, #tpu.memory_space<vmem>>
        %gather3A_346 = tpu.vector_load_idx %gather3A_345[%get3A_338] : memref<1024xf32, #tpu.memory_space<vmem>>[vector<16xi32>], vector<16xf32>,
        %gather3A_347 = arith.constant 3072 : i32
        %gather3A_348 = tpu.memref_slice %arg7[%gather3A_347] : memref<32768xf32, #tpu.memory_space<vmem>> -> memref<1024xf32, #tpu.memory_space<vmem>>
        %gather3A_349 = tpu.vector_load_idx %gather3A_348[%get3A_338] : memref<1024xf32, #tpu.memory_space<vmem>>[vector<16xi32>], vector<16xf32>,
        %gather3A_350 = arith.constant 4096 : i32
        %gather3A_351 = tpu.memref_slice %arg7[%gather3A_350] : memref<32768xf32, #tpu.memory_space<vmem>> -> memref<1024xf32, #tpu.memory_space<vmem>>
        %gather3A_352 = tpu.vector_load_idx %gather3A_351[%get3A_338] : memref<1024xf32, #tpu.memory_space<vmem>>[vector<16xi32>], vector<16xf32>,
        %gather3A_353 = arith.constant 5120 : i32
        %gather3A_354 = tpu.memref_slice %arg7[%gather3A_353] : memref<32768xf32, #tpu.memory_space<vmem>> -> memref<1024xf32, #tpu.memory_space<vmem>>
        %gather3A_355 = tpu.vector_load_idx %gather3A_354[%get3A_338] : memref<1024xf32, #tpu.memory_space<vmem>>[vector<16xi32>], vector<16xf32>,
        %gather3A_356 = arith.constant 6144 : i32
        %gather3A_357 = tpu.memref_slice %arg7[%gather3A_356] : memref<32768xf32, #tpu.memory_space<vmem>> -> memref<1024xf32, #tpu.memory_space<vmem>>
        %gather3A_358 = tpu.vector_load_idx %gather3A_357[%get3A_338] : memref<1024xf32, #tpu.memory_space<vmem>>[vector<16xi32>], vector<16xf32>,
        %gather3A_359 = arith.constant 7168 : i32
        %gather3A_360 = tpu.memref_slice %arg7[%gather3A_359] : memref<32768xf32, #tpu.memory_space<vmem>> -> memref<1024xf32, #tpu.memory_space<vmem>>
        %gather3A_361 = tpu.vector_load_idx %gather3A_360[%get3A_338] : memref<1024xf32, #tpu.memory_space<vmem>>[vector<16xi32>], vector<16xf32>,
        %mul3A_362 = arith.constant 16 : i32
        %mul3A_363 = arith.muli %mul3A_362, %scan3A_335 : i32
        %swap3A = arith.constant 0 : i32
        %swap3A_364 = arith.index_cast %swap3A : i32 to index
        %swap3A_365 = arith.index_cast %mul3A_363 : i32 to index
        %swap3A_366 = tpu.vector_load %arg8[%swap3A_364, %swap3A_365] {strides = array<i32>} : memref<8x4096xf32, #tpu.memory_space<vmem>>, vector<16xf32>,
        tpu.vector_store %arg8[%swap3A_364, %swap3A_365], %gather3A_340 {strides = array<i32>} : memref<8x4096xf32, #tpu.memory_space<vmem>>, vector<16xf32>,
        %mul3A_367 = arith.constant 16 : i32
        %mul3A_368 = arith.muli %mul3A_367, %scan3A_335 : i32
        %swap3A_369 = arith.constant 1 : i32
        %swap3A_370 = arith.index_cast %swap3A_369 : i32 to index
        %swap3A_371 = arith.index_cast %mul3A_368 : i32 to index
        %swap3A_372 = tpu.vector_load %arg8[%swap3A_370, %swap3A_371] {strides = array<i32>} : memref<8x4096xf32, #tpu.memory_space<vmem>>, vector<16xf32>,
        tpu.vector_store %arg8[%swap3A_370, %swap3A_371], %gather3A_343 {strides = array<i32>} : memref<8x4096xf32, #tpu.memory_space<vmem>>, vector<16xf32>,
        %mul3A_373 = arith.constant 16 : i32
        %mul3A_374 = arith.muli %mul3A_373, %scan3A_335 : i32
        %swap3A_375 = arith.constant 2 : i32
        %swap3A_376 = arith.index_cast %swap3A_375 : i32 to index
        %swap3A_377 = arith.index_cast %mul3A_374 : i32 to index
        %swap3A_378 = tpu.vector_load %arg8[%swap3A_376, %swap3A_377] {strides = array<i32>} : memref<8x4096xf32, #tpu.memory_space<vmem>>, vector<16xf32>,
        tpu.vector_store %arg8[%swap3A_376, %swap3A_377], %gather3A_346 {strides = array<i32>} : memref<8x4096xf32, #tpu.memory_space<vmem>>, vector<16xf32>,
        %mul3A_379 = arith.constant 16 : i32
        %mul3A_380 = arith.muli %mul3A_379, %scan3A_335 : i32
        %swap3A_381 = arith.constant 3 : i32
        %swap3A_382 = arith.index_cast %swap3A_381 : i32 to index
        %swap3A_383 = arith.index_cast %mul3A_380 : i32 to index
        %swap3A_384 = tpu.vector_load %arg8[%swap3A_382, %swap3A_383] {strides = array<i32>} : memref<8x4096xf32, #tpu.memory_space<vmem>>, vector<16xf32>,
        tpu.vector_store %arg8[%swap3A_382, %swap3A_383], %gather3A_349 {strides = array<i32>} : memref<8x4096xf32, #tpu.memory_space<vmem>>, vector<16xf32>,
        %mul3A_385 = arith.constant 16 : i32
        %mul3A_386 = arith.muli %mul3A_385, %scan3A_335 : i32
        %swap3A_387 = arith.constant 4 : i32
        %swap3A_388 = arith.index_cast %swap3A_387 : i32 to index
        %swap3A_389 = arith.index_cast %mul3A_386 : i32 to index
        %swap3A_390 = tpu.vector_load %arg8[%swap3A_388, %swap3A_389] {strides = array<i32>} : memref<8x4096xf32, #tpu.memory_space<vmem>>, vector<16xf32>,
        tpu.vector_store %arg8[%swap3A_388, %swap3A_389], %gather3A_352 {strides = array<i32>} : memref<8x4096xf32, #tpu.memory_space<vmem>>, vector<16xf32>,
        %mul3A_391 = arith.constant 16 : i32
        %mul3A_392 = arith.muli %mul3A_391, %scan3A_335 : i32
        %swap3A_393 = arith.constant 5 : i32
        %swap3A_394 = arith.index_cast %swap3A_393 : i32 to index
        %swap3A_395 = arith.index_cast %mul3A_392 : i32 to index
        %swap3A_396 = tpu.vector_load %arg8[%swap3A_394, %swap3A_395] {strides = array<i32>} : memref<8x4096xf32, #tpu.memory_space<vmem>>, vector<16xf32>,
        tpu.vector_store %arg8[%swap3A_394, %swap3A_395], %gather3A_355 {strides = array<i32>} : memref<8x4096xf32, #tpu.memory_space<vmem>>, vector<16xf32>,
        %mul3A_397 = arith.constant 16 : i32
        %mul3A_398 = arith.muli %mul3A_397, %scan3A_335 : i32
        %swap3A_399 = arith.constant 6 : i32
        %swap3A_400 = arith.index_cast %swap3A_399 : i32 to index
        %swap3A_401 = arith.index_cast %mul3A_398 : i32 to index
        %swap3A_402 = tpu.vector_load %arg8[%swap3A_400, %swap3A_401] {strides = array<i32>} : memref<8x4096xf32, #tpu.memory_space<vmem>>, vector<16xf32>,
        tpu.vector_store %arg8[%swap3A_400, %swap3A_401], %gather3A_358 {strides = array<i32>} : memref<8x4096xf32, #tpu.memory_space<vmem>>, vector<16xf32>,
        %mul3A_403 = arith.constant 16 : i32
        %mul3A_404 = arith.muli %mul3A_403, %scan3A_335 : i32
        %swap3A_405 = arith.constant 7 : i32
        %swap3A_406 = arith.index_cast %swap3A_405 : i32 to index
        %swap3A_407 = arith.index_cast %mul3A_404 : i32 to index
        %swap3A_408 = tpu.vector_load %arg8[%swap3A_406, %swap3A_407] {strides = array<i32>} : memref<8x4096xf32, #tpu.memory_space<vmem>>, vector<16xf32>,
        tpu.vector_store %arg8[%swap3A_406, %swap3A_407], %gather3A_361 {strides = array<i32>} : memref<8x4096xf32, #tpu.memory_space<vmem>>, vector<16xf32>,
        %scan3A_409 = arith.constant 1 : i32
        %scan3A_410 = arith.addi %scan3A_335, %scan3A_409 : i32
        %mul3A_411 = arith.constant 16 : i32
        %mul3A_412 = arith.muli %mul3A_411, %scan3A_410 : i32
        %get3A_413 = arith.index_cast %mul3A_412 : i32 to index
        %get3A_414 = tpu.vector_load %arg5[%get3A_413] {strides = array<i32>} : memref<4096xi32, #tpu.memory_space<vmem>>, vector<16xi32>,
        %gather3A_415 = arith.constant 0 : i32
        %gather3A_416 = tpu.memref_slice %arg7[%gather3A_415] : memref<32768xf32, #tpu.memory_space<vmem>> -> memref<1024xf32, #tpu.memory_space<vmem>>
        %gather3A_417 = tpu.vector_load_idx %gather3A_416[%get3A_414] : memref<1024xf32, #tpu.memory_space<vmem>>[vector<16xi32>], vector<16xf32>,
        %gather3A_418 = arith.constant 1024 : i32
        %gather3A_419 = tpu.memref_slice %arg7[%gather3A_418] : memref<32768xf32, #tpu.memory_space<vmem>> -> memref<1024xf32, #tpu.memory_space<vmem>>
        %gather3A_420 = tpu.vector_load_idx %gather3A_419[%get3A_414] : memref<1024xf32, #tpu.memory_space<vmem>>[vector<16xi32>], vector<16xf32>,
        %gather3A_421 = arith.constant 2048 : i32
        %gather3A_422 = tpu.memref_slice %arg7[%gather3A_421] : memref<32768xf32, #tpu.memory_space<vmem>> -> memref<1024xf32, #tpu.memory_space<vmem>>
        %gather3A_423 = tpu.vector_load_idx %gather3A_422[%get3A_414] : memref<1024xf32, #tpu.memory_space<vmem>>[vector<16xi32>], vector<16xf32>,
        %gather3A_424 = arith.constant 3072 : i32
        %gather3A_425 = tpu.memref_slice %arg7[%gather3A_424] : memref<32768xf32, #tpu.memory_space<vmem>> -> memref<1024xf32, #tpu.memory_space<vmem>>
        %gather3A_426 = tpu.vector_load_idx %gather3A_425[%get3A_414] : memref<1024xf32, #tpu.memory_space<vmem>>[vector<16xi32>], vector<16xf32>,
        %gather3A_427 = arith.constant 4096 : i32
        %gather3A_428 = tpu.memref_slice %arg7[%gather3A_427] : memref<32768xf32, #tpu.memory_space<vmem>> -> memref<1024xf32, #tpu.memory_space<vmem>>
        %gather3A_429 = tpu.vector_load_idx %gather3A_428[%get3A_414] : memref<1024xf32, #tpu.memory_space<vmem>>[vector<16xi32>], vector<16xf32>,
        %gather3A_430 = arith.constant 5120 : i32
        %gather3A_431 = tpu.memref_slice %arg7[%gather3A_430] : memref<32768xf32, #tpu.memory_space<vmem>> -> memref<1024xf32, #tpu.memory_space<vmem>>
        %gather3A_432 = tpu.vector_load_idx %gather3A_431[%get3A_414] : memref<1024xf32, #tpu.memory_space<vmem>>[vector<16xi32>], vector<16xf32>,
        %gather3A_433 = arith.constant 6144 : i32
        %gather3A_434 = tpu.memref_slice %arg7[%gather3A_433] : memref<32768xf32, #tpu.memory_space<vmem>> -> memref<1024xf32, #tpu.memory_space<vmem>>
        %gather3A_435 = tpu.vector_load_idx %gather3A_434[%get3A_414] : memref<1024xf32, #tpu.memory_space<vmem>>[vector<16xi32>], vector<16xf32>,
        %gather3A_436 = arith.constant 7168 : i32
        %gather3A_437 = tpu.memref_slice %arg7[%gather3A_436] : memref<32768xf32, #tpu.memory_space<vmem>> -> memref<1024xf32, #tpu.memory_space<vmem>>
        %gather3A_438 = tpu.vector_load_idx %gather3A_437[%get3A_414] : memref<1024xf32, #tpu.memory_space<vmem>>[vector<16xi32>], vector<16xf32>,
        %mul3A_439 = arith.constant 16 : i32
        %mul3A_440 = arith.muli %mul3A_439, %scan3A_410 : i32
        %swap3A_441 = arith.constant 0 : i32
        %swap3A_442 = arith.index_cast %swap3A_441 : i32 to index
        %swap3A_443 = arith.index_cast %mul3A_440 : i32 to index
        %swap3A_444 = tpu.vector_load %arg8[%swap3A_442, %swap3A_443] {strides = array<i32>} : memref<8x4096xf32, #tpu.memory_space<vmem>>, vector<16xf32>,
        tpu.vector_store %arg8[%swap3A_442, %swap3A_443], %gather3A_417 {strides = array<i32>} : memref<8x4096xf32, #tpu.memory_space<vmem>>, vector<16xf32>,
        %mul3A_445 = arith.constant 16 : i32
        %mul3A_446 = arith.muli %mul3A_445, %scan3A_410 : i32
        %swap3A_447 = arith.constant 1 : i32
        %swap3A_448 = arith.index_cast %swap3A_447 : i32 to index
        %swap3A_449 = arith.index_cast %mul3A_446 : i32 to index
        %swap3A_450 = tpu.vector_load %arg8[%swap3A_448, %swap3A_449] {strides = array<i32>} : memref<8x4096xf32, #tpu.memory_space<vmem>>, vector<16xf32>,
        tpu.vector_store %arg8[%swap3A_448, %swap3A_449], %gather3A_420 {strides = array<i32>} : memref<8x4096xf32, #tpu.memory_space<vmem>>, vector<16xf32>,
        %mul3A_451 = arith.constant 16 : i32
        %mul3A_452 = arith.muli %mul3A_451, %scan3A_410 : i32
        %swap3A_453 = arith.constant 2 : i32
        %swap3A_454 = arith.index_cast %swap3A_453 : i32 to index
        %swap3A_455 = arith.index_cast %mul3A_452 : i32 to index
        %swap3A_456 = tpu.vector_load %arg8[%swap3A_454, %swap3A_455] {strides = array<i32>} : memref<8x4096xf32, #tpu.memory_space<vmem>>, vector<16xf32>,
        tpu.vector_store %arg8[%swap3A_454, %swap3A_455], %gather3A_423 {strides = array<i32>} : memref<8x4096xf32, #tpu.memory_space<vmem>>, vector<16xf32>,
        %mul3A_457 = arith.constant 16 : i32
        %mul3A_458 = arith.muli %mul3A_457, %scan3A_410 : i32
        %swap3A_459 = arith.constant 3 : i32
        %swap3A_460 = arith.index_cast %swap3A_459 : i32 to index
        %swap3A_461 = arith.index_cast %mul3A_458 : i32 to index
        %swap3A_462 = tpu.vector_load %arg8[%swap3A_460, %swap3A_461] {strides = array<i32>} : memref<8x4096xf32, #tpu.memory_space<vmem>>, vector<16xf32>,
        tpu.vector_store %arg8[%swap3A_460, %swap3A_461], %gather3A_426 {strides = array<i32>} : memref<8x4096xf32, #tpu.memory_space<vmem>>, vector<16xf32>,
        %mul3A_463 = arith.constant 16 : i32
        %mul3A_464 = arith.muli %mul3A_463, %scan3A_410 : i32
        %swap3A_465 = arith.constant 4 : i32
        %swap3A_466 = arith.index_cast %swap3A_465 : i32 to index
        %swap3A_467 = arith.index_cast %mul3A_464 : i32 to index
        %swap3A_468 = tpu.vector_load %arg8[%swap3A_466, %swap3A_467] {strides = array<i32>} : memref<8x4096xf32, #tpu.memory_space<vmem>>, vector<16xf32>,
        tpu.vector_store %arg8[%swap3A_466, %swap3A_467], %gather3A_429 {strides = array<i32>} : memref<8x4096xf32, #tpu.memory_space<vmem>>, vector<16xf32>,
        %mul3A_469 = arith.constant 16 : i32
        %mul3A_470 = arith.muli %mul3A_469, %scan3A_410 : i32
        %swap3A_471 = arith.constant 5 : i32
        %swap3A_472 = arith.index_cast %swap3A_471 : i32 to index
        %swap3A_473 = arith.index_cast %mul3A_470 : i32 to index
        %swap3A_474 = tpu.vector_load %arg8[%swap3A_472, %swap3A_473] {strides = array<i32>} : memref<8x4096xf32, #tpu.memory_space<vmem>>, vector<16xf32>,
        tpu.vector_store %arg8[%swap3A_472, %swap3A_473], %gather3A_432 {strides = array<i32>} : memref<8x4096xf32, #tpu.memory_space<vmem>>, vector<16xf32>,
        %mul3A_475 = arith.constant 16 : i32
        %mul3A_476 = arith.muli %mul3A_475, %scan3A_410 : i32
        %swap3A_477 = arith.constant 6 : i32
        %swap3A_478 = arith.index_cast %swap3A_477 : i32 to index
        %swap3A_479 = arith.index_cast %mul3A_476 : i32 to index
        %swap3A_480 = tpu.vector_load %arg8[%swap3A_478, %swap3A_479] {strides = array<i32>} : memref<8x4096xf32, #tpu.memory_space<vmem>>, vector<16xf32>,
        tpu.vector_store %arg8[%swap3A_478, %swap3A_479], %gather3A_435 {strides = array<i32>} : memref<8x4096xf32, #tpu.memory_space<vmem>>, vector<16xf32>,
        %mul3A_481 = arith.constant 16 : i32
        %mul3A_482 = arith.muli %mul3A_481, %scan3A_410 : i32
        %swap3A_483 = arith.constant 7 : i32
        %swap3A_484 = arith.index_cast %swap3A_483 : i32 to index
        %swap3A_485 = arith.index_cast %mul3A_482 : i32 to index
        %swap3A_486 = tpu.vector_load %arg8[%swap3A_484, %swap3A_485] {strides = array<i32>} : memref<8x4096xf32, #tpu.memory_space<vmem>>, vector<16xf32>,
        tpu.vector_store %arg8[%swap3A_484, %swap3A_485], %gather3A_438 {strides = array<i32>} : memref<8x4096xf32, #tpu.memory_space<vmem>>, vector<16xf32>,
        %scan3A_487 = arith.constant 2 : i32
        %scan3A_488 = arith.addi %scan3A_335, %scan3A_487 : i32
        %mul3A_489 = arith.constant 16 : i32
        %mul3A_490 = arith.muli %mul3A_489, %scan3A_488 : i32
        %get3A_491 = arith.index_cast %mul3A_490 : i32 to index
        %get3A_492 = tpu.vector_load %arg5[%get3A_491] {strides = array<i32>} : memref<4096xi32, #tpu.memory_space<vmem>>, vector<16xi32>,
        %gather3A_493 = arith.constant 0 : i32
        %gather3A_494 = tpu.memref_slice %arg7[%gather3A_493] : memref<32768xf32, #tpu.memory_space<vmem>> -> memref<1024xf32, #tpu.memory_space<vmem>>
        %gather3A_495 = tpu.vector_load_idx %gather3A_494[%get3A_492] : memref<1024xf32, #tpu.memory_space<vmem>>[vector<16xi32>], vector<16xf32>,
        %gather3A_496 = arith.constant 1024 : i32
        %gather3A_497 = tpu.memref_slice %arg7[%gather3A_496] : memref<32768xf32, #tpu.memory_space<vmem>> -> memref<1024xf32, #tpu.memory_space<vmem>>
        %gather3A_498 = tpu.vector_load_idx %gather3A_497[%get3A_492] : memref<1024xf32, #tpu.memory_space<vmem>>[vector<16xi32>], vector<16xf32>,
        %gather3A_499 = arith.constant 2048 : i32
        %gather3A_500 = tpu.memref_slice %arg7[%gather3A_499] : memref<32768xf32, #tpu.memory_space<vmem>> -> memref<1024xf32, #tpu.memory_space<vmem>>
        %gather3A_501 = tpu.vector_load_idx %gather3A_500[%get3A_492] : memref<1024xf32, #tpu.memory_space<vmem>>[vector<16xi32>], vector<16xf32>,
        %gather3A_502 = arith.constant 3072 : i32
        %gather3A_503 = tpu.memref_slice %arg7[%gather3A_502] : memref<32768xf32, #tpu.memory_space<vmem>> -> memref<1024xf32, #tpu.memory_space<vmem>>
        %gather3A_504 = tpu.vector_load_idx %gather3A_503[%get3A_492] : memref<1024xf32, #tpu.memory_space<vmem>>[vector<16xi32>], vector<16xf32>,
        %gather3A_505 = arith.constant 4096 : i32
        %gather3A_506 = tpu.memref_slice %arg7[%gather3A_505] : memref<32768xf32, #tpu.memory_space<vmem>> -> memref<1024xf32, #tpu.memory_space<vmem>>
        %gather3A_507 = tpu.vector_load_idx %gather3A_506[%get3A_492] : memref<1024xf32, #tpu.memory_space<vmem>>[vector<16xi32>], vector<16xf32>,
        %gather3A_508 = arith.constant 5120 : i32
        %gather3A_509 = tpu.memref_slice %arg7[%gather3A_508] : memref<32768xf32, #tpu.memory_space<vmem>> -> memref<1024xf32, #tpu.memory_space<vmem>>
        %gather3A_510 = tpu.vector_load_idx %gather3A_509[%get3A_492] : memref<1024xf32, #tpu.memory_space<vmem>>[vector<16xi32>], vector<16xf32>,
        %gather3A_511 = arith.constant 6144 : i32
        %gather3A_512 = tpu.memref_slice %arg7[%gather3A_511] : memref<32768xf32, #tpu.memory_space<vmem>> -> memref<1024xf32, #tpu.memory_space<vmem>>
        %gather3A_513 = tpu.vector_load_idx %gather3A_512[%get3A_492] : memref<1024xf32, #tpu.memory_space<vmem>>[vector<16xi32>], vector<16xf32>,
        %gather3A_514 = arith.constant 7168 : i32
        %gather3A_515 = tpu.memref_slice %arg7[%gather3A_514] : memref<32768xf32, #tpu.memory_space<vmem>> -> memref<1024xf32, #tpu.memory_space<vmem>>
        %gather3A_516 = tpu.vector_load_idx %gather3A_515[%get3A_492] : memref<1024xf32, #tpu.memory_space<vmem>>[vector<16xi32>], vector<16xf32>,
        %mul3A_517 = arith.constant 16 : i32
        %mul3A_518 = arith.muli %mul3A_517, %scan3A_488 : i32
        %swap3A_519 = arith.constant 0 : i32
        %swap3A_520 = arith.index_cast %swap3A_519 : i32 to index
        %swap3A_521 = arith.index_cast %mul3A_518 : i32 to index
        %swap3A_522 = tpu.vector_load %arg8[%swap3A_520, %swap3A_521] {strides = array<i32>} : memref<8x4096xf32, #tpu.memory_space<vmem>>, vector<16xf32>,
        tpu.vector_store %arg8[%swap3A_520, %swap3A_521], %gather3A_495 {strides = array<i32>} : memref<8x4096xf32, #tpu.memory_space<vmem>>, vector<16xf32>,
        %mul3A_523 = arith.constant 16 : i32
        %mul3A_524 = arith.muli %mul3A_523, %scan3A_488 : i32
        %swap3A_525 = arith.constant 1 : i32
        %swap3A_526 = arith.index_cast %swap3A_525 : i32 to index
        %swap3A_527 = arith.index_cast %mul3A_524 : i32 to index
        %swap3A_528 = tpu.vector_load %arg8[%swap3A_526, %swap3A_527] {strides = array<i32>} : memref<8x4096xf32, #tpu.memory_space<vmem>>, vector<16xf32>,
        tpu.vector_store %arg8[%swap3A_526, %swap3A_527], %gather3A_498 {strides = array<i32>} : memref<8x4096xf32, #tpu.memory_space<vmem>>, vector<16xf32>,
        %mul3A_529 = arith.constant 16 : i32
        %mul3A_530 = arith.muli %mul3A_529, %scan3A_488 : i32
        %swap3A_531 = arith.constant 2 : i32
        %swap3A_532 = arith.index_cast %swap3A_531 : i32 to index
        %swap3A_533 = arith.index_cast %mul3A_530 : i32 to index
        %swap3A_534 = tpu.vector_load %arg8[%swap3A_532, %swap3A_533] {strides = array<i32>} : memref<8x4096xf32, #tpu.memory_space<vmem>>, vector<16xf32>,
        tpu.vector_store %arg8[%swap3A_532, %swap3A_533], %gather3A_501 {strides = array<i32>} : memref<8x4096xf32, #tpu.memory_space<vmem>>, vector<16xf32>,
        %mul3A_535 = arith.constant 16 : i32
        %mul3A_536 = arith.muli %mul3A_535, %scan3A_488 : i32
        %swap3A_537 = arith.constant 3 : i32
        %swap3A_538 = arith.index_cast %swap3A_537 : i32 to index
        %swap3A_539 = arith.index_cast %mul3A_536 : i32 to index
        %swap3A_540 = tpu.vector_load %arg8[%swap3A_538, %swap3A_539] {strides = array<i32>} : memref<8x4096xf32, #tpu.memory_space<vmem>>, vector<16xf32>,
        tpu.vector_store %arg8[%swap3A_538, %swap3A_539], %gather3A_504 {strides = array<i32>} : memref<8x4096xf32, #tpu.memory_space<vmem>>, vector<16xf32>,
        %mul3A_541 = arith.constant 16 : i32
        %mul3A_542 = arith.muli %mul3A_541, %scan3A_488 : i32
        %swap3A_543 = arith.constant 4 : i32
        %swap3A_544 = arith.index_cast %swap3A_543 : i32 to index
        %swap3A_545 = arith.index_cast %mul3A_542 : i32 to index
        %swap3A_546 = tpu.vector_load %arg8[%swap3A_544, %swap3A_545] {strides = array<i32>} : memref<8x4096xf32, #tpu.memory_space<vmem>>, vector<16xf32>,
        tpu.vector_store %arg8[%swap3A_544, %swap3A_545], %gather3A_507 {strides = array<i32>} : memref<8x4096xf32, #tpu.memory_space<vmem>>, vector<16xf32>,
        %mul3A_547 = arith.constant 16 : i32
        %mul3A_548 = arith.muli %mul3A_547, %scan3A_488 : i32
        %swap3A_549 = arith.constant 5 : i32
        %swap3A_550 = arith.index_cast %swap3A_549 : i32 to index
        %swap3A_551 = arith.index_cast %mul3A_548 : i32 to index
        %swap3A_552 = tpu.vector_load %arg8[%swap3A_550, %swap3A_551] {strides = array<i32>} : memref<8x4096xf32, #tpu.memory_space<vmem>>, vector<16xf32>,
        tpu.vector_store %arg8[%swap3A_550, %swap3A_551], %gather3A_510 {strides = array<i32>} : memref<8x4096xf32, #tpu.memory_space<vmem>>, vector<16xf32>,
        %mul3A_553 = arith.constant 16 : i32
        %mul3A_554 = arith.muli %mul3A_553, %scan3A_488 : i32
        %swap3A_555 = arith.constant 6 : i32
        %swap3A_556 = arith.index_cast %swap3A_555 : i32 to index
        %swap3A_557 = arith.index_cast %mul3A_554 : i32 to index
        %swap3A_558 = tpu.vector_load %arg8[%swap3A_556, %swap3A_557] {strides = array<i32>} : memref<8x4096xf32, #tpu.memory_space<vmem>>, vector<16xf32>,
        tpu.vector_store %arg8[%swap3A_556, %swap3A_557], %gather3A_513 {strides = array<i32>} : memref<8x4096xf32, #tpu.memory_space<vmem>>, vector<16xf32>,
        %mul3A_559 = arith.constant 16 : i32
        %mul3A_560 = arith.muli %mul3A_559, %scan3A_488 : i32
        %swap3A_561 = arith.constant 7 : i32
        %swap3A_562 = arith.index_cast %swap3A_561 : i32 to index
        %swap3A_563 = arith.index_cast %mul3A_560 : i32 to index
        %swap3A_564 = tpu.vector_load %arg8[%swap3A_562, %swap3A_563] {strides = array<i32>} : memref<8x4096xf32, #tpu.memory_space<vmem>>, vector<16xf32>,
        tpu.vector_store %arg8[%swap3A_562, %swap3A_563], %gather3A_516 {strides = array<i32>} : memref<8x4096xf32, #tpu.memory_space<vmem>>, vector<16xf32>,
        %scan3A_565 = arith.constant 3 : i32
        %scan3A_566 = arith.addi %scan3A_335, %scan3A_565 : i32
        %mul3A_567 = arith.constant 16 : i32
        %mul3A_568 = arith.muli %mul3A_567, %scan3A_566 : i32
        %get3A_569 = arith.index_cast %mul3A_568 : i32 to index
        %get3A_570 = tpu.vector_load %arg5[%get3A_569] {strides = array<i32>} : memref<4096xi32, #tpu.memory_space<vmem>>, vector<16xi32>,
        %gather3A_571 = arith.constant 0 : i32
        %gather3A_572 = tpu.memref_slice %arg7[%gather3A_571] : memref<32768xf32, #tpu.memory_space<vmem>> -> memref<1024xf32, #tpu.memory_space<vmem>>
        %gather3A_573 = tpu.vector_load_idx %gather3A_572[%get3A_570] : memref<1024xf32, #tpu.memory_space<vmem>>[vector<16xi32>], vector<16xf32>,
        %gather3A_574 = arith.constant 1024 : i32
        %gather3A_575 = tpu.memref_slice %arg7[%gather3A_574] : memref<32768xf32, #tpu.memory_space<vmem>> -> memref<1024xf32, #tpu.memory_space<vmem>>
        %gather3A_576 = tpu.vector_load_idx %gather3A_575[%get3A_570] : memref<1024xf32, #tpu.memory_space<vmem>>[vector<16xi32>], vector<16xf32>,
        %gather3A_577 = arith.constant 2048 : i32
        %gather3A_578 = tpu.memref_slice %arg7[%gather3A_577] : memref<32768xf32, #tpu.memory_space<vmem>> -> memref<1024xf32, #tpu.memory_space<vmem>>
        %gather3A_579 = tpu.vector_load_idx %gather3A_578[%get3A_570] : memref<1024xf32, #tpu.memory_space<vmem>>[vector<16xi32>], vector<16xf32>,
        %gather3A_580 = arith.constant 3072 : i32
        %gather3A_581 = tpu.memref_slice %arg7[%gather3A_580] : memref<32768xf32, #tpu.memory_space<vmem>> -> memref<1024xf32, #tpu.memory_space<vmem>>
        %gather3A_582 = tpu.vector_load_idx %gather3A_581[%get3A_570] : memref<1024xf32, #tpu.memory_space<vmem>>[vector<16xi32>], vector<16xf32>,
        %gather3A_583 = arith.constant 4096 : i32
        %gather3A_584 = tpu.memref_slice %arg7[%gather3A_583] : memref<32768xf32, #tpu.memory_space<vmem>> -> memref<1024xf32, #tpu.memory_space<vmem>>
        %gather3A_585 = tpu.vector_load_idx %gather3A_584[%get3A_570] : memref<1024xf32, #tpu.memory_space<vmem>>[vector<16xi32>], vector<16xf32>,
        %gather3A_586 = arith.constant 5120 : i32
        %gather3A_587 = tpu.memref_slice %arg7[%gather3A_586] : memref<32768xf32, #tpu.memory_space<vmem>> -> memref<1024xf32, #tpu.memory_space<vmem>>
        %gather3A_588 = tpu.vector_load_idx %gather3A_587[%get3A_570] : memref<1024xf32, #tpu.memory_space<vmem>>[vector<16xi32>], vector<16xf32>,
        %gather3A_589 = arith.constant 6144 : i32
        %gather3A_590 = tpu.memref_slice %arg7[%gather3A_589] : memref<32768xf32, #tpu.memory_space<vmem>> -> memref<1024xf32, #tpu.memory_space<vmem>>
        %gather3A_591 = tpu.vector_load_idx %gather3A_590[%get3A_570] : memref<1024xf32, #tpu.memory_space<vmem>>[vector<16xi32>], vector<16xf32>,
        %gather3A_592 = arith.constant 7168 : i32
        %gather3A_593 = tpu.memref_slice %arg7[%gather3A_592] : memref<32768xf32, #tpu.memory_space<vmem>> -> memref<1024xf32, #tpu.memory_space<vmem>>
        %gather3A_594 = tpu.vector_load_idx %gather3A_593[%get3A_570] : memref<1024xf32, #tpu.memory_space<vmem>>[vector<16xi32>], vector<16xf32>,
        %mul3A_595 = arith.constant 16 : i32
        %mul3A_596 = arith.muli %mul3A_595, %scan3A_566 : i32
        %swap3A_597 = arith.constant 0 : i32
        %swap3A_598 = arith.index_cast %swap3A_597 : i32 to index
        %swap3A_599 = arith.index_cast %mul3A_596 : i32 to index
        %swap3A_600 = tpu.vector_load %arg8[%swap3A_598, %swap3A_599] {strides = array<i32>} : memref<8x4096xf32, #tpu.memory_space<vmem>>, vector<16xf32>,
        tpu.vector_store %arg8[%swap3A_598, %swap3A_599], %gather3A_573 {strides = array<i32>} : memref<8x4096xf32, #tpu.memory_space<vmem>>, vector<16xf32>,
        %mul3A_601 = arith.constant 16 : i32
        %mul3A_602 = arith.muli %mul3A_601, %scan3A_566 : i32
        %swap3A_603 = arith.constant 1 : i32
        %swap3A_604 = arith.index_cast %swap3A_603 : i32 to index
        %swap3A_605 = arith.index_cast %mul3A_602 : i32 to index
        %swap3A_606 = tpu.vector_load %arg8[%swap3A_604, %swap3A_605] {strides = array<i32>} : memref<8x4096xf32, #tpu.memory_space<vmem>>, vector<16xf32>,
        tpu.vector_store %arg8[%swap3A_604, %swap3A_605], %gather3A_576 {strides = array<i32>} : memref<8x4096xf32, #tpu.memory_space<vmem>>, vector<16xf32>,
        %mul3A_607 = arith.constant 16 : i32
        %mul3A_608 = arith.muli %mul3A_607, %scan3A_566 : i32
        %swap3A_609 = arith.constant 2 : i32
        %swap3A_610 = arith.index_cast %swap3A_609 : i32 to index
        %swap3A_611 = arith.index_cast %mul3A_608 : i32 to index
        %swap3A_612 = tpu.vector_load %arg8[%swap3A_610, %swap3A_611] {strides = array<i32>} : memref<8x4096xf32, #tpu.memory_space<vmem>>, vector<16xf32>,
        tpu.vector_store %arg8[%swap3A_610, %swap3A_611], %gather3A_579 {strides = array<i32>} : memref<8x4096xf32, #tpu.memory_space<vmem>>, vector<16xf32>,
        %mul3A_613 = arith.constant 16 : i32
        %mul3A_614 = arith.muli %mul3A_613, %scan3A_566 : i32
        %swap3A_615 = arith.constant 3 : i32
        %swap3A_616 = arith.index_cast %swap3A_615 : i32 to index
        %swap3A_617 = arith.index_cast %mul3A_614 : i32 to index
        %swap3A_618 = tpu.vector_load %arg8[%swap3A_616, %swap3A_617] {strides = array<i32>} : memref<8x4096xf32, #tpu.memory_space<vmem>>, vector<16xf32>,
        tpu.vector_store %arg8[%swap3A_616, %swap3A_617], %gather3A_582 {strides = array<i32>} : memref<8x4096xf32, #tpu.memory_space<vmem>>, vector<16xf32>,
        %mul3A_619 = arith.constant 16 : i32
        %mul3A_620 = arith.muli %mul3A_619, %scan3A_566 : i32
        %swap3A_621 = arith.constant 4 : i32
        %swap3A_622 = arith.index_cast %swap3A_621 : i32 to index
        %swap3A_623 = arith.index_cast %mul3A_620 : i32 to index
        %swap3A_624 = tpu.vector_load %arg8[%swap3A_622, %swap3A_623] {strides = array<i32>} : memref<8x4096xf32, #tpu.memory_space<vmem>>, vector<16xf32>,
        tpu.vector_store %arg8[%swap3A_622, %swap3A_623], %gather3A_585 {strides = array<i32>} : memref<8x4096xf32, #tpu.memory_space<vmem>>, vector<16xf32>,
        %mul3A_625 = arith.constant 16 : i32
        %mul3A_626 = arith.muli %mul3A_625, %scan3A_566 : i32
        %swap3A_627 = arith.constant 5 : i32
        %swap3A_628 = arith.index_cast %swap3A_627 : i32 to index
        %swap3A_629 = arith.index_cast %mul3A_626 : i32 to index
        %swap3A_630 = tpu.vector_load %arg8[%swap3A_628, %swap3A_629] {strides = array<i32>} : memref<8x4096xf32, #tpu.memory_space<vmem>>, vector<16xf32>,
        tpu.vector_store %arg8[%swap3A_628, %swap3A_629], %gather3A_588 {strides = array<i32>} : memref<8x4096xf32, #tpu.memory_space<vmem>>, vector<16xf32>,
        %mul3A_631 = arith.constant 16 : i32
        %mul3A_632 = arith.muli %mul3A_631, %scan3A_566 : i32
        %swap3A_633 = arith.constant 6 : i32
        %swap3A_634 = arith.index_cast %swap3A_633 : i32 to index
        %swap3A_635 = arith.index_cast %mul3A_632 : i32 to index
        %swap3A_636 = tpu.vector_load %arg8[%swap3A_634, %swap3A_635] {strides = array<i32>} : memref<8x4096xf32, #tpu.memory_space<vmem>>, vector<16xf32>,
        tpu.vector_store %arg8[%swap3A_634, %swap3A_635], %gather3A_591 {strides = array<i32>} : memref<8x4096xf32, #tpu.memory_space<vmem>>, vector<16xf32>,
        %mul3A_637 = arith.constant 16 : i32
        %mul3A_638 = arith.muli %mul3A_637, %scan3A_566 : i32
        %swap3A_639 = arith.constant 7 : i32
        %swap3A_640 = arith.index_cast %swap3A_639 : i32 to index
        %swap3A_641 = arith.index_cast %mul3A_638 : i32 to index
        %swap3A_642 = tpu.vector_load %arg8[%swap3A_640, %swap3A_641] {strides = array<i32>} : memref<8x4096xf32, #tpu.memory_space<vmem>>, vector<16xf32>,
        tpu.vector_store %arg8[%swap3A_640, %swap3A_641], %gather3A_594 {strides = array<i32>} : memref<8x4096xf32, #tpu.memory_space<vmem>>, vector<16xf32>,
      }
      %scan3A_238 = arith.constant 256 : i32
      %add3A_239 = arith.constant 0 : i32
      %add3A_240 = arith.addi %min3A_19, %add3A_239 : i32
      %mul3A_241 = arith.constant 8 : i32
      %mul3A_242 = arith.muli %add3A_240, %mul3A_241 : i32
      %dma_start3A_243 = arith.constant 0 : i32
      %dma_start3A_244 = tpu.memref_slice %arg4[%add3A_214, %mul3A_242, %dma_start3A_243] : memref<20x1000x4096xf32, #tpu.memory_space<hbm>> -> memref<1x8x4096xf32, #tpu.memory_space<hbm>>
      %dma_start3A_245 = tpu.memref_squeeze %dma_start3A_244 : memref<1x8x4096xf32, #tpu.memory_space<hbm>> -> memref<8x4096xf32, #tpu.memory_space<hbm>>
      %dma_start3A_246 = arith.constant 0 : i32
      %dma_start3A_247 = tpu.memref_slice %arg4[%add3A_214, %mul3A_242, %dma_start3A_246] : memref<20x1000x4096xf32, #tpu.memory_space<hbm>> -> memref<1x8x4096xf32, #tpu.memory_space<hbm>>
      %dma_start3A_248 = tpu.memref_squeeze %dma_start3A_247 : memref<1x8x4096xf32, #tpu.memory_space<hbm>> -> memref<8x4096xf32, #tpu.memory_space<hbm>>
      tpu.enqueue_dma source(%arg8 : memref<8x4096xf32, #tpu.memory_space<vmem>>) target(%dma_start3A_248 : memref<8x4096xf32, #tpu.memory_space<hbm>>) target_semaphore(%arg12 : memref<!tpu.dma_semaphore, #tpu.memory_space<semaphore_mem>>)
      %add3A_249 = arith.constant 0 : i32
      %add3A_250 = arith.addi %min3A_19, %add3A_249 : i32
      %mul3A_251 = arith.constant 8 : i32
      %mul3A_252 = arith.muli %add3A_250, %mul3A_251 : i32
      %dma_wait3A_253 = arith.constant 0 : i32
      %dma_wait3A_254 = arith.constant 0 : i32
      %dma_wait3A_255 = tpu.memref_slice %arg4[%dma_wait3A_253, %mul3A_252, %dma_wait3A_254] : memref<20x1000x4096xf32, #tpu.memory_space<hbm>> -> memref<1x8x4096xf32, #tpu.memory_space<hbm>>
      %dma_wait3A_256 = tpu.memref_squeeze %dma_wait3A_255 : memref<1x8x4096xf32, #tpu.memory_space<hbm>> -> memref<8x4096xf32, #tpu.memory_space<hbm>>
      %dma_wait3A_257 = arith.constant 0 : i32
      %dma_wait3A_258 = tpu.memref_slice %arg4[%dma_wait3A_253, %mul3A_252, %dma_wait3A_257] : memref<20x1000x4096xf32, #tpu.memory_space<hbm>> -> memref<1x8x4096xf32, #tpu.memory_space<hbm>>
      %dma_wait3A_259 = tpu.memref_squeeze %dma_wait3A_258 : memref<1x8x4096xf32, #tpu.memory_space<hbm>> -> memref<8x4096xf32, #tpu.memory_space<hbm>>
      tpu.wait_dma2 semaphore(%arg13 : memref<!tpu.dma_semaphore, #tpu.memory_space<semaphore_mem>>) src(%arg9 : memref<8x4096xf32, #tpu.memory_space<vmem>>) dst(%dma_wait3A_259 : memref<8x4096xf32, #tpu.memory_space<hbm>>)
      %scan3A_260 = arith.constant 0 : i32
      %scan3A_261 = arith.constant 0 : i32
      %scan3A_262 = arith.constant 256 : i32
      %scan3A_263 = arith.addi %scan3A_261, %scan3A_262 : i32
      %scan3A_264 = arith.constant 4 : i32
      scf.for %scan3A_335 = %scan3A_261 to %scan3A_263 step %scan3A_264  : i32 {
        %mul3A_336 = arith.constant 16 : i32
        %mul3A_337 = arith.muli %mul3A_336, %scan3A_335 : i32
        %get3A = arith.index_cast %mul3A_337 : i32 to index
        %get3A_338 = tpu.vector_load %arg6[%get3A] {strides = array<i32>} : memref<4096xi32, #tpu.memory_space<vmem>>, vector<16xi32>,
        %gather3A = arith.constant 8192 : i32
        %gather3A_339 = tpu.memref_slice %arg7[%gather3A] : memref<32768xf32, #tpu.memory_space<vmem>> -> memref<1024xf32, #tpu.memory_space<vmem>>
        %gather3A_340 = tpu.vector_load_idx %gather3A_339[%get3A_338] : memref<1024xf32, #tpu.memory_space<vmem>>[vector<16xi32>], vector<16xf32>,
        %gather3A_341 = arith.constant 9216 : i32
        %gather3A_342 = tpu.memref_slice %arg7[%gather3A_341] : memref<32768xf32, #tpu.memory_space<vmem>> -> memref<1024xf32, #tpu.memory_space<vmem>>
        %gather3A_343 = tpu.vector_load_idx %gather3A_342[%get3A_338] : memref<1024xf32, #tpu.memory_space<vmem>>[vector<16xi32>], vector<16xf32>,
        %gather3A_344 = arith.constant 10240 : i32
        %gather3A_345 = tpu.memref_slice %arg7[%gather3A_344] : memref<32768xf32, #tpu.memory_space<vmem>> -> memref<1024xf32, #tpu.memory_space<vmem>>
        %gather3A_346 = tpu.vector_load_idx %gather3A_345[%get3A_338] : memref<1024xf32, #tpu.memory_space<vmem>>[vector<16xi32>], vector<16xf32>,
        %gather3A_347 = arith.constant 11264 : i32
        %gather3A_348 = tpu.memref_slice %arg7[%gather3A_347] : memref<32768xf32, #tpu.memory_space<vmem>> -> memref<1024xf32, #tpu.memory_space<vmem>>
        %gather3A_349 = tpu.vector_load_idx %gather3A_348[%get3A_338] : memref<1024xf32, #tpu.memory_space<vmem>>[vector<16xi32>], vector<16xf32>,
        %gather3A_350 = arith.constant 12288 : i32
        %gather3A_351 = tpu.memref_slice %arg7[%gather3A_350] : memref<32768xf32, #tpu.memory_space<vmem>> -> memref<1024xf32, #tpu.memory_space<vmem>>
        %gather3A_352 = tpu.vector_load_idx %gather3A_351[%get3A_338] : memref<1024xf32, #tpu.memory_space<vmem>>[vector<16xi32>], vector<16xf32>,
        %gather3A_353 = arith.constant 13312 : i32
        %gather3A_354 = tpu.memref_slice %arg7[%gather3A_353] : memref<32768xf32, #tpu.memory_space<vmem>> -> memref<1024xf32, #tpu.memory_space<vmem>>
        %gather3A_355 = tpu.vector_load_idx %gather3A_354[%get3A_338] : memref<1024xf32, #tpu.memory_space<vmem>>[vector<16xi32>], vector<16xf32>,
        %gather3A_356 = arith.constant 14336 : i32
        %gather3A_357 = tpu.memref_slice %arg7[%gather3A_356] : memref<32768xf32, #tpu.memory_space<vmem>> -> memref<1024xf32, #tpu.memory_space<vmem>>
        %gather3A_358 = tpu.vector_load_idx %gather3A_357[%get3A_338] : memref<1024xf32, #tpu.memory_space<vmem>>[vector<16xi32>], vector<16xf32>,
        %gather3A_359 = arith.constant 15360 : i32
        %gather3A_360 = tpu.memref_slice %arg7[%gather3A_359] : memref<32768xf32, #tpu.memory_space<vmem>> -> memref<1024xf32, #tpu.memory_space<vmem>>
        %gather3A_361 = tpu.vector_load_idx %gather3A_360[%get3A_338] : memref<1024xf32, #tpu.memory_space<vmem>>[vector<16xi32>], vector<16xf32>,
        %mul3A_362 = arith.constant 16 : i32
        %mul3A_363 = arith.muli %mul3A_362, %scan3A_335 : i32
        %swap3A = arith.constant 0 : i32
        %swap3A_364 = arith.index_cast %swap3A : i32 to index
        %swap3A_365 = arith.index_cast %mul3A_363 : i32 to index
        %swap3A_366 = tpu.vector_load %arg9[%swap3A_364, %swap3A_365] {strides = array<i32>} : memref<8x4096xf32, #tpu.memory_space<vmem>>, vector<16xf32>,
        tpu.vector_store %arg9[%swap3A_364, %swap3A_365], %gather3A_340 {strides = array<i32>} : memref<8x4096xf32, #tpu.memory_space<vmem>>, vector<16xf32>,
        %mul3A_367 = arith.constant 16 : i32
        %mul3A_368 = arith.muli %mul3A_367, %scan3A_335 : i32
        %swap3A_369 = arith.constant 1 : i32
        %swap3A_370 = arith.index_cast %swap3A_369 : i32 to index
        %swap3A_371 = arith.index_cast %mul3A_368 : i32 to index
        %swap3A_372 = tpu.vector_load %arg9[%swap3A_370, %swap3A_371] {strides = array<i32>} : memref<8x4096xf32, #tpu.memory_space<vmem>>, vector<16xf32>,
        tpu.vector_store %arg9[%swap3A_370, %swap3A_371], %gather3A_343 {strides = array<i32>} : memref<8x4096xf32, #tpu.memory_space<vmem>>, vector<16xf32>,
        %mul3A_373 = arith.constant 16 : i32
        %mul3A_374 = arith.muli %mul3A_373, %scan3A_335 : i32
        %swap3A_375 = arith.constant 2 : i32
        %swap3A_376 = arith.index_cast %swap3A_375 : i32 to index
        %swap3A_377 = arith.index_cast %mul3A_374 : i32 to index
        %swap3A_378 = tpu.vector_load %arg9[%swap3A_376, %swap3A_377] {strides = array<i32>} : memref<8x4096xf32, #tpu.memory_space<vmem>>, vector<16xf32>,
        tpu.vector_store %arg9[%swap3A_376, %swap3A_377], %gather3A_346 {strides = array<i32>} : memref<8x4096xf32, #tpu.memory_space<vmem>>, vector<16xf32>,
        %mul3A_379 = arith.constant 16 : i32
        %mul3A_380 = arith.muli %mul3A_379, %scan3A_335 : i32
        %swap3A_381 = arith.constant 3 : i32
        %swap3A_382 = arith.index_cast %swap3A_381 : i32 to index
        %swap3A_383 = arith.index_cast %mul3A_380 : i32 to index
        %swap3A_384 = tpu.vector_load %arg9[%swap3A_382, %swap3A_383] {strides = array<i32>} : memref<8x4096xf32, #tpu.memory_space<vmem>>, vector<16xf32>,
        tpu.vector_store %arg9[%swap3A_382, %swap3A_383], %gather3A_349 {strides = array<i32>} : memref<8x4096xf32, #tpu.memory_space<vmem>>, vector<16xf32>,
        %mul3A_385 = arith.constant 16 : i32
        %mul3A_386 = arith.muli %mul3A_385, %scan3A_335 : i32
        %swap3A_387 = arith.constant 4 : i32
        %swap3A_388 = arith.index_cast %swap3A_387 : i32 to index
        %swap3A_389 = arith.index_cast %mul3A_386 : i32 to index
        %swap3A_390 = tpu.vector_load %arg9[%swap3A_388, %swap3A_389] {strides = array<i32>} : memref<8x4096xf32, #tpu.memory_space<vmem>>, vector<16xf32>,
        tpu.vector_store %arg9[%swap3A_388, %swap3A_389], %gather3A_352 {strides = array<i32>} : memref<8x4096xf32, #tpu.memory_space<vmem>>, vector<16xf32>,
        %mul3A_391 = arith.constant 16 : i32
        %mul3A_392 = arith.muli %mul3A_391, %scan3A_335 : i32
        %swap3A_393 = arith.constant 5 : i32
        %swap3A_394 = arith.index_cast %swap3A_393 : i32 to index
        %swap3A_395 = arith.index_cast %mul3A_392 : i32 to index
        %swap3A_396 = tpu.vector_load %arg9[%swap3A_394, %swap3A_395] {strides = array<i32>} : memref<8x4096xf32, #tpu.memory_space<vmem>>, vector<16xf32>,
        tpu.vector_store %arg9[%swap3A_394, %swap3A_395], %gather3A_355 {strides = array<i32>} : memref<8x4096xf32, #tpu.memory_space<vmem>>, vector<16xf32>,
        %mul3A_397 = arith.constant 16 : i32
        %mul3A_398 = arith.muli %mul3A_397, %scan3A_335 : i32
        %swap3A_399 = arith.constant 6 : i32
        %swap3A_400 = arith.index_cast %swap3A_399 : i32 to index
        %swap3A_401 = arith.index_cast %mul3A_398 : i32 to index
        %swap3A_402 = tpu.vector_load %arg9[%swap3A_400, %swap3A_401] {strides = array<i32>} : memref<8x4096xf32, #tpu.memory_space<vmem>>, vector<16xf32>,
        tpu.vector_store %arg9[%swap3A_400, %swap3A_401], %gather3A_358 {strides = array<i32>} : memref<8x4096xf32, #tpu.memory_space<vmem>>, vector<16xf32>,
        %mul3A_403 = arith.constant 16 : i32
        %mul3A_404 = arith.muli %mul3A_403, %scan3A_335 : i32
        %swap3A_405 = arith.constant 7 : i32
        %swap3A_406 = arith.index_cast %swap3A_405 : i32 to index
        %swap3A_407 = arith.index_cast %mul3A_404 : i32 to index
        %swap3A_408 = tpu.vector_load %arg9[%swap3A_406, %swap3A_407] {strides = array<i32>} : memref<8x4096xf32, #tpu.memory_space<vmem>>, vector<16xf32>,
        tpu.vector_store %arg9[%swap3A_406, %swap3A_407], %gather3A_361 {strides = array<i32>} : memref<8x4096xf32, #tpu.memory_space<vmem>>, vector<16xf32>,
        %scan3A_409 = arith.constant 1 : i32
        %scan3A_410 = arith.addi %scan3A_335, %scan3A_409 : i32
        %mul3A_411 = arith.constant 16 : i32
        %mul3A_412 = arith.muli %mul3A_411, %scan3A_410 : i32
        %get3A_413 = arith.index_cast %mul3A_412 : i32 to index
        %get3A_414 = tpu.vector_load %arg6[%get3A_413] {strides = array<i32>} : memref<4096xi32, #tpu.memory_space<vmem>>, vector<16xi32>,
        %gather3A_415 = arith.constant 8192 : i32
        %gather3A_416 = tpu.memref_slice %arg7[%gather3A_415] : memref<32768xf32, #tpu.memory_space<vmem>> -> memref<1024xf32, #tpu.memory_space<vmem>>
        %gather3A_417 = tpu.vector_load_idx %gather3A_416[%get3A_414] : memref<1024xf32, #tpu.memory_space<vmem>>[vector<16xi32>], vector<16xf32>,
        %gather3A_418 = arith.constant 9216 : i32
        %gather3A_419 = tpu.memref_slice %arg7[%gather3A_418] : memref<32768xf32, #tpu.memory_space<vmem>> -> memref<1024xf32, #tpu.memory_space<vmem>>
        %gather3A_420 = tpu.vector_load_idx %gather3A_419[%get3A_414] : memref<1024xf32, #tpu.memory_space<vmem>>[vector<16xi32>], vector<16xf32>,
        %gather3A_421 = arith.constant 10240 : i32
        %gather3A_422 = tpu.memref_slice %arg7[%gather3A_421] : memref<32768xf32, #tpu.memory_space<vmem>> -> memref<1024xf32, #tpu.memory_space<vmem>>
        %gather3A_423 = tpu.vector_load_idx %gather3A_422[%get3A_414] : memref<1024xf32, #tpu.memory_space<vmem>>[vector<16xi32>], vector<16xf32>,
        %gather3A_424 = arith.constant 11264 : i32
        %gather3A_425 = tpu.memref_slice %arg7[%gather3A_424] : memref<32768xf32, #tpu.memory_space<vmem>> -> memref<1024xf32, #tpu.memory_space<vmem>>
        %gather3A_426 = tpu.vector_load_idx %gather3A_425[%get3A_414] : memref<1024xf32, #tpu.memory_space<vmem>>[vector<16xi32>], vector<16xf32>,
        %gather3A_427 = arith.constant 12288 : i32
        %gather3A_428 = tpu.memref_slice %arg7[%gather3A_427] : memref<32768xf32, #tpu.memory_space<vmem>> -> memref<1024xf32, #tpu.memory_space<vmem>>
        %gather3A_429 = tpu.vector_load_idx %gather3A_428[%get3A_414] : memref<1024xf32, #tpu.memory_space<vmem>>[vector<16xi32>], vector<16xf32>,
        %gather3A_430 = arith.constant 13312 : i32
        %gather3A_431 = tpu.memref_slice %arg7[%gather3A_430] : memref<32768xf32, #tpu.memory_space<vmem>> -> memref<1024xf32, #tpu.memory_space<vmem>>
        %gather3A_432 = tpu.vector_load_idx %gather3A_431[%get3A_414] : memref<1024xf32, #tpu.memory_space<vmem>>[vector<16xi32>], vector<16xf32>,
        %gather3A_433 = arith.constant 14336 : i32
        %gather3A_434 = tpu.memref_slice %arg7[%gather3A_433] : memref<32768xf32, #tpu.memory_space<vmem>> -> memref<1024xf32, #tpu.memory_space<vmem>>
        %gather3A_435 = tpu.vector_load_idx %gather3A_434[%get3A_414] : memref<1024xf32, #tpu.memory_space<vmem>>[vector<16xi32>], vector<16xf32>,
        %gather3A_436 = arith.constant 15360 : i32
        %gather3A_437 = tpu.memref_slice %arg7[%gather3A_436] : memref<32768xf32, #tpu.memory_space<vmem>> -> memref<1024xf32, #tpu.memory_space<vmem>>
        %gather3A_438 = tpu.vector_load_idx %gather3A_437[%get3A_414] : memref<1024xf32, #tpu.memory_space<vmem>>[vector<16xi32>], vector<16xf32>,
        %mul3A_439 = arith.constant 16 : i32
        %mul3A_440 = arith.muli %mul3A_439, %scan3A_410 : i32
        %swap3A_441 = arith.constant 0 : i32
        %swap3A_442 = arith.index_cast %swap3A_441 : i32 to index
        %swap3A_443 = arith.index_cast %mul3A_440 : i32 to index
        %swap3A_444 = tpu.vector_load %arg9[%swap3A_442, %swap3A_443] {strides = array<i32>} : memref<8x4096xf32, #tpu.memory_space<vmem>>, vector<16xf32>,
        tpu.vector_store %arg9[%swap3A_442, %swap3A_443], %gather3A_417 {strides = array<i32>} : memref<8x4096xf32, #tpu.memory_space<vmem>>, vector<16xf32>,
        %mul3A_445 = arith.constant 16 : i32
        %mul3A_446 = arith.muli %mul3A_445, %scan3A_410 : i32
        %swap3A_447 = arith.constant 1 : i32
        %swap3A_448 = arith.index_cast %swap3A_447 : i32 to index
        %swap3A_449 = arith.index_cast %mul3A_446 : i32 to index
        %swap3A_450 = tpu.vector_load %arg9[%swap3A_448, %swap3A_449] {strides = array<i32>} : memref<8x4096xf32, #tpu.memory_space<vmem>>, vector<16xf32>,
        tpu.vector_store %arg9[%swap3A_448, %swap3A_449], %gather3A_420 {strides = array<i32>} : memref<8x4096xf32, #tpu.memory_space<vmem>>, vector<16xf32>,
        %mul3A_451 = arith.constant 16 : i32
        %mul3A_452 = arith.muli %mul3A_451, %scan3A_410 : i32
        %swap3A_453 = arith.constant 2 : i32
        %swap3A_454 = arith.index_cast %swap3A_453 : i32 to index
        %swap3A_455 = arith.index_cast %mul3A_452 : i32 to index
        %swap3A_456 = tpu.vector_load %arg9[%swap3A_454, %swap3A_455] {strides = array<i32>} : memref<8x4096xf32, #tpu.memory_space<vmem>>, vector<16xf32>,
        tpu.vector_store %arg9[%swap3A_454, %swap3A_455], %gather3A_423 {strides = array<i32>} : memref<8x4096xf32, #tpu.memory_space<vmem>>, vector<16xf32>,
        %mul3A_457 = arith.constant 16 : i32
        %mul3A_458 = arith.muli %mul3A_457, %scan3A_410 : i32
        %swap3A_459 = arith.constant 3 : i32
        %swap3A_460 = arith.index_cast %swap3A_459 : i32 to index
        %swap3A_461 = arith.index_cast %mul3A_458 : i32 to index
        %swap3A_462 = tpu.vector_load %arg9[%swap3A_460, %swap3A_461] {strides = array<i32>} : memref<8x4096xf32, #tpu.memory_space<vmem>>, vector<16xf32>,
        tpu.vector_store %arg9[%swap3A_460, %swap3A_461], %gather3A_426 {strides = array<i32>} : memref<8x4096xf32, #tpu.memory_space<vmem>>, vector<16xf32>,
        %mul3A_463 = arith.constant 16 : i32
        %mul3A_464 = arith.muli %mul3A_463, %scan3A_410 : i32
        %swap3A_465 = arith.constant 4 : i32
        %swap3A_466 = arith.index_cast %swap3A_465 : i32 to index
        %swap3A_467 = arith.index_cast %mul3A_464 : i32 to index
        %swap3A_468 = tpu.vector_load %arg9[%swap3A_466, %swap3A_467] {strides = array<i32>} : memref<8x4096xf32, #tpu.memory_space<vmem>>, vector<16xf32>,
        tpu.vector_store %arg9[%swap3A_466, %swap3A_467], %gather3A_429 {strides = array<i32>} : memref<8x4096xf32, #tpu.memory_space<vmem>>, vector<16xf32>,
        %mul3A_469 = arith.constant 16 : i32
        %mul3A_470 = arith.muli %mul3A_469, %scan3A_410 : i32
        %swap3A_471 = arith.constant 5 : i32
        %swap3A_472 = arith.index_cast %swap3A_471 : i32 to index
        %swap3A_473 = arith.index_cast %mul3A_470 : i32 to index
        %swap3A_474 = tpu.vector_load %arg9[%swap3A_472, %swap3A_473] {strides = array<i32>} : memref<8x4096xf32, #tpu.memory_space<vmem>>, vector<16xf32>,
        tpu.vector_store %arg9[%swap3A_472, %swap3A_473], %gather3A_432 {strides = array<i32>} : memref<8x4096xf32, #tpu.memory_space<vmem>>, vector<16xf32>,
        %mul3A_475 = arith.constant 16 : i32
        %mul3A_476 = arith.muli %mul3A_475, %scan3A_410 : i32
        %swap3A_477 = arith.constant 6 : i32
        %swap3A_478 = arith.index_cast %swap3A_477 : i32 to index
        %swap3A_479 = arith.index_cast %mul3A_476 : i32 to index
        %swap3A_480 = tpu.vector_load %arg9[%swap3A_478, %swap3A_479] {strides = array<i32>} : memref<8x4096xf32, #tpu.memory_space<vmem>>, vector<16xf32>,
        tpu.vector_store %arg9[%swap3A_478, %swap3A_479], %gather3A_435 {strides = array<i32>} : memref<8x4096xf32, #tpu.memory_space<vmem>>, vector<16xf32>,
        %mul3A_481 = arith.constant 16 : i32
        %mul3A_482 = arith.muli %mul3A_481, %scan3A_410 : i32
        %swap3A_483 = arith.constant 7 : i32
        %swap3A_484 = arith.index_cast %swap3A_483 : i32 to index
        %swap3A_485 = arith.index_cast %mul3A_482 : i32 to index
        %swap3A_486 = tpu.vector_load %arg9[%swap3A_484, %swap3A_485] {strides = array<i32>} : memref<8x4096xf32, #tpu.memory_space<vmem>>, vector<16xf32>,
        tpu.vector_store %arg9[%swap3A_484, %swap3A_485], %gather3A_438 {strides = array<i32>} : memref<8x4096xf32, #tpu.memory_space<vmem>>, vector<16xf32>,
        %scan3A_487 = arith.constant 2 : i32
        %scan3A_488 = arith.addi %scan3A_335, %scan3A_487 : i32
        %mul3A_489 = arith.constant 16 : i32
        %mul3A_490 = arith.muli %mul3A_489, %scan3A_488 : i32
        %get3A_491 = arith.index_cast %mul3A_490 : i32 to index
        %get3A_492 = tpu.vector_load %arg6[%get3A_491] {strides = array<i32>} : memref<4096xi32, #tpu.memory_space<vmem>>, vector<16xi32>,
        %gather3A_493 = arith.constant 8192 : i32
        %gather3A_494 = tpu.memref_slice %arg7[%gather3A_493] : memref<32768xf32, #tpu.memory_space<vmem>> -> memref<1024xf32, #tpu.memory_space<vmem>>
        %gather3A_495 = tpu.vector_load_idx %gather3A_494[%get3A_492] : memref<1024xf32, #tpu.memory_space<vmem>>[vector<16xi32>], vector<16xf32>,
        %gather3A_496 = arith.constant 9216 : i32
        %gather3A_497 = tpu.memref_slice %arg7[%gather3A_496] : memref<32768xf32, #tpu.memory_space<vmem>> -> memref<1024xf32, #tpu.memory_space<vmem>>
        %gather3A_498 = tpu.vector_load_idx %gather3A_497[%get3A_492] : memref<1024xf32, #tpu.memory_space<vmem>>[vector<16xi32>], vector<16xf32>,
        %gather3A_499 = arith.constant 10240 : i32
        %gather3A_500 = tpu.memref_slice %arg7[%gather3A_499] : memref<32768xf32, #tpu.memory_space<vmem>> -> memref<1024xf32, #tpu.memory_space<vmem>>
        %gather3A_501 = tpu.vector_load_idx %gather3A_500[%get3A_492] : memref<1024xf32, #tpu.memory_space<vmem>>[vector<16xi32>], vector<16xf32>,
        %gather3A_502 = arith.constant 11264 : i32
        %gather3A_503 = tpu.memref_slice %arg7[%gather3A_502] : memref<32768xf32, #tpu.memory_space<vmem>> -> memref<1024xf32, #tpu.memory_space<vmem>>
        %gather3A_504 = tpu.vector_load_idx %gather3A_503[%get3A_492] : memref<1024xf32, #tpu.memory_space<vmem>>[vector<16xi32>], vector<16xf32>,
        %gather3A_505 = arith.constant 12288 : i32
        %gather3A_506 = tpu.memref_slice %arg7[%gather3A_505] : memref<32768xf32, #tpu.memory_space<vmem>> -> memref<1024xf32, #tpu.memory_space<vmem>>
        %gather3A_507 = tpu.vector_load_idx %gather3A_506[%get3A_492] : memref<1024xf32, #tpu.memory_space<vmem>>[vector<16xi32>], vector<16xf32>,
        %gather3A_508 = arith.constant 13312 : i32
        %gather3A_509 = tpu.memref_slice %arg7[%gather3A_508] : memref<32768xf32, #tpu.memory_space<vmem>> -> memref<1024xf32, #tpu.memory_space<vmem>>
        %gather3A_510 = tpu.vector_load_idx %gather3A_509[%get3A_492] : memref<1024xf32, #tpu.memory_space<vmem>>[vector<16xi32>], vector<16xf32>,
        %gather3A_511 = arith.constant 14336 : i32
        %gather3A_512 = tpu.memref_slice %arg7[%gather3A_511] : memref<32768xf32, #tpu.memory_space<vmem>> -> memref<1024xf32, #tpu.memory_space<vmem>>
        %gather3A_513 = tpu.vector_load_idx %gather3A_512[%get3A_492] : memref<1024xf32, #tpu.memory_space<vmem>>[vector<16xi32>], vector<16xf32>,
        %gather3A_514 = arith.constant 15360 : i32
        %gather3A_515 = tpu.memref_slice %arg7[%gather3A_514] : memref<32768xf32, #tpu.memory_space<vmem>> -> memref<1024xf32, #tpu.memory_space<vmem>>
        %gather3A_516 = tpu.vector_load_idx %gather3A_515[%get3A_492] : memref<1024xf32, #tpu.memory_space<vmem>>[vector<16xi32>], vector<16xf32>,
        %mul3A_517 = arith.constant 16 : i32
        %mul3A_518 = arith.muli %mul3A_517, %scan3A_488 : i32
        %swap3A_519 = arith.constant 0 : i32
        %swap3A_520 = arith.index_cast %swap3A_519 : i32 to index
        %swap3A_521 = arith.index_cast %mul3A_518 : i32 to index
        %swap3A_522 = tpu.vector_load %arg9[%swap3A_520, %swap3A_521] {strides = array<i32>} : memref<8x4096xf32, #tpu.memory_space<vmem>>, vector<16xf32>,
        tpu.vector_store %arg9[%swap3A_520, %swap3A_521], %gather3A_495 {strides = array<i32>} : memref<8x4096xf32, #tpu.memory_space<vmem>>, vector<16xf32>,
        %mul3A_523 = arith.constant 16 : i32
        %mul3A_524 = arith.muli %mul3A_523, %scan3A_488 : i32
        %swap3A_525 = arith.constant 1 : i32
        %swap3A_526 = arith.index_cast %swap3A_525 : i32 to index
        %swap3A_527 = arith.index_cast %mul3A_524 : i32 to index
        %swap3A_528 = tpu.vector_load %arg9[%swap3A_526, %swap3A_527] {strides = array<i32>} : memref<8x4096xf32, #tpu.memory_space<vmem>>, vector<16xf32>,
        tpu.vector_store %arg9[%swap3A_526, %swap3A_527], %gather3A_498 {strides = array<i32>} : memref<8x4096xf32, #tpu.memory_space<vmem>>, vector<16xf32>,
        %mul3A_529 = arith.constant 16 : i32
        %mul3A_530 = arith.muli %mul3A_529, %scan3A_488 : i32
        %swap3A_531 = arith.constant 2 : i32
        %swap3A_532 = arith.index_cast %swap3A_531 : i32 to index
        %swap3A_533 = arith.index_cast %mul3A_530 : i32 to index
        %swap3A_534 = tpu.vector_load %arg9[%swap3A_532, %swap3A_533] {strides = array<i32>} : memref<8x4096xf32, #tpu.memory_space<vmem>>, vector<16xf32>,
        tpu.vector_store %arg9[%swap3A_532, %swap3A_533], %gather3A_501 {strides = array<i32>} : memref<8x4096xf32, #tpu.memory_space<vmem>>, vector<16xf32>,
        %mul3A_535 = arith.constant 16 : i32
        %mul3A_536 = arith.muli %mul3A_535, %scan3A_488 : i32
        %swap3A_537 = arith.constant 3 : i32
        %swap3A_538 = arith.index_cast %swap3A_537 : i32 to index
        %swap3A_539 = arith.index_cast %mul3A_536 : i32 to index
        %swap3A_540 = tpu.vector_load %arg9[%swap3A_538, %swap3A_539] {strides = array<i32>} : memref<8x4096xf32, #tpu.memory_space<vmem>>, vector<16xf32>,
        tpu.vector_store %arg9[%swap3A_538, %swap3A_539], %gather3A_504 {strides = array<i32>} : memref<8x4096xf32, #tpu.memory_space<vmem>>, vector<16xf32>,
        %mul3A_541 = arith.constant 16 : i32
        %mul3A_542 = arith.muli %mul3A_541, %scan3A_488 : i32
        %swap3A_543 = arith.constant 4 : i32
        %swap3A_544 = arith.index_cast %swap3A_543 : i32 to index
        %swap3A_545 = arith.index_cast %mul3A_542 : i32 to index
        %swap3A_546 = tpu.vector_load %arg9[%swap3A_544, %swap3A_545] {strides = array<i32>} : memref<8x4096xf32, #tpu.memory_space<vmem>>, vector<16xf32>,
        tpu.vector_store %arg9[%swap3A_544, %swap3A_545], %gather3A_507 {strides = array<i32>} : memref<8x4096xf32, #tpu.memory_space<vmem>>, vector<16xf32>,
        %mul3A_547 = arith.constant 16 : i32
        %mul3A_548 = arith.muli %mul3A_547, %scan3A_488 : i32
        %swap3A_549 = arith.constant 5 : i32
        %swap3A_550 = arith.index_cast %swap3A_549 : i32 to index
        %swap3A_551 = arith.index_cast %mul3A_548 : i32 to index
        %swap3A_552 = tpu.vector_load %arg9[%swap3A_550, %swap3A_551] {strides = array<i32>} : memref<8x4096xf32, #tpu.memory_space<vmem>>, vector<16xf32>,
        tpu.vector_store %arg9[%swap3A_550, %swap3A_551], %gather3A_510 {strides = array<i32>} : memref<8x4096xf32, #tpu.memory_space<vmem>>, vector<16xf32>,
        %mul3A_553 = arith.constant 16 : i32
        %mul3A_554 = arith.muli %mul3A_553, %scan3A_488 : i32
        %swap3A_555 = arith.constant 6 : i32
        %swap3A_556 = arith.index_cast %swap3A_555 : i32 to index
        %swap3A_557 = arith.index_cast %mul3A_554 : i32 to index
        %swap3A_558 = tpu.vector_load %arg9[%swap3A_556, %swap3A_557] {strides = array<i32>} : memref<8x4096xf32, #tpu.memory_space<vmem>>, vector<16xf32>,
        tpu.vector_store %arg9[%swap3A_556, %swap3A_557], %gather3A_513 {strides = array<i32>} : memref<8x4096xf32, #tpu.memory_space<vmem>>, vector<16xf32>,
        %mul3A_559 = arith.constant 16 : i32
        %mul3A_560 = arith.muli %mul3A_559, %scan3A_488 : i32
        %swap3A_561 = arith.constant 7 : i32
        %swap3A_562 = arith.index_cast %swap3A_561 : i32 to index
        %swap3A_563 = arith.index_cast %mul3A_560 : i32 to index
        %swap3A_564 = tpu.vector_load %arg9[%swap3A_562, %swap3A_563] {strides = array<i32>} : memref<8x4096xf32, #tpu.memory_space<vmem>>, vector<16xf32>,
        tpu.vector_store %arg9[%swap3A_562, %swap3A_563], %gather3A_516 {strides = array<i32>} : memref<8x4096xf32, #tpu.memory_space<vmem>>, vector<16xf32>,
        %scan3A_565 = arith.constant 3 : i32
        %scan3A_566 = arith.addi %scan3A_335, %scan3A_565 : i32
        %mul3A_567 = arith.constant 16 : i32
        %mul3A_568 = arith.muli %mul3A_567, %scan3A_566 : i32
        %get3A_569 = arith.index_cast %mul3A_568 : i32 to index
        %get3A_570 = tpu.vector_load %arg6[%get3A_569] {strides = array<i32>} : memref<4096xi32, #tpu.memory_space<vmem>>, vector<16xi32>,
        %gather3A_571 = arith.constant 8192 : i32
        %gather3A_572 = tpu.memref_slice %arg7[%gather3A_571] : memref<32768xf32, #tpu.memory_space<vmem>> -> memref<1024xf32, #tpu.memory_space<vmem>>
        %gather3A_573 = tpu.vector_load_idx %gather3A_572[%get3A_570] : memref<1024xf32, #tpu.memory_space<vmem>>[vector<16xi32>], vector<16xf32>,
        %gather3A_574 = arith.constant 9216 : i32
        %gather3A_575 = tpu.memref_slice %arg7[%gather3A_574] : memref<32768xf32, #tpu.memory_space<vmem>> -> memref<1024xf32, #tpu.memory_space<vmem>>
        %gather3A_576 = tpu.vector_load_idx %gather3A_575[%get3A_570] : memref<1024xf32, #tpu.memory_space<vmem>>[vector<16xi32>], vector<16xf32>,
        %gather3A_577 = arith.constant 10240 : i32
        %gather3A_578 = tpu.memref_slice %arg7[%gather3A_577] : memref<32768xf32, #tpu.memory_space<vmem>> -> memref<1024xf32, #tpu.memory_space<vmem>>
        %gather3A_579 = tpu.vector_load_idx %gather3A_578[%get3A_570] : memref<1024xf32, #tpu.memory_space<vmem>>[vector<16xi32>], vector<16xf32>,
        %gather3A_580 = arith.constant 11264 : i32
        %gather3A_581 = tpu.memref_slice %arg7[%gather3A_580] : memref<32768xf32, #tpu.memory_space<vmem>> -> memref<1024xf32, #tpu.memory_space<vmem>>
        %gather3A_582 = tpu.vector_load_idx %gather3A_581[%get3A_570] : memref<1024xf32, #tpu.memory_space<vmem>>[vector<16xi32>], vector<16xf32>,
        %gather3A_583 = arith.constant 12288 : i32
        %gather3A_584 = tpu.memref_slice %arg7[%gather3A_583] : memref<32768xf32, #tpu.memory_space<vmem>> -> memref<1024xf32, #tpu.memory_space<vmem>>
        %gather3A_585 = tpu.vector_load_idx %gather3A_584[%get3A_570] : memref<1024xf32, #tpu.memory_space<vmem>>[vector<16xi32>], vector<16xf32>,
        %gather3A_586 = arith.constant 13312 : i32
        %gather3A_587 = tpu.memref_slice %arg7[%gather3A_586] : memref<32768xf32, #tpu.memory_space<vmem>> -> memref<1024xf32, #tpu.memory_space<vmem>>
        %gather3A_588 = tpu.vector_load_idx %gather3A_587[%get3A_570] : memref<1024xf32, #tpu.memory_space<vmem>>[vector<16xi32>], vector<16xf32>,
        %gather3A_589 = arith.constant 14336 : i32
        %gather3A_590 = tpu.memref_slice %arg7[%gather3A_589] : memref<32768xf32, #tpu.memory_space<vmem>> -> memref<1024xf32, #tpu.memory_space<vmem>>
        %gather3A_591 = tpu.vector_load_idx %gather3A_590[%get3A_570] : memref<1024xf32, #tpu.memory_space<vmem>>[vector<16xi32>], vector<16xf32>,
        %gather3A_592 = arith.constant 15360 : i32
        %gather3A_593 = tpu.memref_slice %arg7[%gather3A_592] : memref<32768xf32, #tpu.memory_space<vmem>> -> memref<1024xf32, #tpu.memory_space<vmem>>
        %gather3A_594 = tpu.vector_load_idx %gather3A_593[%get3A_570] : memref<1024xf32, #tpu.memory_space<vmem>>[vector<16xi32>], vector<16xf32>,
        %mul3A_595 = arith.constant 16 : i32
        %mul3A_596 = arith.muli %mul3A_595, %scan3A_566 : i32
        %swap3A_597 = arith.constant 0 : i32
        %swap3A_598 = arith.index_cast %swap3A_597 : i32 to index
        %swap3A_599 = arith.index_cast %mul3A_596 : i32 to index
        %swap3A_600 = tpu.vector_load %arg9[%swap3A_598, %swap3A_599] {strides = array<i32>} : memref<8x4096xf32, #tpu.memory_space<vmem>>, vector<16xf32>,
        tpu.vector_store %arg9[%swap3A_598, %swap3A_599], %gather3A_573 {strides = array<i32>} : memref<8x4096xf32, #tpu.memory_space<vmem>>, vector<16xf32>,
        %mul3A_601 = arith.constant 16 : i32
        %mul3A_602 = arith.muli %mul3A_601, %scan3A_566 : i32
        %swap3A_603 = arith.constant 1 : i32
        %swap3A_604 = arith.index_cast %swap3A_603 : i32 to index
        %swap3A_605 = arith.index_cast %mul3A_602 : i32 to index
        %swap3A_606 = tpu.vector_load %arg9[%swap3A_604, %swap3A_605] {strides = array<i32>} : memref<8x4096xf32, #tpu.memory_space<vmem>>, vector<16xf32>,
        tpu.vector_store %arg9[%swap3A_604, %swap3A_605], %gather3A_576 {strides = array<i32>} : memref<8x4096xf32, #tpu.memory_space<vmem>>, vector<16xf32>,
        %mul3A_607 = arith.constant 16 : i32
        %mul3A_608 = arith.muli %mul3A_607, %scan3A_566 : i32
        %swap3A_609 = arith.constant 2 : i32
        %swap3A_610 = arith.index_cast %swap3A_609 : i32 to index
        %swap3A_611 = arith.index_cast %mul3A_608 : i32 to index
        %swap3A_612 = tpu.vector_load %arg9[%swap3A_610, %swap3A_611] {strides = array<i32>} : memref<8x4096xf32, #tpu.memory_space<vmem>>, vector<16xf32>,
        tpu.vector_store %arg9[%swap3A_610, %swap3A_611], %gather3A_579 {strides = array<i32>} : memref<8x4096xf32, #tpu.memory_space<vmem>>, vector<16xf32>,
        %mul3A_613 = arith.constant 16 : i32
        %mul3A_614 = arith.muli %mul3A_613, %scan3A_566 : i32
        %swap3A_615 = arith.constant 3 : i32
        %swap3A_616 = arith.index_cast %swap3A_615 : i32 to index
        %swap3A_617 = arith.index_cast %mul3A_614 : i32 to index
        %swap3A_618 = tpu.vector_load %arg9[%swap3A_616, %swap3A_617] {strides = array<i32>} : memref<8x4096xf32, #tpu.memory_space<vmem>>, vector<16xf32>,
        tpu.vector_store %arg9[%swap3A_616, %swap3A_617], %gather3A_582 {strides = array<i32>} : memref<8x4096xf32, #tpu.memory_space<vmem>>, vector<16xf32>,
        %mul3A_619 = arith.constant 16 : i32
        %mul3A_620 = arith.muli %mul3A_619, %scan3A_566 : i32
        %swap3A_621 = arith.constant 4 : i32
        %swap3A_622 = arith.index_cast %swap3A_621 : i32 to index
        %swap3A_623 = arith.index_cast %mul3A_620 : i32 to index
        %swap3A_624 = tpu.vector_load %arg9[%swap3A_622, %swap3A_623] {strides = array<i32>} : memref<8x4096xf32, #tpu.memory_space<vmem>>, vector<16xf32>,
        tpu.vector_store %arg9[%swap3A_622, %swap3A_623], %gather3A_585 {strides = array<i32>} : memref<8x4096xf32, #tpu.memory_space<vmem>>, vector<16xf32>,
        %mul3A_625 = arith.constant 16 : i32
        %mul3A_626 = arith.muli %mul3A_625, %scan3A_566 : i32
        %swap3A_627 = arith.constant 5 : i32
        %swap3A_628 = arith.index_cast %swap3A_627 : i32 to index
        %swap3A_629 = arith.index_cast %mul3A_626 : i32 to index
        %swap3A_630 = tpu.vector_load %arg9[%swap3A_628, %swap3A_629] {strides = array<i32>} : memref<8x4096xf32, #tpu.memory_space<vmem>>, vector<16xf32>,
        tpu.vector_store %arg9[%swap3A_628, %swap3A_629], %gather3A_588 {strides = array<i32>} : memref<8x4096xf32, #tpu.memory_space<vmem>>, vector<16xf32>,
        %mul3A_631 = arith.constant 16 : i32
        %mul3A_632 = arith.muli %mul3A_631, %scan3A_566 : i32
        %swap3A_633 = arith.constant 6 : i32
        %swap3A_634 = arith.index_cast %swap3A_633 : i32 to index
        %swap3A_635 = arith.index_cast %mul3A_632 : i32 to index
        %swap3A_636 = tpu.vector_load %arg9[%swap3A_634, %swap3A_635] {strides = array<i32>} : memref<8x4096xf32, #tpu.memory_space<vmem>>, vector<16xf32>,
        tpu.vector_store %arg9[%swap3A_634, %swap3A_635], %gather3A_591 {strides = array<i32>} : memref<8x4096xf32, #tpu.memory_space<vmem>>, vector<16xf32>,
        %mul3A_637 = arith.constant 16 : i32
        %mul3A_638 = arith.muli %mul3A_637, %scan3A_566 : i32
        %swap3A_639 = arith.constant 7 : i32
        %swap3A_640 = arith.index_cast %swap3A_639 : i32 to index
        %swap3A_641 = arith.index_cast %mul3A_638 : i32 to index
        %swap3A_642 = tpu.vector_load %arg9[%swap3A_640, %swap3A_641] {strides = array<i32>} : memref<8x4096xf32, #tpu.memory_space<vmem>>, vector<16xf32>,
        tpu.vector_store %arg9[%swap3A_640, %swap3A_641], %gather3A_594 {strides = array<i32>} : memref<8x4096xf32, #tpu.memory_space<vmem>>, vector<16xf32>,
      }
      %scan3A_265 = arith.constant 256 : i32
      %add3A_266 = arith.constant 1 : i32
      %add3A_267 = arith.addi %min3A_19, %add3A_266 : i32
      %mul3A_268 = arith.constant 8 : i32
      %mul3A_269 = arith.muli %add3A_267, %mul3A_268 : i32
      %dma_start3A_270 = arith.constant 0 : i32
      %dma_start3A_271 = tpu.memref_slice %arg4[%add3A_214, %mul3A_269, %dma_start3A_270] : memref<20x1000x4096xf32, #tpu.memory_space<hbm>> -> memref<1x8x4096xf32, #tpu.memory_space<hbm>>
      %dma_start3A_272 = tpu.memref_squeeze %dma_start3A_271 : memref<1x8x4096xf32, #tpu.memory_space<hbm>> -> memref<8x4096xf32, #tpu.memory_space<hbm>>
      %dma_start3A_273 = arith.constant 0 : i32
      %dma_start3A_274 = tpu.memref_slice %arg4[%add3A_214, %mul3A_269, %dma_start3A_273] : memref<20x1000x4096xf32, #tpu.memory_space<hbm>> -> memref<1x8x4096xf32, #tpu.memory_space<hbm>>
      %dma_start3A_275 = tpu.memref_squeeze %dma_start3A_274 : memref<1x8x4096xf32, #tpu.memory_space<hbm>> -> memref<8x4096xf32, #tpu.memory_space<hbm>>
      tpu.enqueue_dma source(%arg9 : memref<8x4096xf32, #tpu.memory_space<vmem>>) target(%dma_start3A_275 : memref<8x4096xf32, #tpu.memory_space<hbm>>) target_semaphore(%arg13 : memref<!tpu.dma_semaphore, #tpu.memory_space<semaphore_mem>>)
      %add3A_276 = arith.constant 0 : i32
      %add3A_277 = arith.addi %min3A_19, %add3A_276 : i32
      %mul3A_278 = arith.constant 8 : i32
      %mul3A_279 = arith.muli %add3A_277, %mul3A_278 : i32
      %dma_wait3A_280 = arith.constant 0 : i32
      %dma_wait3A_281 = arith.constant 0 : i32
      %dma_wait3A_282 = tpu.memref_slice %arg4[%dma_wait3A_280, %mul3A_279, %dma_wait3A_281] : memref<20x1000x4096xf32, #tpu.memory_space<hbm>> -> memref<1x8x4096xf32, #tpu.memory_space<hbm>>
      %dma_wait3A_283 = tpu.memref_squeeze %dma_wait3A_282 : memref<1x8x4096xf32, #tpu.memory_space<hbm>> -> memref<8x4096xf32, #tpu.memory_space<hbm>>
      %dma_wait3A_284 = arith.constant 0 : i32
      %dma_wait3A_285 = tpu.memref_slice %arg4[%dma_wait3A_280, %mul3A_279, %dma_wait3A_284] : memref<20x1000x4096xf32, #tpu.memory_space<hbm>> -> memref<1x8x4096xf32, #tpu.memory_space<hbm>>
      %dma_wait3A_286 = tpu.memref_squeeze %dma_wait3A_285 : memref<1x8x4096xf32, #tpu.memory_space<hbm>> -> memref<8x4096xf32, #tpu.memory_space<hbm>>
      tpu.wait_dma2 semaphore(%arg12 : memref<!tpu.dma_semaphore, #tpu.memory_space<semaphore_mem>>) src(%arg8 : memref<8x4096xf32, #tpu.memory_space<vmem>>) dst(%dma_wait3A_286 : memref<8x4096xf32, #tpu.memory_space<hbm>>)
      %scan3A_287 = arith.constant 0 : i32
      %scan3A_288 = arith.constant 0 : i32
      %scan3A_289 = arith.constant 256 : i32
      %scan3A_290 = arith.addi %scan3A_288, %scan3A_289 : i32
      %scan3A_291 = arith.constant 4 : i32
      scf.for %scan3A_335 = %scan3A_288 to %scan3A_290 step %scan3A_291  : i32 {
        %mul3A_336 = arith.constant 16 : i32
        %mul3A_337 = arith.muli %mul3A_336, %scan3A_335 : i32
        %get3A = arith.index_cast %mul3A_337 : i32 to index
        %get3A_338 = tpu.vector_load %arg5[%get3A] {strides = array<i32>} : memref<4096xi32, #tpu.memory_space<vmem>>, vector<16xi32>,
        %gather3A = arith.constant 16384 : i32
        %gather3A_339 = tpu.memref_slice %arg7[%gather3A] : memref<32768xf32, #tpu.memory_space<vmem>> -> memref<1024xf32, #tpu.memory_space<vmem>>
        %gather3A_340 = tpu.vector_load_idx %gather3A_339[%get3A_338] : memref<1024xf32, #tpu.memory_space<vmem>>[vector<16xi32>], vector<16xf32>,
        %gather3A_341 = arith.constant 17408 : i32
        %gather3A_342 = tpu.memref_slice %arg7[%gather3A_341] : memref<32768xf32, #tpu.memory_space<vmem>> -> memref<1024xf32, #tpu.memory_space<vmem>>
        %gather3A_343 = tpu.vector_load_idx %gather3A_342[%get3A_338] : memref<1024xf32, #tpu.memory_space<vmem>>[vector<16xi32>], vector<16xf32>,
        %gather3A_344 = arith.constant 18432 : i32
        %gather3A_345 = tpu.memref_slice %arg7[%gather3A_344] : memref<32768xf32, #tpu.memory_space<vmem>> -> memref<1024xf32, #tpu.memory_space<vmem>>
        %gather3A_346 = tpu.vector_load_idx %gather3A_345[%get3A_338] : memref<1024xf32, #tpu.memory_space<vmem>>[vector<16xi32>], vector<16xf32>,
        %gather3A_347 = arith.constant 19456 : i32
        %gather3A_348 = tpu.memref_slice %arg7[%gather3A_347] : memref<32768xf32, #tpu.memory_space<vmem>> -> memref<1024xf32, #tpu.memory_space<vmem>>
        %gather3A_349 = tpu.vector_load_idx %gather3A_348[%get3A_338] : memref<1024xf32, #tpu.memory_space<vmem>>[vector<16xi32>], vector<16xf32>,
        %gather3A_350 = arith.constant 20480 : i32
        %gather3A_351 = tpu.memref_slice %arg7[%gather3A_350] : memref<32768xf32, #tpu.memory_space<vmem>> -> memref<1024xf32, #tpu.memory_space<vmem>>
        %gather3A_352 = tpu.vector_load_idx %gather3A_351[%get3A_338] : memref<1024xf32, #tpu.memory_space<vmem>>[vector<16xi32>], vector<16xf32>,
        %gather3A_353 = arith.constant 21504 : i32
        %gather3A_354 = tpu.memref_slice %arg7[%gather3A_353] : memref<32768xf32, #tpu.memory_space<vmem>> -> memref<1024xf32, #tpu.memory_space<vmem>>
        %gather3A_355 = tpu.vector_load_idx %gather3A_354[%get3A_338] : memref<1024xf32, #tpu.memory_space<vmem>>[vector<16xi32>], vector<16xf32>,
        %gather3A_356 = arith.constant 22528 : i32
        %gather3A_357 = tpu.memref_slice %arg7[%gather3A_356] : memref<32768xf32, #tpu.memory_space<vmem>> -> memref<1024xf32, #tpu.memory_space<vmem>>
        %gather3A_358 = tpu.vector_load_idx %gather3A_357[%get3A_338] : memref<1024xf32, #tpu.memory_space<vmem>>[vector<16xi32>], vector<16xf32>,
        %gather3A_359 = arith.constant 23552 : i32
        %gather3A_360 = tpu.memref_slice %arg7[%gather3A_359] : memref<32768xf32, #tpu.memory_space<vmem>> -> memref<1024xf32, #tpu.memory_space<vmem>>
        %gather3A_361 = tpu.vector_load_idx %gather3A_360[%get3A_338] : memref<1024xf32, #tpu.memory_space<vmem>>[vector<16xi32>], vector<16xf32>,
        %mul3A_362 = arith.constant 16 : i32
        %mul3A_363 = arith.muli %mul3A_362, %scan3A_335 : i32
        %swap3A = arith.constant 0 : i32
        %swap3A_364 = arith.index_cast %swap3A : i32 to index
        %swap3A_365 = arith.index_cast %mul3A_363 : i32 to index
        %swap3A_366 = tpu.vector_load %arg8[%swap3A_364, %swap3A_365] {strides = array<i32>} : memref<8x4096xf32, #tpu.memory_space<vmem>>, vector<16xf32>,
        tpu.vector_store %arg8[%swap3A_364, %swap3A_365], %gather3A_340 {strides = array<i32>} : memref<8x4096xf32, #tpu.memory_space<vmem>>, vector<16xf32>,
        %mul3A_367 = arith.constant 16 : i32
        %mul3A_368 = arith.muli %mul3A_367, %scan3A_335 : i32
        %swap3A_369 = arith.constant 1 : i32
        %swap3A_370 = arith.index_cast %swap3A_369 : i32 to index
        %swap3A_371 = arith.index_cast %mul3A_368 : i32 to index
        %swap3A_372 = tpu.vector_load %arg8[%swap3A_370, %swap3A_371] {strides = array<i32>} : memref<8x4096xf32, #tpu.memory_space<vmem>>, vector<16xf32>,
        tpu.vector_store %arg8[%swap3A_370, %swap3A_371], %gather3A_343 {strides = array<i32>} : memref<8x4096xf32, #tpu.memory_space<vmem>>, vector<16xf32>,
        %mul3A_373 = arith.constant 16 : i32
        %mul3A_374 = arith.muli %mul3A_373, %scan3A_335 : i32
        %swap3A_375 = arith.constant 2 : i32
        %swap3A_376 = arith.index_cast %swap3A_375 : i32 to index
        %swap3A_377 = arith.index_cast %mul3A_374 : i32 to index
        %swap3A_378 = tpu.vector_load %arg8[%swap3A_376, %swap3A_377] {strides = array<i32>} : memref<8x4096xf32, #tpu.memory_space<vmem>>, vector<16xf32>,
        tpu.vector_store %arg8[%swap3A_376, %swap3A_377], %gather3A_346 {strides = array<i32>} : memref<8x4096xf32, #tpu.memory_space<vmem>>, vector<16xf32>,
        %mul3A_379 = arith.constant 16 : i32
        %mul3A_380 = arith.muli %mul3A_379, %scan3A_335 : i32
        %swap3A_381 = arith.constant 3 : i32
        %swap3A_382 = arith.index_cast %swap3A_381 : i32 to index
        %swap3A_383 = arith.index_cast %mul3A_380 : i32 to index
        %swap3A_384 = tpu.vector_load %arg8[%swap3A_382, %swap3A_383] {strides = array<i32>} : memref<8x4096xf32, #tpu.memory_space<vmem>>, vector<16xf32>,
        tpu.vector_store %arg8[%swap3A_382, %swap3A_383], %gather3A_349 {strides = array<i32>} : memref<8x4096xf32, #tpu.memory_space<vmem>>, vector<16xf32>,
        %mul3A_385 = arith.constant 16 : i32
        %mul3A_386 = arith.muli %mul3A_385, %scan3A_335 : i32
        %swap3A_387 = arith.constant 4 : i32
        %swap3A_388 = arith.index_cast %swap3A_387 : i32 to index
        %swap3A_389 = arith.index_cast %mul3A_386 : i32 to index
        %swap3A_390 = tpu.vector_load %arg8[%swap3A_388, %swap3A_389] {strides = array<i32>} : memref<8x4096xf32, #tpu.memory_space<vmem>>, vector<16xf32>,
        tpu.vector_store %arg8[%swap3A_388, %swap3A_389], %gather3A_352 {strides = array<i32>} : memref<8x4096xf32, #tpu.memory_space<vmem>>, vector<16xf32>,
        %mul3A_391 = arith.constant 16 : i32
        %mul3A_392 = arith.muli %mul3A_391, %scan3A_335 : i32
        %swap3A_393 = arith.constant 5 : i32
        %swap3A_394 = arith.index_cast %swap3A_393 : i32 to index
        %swap3A_395 = arith.index_cast %mul3A_392 : i32 to index
        %swap3A_396 = tpu.vector_load %arg8[%swap3A_394, %swap3A_395] {strides = array<i32>} : memref<8x4096xf32, #tpu.memory_space<vmem>>, vector<16xf32>,
        tpu.vector_store %arg8[%swap3A_394, %swap3A_395], %gather3A_355 {strides = array<i32>} : memref<8x4096xf32, #tpu.memory_space<vmem>>, vector<16xf32>,
        %mul3A_397 = arith.constant 16 : i32
        %mul3A_398 = arith.muli %mul3A_397, %scan3A_335 : i32
        %swap3A_399 = arith.constant 6 : i32
        %swap3A_400 = arith.index_cast %swap3A_399 : i32 to index
        %swap3A_401 = arith.index_cast %mul3A_398 : i32 to index
        %swap3A_402 = tpu.vector_load %arg8[%swap3A_400, %swap3A_401] {strides = array<i32>} : memref<8x4096xf32, #tpu.memory_space<vmem>>, vector<16xf32>,
        tpu.vector_store %arg8[%swap3A_400, %swap3A_401], %gather3A_358 {strides = array<i32>} : memref<8x4096xf32, #tpu.memory_space<vmem>>, vector<16xf32>,
        %mul3A_403 = arith.constant 16 : i32
        %mul3A_404 = arith.muli %mul3A_403, %scan3A_335 : i32
        %swap3A_405 = arith.constant 7 : i32
        %swap3A_406 = arith.index_cast %swap3A_405 : i32 to index
        %swap3A_407 = arith.index_cast %mul3A_404 : i32 to index
        %swap3A_408 = tpu.vector_load %arg8[%swap3A_406, %swap3A_407] {strides = array<i32>} : memref<8x4096xf32, #tpu.memory_space<vmem>>, vector<16xf32>,
        tpu.vector_store %arg8[%swap3A_406, %swap3A_407], %gather3A_361 {strides = array<i32>} : memref<8x4096xf32, #tpu.memory_space<vmem>>, vector<16xf32>,
        %scan3A_409 = arith.constant 1 : i32
        %scan3A_410 = arith.addi %scan3A_335, %scan3A_409 : i32
        %mul3A_411 = arith.constant 16 : i32
        %mul3A_412 = arith.muli %mul3A_411, %scan3A_410 : i32
        %get3A_413 = arith.index_cast %mul3A_412 : i32 to index
        %get3A_414 = tpu.vector_load %arg5[%get3A_413] {strides = array<i32>} : memref<4096xi32, #tpu.memory_space<vmem>>, vector<16xi32>,
        %gather3A_415 = arith.constant 16384 : i32
        %gather3A_416 = tpu.memref_slice %arg7[%gather3A_415] : memref<32768xf32, #tpu.memory_space<vmem>> -> memref<1024xf32, #tpu.memory_space<vmem>>
        %gather3A_417 = tpu.vector_load_idx %gather3A_416[%get3A_414] : memref<1024xf32, #tpu.memory_space<vmem>>[vector<16xi32>], vector<16xf32>,
        %gather3A_418 = arith.constant 17408 : i32
        %gather3A_419 = tpu.memref_slice %arg7[%gather3A_418] : memref<32768xf32, #tpu.memory_space<vmem>> -> memref<1024xf32, #tpu.memory_space<vmem>>
        %gather3A_420 = tpu.vector_load_idx %gather3A_419[%get3A_414] : memref<1024xf32, #tpu.memory_space<vmem>>[vector<16xi32>], vector<16xf32>,
        %gather3A_421 = arith.constant 18432 : i32
        %gather3A_422 = tpu.memref_slice %arg7[%gather3A_421] : memref<32768xf32, #tpu.memory_space<vmem>> -> memref<1024xf32, #tpu.memory_space<vmem>>
        %gather3A_423 = tpu.vector_load_idx %gather3A_422[%get3A_414] : memref<1024xf32, #tpu.memory_space<vmem>>[vector<16xi32>], vector<16xf32>,
        %gather3A_424 = arith.constant 19456 : i32
        %gather3A_425 = tpu.memref_slice %arg7[%gather3A_424] : memref<32768xf32, #tpu.memory_space<vmem>> -> memref<1024xf32, #tpu.memory_space<vmem>>
        %gather3A_426 = tpu.vector_load_idx %gather3A_425[%get3A_414] : memref<1024xf32, #tpu.memory_space<vmem>>[vector<16xi32>], vector<16xf32>,
        %gather3A_427 = arith.constant 20480 : i32
        %gather3A_428 = tpu.memref_slice %arg7[%gather3A_427] : memref<32768xf32, #tpu.memory_space<vmem>> -> memref<1024xf32, #tpu.memory_space<vmem>>
        %gather3A_429 = tpu.vector_load_idx %gather3A_428[%get3A_414] : memref<1024xf32, #tpu.memory_space<vmem>>[vector<16xi32>], vector<16xf32>,
        %gather3A_430 = arith.constant 21504 : i32
        %gather3A_431 = tpu.memref_slice %arg7[%gather3A_430] : memref<32768xf32, #tpu.memory_space<vmem>> -> memref<1024xf32, #tpu.memory_space<vmem>>
        %gather3A_432 = tpu.vector_load_idx %gather3A_431[%get3A_414] : memref<1024xf32, #tpu.memory_space<vmem>>[vector<16xi32>], vector<16xf32>,
        %gather3A_433 = arith.constant 22528 : i32
        %gather3A_434 = tpu.memref_slice %arg7[%gather3A_433] : memref<32768xf32, #tpu.memory_space<vmem>> -> memref<1024xf32, #tpu.memory_space<vmem>>
        %gather3A_435 = tpu.vector_load_idx %gather3A_434[%get3A_414] : memref<1024xf32, #tpu.memory_space<vmem>>[vector<16xi32>], vector<16xf32>,
        %gather3A_436 = arith.constant 23552 : i32
        %gather3A_437 = tpu.memref_slice %arg7[%gather3A_436] : memref<32768xf32, #tpu.memory_space<vmem>> -> memref<1024xf32, #tpu.memory_space<vmem>>
        %gather3A_438 = tpu.vector_load_idx %gather3A_437[%get3A_414] : memref<1024xf32, #tpu.memory_space<vmem>>[vector<16xi32>], vector<16xf32>,
        %mul3A_439 = arith.constant 16 : i32
        %mul3A_440 = arith.muli %mul3A_439, %scan3A_410 : i32
        %swap3A_441 = arith.constant 0 : i32
        %swap3A_442 = arith.index_cast %swap3A_441 : i32 to index
        %swap3A_443 = arith.index_cast %mul3A_440 : i32 to index
        %swap3A_444 = tpu.vector_load %arg8[%swap3A_442, %swap3A_443] {strides = array<i32>} : memref<8x4096xf32, #tpu.memory_space<vmem>>, vector<16xf32>,
        tpu.vector_store %arg8[%swap3A_442, %swap3A_443], %gather3A_417 {strides = array<i32>} : memref<8x4096xf32, #tpu.memory_space<vmem>>, vector<16xf32>,
        %mul3A_445 = arith.constant 16 : i32
        %mul3A_446 = arith.muli %mul3A_445, %scan3A_410 : i32
        %swap3A_447 = arith.constant 1 : i32
        %swap3A_448 = arith.index_cast %swap3A_447 : i32 to index
        %swap3A_449 = arith.index_cast %mul3A_446 : i32 to index
        %swap3A_450 = tpu.vector_load %arg8[%swap3A_448, %swap3A_449] {strides = array<i32>} : memref<8x4096xf32, #tpu.memory_space<vmem>>, vector<16xf32>,
        tpu.vector_store %arg8[%swap3A_448, %swap3A_449], %gather3A_420 {strides = array<i32>} : memref<8x4096xf32, #tpu.memory_space<vmem>>, vector<16xf32>,
        %mul3A_451 = arith.constant 16 : i32
        %mul3A_452 = arith.muli %mul3A_451, %scan3A_410 : i32
        %swap3A_453 = arith.constant 2 : i32
        %swap3A_454 = arith.index_cast %swap3A_453 : i32 to index
        %swap3A_455 = arith.index_cast %mul3A_452 : i32 to index
        %swap3A_456 = tpu.vector_load %arg8[%swap3A_454, %swap3A_455] {strides = array<i32>} : memref<8x4096xf32, #tpu.memory_space<vmem>>, vector<16xf32>,
        tpu.vector_store %arg8[%swap3A_454, %swap3A_455], %gather3A_423 {strides = array<i32>} : memref<8x4096xf32, #tpu.memory_space<vmem>>, vector<16xf32>,
        %mul3A_457 = arith.constant 16 : i32
        %mul3A_458 = arith.muli %mul3A_457, %scan3A_410 : i32
        %swap3A_459 = arith.constant 3 : i32
        %swap3A_460 = arith.index_cast %swap3A_459 : i32 to index
        %swap3A_461 = arith.index_cast %mul3A_458 : i32 to index
        %swap3A_462 = tpu.vector_load %arg8[%swap3A_460, %swap3A_461] {strides = array<i32>} : memref<8x4096xf32, #tpu.memory_space<vmem>>, vector<16xf32>,
        tpu.vector_store %arg8[%swap3A_460, %swap3A_461], %gather3A_426 {strides = array<i32>} : memref<8x4096xf32, #tpu.memory_space<vmem>>, vector<16xf32>,
        %mul3A_463 = arith.constant 16 : i32
        %mul3A_464 = arith.muli %mul3A_463, %scan3A_410 : i32
        %swap3A_465 = arith.constant 4 : i32
        %swap3A_466 = arith.index_cast %swap3A_465 : i32 to index
        %swap3A_467 = arith.index_cast %mul3A_464 : i32 to index
        %swap3A_468 = tpu.vector_load %arg8[%swap3A_466, %swap3A_467] {strides = array<i32>} : memref<8x4096xf32, #tpu.memory_space<vmem>>, vector<16xf32>,
        tpu.vector_store %arg8[%swap3A_466, %swap3A_467], %gather3A_429 {strides = array<i32>} : memref<8x4096xf32, #tpu.memory_space<vmem>>, vector<16xf32>,
        %mul3A_469 = arith.constant 16 : i32
        %mul3A_470 = arith.muli %mul3A_469, %scan3A_410 : i32
        %swap3A_471 = arith.constant 5 : i32
        %swap3A_472 = arith.index_cast %swap3A_471 : i32 to index
        %swap3A_473 = arith.index_cast %mul3A_470 : i32 to index
        %swap3A_474 = tpu.vector_load %arg8[%swap3A_472, %swap3A_473] {strides = array<i32>} : memref<8x4096xf32, #tpu.memory_space<vmem>>, vector<16xf32>,
        tpu.vector_store %arg8[%swap3A_472, %swap3A_473], %gather3A_432 {strides = array<i32>} : memref<8x4096xf32, #tpu.memory_space<vmem>>, vector<16xf32>,
        %mul3A_475 = arith.constant 16 : i32
        %mul3A_476 = arith.muli %mul3A_475, %scan3A_410 : i32
        %swap3A_477 = arith.constant 6 : i32
        %swap3A_478 = arith.index_cast %swap3A_477 : i32 to index
        %swap3A_479 = arith.index_cast %mul3A_476 : i32 to index
        %swap3A_480 = tpu.vector_load %arg8[%swap3A_478, %swap3A_479] {strides = array<i32>} : memref<8x4096xf32, #tpu.memory_space<vmem>>, vector<16xf32>,
        tpu.vector_store %arg8[%swap3A_478, %swap3A_479], %gather3A_435 {strides = array<i32>} : memref<8x4096xf32, #tpu.memory_space<vmem>>, vector<16xf32>,
        %mul3A_481 = arith.constant 16 : i32
        %mul3A_482 = arith.muli %mul3A_481, %scan3A_410 : i32
        %swap3A_483 = arith.constant 7 : i32
        %swap3A_484 = arith.index_cast %swap3A_483 : i32 to index
        %swap3A_485 = arith.index_cast %mul3A_482 : i32 to index
        %swap3A_486 = tpu.vector_load %arg8[%swap3A_484, %swap3A_485] {strides = array<i32>} : memref<8x4096xf32, #tpu.memory_space<vmem>>, vector<16xf32>,
        tpu.vector_store %arg8[%swap3A_484, %swap3A_485], %gather3A_438 {strides = array<i32>} : memref<8x4096xf32, #tpu.memory_space<vmem>>, vector<16xf32>,
        %scan3A_487 = arith.constant 2 : i32
        %scan3A_488 = arith.addi %scan3A_335, %scan3A_487 : i32
        %mul3A_489 = arith.constant 16 : i32
        %mul3A_490 = arith.muli %mul3A_489, %scan3A_488 : i32
        %get3A_491 = arith.index_cast %mul3A_490 : i32 to index
        %get3A_492 = tpu.vector_load %arg5[%get3A_491] {strides = array<i32>} : memref<4096xi32, #tpu.memory_space<vmem>>, vector<16xi32>,
        %gather3A_493 = arith.constant 16384 : i32
        %gather3A_494 = tpu.memref_slice %arg7[%gather3A_493] : memref<32768xf32, #tpu.memory_space<vmem>> -> memref<1024xf32, #tpu.memory_space<vmem>>
        %gather3A_495 = tpu.vector_load_idx %gather3A_494[%get3A_492] : memref<1024xf32, #tpu.memory_space<vmem>>[vector<16xi32>], vector<16xf32>,
        %gather3A_496 = arith.constant 17408 : i32
        %gather3A_497 = tpu.memref_slice %arg7[%gather3A_496] : memref<32768xf32, #tpu.memory_space<vmem>> -> memref<1024xf32, #tpu.memory_space<vmem>>
        %gather3A_498 = tpu.vector_load_idx %gather3A_497[%get3A_492] : memref<1024xf32, #tpu.memory_space<vmem>>[vector<16xi32>], vector<16xf32>,
        %gather3A_499 = arith.constant 18432 : i32
        %gather3A_500 = tpu.memref_slice %arg7[%gather3A_499] : memref<32768xf32, #tpu.memory_space<vmem>> -> memref<1024xf32, #tpu.memory_space<vmem>>
        %gather3A_501 = tpu.vector_load_idx %gather3A_500[%get3A_492] : memref<1024xf32, #tpu.memory_space<vmem>>[vector<16xi32>], vector<16xf32>,
        %gather3A_502 = arith.constant 19456 : i32
        %gather3A_503 = tpu.memref_slice %arg7[%gather3A_502] : memref<32768xf32, #tpu.memory_space<vmem>> -> memref<1024xf32, #tpu.memory_space<vmem>>
        %gather3A_504 = tpu.vector_load_idx %gather3A_503[%get3A_492] : memref<1024xf32, #tpu.memory_space<vmem>>[vector<16xi32>], vector<16xf32>,
        %gather3A_505 = arith.constant 20480 : i32
        %gather3A_506 = tpu.memref_slice %arg7[%gather3A_505] : memref<32768xf32, #tpu.memory_space<vmem>> -> memref<1024xf32, #tpu.memory_space<vmem>>
        %gather3A_507 = tpu.vector_load_idx %gather3A_506[%get3A_492] : memref<1024xf32, #tpu.memory_space<vmem>>[vector<16xi32>], vector<16xf32>,
        %gather3A_508 = arith.constant 21504 : i32
        %gather3A_509 = tpu.memref_slice %arg7[%gather3A_508] : memref<32768xf32, #tpu.memory_space<vmem>> -> memref<1024xf32, #tpu.memory_space<vmem>>
        %gather3A_510 = tpu.vector_load_idx %gather3A_509[%get3A_492] : memref<1024xf32, #tpu.memory_space<vmem>>[vector<16xi32>], vector<16xf32>,
        %gather3A_511 = arith.constant 22528 : i32
        %gather3A_512 = tpu.memref_slice %arg7[%gather3A_511] : memref<32768xf32, #tpu.memory_space<vmem>> -> memref<1024xf32, #tpu.memory_space<vmem>>
        %gather3A_513 = tpu.vector_load_idx %gather3A_512[%get3A_492] : memref<1024xf32, #tpu.memory_space<vmem>>[vector<16xi32>], vector<16xf32>,
        %gather3A_514 = arith.constant 23552 : i32
        %gather3A_515 = tpu.memref_slice %arg7[%gather3A_514] : memref<32768xf32, #tpu.memory_space<vmem>> -> memref<1024xf32, #tpu.memory_space<vmem>>
        %gather3A_516 = tpu.vector_load_idx %gather3A_515[%get3A_492] : memref<1024xf32, #tpu.memory_space<vmem>>[vector<16xi32>], vector<16xf32>,
        %mul3A_517 = arith.constant 16 : i32
        %mul3A_518 = arith.muli %mul3A_517, %scan3A_488 : i32
        %swap3A_519 = arith.constant 0 : i32
        %swap3A_520 = arith.index_cast %swap3A_519 : i32 to index
        %swap3A_521 = arith.index_cast %mul3A_518 : i32 to index
        %swap3A_522 = tpu.vector_load %arg8[%swap3A_520, %swap3A_521] {strides = array<i32>} : memref<8x4096xf32, #tpu.memory_space<vmem>>, vector<16xf32>,
        tpu.vector_store %arg8[%swap3A_520, %swap3A_521], %gather3A_495 {strides = array<i32>} : memref<8x4096xf32, #tpu.memory_space<vmem>>, vector<16xf32>,
        %mul3A_523 = arith.constant 16 : i32
        %mul3A_524 = arith.muli %mul3A_523, %scan3A_488 : i32
        %swap3A_525 = arith.constant 1 : i32
        %swap3A_526 = arith.index_cast %swap3A_525 : i32 to index
        %swap3A_527 = arith.index_cast %mul3A_524 : i32 to index
        %swap3A_528 = tpu.vector_load %arg8[%swap3A_526, %swap3A_527] {strides = array<i32>} : memref<8x4096xf32, #tpu.memory_space<vmem>>, vector<16xf32>,
        tpu.vector_store %arg8[%swap3A_526, %swap3A_527], %gather3A_498 {strides = array<i32>} : memref<8x4096xf32, #tpu.memory_space<vmem>>, vector<16xf32>,
        %mul3A_529 = arith.constant 16 : i32
        %mul3A_530 = arith.muli %mul3A_529, %scan3A_488 : i32
        %swap3A_531 = arith.constant 2 : i32
        %swap3A_532 = arith.index_cast %swap3A_531 : i32 to index
        %swap3A_533 = arith.index_cast %mul3A_530 : i32 to index
        %swap3A_534 = tpu.vector_load %arg8[%swap3A_532, %swap3A_533] {strides = array<i32>} : memref<8x4096xf32, #tpu.memory_space<vmem>>, vector<16xf32>,
        tpu.vector_store %arg8[%swap3A_532, %swap3A_533], %gather3A_501 {strides = array<i32>} : memref<8x4096xf32, #tpu.memory_space<vmem>>, vector<16xf32>,
        %mul3A_535 = arith.constant 16 : i32
        %mul3A_536 = arith.muli %mul3A_535, %scan3A_488 : i32
        %swap3A_537 = arith.constant 3 : i32
        %swap3A_538 = arith.index_cast %swap3A_537 : i32 to index
        %swap3A_539 = arith.index_cast %mul3A_536 : i32 to index
        %swap3A_540 = tpu.vector_load %arg8[%swap3A_538, %swap3A_539] {strides = array<i32>} : memref<8x4096xf32, #tpu.memory_space<vmem>>, vector<16xf32>,
        tpu.vector_store %arg8[%swap3A_538, %swap3A_539], %gather3A_504 {strides = array<i32>} : memref<8x4096xf32, #tpu.memory_space<vmem>>, vector<16xf32>,
        %mul3A_541 = arith.constant 16 : i32
        %mul3A_542 = arith.muli %mul3A_541, %scan3A_488 : i32
        %swap3A_543 = arith.constant 4 : i32
        %swap3A_544 = arith.index_cast %swap3A_543 : i32 to index
        %swap3A_545 = arith.index_cast %mul3A_542 : i32 to index
        %swap3A_546 = tpu.vector_load %arg8[%swap3A_544, %swap3A_545] {strides = array<i32>} : memref<8x4096xf32, #tpu.memory_space<vmem>>, vector<16xf32>,
        tpu.vector_store %arg8[%swap3A_544, %swap3A_545], %gather3A_507 {strides = array<i32>} : memref<8x4096xf32, #tpu.memory_space<vmem>>, vector<16xf32>,
        %mul3A_547 = arith.constant 16 : i32
        %mul3A_548 = arith.muli %mul3A_547, %scan3A_488 : i32
        %swap3A_549 = arith.constant 5 : i32
        %swap3A_550 = arith.index_cast %swap3A_549 : i32 to index
        %swap3A_551 = arith.index_cast %mul3A_548 : i32 to index
        %swap3A_552 = tpu.vector_load %arg8[%swap3A_550, %swap3A_551] {strides = array<i32>} : memref<8x4096xf32, #tpu.memory_space<vmem>>, vector<16xf32>,
        tpu.vector_store %arg8[%swap3A_550, %swap3A_551], %gather3A_510 {strides = array<i32>} : memref<8x4096xf32, #tpu.memory_space<vmem>>, vector<16xf32>,
        %mul3A_553 = arith.constant 16 : i32
        %mul3A_554 = arith.muli %mul3A_553, %scan3A_488 : i32
        %swap3A_555 = arith.constant 6 : i32
        %swap3A_556 = arith.index_cast %swap3A_555 : i32 to index
        %swap3A_557 = arith.index_cast %mul3A_554 : i32 to index
        %swap3A_558 = tpu.vector_load %arg8[%swap3A_556, %swap3A_557] {strides = array<i32>} : memref<8x4096xf32, #tpu.memory_space<vmem>>, vector<16xf32>,
        tpu.vector_store %arg8[%swap3A_556, %swap3A_557], %gather3A_513 {strides = array<i32>} : memref<8x4096xf32, #tpu.memory_space<vmem>>, vector<16xf32>,
        %mul3A_559 = arith.constant 16 : i32
        %mul3A_560 = arith.muli %mul3A_559, %scan3A_488 : i32
        %swap3A_561 = arith.constant 7 : i32
        %swap3A_562 = arith.index_cast %swap3A_561 : i32 to index
        %swap3A_563 = arith.index_cast %mul3A_560 : i32 to index
        %swap3A_564 = tpu.vector_load %arg8[%swap3A_562, %swap3A_563] {strides = array<i32>} : memref<8x4096xf32, #tpu.memory_space<vmem>>, vector<16xf32>,
        tpu.vector_store %arg8[%swap3A_562, %swap3A_563], %gather3A_516 {strides = array<i32>} : memref<8x4096xf32, #tpu.memory_space<vmem>>, vector<16xf32>,
        %scan3A_565 = arith.constant 3 : i32
        %scan3A_566 = arith.addi %scan3A_335, %scan3A_565 : i32
        %mul3A_567 = arith.constant 16 : i32
        %mul3A_568 = arith.muli %mul3A_567, %scan3A_566 : i32
        %get3A_569 = arith.index_cast %mul3A_568 : i32 to index
        %get3A_570 = tpu.vector_load %arg5[%get3A_569] {strides = array<i32>} : memref<4096xi32, #tpu.memory_space<vmem>>, vector<16xi32>,
        %gather3A_571 = arith.constant 16384 : i32
        %gather3A_572 = tpu.memref_slice %arg7[%gather3A_571] : memref<32768xf32, #tpu.memory_space<vmem>> -> memref<1024xf32, #tpu.memory_space<vmem>>
        %gather3A_573 = tpu.vector_load_idx %gather3A_572[%get3A_570] : memref<1024xf32, #tpu.memory_space<vmem>>[vector<16xi32>], vector<16xf32>,
        %gather3A_574 = arith.constant 17408 : i32
        %gather3A_575 = tpu.memref_slice %arg7[%gather3A_574] : memref<32768xf32, #tpu.memory_space<vmem>> -> memref<1024xf32, #tpu.memory_space<vmem>>
        %gather3A_576 = tpu.vector_load_idx %gather3A_575[%get3A_570] : memref<1024xf32, #tpu.memory_space<vmem>>[vector<16xi32>], vector<16xf32>,
        %gather3A_577 = arith.constant 18432 : i32
        %gather3A_578 = tpu.memref_slice %arg7[%gather3A_577] : memref<32768xf32, #tpu.memory_space<vmem>> -> memref<1024xf32, #tpu.memory_space<vmem>>
        %gather3A_579 = tpu.vector_load_idx %gather3A_578[%get3A_570] : memref<1024xf32, #tpu.memory_space<vmem>>[vector<16xi32>], vector<16xf32>,
        %gather3A_580 = arith.constant 19456 : i32
        %gather3A_581 = tpu.memref_slice %arg7[%gather3A_580] : memref<32768xf32, #tpu.memory_space<vmem>> -> memref<1024xf32, #tpu.memory_space<vmem>>
        %gather3A_582 = tpu.vector_load_idx %gather3A_581[%get3A_570] : memref<1024xf32, #tpu.memory_space<vmem>>[vector<16xi32>], vector<16xf32>,
        %gather3A_583 = arith.constant 20480 : i32
        %gather3A_584 = tpu.memref_slice %arg7[%gather3A_583] : memref<32768xf32, #tpu.memory_space<vmem>> -> memref<1024xf32, #tpu.memory_space<vmem>>
        %gather3A_585 = tpu.vector_load_idx %gather3A_584[%get3A_570] : memref<1024xf32, #tpu.memory_space<vmem>>[vector<16xi32>], vector<16xf32>,
        %gather3A_586 = arith.constant 21504 : i32
        %gather3A_587 = tpu.memref_slice %arg7[%gather3A_586] : memref<32768xf32, #tpu.memory_space<vmem>> -> memref<1024xf32, #tpu.memory_space<vmem>>
        %gather3A_588 = tpu.vector_load_idx %gather3A_587[%get3A_570] : memref<1024xf32, #tpu.memory_space<vmem>>[vector<16xi32>], vector<16xf32>,
        %gather3A_589 = arith.constant 22528 : i32
        %gather3A_590 = tpu.memref_slice %arg7[%gather3A_589] : memref<32768xf32, #tpu.memory_space<vmem>> -> memref<1024xf32, #tpu.memory_space<vmem>>
        %gather3A_591 = tpu.vector_load_idx %gather3A_590[%get3A_570] : memref<1024xf32, #tpu.memory_space<vmem>>[vector<16xi32>], vector<16xf32>,
        %gather3A_592 = arith.constant 23552 : i32
        %gather3A_593 = tpu.memref_slice %arg7[%gather3A_592] : memref<32768xf32, #tpu.memory_space<vmem>> -> memref<1024xf32, #tpu.memory_space<vmem>>
        %gather3A_594 = tpu.vector_load_idx %gather3A_593[%get3A_570] : memref<1024xf32, #tpu.memory_space<vmem>>[vector<16xi32>], vector<16xf32>,
        %mul3A_595 = arith.constant 16 : i32
        %mul3A_596 = arith.muli %mul3A_595, %scan3A_566 : i32
        %swap3A_597 = arith.constant 0 : i32
        %swap3A_598 = arith.index_cast %swap3A_597 : i32 to index
        %swap3A_599 = arith.index_cast %mul3A_596 : i32 to index
        %swap3A_600 = tpu.vector_load %arg8[%swap3A_598, %swap3A_599] {strides = array<i32>} : memref<8x4096xf32, #tpu.memory_space<vmem>>, vector<16xf32>,
        tpu.vector_store %arg8[%swap3A_598, %swap3A_599], %gather3A_573 {strides = array<i32>} : memref<8x4096xf32, #tpu.memory_space<vmem>>, vector<16xf32>,
        %mul3A_601 = arith.constant 16 : i32
        %mul3A_602 = arith.muli %mul3A_601, %scan3A_566 : i32
        %swap3A_603 = arith.constant 1 : i32
        %swap3A_604 = arith.index_cast %swap3A_603 : i32 to index
        %swap3A_605 = arith.index_cast %mul3A_602 : i32 to index
        %swap3A_606 = tpu.vector_load %arg8[%swap3A_604, %swap3A_605] {strides = array<i32>} : memref<8x4096xf32, #tpu.memory_space<vmem>>, vector<16xf32>,
        tpu.vector_store %arg8[%swap3A_604, %swap3A_605], %gather3A_576 {strides = array<i32>} : memref<8x4096xf32, #tpu.memory_space<vmem>>, vector<16xf32>,
        %mul3A_607 = arith.constant 16 : i32
        %mul3A_608 = arith.muli %mul3A_607, %scan3A_566 : i32
        %swap3A_609 = arith.constant 2 : i32
        %swap3A_610 = arith.index_cast %swap3A_609 : i32 to index
        %swap3A_611 = arith.index_cast %mul3A_608 : i32 to index
        %swap3A_612 = tpu.vector_load %arg8[%swap3A_610, %swap3A_611] {strides = array<i32>} : memref<8x4096xf32, #tpu.memory_space<vmem>>, vector<16xf32>,
        tpu.vector_store %arg8[%swap3A_610, %swap3A_611], %gather3A_579 {strides = array<i32>} : memref<8x4096xf32, #tpu.memory_space<vmem>>, vector<16xf32>,
        %mul3A_613 = arith.constant 16 : i32
        %mul3A_614 = arith.muli %mul3A_613, %scan3A_566 : i32
        %swap3A_615 = arith.constant 3 : i32
        %swap3A_616 = arith.index_cast %swap3A_615 : i32 to index
        %swap3A_617 = arith.index_cast %mul3A_614 : i32 to index
        %swap3A_618 = tpu.vector_load %arg8[%swap3A_616, %swap3A_617] {strides = array<i32>} : memref<8x4096xf32, #tpu.memory_space<vmem>>, vector<16xf32>,
        tpu.vector_store %arg8[%swap3A_616, %swap3A_617], %gather3A_582 {strides = array<i32>} : memref<8x4096xf32, #tpu.memory_space<vmem>>, vector<16xf32>,
        %mul3A_619 = arith.constant 16 : i32
        %mul3A_620 = arith.muli %mul3A_619, %scan3A_566 : i32
        %swap3A_621 = arith.constant 4 : i32
        %swap3A_622 = arith.index_cast %swap3A_621 : i32 to index
        %swap3A_623 = arith.index_cast %mul3A_620 : i32 to index
        %swap3A_624 = tpu.vector_load %arg8[%swap3A_622, %swap3A_623] {strides = array<i32>} : memref<8x4096xf32, #tpu.memory_space<vmem>>, vector<16xf32>,
        tpu.vector_store %arg8[%swap3A_622, %swap3A_623], %gather3A_585 {strides = array<i32>} : memref<8x4096xf32, #tpu.memory_space<vmem>>, vector<16xf32>,
        %mul3A_625 = arith.constant 16 : i32
        %mul3A_626 = arith.muli %mul3A_625, %scan3A_566 : i32
        %swap3A_627 = arith.constant 5 : i32
        %swap3A_628 = arith.index_cast %swap3A_627 : i32 to index
        %swap3A_629 = arith.index_cast %mul3A_626 : i32 to index
        %swap3A_630 = tpu.vector_load %arg8[%swap3A_628, %swap3A_629] {strides = array<i32>} : memref<8x4096xf32, #tpu.memory_space<vmem>>, vector<16xf32>,
        tpu.vector_store %arg8[%swap3A_628, %swap3A_629], %gather3A_588 {strides = array<i32>} : memref<8x4096xf32, #tpu.memory_space<vmem>>, vector<16xf32>,
        %mul3A_631 = arith.constant 16 : i32
        %mul3A_632 = arith.muli %mul3A_631, %scan3A_566 : i32
        %swap3A_633 = arith.constant 6 : i32
        %swap3A_634 = arith.index_cast %swap3A_633 : i32 to index
        %swap3A_635 = arith.index_cast %mul3A_632 : i32 to index
        %swap3A_636 = tpu.vector_load %arg8[%swap3A_634, %swap3A_635] {strides = array<i32>} : memref<8x4096xf32, #tpu.memory_space<vmem>>, vector<16xf32>,
        tpu.vector_store %arg8[%swap3A_634, %swap3A_635], %gather3A_591 {strides = array<i32>} : memref<8x4096xf32, #tpu.memory_space<vmem>>, vector<16xf32>,
        %mul3A_637 = arith.constant 16 : i32
        %mul3A_638 = arith.muli %mul3A_637, %scan3A_566 : i32
        %swap3A_639 = arith.constant 7 : i32
        %swap3A_640 = arith.index_cast %swap3A_639 : i32 to index
        %swap3A_641 = arith.index_cast %mul3A_638 : i32 to index
        %swap3A_642 = tpu.vector_load %arg8[%swap3A_640, %swap3A_641] {strides = array<i32>} : memref<8x4096xf32, #tpu.memory_space<vmem>>, vector<16xf32>,
        tpu.vector_store %arg8[%swap3A_640, %swap3A_641], %gather3A_594 {strides = array<i32>} : memref<8x4096xf32, #tpu.memory_space<vmem>>, vector<16xf32>,
      }
      %scan3A_292 = arith.constant 256 : i32
      %add3A_293 = arith.constant 2 : i32
      %add3A_294 = arith.addi %min3A_19, %add3A_293 : i32
      %mul3A_295 = arith.constant 8 : i32
      %mul3A_296 = arith.muli %add3A_294, %mul3A_295 : i32
      %dma_start3A_297 = arith.constant 0 : i32
      %dma_start3A_298 = tpu.memref_slice %arg4[%add3A_214, %mul3A_296, %dma_start3A_297] : memref<20x1000x4096xf32, #tpu.memory_space<hbm>> -> memref<1x8x4096xf32, #tpu.memory_space<hbm>>
      %dma_start3A_299 = tpu.memref_squeeze %dma_start3A_298 : memref<1x8x4096xf32, #tpu.memory_space<hbm>> -> memref<8x4096xf32, #tpu.memory_space<hbm>>
      %dma_start3A_300 = arith.constant 0 : i32
      %dma_start3A_301 = tpu.memref_slice %arg4[%add3A_214, %mul3A_296, %dma_start3A_300] : memref<20x1000x4096xf32, #tpu.memory_space<hbm>> -> memref<1x8x4096xf32, #tpu.memory_space<hbm>>
      %dma_start3A_302 = tpu.memref_squeeze %dma_start3A_301 : memref<1x8x4096xf32, #tpu.memory_space<hbm>> -> memref<8x4096xf32, #tpu.memory_space<hbm>>
      tpu.enqueue_dma source(%arg8 : memref<8x4096xf32, #tpu.memory_space<vmem>>) target(%dma_start3A_302 : memref<8x4096xf32, #tpu.memory_space<hbm>>) target_semaphore(%arg12 : memref<!tpu.dma_semaphore, #tpu.memory_space<semaphore_mem>>)
      %add3A_303 = arith.constant 0 : i32
      %add3A_304 = arith.addi %min3A_19, %add3A_303 : i32
      %mul3A_305 = arith.constant 8 : i32
      %mul3A_306 = arith.muli %add3A_304, %mul3A_305 : i32
      %dma_wait3A_307 = arith.constant 0 : i32
      %dma_wait3A_308 = arith.constant 0 : i32
      %dma_wait3A_309 = tpu.memref_slice %arg4[%dma_wait3A_307, %mul3A_306, %dma_wait3A_308] : memref<20x1000x4096xf32, #tpu.memory_space<hbm>> -> memref<1x8x4096xf32, #tpu.memory_space<hbm>>
      %dma_wait3A_310 = tpu.memref_squeeze %dma_wait3A_309 : memref<1x8x4096xf32, #tpu.memory_space<hbm>> -> memref<8x4096xf32, #tpu.memory_space<hbm>>
      %dma_wait3A_311 = arith.constant 0 : i32
      %dma_wait3A_312 = tpu.memref_slice %arg4[%dma_wait3A_307, %mul3A_306, %dma_wait3A_311] : memref<20x1000x4096xf32, #tpu.memory_space<hbm>> -> memref<1x8x4096xf32, #tpu.memory_space<hbm>>
      %dma_wait3A_313 = tpu.memref_squeeze %dma_wait3A_312 : memref<1x8x4096xf32, #tpu.memory_space<hbm>> -> memref<8x4096xf32, #tpu.memory_space<hbm>>
      tpu.wait_dma2 semaphore(%arg13 : memref<!tpu.dma_semaphore, #tpu.memory_space<semaphore_mem>>) src(%arg9 : memref<8x4096xf32, #tpu.memory_space<vmem>>) dst(%dma_wait3A_313 : memref<8x4096xf32, #tpu.memory_space<hbm>>)
      %scan3A_314 = arith.constant 0 : i32
      %scan3A_315 = arith.constant 0 : i32
      %scan3A_316 = arith.constant 256 : i32
      %scan3A_317 = arith.addi %scan3A_315, %scan3A_316 : i32
      %scan3A_318 = arith.constant 4 : i32
      scf.for %scan3A_335 = %scan3A_315 to %scan3A_317 step %scan3A_318  : i32 {
        %mul3A_336 = arith.constant 16 : i32
        %mul3A_337 = arith.muli %mul3A_336, %scan3A_335 : i32
        %get3A = arith.index_cast %mul3A_337 : i32 to index
        %get3A_338 = tpu.vector_load %arg6[%get3A] {strides = array<i32>} : memref<4096xi32, #tpu.memory_space<vmem>>, vector<16xi32>,
        %gather3A = arith.constant 24576 : i32
        %gather3A_339 = tpu.memref_slice %arg7[%gather3A] : memref<32768xf32, #tpu.memory_space<vmem>> -> memref<1024xf32, #tpu.memory_space<vmem>>
        %gather3A_340 = tpu.vector_load_idx %gather3A_339[%get3A_338] : memref<1024xf32, #tpu.memory_space<vmem>>[vector<16xi32>], vector<16xf32>,
        %gather3A_341 = arith.constant 25600 : i32
        %gather3A_342 = tpu.memref_slice %arg7[%gather3A_341] : memref<32768xf32, #tpu.memory_space<vmem>> -> memref<1024xf32, #tpu.memory_space<vmem>>
        %gather3A_343 = tpu.vector_load_idx %gather3A_342[%get3A_338] : memref<1024xf32, #tpu.memory_space<vmem>>[vector<16xi32>], vector<16xf32>,
        %gather3A_344 = arith.constant 26624 : i32
        %gather3A_345 = tpu.memref_slice %arg7[%gather3A_344] : memref<32768xf32, #tpu.memory_space<vmem>> -> memref<1024xf32, #tpu.memory_space<vmem>>
        %gather3A_346 = tpu.vector_load_idx %gather3A_345[%get3A_338] : memref<1024xf32, #tpu.memory_space<vmem>>[vector<16xi32>], vector<16xf32>,
        %gather3A_347 = arith.constant 27648 : i32
        %gather3A_348 = tpu.memref_slice %arg7[%gather3A_347] : memref<32768xf32, #tpu.memory_space<vmem>> -> memref<1024xf32, #tpu.memory_space<vmem>>
        %gather3A_349 = tpu.vector_load_idx %gather3A_348[%get3A_338] : memref<1024xf32, #tpu.memory_space<vmem>>[vector<16xi32>], vector<16xf32>,
        %gather3A_350 = arith.constant 28672 : i32
        %gather3A_351 = tpu.memref_slice %arg7[%gather3A_350] : memref<32768xf32, #tpu.memory_space<vmem>> -> memref<1024xf32, #tpu.memory_space<vmem>>
        %gather3A_352 = tpu.vector_load_idx %gather3A_351[%get3A_338] : memref<1024xf32, #tpu.memory_space<vmem>>[vector<16xi32>], vector<16xf32>,
        %gather3A_353 = arith.constant 29696 : i32
        %gather3A_354 = tpu.memref_slice %arg7[%gather3A_353] : memref<32768xf32, #tpu.memory_space<vmem>> -> memref<1024xf32, #tpu.memory_space<vmem>>
        %gather3A_355 = tpu.vector_load_idx %gather3A_354[%get3A_338] : memref<1024xf32, #tpu.memory_space<vmem>>[vector<16xi32>], vector<16xf32>,
        %gather3A_356 = arith.constant 30720 : i32
        %gather3A_357 = tpu.memref_slice %arg7[%gather3A_356] : memref<32768xf32, #tpu.memory_space<vmem>> -> memref<1024xf32, #tpu.memory_space<vmem>>
        %gather3A_358 = tpu.vector_load_idx %gather3A_357[%get3A_338] : memref<1024xf32, #tpu.memory_space<vmem>>[vector<16xi32>], vector<16xf32>,
        %gather3A_359 = arith.constant 31744 : i32
        %gather3A_360 = tpu.memref_slice %arg7[%gather3A_359] : memref<32768xf32, #tpu.memory_space<vmem>> -> memref<1024xf32, #tpu.memory_space<vmem>>
        %gather3A_361 = tpu.vector_load_idx %gather3A_360[%get3A_338] : memref<1024xf32, #tpu.memory_space<vmem>>[vector<16xi32>], vector<16xf32>,
        %mul3A_362 = arith.constant 16 : i32
        %mul3A_363 = arith.muli %mul3A_362, %scan3A_335 : i32
        %swap3A = arith.constant 0 : i32
        %swap3A_364 = arith.index_cast %swap3A : i32 to index
        %swap3A_365 = arith.index_cast %mul3A_363 : i32 to index
        %swap3A_366 = tpu.vector_load %arg9[%swap3A_364, %swap3A_365] {strides = array<i32>} : memref<8x4096xf32, #tpu.memory_space<vmem>>, vector<16xf32>,
        tpu.vector_store %arg9[%swap3A_364, %swap3A_365], %gather3A_340 {strides = array<i32>} : memref<8x4096xf32, #tpu.memory_space<vmem>>, vector<16xf32>,
        %mul3A_367 = arith.constant 16 : i32
        %mul3A_368 = arith.muli %mul3A_367, %scan3A_335 : i32
        %swap3A_369 = arith.constant 1 : i32
        %swap3A_370 = arith.index_cast %swap3A_369 : i32 to index
        %swap3A_371 = arith.index_cast %mul3A_368 : i32 to index
        %swap3A_372 = tpu.vector_load %arg9[%swap3A_370, %swap3A_371] {strides = array<i32>} : memref<8x4096xf32, #tpu.memory_space<vmem>>, vector<16xf32>,
        tpu.vector_store %arg9[%swap3A_370, %swap3A_371], %gather3A_343 {strides = array<i32>} : memref<8x4096xf32, #tpu.memory_space<vmem>>, vector<16xf32>,
        %mul3A_373 = arith.constant 16 : i32
        %mul3A_374 = arith.muli %mul3A_373, %scan3A_335 : i32
        %swap3A_375 = arith.constant 2 : i32
        %swap3A_376 = arith.index_cast %swap3A_375 : i32 to index
        %swap3A_377 = arith.index_cast %mul3A_374 : i32 to index
        %swap3A_378 = tpu.vector_load %arg9[%swap3A_376, %swap3A_377] {strides = array<i32>} : memref<8x4096xf32, #tpu.memory_space<vmem>>, vector<16xf32>,
        tpu.vector_store %arg9[%swap3A_376, %swap3A_377], %gather3A_346 {strides = array<i32>} : memref<8x4096xf32, #tpu.memory_space<vmem>>, vector<16xf32>,
        %mul3A_379 = arith.constant 16 : i32
        %mul3A_380 = arith.muli %mul3A_379, %scan3A_335 : i32
        %swap3A_381 = arith.constant 3 : i32
        %swap3A_382 = arith.index_cast %swap3A_381 : i32 to index
        %swap3A_383 = arith.index_cast %mul3A_380 : i32 to index
        %swap3A_384 = tpu.vector_load %arg9[%swap3A_382, %swap3A_383] {strides = array<i32>} : memref<8x4096xf32, #tpu.memory_space<vmem>>, vector<16xf32>,
        tpu.vector_store %arg9[%swap3A_382, %swap3A_383], %gather3A_349 {strides = array<i32>} : memref<8x4096xf32, #tpu.memory_space<vmem>>, vector<16xf32>,
        %mul3A_385 = arith.constant 16 : i32
        %mul3A_386 = arith.muli %mul3A_385, %scan3A_335 : i32
        %swap3A_387 = arith.constant 4 : i32
        %swap3A_388 = arith.index_cast %swap3A_387 : i32 to index
        %swap3A_389 = arith.index_cast %mul3A_386 : i32 to index
        %swap3A_390 = tpu.vector_load %arg9[%swap3A_388, %swap3A_389] {strides = array<i32>} : memref<8x4096xf32, #tpu.memory_space<vmem>>, vector<16xf32>,
        tpu.vector_store %arg9[%swap3A_388, %swap3A_389], %gather3A_352 {strides = array<i32>} : memref<8x4096xf32, #tpu.memory_space<vmem>>, vector<16xf32>,
        %mul3A_391 = arith.constant 16 : i32
        %mul3A_392 = arith.muli %mul3A_391, %scan3A_335 : i32
        %swap3A_393 = arith.constant 5 : i32
        %swap3A_394 = arith.index_cast %swap3A_393 : i32 to index
        %swap3A_395 = arith.index_cast %mul3A_392 : i32 to index
        %swap3A_396 = tpu.vector_load %arg9[%swap3A_394, %swap3A_395] {strides = array<i32>} : memref<8x4096xf32, #tpu.memory_space<vmem>>, vector<16xf32>,
        tpu.vector_store %arg9[%swap3A_394, %swap3A_395], %gather3A_355 {strides = array<i32>} : memref<8x4096xf32, #tpu.memory_space<vmem>>, vector<16xf32>,
        %mul3A_397 = arith.constant 16 : i32
        %mul3A_398 = arith.muli %mul3A_397, %scan3A_335 : i32
        %swap3A_399 = arith.constant 6 : i32
        %swap3A_400 = arith.index_cast %swap3A_399 : i32 to index
        %swap3A_401 = arith.index_cast %mul3A_398 : i32 to index
        %swap3A_402 = tpu.vector_load %arg9[%swap3A_400, %swap3A_401] {strides = array<i32>} : memref<8x4096xf32, #tpu.memory_space<vmem>>, vector<16xf32>,
        tpu.vector_store %arg9[%swap3A_400, %swap3A_401], %gather3A_358 {strides = array<i32>} : memref<8x4096xf32, #tpu.memory_space<vmem>>, vector<16xf32>,
        %mul3A_403 = arith.constant 16 : i32
        %mul3A_404 = arith.muli %mul3A_403, %scan3A_335 : i32
        %swap3A_405 = arith.constant 7 : i32
        %swap3A_406 = arith.index_cast %swap3A_405 : i32 to index
        %swap3A_407 = arith.index_cast %mul3A_404 : i32 to index
        %swap3A_408 = tpu.vector_load %arg9[%swap3A_406, %swap3A_407] {strides = array<i32>} : memref<8x4096xf32, #tpu.memory_space<vmem>>, vector<16xf32>,
        tpu.vector_store %arg9[%swap3A_406, %swap3A_407], %gather3A_361 {strides = array<i32>} : memref<8x4096xf32, #tpu.memory_space<vmem>>, vector<16xf32>,
        %scan3A_409 = arith.constant 1 : i32
        %scan3A_410 = arith.addi %scan3A_335, %scan3A_409 : i32
        %mul3A_411 = arith.constant 16 : i32
        %mul3A_412 = arith.muli %mul3A_411, %scan3A_410 : i32
        %get3A_413 = arith.index_cast %mul3A_412 : i32 to index
        %get3A_414 = tpu.vector_load %arg6[%get3A_413] {strides = array<i32>} : memref<4096xi32, #tpu.memory_space<vmem>>, vector<16xi32>,
        %gather3A_415 = arith.constant 24576 : i32
        %gather3A_416 = tpu.memref_slice %arg7[%gather3A_415] : memref<32768xf32, #tpu.memory_space<vmem>> -> memref<1024xf32, #tpu.memory_space<vmem>>
        %gather3A_417 = tpu.vector_load_idx %gather3A_416[%get3A_414] : memref<1024xf32, #tpu.memory_space<vmem>>[vector<16xi32>], vector<16xf32>,
        %gather3A_418 = arith.constant 25600 : i32
        %gather3A_419 = tpu.memref_slice %arg7[%gather3A_418] : memref<32768xf32, #tpu.memory_space<vmem>> -> memref<1024xf32, #tpu.memory_space<vmem>>
        %gather3A_420 = tpu.vector_load_idx %gather3A_419[%get3A_414] : memref<1024xf32, #tpu.memory_space<vmem>>[vector<16xi32>], vector<16xf32>,
        %gather3A_421 = arith.constant 26624 : i32
        %gather3A_422 = tpu.memref_slice %arg7[%gather3A_421] : memref<32768xf32, #tpu.memory_space<vmem>> -> memref<1024xf32, #tpu.memory_space<vmem>>
        %gather3A_423 = tpu.vector_load_idx %gather3A_422[%get3A_414] : memref<1024xf32, #tpu.memory_space<vmem>>[vector<16xi32>], vector<16xf32>,
        %gather3A_424 = arith.constant 27648 : i32
        %gather3A_425 = tpu.memref_slice %arg7[%gather3A_424] : memref<32768xf32, #tpu.memory_space<vmem>> -> memref<1024xf32, #tpu.memory_space<vmem>>
        %gather3A_426 = tpu.vector_load_idx %gather3A_425[%get3A_414] : memref<1024xf32, #tpu.memory_space<vmem>>[vector<16xi32>], vector<16xf32>,
        %gather3A_427 = arith.constant 28672 : i32
        %gather3A_428 = tpu.memref_slice %arg7[%gather3A_427] : memref<32768xf32, #tpu.memory_space<vmem>> -> memref<1024xf32, #tpu.memory_space<vmem>>
        %gather3A_429 = tpu.vector_load_idx %gather3A_428[%get3A_414] : memref<1024xf32, #tpu.memory_space<vmem>>[vector<16xi32>], vector<16xf32>,
        %gather3A_430 = arith.constant 29696 : i32
        %gather3A_431 = tpu.memref_slice %arg7[%gather3A_430] : memref<32768xf32, #tpu.memory_space<vmem>> -> memref<1024xf32, #tpu.memory_space<vmem>>
        %gather3A_432 = tpu.vector_load_idx %gather3A_431[%get3A_414] : memref<1024xf32, #tpu.memory_space<vmem>>[vector<16xi32>], vector<16xf32>,
        %gather3A_433 = arith.constant 30720 : i32
        %gather3A_434 = tpu.memref_slice %arg7[%gather3A_433] : memref<32768xf32, #tpu.memory_space<vmem>> -> memref<1024xf32, #tpu.memory_space<vmem>>
        %gather3A_435 = tpu.vector_load_idx %gather3A_434[%get3A_414] : memref<1024xf32, #tpu.memory_space<vmem>>[vector<16xi32>], vector<16xf32>,
        %gather3A_436 = arith.constant 31744 : i32
        %gather3A_437 = tpu.memref_slice %arg7[%gather3A_436] : memref<32768xf32, #tpu.memory_space<vmem>> -> memref<1024xf32, #tpu.memory_space<vmem>>
        %gather3A_438 = tpu.vector_load_idx %gather3A_437[%get3A_414] : memref<1024xf32, #tpu.memory_space<vmem>>[vector<16xi32>], vector<16xf32>,
        %mul3A_439 = arith.constant 16 : i32
        %mul3A_440 = arith.muli %mul3A_439, %scan3A_410 : i32
        %swap3A_441 = arith.constant 0 : i32
        %swap3A_442 = arith.index_cast %swap3A_441 : i32 to index
        %swap3A_443 = arith.index_cast %mul3A_440 : i32 to index
        %swap3A_444 = tpu.vector_load %arg9[%swap3A_442, %swap3A_443] {strides = array<i32>} : memref<8x4096xf32, #tpu.memory_space<vmem>>, vector<16xf32>,
        tpu.vector_store %arg9[%swap3A_442, %swap3A_443], %gather3A_417 {strides = array<i32>} : memref<8x4096xf32, #tpu.memory_space<vmem>>, vector<16xf32>,
        %mul3A_445 = arith.constant 16 : i32
        %mul3A_446 = arith.muli %mul3A_445, %scan3A_410 : i32
        %swap3A_447 = arith.constant 1 : i32
        %swap3A_448 = arith.index_cast %swap3A_447 : i32 to index
        %swap3A_449 = arith.index_cast %mul3A_446 : i32 to index
        %swap3A_450 = tpu.vector_load %arg9[%swap3A_448, %swap3A_449] {strides = array<i32>} : memref<8x4096xf32, #tpu.memory_space<vmem>>, vector<16xf32>,
        tpu.vector_store %arg9[%swap3A_448, %swap3A_449], %gather3A_420 {strides = array<i32>} : memref<8x4096xf32, #tpu.memory_space<vmem>>, vector<16xf32>,
        %mul3A_451 = arith.constant 16 : i32
        %mul3A_452 = arith.muli %mul3A_451, %scan3A_410 : i32
        %swap3A_453 = arith.constant 2 : i32
        %swap3A_454 = arith.index_cast %swap3A_453 : i32 to index
        %swap3A_455 = arith.index_cast %mul3A_452 : i32 to index
        %swap3A_456 = tpu.vector_load %arg9[%swap3A_454, %swap3A_455] {strides = array<i32>} : memref<8x4096xf32, #tpu.memory_space<vmem>>, vector<16xf32>,
        tpu.vector_store %arg9[%swap3A_454, %swap3A_455], %gather3A_423 {strides = array<i32>} : memref<8x4096xf32, #tpu.memory_space<vmem>>, vector<16xf32>,
        %mul3A_457 = arith.constant 16 : i32
        %mul3A_458 = arith.muli %mul3A_457, %scan3A_410 : i32
        %swap3A_459 = arith.constant 3 : i32
        %swap3A_460 = arith.index_cast %swap3A_459 : i32 to index
        %swap3A_461 = arith.index_cast %mul3A_458 : i32 to index
        %swap3A_462 = tpu.vector_load %arg9[%swap3A_460, %swap3A_461] {strides = array<i32>} : memref<8x4096xf32, #tpu.memory_space<vmem>>, vector<16xf32>,
        tpu.vector_store %arg9[%swap3A_460, %swap3A_461], %gather3A_426 {strides = array<i32>} : memref<8x4096xf32, #tpu.memory_space<vmem>>, vector<16xf32>,
        %mul3A_463 = arith.constant 16 : i32
        %mul3A_464 = arith.muli %mul3A_463, %scan3A_410 : i32
        %swap3A_465 = arith.constant 4 : i32
        %swap3A_466 = arith.index_cast %swap3A_465 : i32 to index
        %swap3A_467 = arith.index_cast %mul3A_464 : i32 to index
        %swap3A_468 = tpu.vector_load %arg9[%swap3A_466, %swap3A_467] {strides = array<i32>} : memref<8x4096xf32, #tpu.memory_space<vmem>>, vector<16xf32>,
        tpu.vector_store %arg9[%swap3A_466, %swap3A_467], %gather3A_429 {strides = array<i32>} : memref<8x4096xf32, #tpu.memory_space<vmem>>, vector<16xf32>,
        %mul3A_469 = arith.constant 16 : i32
        %mul3A_470 = arith.muli %mul3A_469, %scan3A_410 : i32
        %swap3A_471 = arith.constant 5 : i32
        %swap3A_472 = arith.index_cast %swap3A_471 : i32 to index
        %swap3A_473 = arith.index_cast %mul3A_470 : i32 to index
        %swap3A_474 = tpu.vector_load %arg9[%swap3A_472, %swap3A_473] {strides = array<i32>} : memref<8x4096xf32, #tpu.memory_space<vmem>>, vector<16xf32>,
        tpu.vector_store %arg9[%swap3A_472, %swap3A_473], %gather3A_432 {strides = array<i32>} : memref<8x4096xf32, #tpu.memory_space<vmem>>, vector<16xf32>,
        %mul3A_475 = arith.constant 16 : i32
        %mul3A_476 = arith.muli %mul3A_475, %scan3A_410 : i32
        %swap3A_477 = arith.constant 6 : i32
        %swap3A_478 = arith.index_cast %swap3A_477 : i32 to index
        %swap3A_479 = arith.index_cast %mul3A_476 : i32 to index
        %swap3A_480 = tpu.vector_load %arg9[%swap3A_478, %swap3A_479] {strides = array<i32>} : memref<8x4096xf32, #tpu.memory_space<vmem>>, vector<16xf32>,
        tpu.vector_store %arg9[%swap3A_478, %swap3A_479], %gather3A_435 {strides = array<i32>} : memref<8x4096xf32, #tpu.memory_space<vmem>>, vector<16xf32>,
        %mul3A_481 = arith.constant 16 : i32
        %mul3A_482 = arith.muli %mul3A_481, %scan3A_410 : i32
        %swap3A_483 = arith.constant 7 : i32
        %swap3A_484 = arith.index_cast %swap3A_483 : i32 to index
        %swap3A_485 = arith.index_cast %mul3A_482 : i32 to index
        %swap3A_486 = tpu.vector_load %arg9[%swap3A_484, %swap3A_485] {strides = array<i32>} : memref<8x4096xf32, #tpu.memory_space<vmem>>, vector<16xf32>,
        tpu.vector_store %arg9[%swap3A_484, %swap3A_485], %gather3A_438 {strides = array<i32>} : memref<8x4096xf32, #tpu.memory_space<vmem>>, vector<16xf32>,
        %scan3A_487 = arith.constant 2 : i32
        %scan3A_488 = arith.addi %scan3A_335, %scan3A_487 : i32
        %mul3A_489 = arith.constant 16 : i32
        %mul3A_490 = arith.muli %mul3A_489, %scan3A_488 : i32
        %get3A_491 = arith.index_cast %mul3A_490 : i32 to index
        %get3A_492 = tpu.vector_load %arg6[%get3A_491] {strides = array<i32>} : memref<4096xi32, #tpu.memory_space<vmem>>, vector<16xi32>,
        %gather3A_493 = arith.constant 24576 : i32
        %gather3A_494 = tpu.memref_slice %arg7[%gather3A_493] : memref<32768xf32, #tpu.memory_space<vmem>> -> memref<1024xf32, #tpu.memory_space<vmem>>
        %gather3A_495 = tpu.vector_load_idx %gather3A_494[%get3A_492] : memref<1024xf32, #tpu.memory_space<vmem>>[vector<16xi32>], vector<16xf32>,
        %gather3A_496 = arith.constant 25600 : i32
        %gather3A_497 = tpu.memref_slice %arg7[%gather3A_496] : memref<32768xf32, #tpu.memory_space<vmem>> -> memref<1024xf32, #tpu.memory_space<vmem>>
        %gather3A_498 = tpu.vector_load_idx %gather3A_497[%get3A_492] : memref<1024xf32, #tpu.memory_space<vmem>>[vector<16xi32>], vector<16xf32>,
        %gather3A_499 = arith.constant 26624 : i32
        %gather3A_500 = tpu.memref_slice %arg7[%gather3A_499] : memref<32768xf32, #tpu.memory_space<vmem>> -> memref<1024xf32, #tpu.memory_space<vmem>>
        %gather3A_501 = tpu.vector_load_idx %gather3A_500[%get3A_492] : memref<1024xf32, #tpu.memory_space<vmem>>[vector<16xi32>], vector<16xf32>,
        %gather3A_502 = arith.constant 27648 : i32
        %gather3A_503 = tpu.memref_slice %arg7[%gather3A_502] : memref<32768xf32, #tpu.memory_space<vmem>> -> memref<1024xf32, #tpu.memory_space<vmem>>
        %gather3A_504 = tpu.vector_load_idx %gather3A_503[%get3A_492] : memref<1024xf32, #tpu.memory_space<vmem>>[vector<16xi32>], vector<16xf32>,
        %gather3A_505 = arith.constant 28672 : i32
        %gather3A_506 = tpu.memref_slice %arg7[%gather3A_505] : memref<32768xf32, #tpu.memory_space<vmem>> -> memref<1024xf32, #tpu.memory_space<vmem>>
        %gather3A_507 = tpu.vector_load_idx %gather3A_506[%get3A_492] : memref<1024xf32, #tpu.memory_space<vmem>>[vector<16xi32>], vector<16xf32>,
        %gather3A_508 = arith.constant 29696 : i32
        %gather3A_509 = tpu.memref_slice %arg7[%gather3A_508] : memref<32768xf32, #tpu.memory_space<vmem>> -> memref<1024xf32, #tpu.memory_space<vmem>>
        %gather3A_510 = tpu.vector_load_idx %gather3A_509[%get3A_492] : memref<1024xf32, #tpu.memory_space<vmem>>[vector<16xi32>], vector<16xf32>,
        %gather3A_511 = arith.constant 30720 : i32
        %gather3A_512 = tpu.memref_slice %arg7[%gather3A_511] : memref<32768xf32, #tpu.memory_space<vmem>> -> memref<1024xf32, #tpu.memory_space<vmem>>
        %gather3A_513 = tpu.vector_load_idx %gather3A_512[%get3A_492] : memref<1024xf32, #tpu.memory_space<vmem>>[vector<16xi32>], vector<16xf32>,
        %gather3A_514 = arith.constant 31744 : i32
        %gather3A_515 = tpu.memref_slice %arg7[%gather3A_514] : memref<32768xf32, #tpu.memory_space<vmem>> -> memref<1024xf32, #tpu.memory_space<vmem>>
        %gather3A_516 = tpu.vector_load_idx %gather3A_515[%get3A_492] : memref<1024xf32, #tpu.memory_space<vmem>>[vector<16xi32>], vector<16xf32>,
        %mul3A_517 = arith.constant 16 : i32
        %mul3A_518 = arith.muli %mul3A_517, %scan3A_488 : i32
        %swap3A_519 = arith.constant 0 : i32
        %swap3A_520 = arith.index_cast %swap3A_519 : i32 to index
        %swap3A_521 = arith.index_cast %mul3A_518 : i32 to index
        %swap3A_522 = tpu.vector_load %arg9[%swap3A_520, %swap3A_521] {strides = array<i32>} : memref<8x4096xf32, #tpu.memory_space<vmem>>, vector<16xf32>,
        tpu.vector_store %arg9[%swap3A_520, %swap3A_521], %gather3A_495 {strides = array<i32>} : memref<8x4096xf32, #tpu.memory_space<vmem>>, vector<16xf32>,
        %mul3A_523 = arith.constant 16 : i32
        %mul3A_524 = arith.muli %mul3A_523, %scan3A_488 : i32
        %swap3A_525 = arith.constant 1 : i32
        %swap3A_526 = arith.index_cast %swap3A_525 : i32 to index
        %swap3A_527 = arith.index_cast %mul3A_524 : i32 to index
        %swap3A_528 = tpu.vector_load %arg9[%swap3A_526, %swap3A_527] {strides = array<i32>} : memref<8x4096xf32, #tpu.memory_space<vmem>>, vector<16xf32>,
        tpu.vector_store %arg9[%swap3A_526, %swap3A_527], %gather3A_498 {strides = array<i32>} : memref<8x4096xf32, #tpu.memory_space<vmem>>, vector<16xf32>,
        %mul3A_529 = arith.constant 16 : i32
        %mul3A_530 = arith.muli %mul3A_529, %scan3A_488 : i32
        %swap3A_531 = arith.constant 2 : i32
        %swap3A_532 = arith.index_cast %swap3A_531 : i32 to index
        %swap3A_533 = arith.index_cast %mul3A_530 : i32 to index
        %swap3A_534 = tpu.vector_load %arg9[%swap3A_532, %swap3A_533] {strides = array<i32>} : memref<8x4096xf32, #tpu.memory_space<vmem>>, vector<16xf32>,
        tpu.vector_store %arg9[%swap3A_532, %swap3A_533], %gather3A_501 {strides = array<i32>} : memref<8x4096xf32, #tpu.memory_space<vmem>>, vector<16xf32>,
        %mul3A_535 = arith.constant 16 : i32
        %mul3A_536 = arith.muli %mul3A_535, %scan3A_488 : i32
        %swap3A_537 = arith.constant 3 : i32
        %swap3A_538 = arith.index_cast %swap3A_537 : i32 to index
        %swap3A_539 = arith.index_cast %mul3A_536 : i32 to index
        %swap3A_540 = tpu.vector_load %arg9[%swap3A_538, %swap3A_539] {strides = array<i32>} : memref<8x4096xf32, #tpu.memory_space<vmem>>, vector<16xf32>,
        tpu.vector_store %arg9[%swap3A_538, %swap3A_539], %gather3A_504 {strides = array<i32>} : memref<8x4096xf32, #tpu.memory_space<vmem>>, vector<16xf32>,
        %mul3A_541 = arith.constant 16 : i32
        %mul3A_542 = arith.muli %mul3A_541, %scan3A_488 : i32
        %swap3A_543 = arith.constant 4 : i32
        %swap3A_544 = arith.index_cast %swap3A_543 : i32 to index
        %swap3A_545 = arith.index_cast %mul3A_542 : i32 to index
        %swap3A_546 = tpu.vector_load %arg9[%swap3A_544, %swap3A_545] {strides = array<i32>} : memref<8x4096xf32, #tpu.memory_space<vmem>>, vector<16xf32>,
        tpu.vector_store %arg9[%swap3A_544, %swap3A_545], %gather3A_507 {strides = array<i32>} : memref<8x4096xf32, #tpu.memory_space<vmem>>, vector<16xf32>,
        %mul3A_547 = arith.constant 16 : i32
        %mul3A_548 = arith.muli %mul3A_547, %scan3A_488 : i32
        %swap3A_549 = arith.constant 5 : i32
        %swap3A_550 = arith.index_cast %swap3A_549 : i32 to index
        %swap3A_551 = arith.index_cast %mul3A_548 : i32 to index
        %swap3A_552 = tpu.vector_load %arg9[%swap3A_550, %swap3A_551] {strides = array<i32>} : memref<8x4096xf32, #tpu.memory_space<vmem>>, vector<16xf32>,
        tpu.vector_store %arg9[%swap3A_550, %swap3A_551], %gather3A_510 {strides = array<i32>} : memref<8x4096xf32, #tpu.memory_space<vmem>>, vector<16xf32>,
        %mul3A_553 = arith.constant 16 : i32
        %mul3A_554 = arith.muli %mul3A_553, %scan3A_488 : i32
        %swap3A_555 = arith.constant 6 : i32
        %swap3A_556 = arith.index_cast %swap3A_555 : i32 to index
        %swap3A_557 = arith.index_cast %mul3A_554 : i32 to index
        %swap3A_558 = tpu.vector_load %arg9[%swap3A_556, %swap3A_557] {strides = array<i32>} : memref<8x4096xf32, #tpu.memory_space<vmem>>, vector<16xf32>,
        tpu.vector_store %arg9[%swap3A_556, %swap3A_557], %gather3A_513 {strides = array<i32>} : memref<8x4096xf32, #tpu.memory_space<vmem>>, vector<16xf32>,
        %mul3A_559 = arith.constant 16 : i32
        %mul3A_560 = arith.muli %mul3A_559, %scan3A_488 : i32
        %swap3A_561 = arith.constant 7 : i32
        %swap3A_562 = arith.index_cast %swap3A_561 : i32 to index
        %swap3A_563 = arith.index_cast %mul3A_560 : i32 to index
        %swap3A_564 = tpu.vector_load %arg9[%swap3A_562, %swap3A_563] {strides = array<i32>} : memref<8x4096xf32, #tpu.memory_space<vmem>>, vector<16xf32>,
        tpu.vector_store %arg9[%swap3A_562, %swap3A_563], %gather3A_516 {strides = array<i32>} : memref<8x4096xf32, #tpu.memory_space<vmem>>, vector<16xf32>,
        %scan3A_565 = arith.constant 3 : i32
        %scan3A_566 = arith.addi %scan3A_335, %scan3A_565 : i32
        %mul3A_567 = arith.constant 16 : i32
        %mul3A_568 = arith.muli %mul3A_567, %scan3A_566 : i32
        %get3A_569 = arith.index_cast %mul3A_568 : i32 to index
        %get3A_570 = tpu.vector_load %arg6[%get3A_569] {strides = array<i32>} : memref<4096xi32, #tpu.memory_space<vmem>>, vector<16xi32>,
        %gather3A_571 = arith.constant 24576 : i32
        %gather3A_572 = tpu.memref_slice %arg7[%gather3A_571] : memref<32768xf32, #tpu.memory_space<vmem>> -> memref<1024xf32, #tpu.memory_space<vmem>>
        %gather3A_573 = tpu.vector_load_idx %gather3A_572[%get3A_570] : memref<1024xf32, #tpu.memory_space<vmem>>[vector<16xi32>], vector<16xf32>,
        %gather3A_574 = arith.constant 25600 : i32
        %gather3A_575 = tpu.memref_slice %arg7[%gather3A_574] : memref<32768xf32, #tpu.memory_space<vmem>> -> memref<1024xf32, #tpu.memory_space<vmem>>
        %gather3A_576 = tpu.vector_load_idx %gather3A_575[%get3A_570] : memref<1024xf32, #tpu.memory_space<vmem>>[vector<16xi32>], vector<16xf32>,
        %gather3A_577 = arith.constant 26624 : i32
        %gather3A_578 = tpu.memref_slice %arg7[%gather3A_577] : memref<32768xf32, #tpu.memory_space<vmem>> -> memref<1024xf32, #tpu.memory_space<vmem>>
        %gather3A_579 = tpu.vector_load_idx %gather3A_578[%get3A_570] : memref<1024xf32, #tpu.memory_space<vmem>>[vector<16xi32>], vector<16xf32>,
        %gather3A_580 = arith.constant 27648 : i32
        %gather3A_581 = tpu.memref_slice %arg7[%gather3A_580] : memref<32768xf32, #tpu.memory_space<vmem>> -> memref<1024xf32, #tpu.memory_space<vmem>>
        %gather3A_582 = tpu.vector_load_idx %gather3A_581[%get3A_570] : memref<1024xf32, #tpu.memory_space<vmem>>[vector<16xi32>], vector<16xf32>,
        %gather3A_583 = arith.constant 28672 : i32
        %gather3A_584 = tpu.memref_slice %arg7[%gather3A_583] : memref<32768xf32, #tpu.memory_space<vmem>> -> memref<1024xf32, #tpu.memory_space<vmem>>
        %gather3A_585 = tpu.vector_load_idx %gather3A_584[%get3A_570] : memref<1024xf32, #tpu.memory_space<vmem>>[vector<16xi32>], vector<16xf32>,
        %gather3A_586 = arith.constant 29696 : i32
        %gather3A_587 = tpu.memref_slice %arg7[%gather3A_586] : memref<32768xf32, #tpu.memory_space<vmem>> -> memref<1024xf32, #tpu.memory_space<vmem>>
        %gather3A_588 = tpu.vector_load_idx %gather3A_587[%get3A_570] : memref<1024xf32, #tpu.memory_space<vmem>>[vector<16xi32>], vector<16xf32>,
        %gather3A_589 = arith.constant 30720 : i32
        %gather3A_590 = tpu.memref_slice %arg7[%gather3A_589] : memref<32768xf32, #tpu.memory_space<vmem>> -> memref<1024xf32, #tpu.memory_space<vmem>>
        %gather3A_591 = tpu.vector_load_idx %gather3A_590[%get3A_570] : memref<1024xf32, #tpu.memory_space<vmem>>[vector<16xi32>], vector<16xf32>,
        %gather3A_592 = arith.constant 31744 : i32
        %gather3A_593 = tpu.memref_slice %arg7[%gather3A_592] : memref<32768xf32, #tpu.memory_space<vmem>> -> memref<1024xf32, #tpu.memory_space<vmem>>
        %gather3A_594 = tpu.vector_load_idx %gather3A_593[%get3A_570] : memref<1024xf32, #tpu.memory_space<vmem>>[vector<16xi32>], vector<16xf32>,
        %mul3A_595 = arith.constant 16 : i32
        %mul3A_596 = arith.muli %mul3A_595, %scan3A_566 : i32
        %swap3A_597 = arith.constant 0 : i32
        %swap3A_598 = arith.index_cast %swap3A_597 : i32 to index
        %swap3A_599 = arith.index_cast %mul3A_596 : i32 to index
        %swap3A_600 = tpu.vector_load %arg9[%swap3A_598, %swap3A_599] {strides = array<i32>} : memref<8x4096xf32, #tpu.memory_space<vmem>>, vector<16xf32>,
        tpu.vector_store %arg9[%swap3A_598, %swap3A_599], %gather3A_573 {strides = array<i32>} : memref<8x4096xf32, #tpu.memory_space<vmem>>, vector<16xf32>,
        %mul3A_601 = arith.constant 16 : i32
        %mul3A_602 = arith.muli %mul3A_601, %scan3A_566 : i32
        %swap3A_603 = arith.constant 1 : i32
        %swap3A_604 = arith.index_cast %swap3A_603 : i32 to index
        %swap3A_605 = arith.index_cast %mul3A_602 : i32 to index
        %swap3A_606 = tpu.vector_load %arg9[%swap3A_604, %swap3A_605] {strides = array<i32>} : memref<8x4096xf32, #tpu.memory_space<vmem>>, vector<16xf32>,
        tpu.vector_store %arg9[%swap3A_604, %swap3A_605], %gather3A_576 {strides = array<i32>} : memref<8x4096xf32, #tpu.memory_space<vmem>>, vector<16xf32>,
        %mul3A_607 = arith.constant 16 : i32
        %mul3A_608 = arith.muli %mul3A_607, %scan3A_566 : i32
        %swap3A_609 = arith.constant 2 : i32
        %swap3A_610 = arith.index_cast %swap3A_609 : i32 to index
        %swap3A_611 = arith.index_cast %mul3A_608 : i32 to index
        %swap3A_612 = tpu.vector_load %arg9[%swap3A_610, %swap3A_611] {strides = array<i32>} : memref<8x4096xf32, #tpu.memory_space<vmem>>, vector<16xf32>,
        tpu.vector_store %arg9[%swap3A_610, %swap3A_611], %gather3A_579 {strides = array<i32>} : memref<8x4096xf32, #tpu.memory_space<vmem>>, vector<16xf32>,
        %mul3A_613 = arith.constant 16 : i32
        %mul3A_614 = arith.muli %mul3A_613, %scan3A_566 : i32
        %swap3A_615 = arith.constant 3 : i32
        %swap3A_616 = arith.index_cast %swap3A_615 : i32 to index
        %swap3A_617 = arith.index_cast %mul3A_614 : i32 to index
        %swap3A_618 = tpu.vector_load %arg9[%swap3A_616, %swap3A_617] {strides = array<i32>} : memref<8x4096xf32, #tpu.memory_space<vmem>>, vector<16xf32>,
        tpu.vector_store %arg9[%swap3A_616, %swap3A_617], %gather3A_582 {strides = array<i32>} : memref<8x4096xf32, #tpu.memory_space<vmem>>, vector<16xf32>,
        %mul3A_619 = arith.constant 16 : i32
        %mul3A_620 = arith.muli %mul3A_619, %scan3A_566 : i32
        %swap3A_621 = arith.constant 4 : i32
        %swap3A_622 = arith.index_cast %swap3A_621 : i32 to index
        %swap3A_623 = arith.index_cast %mul3A_620 : i32 to index
        %swap3A_624 = tpu.vector_load %arg9[%swap3A_622, %swap3A_623] {strides = array<i32>} : memref<8x4096xf32, #tpu.memory_space<vmem>>, vector<16xf32>,
        tpu.vector_store %arg9[%swap3A_622, %swap3A_623], %gather3A_585 {strides = array<i32>} : memref<8x4096xf32, #tpu.memory_space<vmem>>, vector<16xf32>,
        %mul3A_625 = arith.constant 16 : i32
        %mul3A_626 = arith.muli %mul3A_625, %scan3A_566 : i32
        %swap3A_627 = arith.constant 5 : i32
        %swap3A_628 = arith.index_cast %swap3A_627 : i32 to index
        %swap3A_629 = arith.index_cast %mul3A_626 : i32 to index
        %swap3A_630 = tpu.vector_load %arg9[%swap3A_628, %swap3A_629] {strides = array<i32>} : memref<8x4096xf32, #tpu.memory_space<vmem>>, vector<16xf32>,
        tpu.vector_store %arg9[%swap3A_628, %swap3A_629], %gather3A_588 {strides = array<i32>} : memref<8x4096xf32, #tpu.memory_space<vmem>>, vector<16xf32>,
        %mul3A_631 = arith.constant 16 : i32
        %mul3A_632 = arith.muli %mul3A_631, %scan3A_566 : i32
        %swap3A_633 = arith.constant 6 : i32
        %swap3A_634 = arith.index_cast %swap3A_633 : i32 to index
        %swap3A_635 = arith.index_cast %mul3A_632 : i32 to index
        %swap3A_636 = tpu.vector_load %arg9[%swap3A_634, %swap3A_635] {strides = array<i32>} : memref<8x4096xf32, #tpu.memory_space<vmem>>, vector<16xf32>,
        tpu.vector_store %arg9[%swap3A_634, %swap3A_635], %gather3A_591 {strides = array<i32>} : memref<8x4096xf32, #tpu.memory_space<vmem>>, vector<16xf32>,
        %mul3A_637 = arith.constant 16 : i32
        %mul3A_638 = arith.muli %mul3A_637, %scan3A_566 : i32
        %swap3A_639 = arith.constant 7 : i32
        %swap3A_640 = arith.index_cast %swap3A_639 : i32 to index
        %swap3A_641 = arith.index_cast %mul3A_638 : i32 to index
        %swap3A_642 = tpu.vector_load %arg9[%swap3A_640, %swap3A_641] {strides = array<i32>} : memref<8x4096xf32, #tpu.memory_space<vmem>>, vector<16xf32>,
        tpu.vector_store %arg9[%swap3A_640, %swap3A_641], %gather3A_594 {strides = array<i32>} : memref<8x4096xf32, #tpu.memory_space<vmem>>, vector<16xf32>,
      }
      %scan3A_319 = arith.constant 256 : i32
      %add3A_320 = arith.constant 3 : i32
      %add3A_321 = arith.addi %min3A_19, %add3A_320 : i32
      %mul3A_322 = arith.constant 8 : i32
      %mul3A_323 = arith.muli %add3A_321, %mul3A_322 : i32
      %dma_start3A_324 = arith.constant 0 : i32
      %dma_start3A_325 = tpu.memref_slice %arg4[%add3A_214, %mul3A_323, %dma_start3A_324] : memref<20x1000x4096xf32, #tpu.memory_space<hbm>> -> memref<1x8x4096xf32, #tpu.memory_space<hbm>>
      %dma_start3A_326 = tpu.memref_squeeze %dma_start3A_325 : memref<1x8x4096xf32, #tpu.memory_space<hbm>> -> memref<8x4096xf32, #tpu.memory_space<hbm>>
      %dma_start3A_327 = arith.constant 0 : i32
      %dma_start3A_328 = tpu.memref_slice %arg4[%add3A_214, %mul3A_323, %dma_start3A_327] : memref<20x1000x4096xf32, #tpu.memory_space<hbm>> -> memref<1x8x4096xf32, #tpu.memory_space<hbm>>
      %dma_start3A_329 = tpu.memref_squeeze %dma_start3A_328 : memref<1x8x4096xf32, #tpu.memory_space<hbm>> -> memref<8x4096xf32, #tpu.memory_space<hbm>>
      tpu.enqueue_dma source(%arg9 : memref<8x4096xf32, #tpu.memory_space<vmem>>) target(%dma_start3A_329 : memref<8x4096xf32, #tpu.memory_space<hbm>>) target_semaphore(%arg13 : memref<!tpu.dma_semaphore, #tpu.memory_space<semaphore_mem>>)
      %lt3A_330 = arith.constant 9 : i32
      %lt3A_331 = arith.cmpi slt, %scan3A_89, %lt3A_330 : i32
      %convert_element_type3A_332 = arith.extui %lt3A_331 : i1 to i32
      %cond3A_333 = arith.constant 0 : i32
      %cond3A_334 = arith.cmpi ne, %convert_element_type3A_332, %cond3A_333 : i32
      scf.if %cond3A_334 {
        %add3A_335 = arith.constant 2 : i32
        %add3A_336 = arith.addi %add3A_214, %add3A_335 : i32
        %dma_start3A_337 = arith.constant 0 : i32
        %dma_start3A_338 = tpu.memref_slice %arg2[%add3A_336, %dma_start3A_337] : memref<20x4096xi32, #tpu.memory_space<hbm>> -> memref<1x4096xi32, #tpu.memory_space<hbm>>
        %dma_start3A_339 = tpu.memref_squeeze %dma_start3A_338 : memref<1x4096xi32, #tpu.memory_space<hbm>> -> memref<4096xi32, #tpu.memory_space<hbm>>
        %dma_start3A_340 = arith.constant 0 : i32
        %dma_start3A_341 = tpu.memref_slice %arg2[%add3A_336, %dma_start3A_340] : memref<20x4096xi32, #tpu.memory_space<hbm>> -> memref<1x4096xi32, #tpu.memory_space<hbm>>
        %dma_start3A_342 = tpu.memref_squeeze %dma_start3A_341 : memref<1x4096xi32, #tpu.memory_space<hbm>> -> memref<4096xi32, #tpu.memory_space<hbm>>
        tpu.enqueue_dma source(%dma_start3A_342 : memref<4096xi32, #tpu.memory_space<hbm>>) target(%arg6 : memref<4096xi32, #tpu.memory_space<vmem>>) target_semaphore(%arg11 : memref<!tpu.dma_semaphore, #tpu.memory_space<semaphore_mem>>)
      } else {
      }
    }
    %scan3A_66 = arith.constant 10 : i32
    %add3A_67 = arith.constant 0 : i32
    %add3A_68 = arith.addi %min3A_19, %add3A_67 : i32
    %mul3A_69 = arith.constant 8 : i32
    %mul3A_70 = arith.muli %add3A_68, %mul3A_69 : i32
    %dma_wait3A_71 = arith.constant 0 : i32
    %dma_wait3A_72 = arith.constant 0 : i32
    %dma_wait3A_73 = tpu.memref_slice %arg4[%dma_wait3A_71, %mul3A_70, %dma_wait3A_72] : memref<20x1000x4096xf32, #tpu.memory_space<hbm>> -> memref<1x8x4096xf32, #tpu.memory_space<hbm>>
    %dma_wait3A_74 = tpu.memref_squeeze %dma_wait3A_73 : memref<1x8x4096xf32, #tpu.memory_space<hbm>> -> memref<8x4096xf32, #tpu.memory_space<hbm>>
    %dma_wait3A_75 = arith.constant 0 : i32
    %dma_wait3A_76 = tpu.memref_slice %arg4[%dma_wait3A_71, %mul3A_70, %dma_wait3A_75] : memref<20x1000x4096xf32, #tpu.memory_space<hbm>> -> memref<1x8x4096xf32, #tpu.memory_space<hbm>>
    %dma_wait3A_77 = tpu.memref_squeeze %dma_wait3A_76 : memref<1x8x4096xf32, #tpu.memory_space<hbm>> -> memref<8x4096xf32, #tpu.memory_space<hbm>>
    tpu.wait_dma2 semaphore(%arg12 : memref<!tpu.dma_semaphore, #tpu.memory_space<semaphore_mem>>) src(%arg8 : memref<8x4096xf32, #tpu.memory_space<vmem>>) dst(%dma_wait3A_77 : memref<8x4096xf32, #tpu.memory_space<hbm>>)
    %add3A_78 = arith.constant 0 : i32
    %add3A_79 = arith.addi %min3A_19, %add3A_78 : i32
    %mul3A_80 = arith.constant 8 : i32
    %mul3A_81 = arith.muli %add3A_79, %mul3A_80 : i32
    %dma_wait3A_82 = arith.constant 0 : i32
    %dma_wait3A_83 = arith.constant 0 : i32
    %dma_wait3A_84 = tpu.memref_slice %arg4[%dma_wait3A_82, %mul3A_81, %dma_wait3A_83] : memref<20x1000x4096xf32, #tpu.memory_space<hbm>> -> memref<1x8x4096xf32, #tpu.memory_space<hbm>>
    %dma_wait3A_85 = tpu.memref_squeeze %dma_wait3A_84 : memref<1x8x4096xf32, #tpu.memory_space<hbm>> -> memref<8x4096xf32, #tpu.memory_space<hbm>>
    %dma_wait3A_86 = arith.constant 0 : i32
    %dma_wait3A_87 = tpu.memref_slice %arg4[%dma_wait3A_82, %mul3A_81, %dma_wait3A_86] : memref<20x1000x4096xf32, #tpu.memory_space<hbm>> -> memref<1x8x4096xf32, #tpu.memory_space<hbm>>
    %dma_wait3A_88 = tpu.memref_squeeze %dma_wait3A_87 : memref<1x8x4096xf32, #tpu.memory_space<hbm>> -> memref<8x4096xf32, #tpu.memory_space<hbm>>
    tpu.wait_dma2 semaphore(%arg13 : memref<!tpu.dma_semaphore, #tpu.memory_space<semaphore_mem>>) src(%arg9 : memref<8x4096xf32, #tpu.memory_space<vmem>>) dst(%dma_wait3A_88 : memref<8x4096xf32, #tpu.memory_space<hbm>>)
    return
  }
}

</mosaic_0001>

<sc_bundles>
// kernel: kernel.3.cloned.1.call-start
scs
__scs_entry_jumppad:
0x0: {  	(pc) =	sbr.rel $0x88, $3  }
0x1: {  	(tag) =	ssettag $0x0;
	lr =	simm.s32 $0x1  }
0x2: {  	[smem:$0x3F9F] =	sst lr;
	_ =	strace $0xD0000000  }
0x3: {  	_ = 	snop  }
0x4: {  	_ = 	snop  }
0x5: {  	_ = 	snop  }
0x6: {  	_ = 	snop  }
0x7: {  	_ = 	snop  }
__scs_overlays_trampoline_lowered:
0x8: {  	[smem:$0x3FAE] =	sst s0  }
0x9: {  	[smem:$0x3FAF] =	sst s1  }
0xa: {  	[smem:$0x3FB0] =	sst s2  }
0xb: {  	[smem:$0x3FB1] =	sst s3  }
0xc: {  	[smem:$0x3FB2] =	sst s4  }
0xd: {  	[smem:$0x3FB3] =	sst s5  }
0xe: {  	[smem:$0x3FB4] =	sst s6  }
0xf: {  	[smem:$0x3FB5] =	sst s7  }
0x10: {  	[smem:$0x3FB6] =	sst s8  }
0x11: {  	[smem:$0x3FB7] =	sst s9;
	s0 =	simm.s32 @!p0 $0x0  }
0x12: {  	s1 =	sld [smem:$0x3F9D];
	s0 =	simm.s32 @p0 $0x1  }
0x13: {  	[smem:$0x3FB8] =	sst s0;
	s0 =	simm.s32 @!p1 $0x0  }
0x14: {  	s2 =	sld [smem:$0x3F9C];
	s0 =	simm.s32 @p1 $0x1  }
0x15: {  	[smem:$0x3FB9] =	sst s0;
	s0 =	simm.s32 @!p2 $0x0  }
0x16: {  	s3 =	sld [smem:$0x3FDB];
	s0 =	simm.s32 @p2 $0x1  }
0x17: {  	s4 =	simm.s32 $0x1BF5;
	[smem:$0x3FBB] =	sst s0  }
0x18: {  	s0 =	sld [smem:$0x3F9E];
	_ =	swait.ge [sflag:s4], $0x0  }
0x19: {  	s7 =	sld [smem:$0x3F9F]  }
0x1a: {  	s8 =	sadd.s32 $0xFFFFE003, lr  }
0x1b: {  	s9 =	sadd.s32 $0xFFFFFEF7, lr;
	s5 =	simm.s32 $0xFFFFFFFF;
	p2 =	slt.u32 s8, $0xFFFFF086  }
0x1c: {  	p1 =	slt.u32 s9, $0xF7A;
	s5 =	simm.s32 @!p2 $0x0  }
0x1d: {  	s5 =	simm.s32 @p1 $0x1;
	p0 =	seq.s32 s7, s2  }
0x1e: {  	s7 =	smul.u32 @!p0 $0xF7A, s2;
	p2 =	seq.s32 @!p0 s5, $0x0  }
0x1f: {  	s9 =	smul.u32 $0xF7A, s1;
	s8 =	simm.s32 @!p0 $0x1BF5;
	p2 =	por !p2, p0  }
0x20: {  	[sflag:s8] =	ssyncset.s32 @!p0 $0xFFFFF086;
	s6 =	sadd.s32 @!p0 s3, s7;
	s7 =	simm.s32 @!p0 $0x108  }
0x21: {  	s3 =	sadd.s32 s3, s9;
	s6 =	sadd.s32 @!p0 $0x88, s6;
	s7 =	simm.s32 @p2 $0x1082  }
0x22: {  	[simem:s7], [sflag:s8] =	dma.local @!p0 [hbm:s6], $0xF7A  }
0x23: {  	s9 =	sor.u32 $0xD0000000, s2;
	s6 =	simm.s32 $0x108;
	_ =	swait.ge @!p0 [sflag:s8], $0x0  }
0x24: {  	s3 =	sadd.s32 $0x88, s3;
	s6 =	simm.s32 @!p1 $0x1082;
	[sflag:s4] =	ssyncset.s32 $0xFFFFF086  }
0x25: {  	[simem:s6], [sflag:s4] =	dma.local [hbm:s3], $0xF7A  }
0x26: {  	[smem:$0x3F9F] =	sst s1;
	(tag) =	ssettag s2;
	_ =	strace s9  }
0x27: {  	s1 =	sld [smem:$0x3FAF]  }
0x28: {  	s2 =	sld [smem:$0x3FB0]  }
0x29: {  	s4 =	sld [smem:$0x3FB2]  }
0x2a: {  	p0 =	seq.s32 s5, $0x0;
	s5 =	sld [smem:$0x3FB3]  }
0x2b: {  	s6 =	sld [smem:$0x3FB4]  }
0x2c: {  	s7 =	sld [smem:$0x3FB5]  }
0x2d: {  	s3 =	simm.s32 $0x108;
	s8 =	sld [smem:$0x3FB6]  }
0x2e: {  	s3 =	simm.s32 @!p0 $0x1082;
	s9 =	sld [smem:$0x3FB7]  }
0x2f: {  	lr =	sadd.s32 s0, s3;
	s0 =	sld [smem:$0x3FAE]  }
0x30: {  	s3 =	sld [smem:$0x3FB1]  }
0x31: {  	[smem:$0x3FBA] =	sst s10  }
0x32: {  	s10 =	sld [smem:$0x3FB8];
	_ =	sdelay $0x3  }
0x33: {  	p0 =	seq.s32 s10, $0x1;
	s10 =	sld [smem:$0x3FBA];
	_ =	sdelay $0x3  }
0x34: {  	[smem:$0x3FBA] =	sst s10  }
0x35: {  	s10 =	sld [smem:$0x3FB9];
	_ =	sdelay $0x3  }
0x36: {  	p1 =	seq.s32 s10, $0x1;
	s10 =	sld [smem:$0x3FBA];
	_ =	sdelay $0x3  }
0x37: {  	[smem:$0x3FBA] =	sst s10  }
0x38: {  	s10 =	sld [smem:$0x3FBB]  }
0x39: {  	_ = 	snop;
	(pc) =	sbr.ind lr, $3  }
0x3a: {  	_ = 	snop  }
0x3b: {  	_ = 	snop  }
0x3c: {  	p2 =	seq.s32 s10, $0x1;
	s10 =	sld [smem:$0x3FBA]  }
0x3d: {  	_ =	shalt  }
0x3e: {  	_ =	shalt  }
0x3f: {  	_ =	shalt  }
0x40: {  	_ =	shalt  }
0x41: {  	_ =	shalt  }
0x42: {  	_ =	shalt  }
0x43: {  	_ =	shalt  }
0x44: {  	_ =	shalt  }
0x45: {  	_ =	shalt  }
0x46: {  	_ =	shalt  }
0x47: {  	_ =	shalt  }
0x48: {  	_ =	shalt  }
0x49: {  	_ =	shalt  }
0x4a: {  	_ =	shalt  }
0x4b: {  	_ =	shalt  }
0x4c: {  	_ =	shalt  }
0x4d: {  	_ =	shalt  }
0x4e: {  	_ =	shalt  }
0x4f: {  	_ =	shalt  }
0x50: {  	_ =	shalt  }
0x51: {  	_ =	shalt  }
0x52: {  	_ =	shalt  }
0x53: {  	_ =	shalt  }
0x54: {  	_ =	shalt  }
0x55: {  	_ =	shalt  }
0x56: {  	_ =	shalt  }
0x57: {  	_ =	shalt  }
0x58: {  	_ =	shalt  }
0x59: {  	_ =	shalt  }
0x5a: {  	_ =	shalt  }
0x5b: {  	_ =	shalt  }
0x5c: {  	_ =	shalt  }
0x5d: {  	_ =	shalt  }
0x5e: {  	_ =	shalt  }
0x5f: {  	_ =	shalt  }
0x60: {  	_ =	shalt  }
0x61: {  	_ =	shalt  }
0x62: {  	_ =	shalt  }
0x63: {  	_ =	shalt  }
0x64: {  	_ =	shalt  }
0x65: {  	_ =	shalt  }
0x66: {  	_ =	shalt  }
0x67: {  	_ =	shalt  }
0x68: {  	_ =	shalt  }
0x69: {  	_ =	shalt  }
0x6a: {  	_ =	shalt  }
0x6b: {  	_ =	shalt  }
0x6c: {  	_ =	shalt  }
0x6d: {  	_ =	shalt  }
0x6e: {  	_ =	shalt  }
0x6f: {  	_ =	shalt  }
0x70: {  	_ =	shalt  }
0x71: {  	_ =	shalt  }
0x72: {  	_ =	shalt  }
0x73: {  	_ =	shalt  }
0x74: {  	_ =	shalt  }
0x75: {  	_ =	shalt  }
0x76: {  	_ =	shalt  }
0x77: {  	_ =	shalt  }
0x78: {  	_ =	shalt  }
0x79: {  	_ =	shalt  }
0x7a: {  	_ =	shalt  }
0x7b: {  	_ =	shalt  }
0x7c: {  	_ =	shalt  }
0x7d: {  	_ =	shalt  }
0x7e: {  	_ =	shalt  }
0x7f: {  	_ =	shalt  }
0x80: {  	_ =	shalt  }
0x81: {  	_ =	shalt  }
0x82: {  	_ =	shalt  }
0x83: {  	_ =	shalt  }
0x84: {  	_ =	shalt  }
0x85: {  	_ =	shalt  }
0x86: {  	_ =	shalt  }
0x87: {  	_ =	shalt  }
.Lfunc_end0:
.L_simem_size_0:
called_computation_lowered:
.L_overlay_start_0:
0x88: {  	s2 =	sld [smem:$0x3FD9]  }
0x89: {  	s3 =	sld [smem:$0x3FFE];
	_ =	sdelay $0x1  }
0x8a: {  	s1 =	srdreg.scid  }
0x8b: {  	s0 =	sand.u32 $0x1, s1  }
0x8c: {  	s17 =	sshll.u32 s0, $0xA;
	s2 =	sadd.s32 s3, s2  }
0x8d: {  	s2 =	sadd.s32 s2, s17  }
0x8e: {  	[smem:$0x3FC6] =	sst s2  }
0x8f: {  	_ = 	snop  }
0x90: {  	s2 =	sld [smem:$0x3FC9]  }
0x91: {  	s18 =	sld [smem:$0x3FD0];
	(tm) =	ssettm $0x1  }
0x92: {  	s4 =	sld [smem:$0x3FFB];
	_ =	sdelay $0x3  }
0x93: {  	_ =	strace s4  }
0x94: {  	s4 =	sld [smem:$0x3FFC];
	_ =	sdelay $0x3  }
0x95: {  	_ =	strace s4  }
0x96: {  	s4 =	sld [smem:$0x3FFD];
	_ =	sdelay $0x3  }
0x97: {  	_ =	strace s4  }
0x98: {  	_ =	strace $0x8FFFFFFF  }
0x99: {  	s19 =	sld [smem:$0x3FDB];
	_ =	sdelay $0x1  }
0x9a: {  	s5 =	simm.s32 $_scs_section_size  }
0x9b: {  	s6 =	simm.s32 $_size__tile_overlayer_lowered;
	s7 =	simm.s32 $_tile_overlayer_lowered  }
0x9c: {  	s22 =	simm.s32 $0x1BFF;
	s21 =	sshll.u32 s7, $0x1;
	s4 =	sadd.s32 s5, s19  }
0x9d: {  	s8 =	simm.s32 $0x0;
	s20 =	sshll.u32 s6, $0x1;
	s6 =	sadd.s32 s21, s4  }
0x9e: {  	[timem:s8], [sflag:s22] =	dma.local [hbm:s6], s20  }
0x9f: {  	_ =	swait.ge [sflag:s22], s20  }
0xa0: {  	s5 =	ssub.s32 $0x0, s20;
	[sflag:s22] =	ssyncset.done $0x0  }
0xa1: {  	[sflag:s22] =	ssyncadd.s32 s5;
	_ =	sdelay $0x1  }
0xa2: {  	s23 =	simm.s32 $0x1B8B  }
0xa3: {  	_ =	swait.ge [sflag:s23], $0x1  }
0xa4: {  	[sflag:s23] =	ssyncset.done $0x0  }
0xa5: {  	s25 =	simm.s32 $0x1B8E;
	s24 =	sld [smem:$0x3FFE];
	[sflag:s23] =	ssyncadd.s32 $0xFFFFFFFF  }
0xa6: {  	s26 =	simm.s32 $execute0_lowered;
	[smem:$0x3FD2] =	sst s25  }
0xa7: {  	s6 =	sshll.u32 s26, $0x1;
	_ =	strace $0x80000046;
	[dreg:$0x1] =	wrdreg $0xFFFFFFFF  }
0xa8: {  	s28 =	simm.s32 $_size_execute0_lowered;
	s4 =	sadd.s32 s4, s6;
	[dreg:$0x0] =	wrdreg $0x0  }
0xa9: {  	s6 =	sshll.u32 s28, $0x1;
	[dreg:$0x2] =	wrdreg s4  }
0xaa: {  	[dreg:$0x3] =	wrdreg s6  }
0xab: {  	[dreg:$0x4] =	wrdreg $0xC0  }
0xac: {  	_ =	task [dreg:s8], $0x5FFFF  }
0xad: {  	[dreg:$0x1] =	wrdreg $0xFFFFFFFF  }
0xae: {  	[dreg:$0x0] =	wrdreg $0x60  }
0xaf: {  	[dreg:$0x2] =	wrdreg s2  }
0xb0: {  	[dreg:$0x3] =	wrdreg s24  }
0xb1: {  	[dreg:$0x4] =	wrdreg s18  }
0xb2: {  	[dreg:$0x5] =	wrdreg $0x9  }
0xb3: {  	_ =	task.clear_ibuf [dreg:s8], $0x6FFFF;
	_ =	strace $0x90000046  }
0xb4: {  	s29 =	simm.s32 $0x9;
	_ =	strace $0x80000048  }
0xb5: {  	_ =	swait.ge [sflag:s29], $0x1  }
0xb6: {  	[sflag:s29] =	ssyncadd.s32 $0xFFFFFFFF  }
0xb7: {  	_ =	strace $0x90000048  }
0xb8: {  	_ =	sfence  }
0xb9: {  	s30 =	sld [smem:$0x0];
	_ =	sdelay $0x2  }
0xba: {  	s31 =	sshll.u32 s1, $0xD;
	s1 =	sshrl.u32 s1, $0x2  }
0xbb: {  	s3 =	sand.u32 $0x4000, s31;
	s1 =	sadd.s32 s1, s30  }
0xbc: {  	s0 =	sor.u32 s3, s0;
	s1 =	sshll.u32 s1, $0x11  }
0xbd: {  	s0 =	sor.u32 s1, s0  }
0xbe: {  	s0 =	sadd.s32 $0x8F2B, s0  }
0xbf: {  	[sflag:s0] =	ssyncadd.remote.s32 $0x1  }
0xc0: {  	_ =	sfence.sel $0xFFFF  }
0xc1: {  	[dreg:$0x0] =	wrdreg $0xFFFFFFFF;
	(pc) =	sbr.abs _section_cstart, $3  }
0xc2: {  	[dreg:$0x1] =	wrdreg $0xFFFFFFFF  }
0xc3: {  	_ =	task.clear_ibuf [dreg:s8], $0x2FFFF;
	_ =	strace $0x9FFFFFFF  }
0xc4: {  	(tm) =	ssettm $0x7FFFFFFF  }
0xc5: {  	_ =	shalt  }
tec
execute0_lowered:
.L_overlay_start_1:
0x0: {  	(tag) =	ssettag $0x1  }
0x1: {  	s4 =	rddreg [dreg:$0x0]  }
0x2: {  	s0 =	srdreg.scid;
	s2 =	rddreg [dreg:$0x1]  }
0x3: {  	s1 =	stileid.u32;
	s5 =	rddreg [dreg:$0x2];
	s3 =	simm.s32 $0x0  }
0x4: {  	s7 =	simm.s32 $0x2000;
	s8 =	simm.s32 $0xA000;
	s30 =	simm.s32 $0x2400  }
0x5: {  	s9 =	simm.s32 $0x2800;
	s10 =	simm.s32 $0x2C00;
	s13 =	simm.s32 $0x3000  }
0x6: {  	s20 =	simm.s32 $0x3400;
	s19 =	simm.s32 $0x3800;
	s17 =	simm.s32 $0x3C00  }
0x7: {  	s18 =	simm.s32 $0x4;
	s21 =	simm.s32 $0x7400;
	s11 =	simm.s32 $0x8000  }
0x8: {  	s12 =	simm.s32 $0x8400;
	s15 =	simm.s32 $0x8800;
	s16 =	simm.s32 $0x8C00  }
0x9: {  	s31 =	simm.s32 $0x9800;
	s0 =	sand.u32 $0x1, s0;
	s1 =	sshll.u32 s1, $0x1  }
0xa: {  	s14 =	simm.s32 $0x9C00;
	[smem:$0x7FF] =	sst s3;
	s1 =	sor.u32 s0, s1  }
0xb: {  	s26 =	sadd.s32 $0x10, s4;
	s0 =	ssub.s32 $0x2, s0;
	s1 =	smul.u32 $0x7D, s1  }
0xc: {  	s4 =	simm.s32 $0x7000;
	s3 =	simm.s32 $0x9000;
	s23 =	sshrl.u32 s0, $0x1  }
0xd: {  	_ =	strace $0x80000047;
	s0 =	ssub.s32 s0, s23;
	s1 =	sshrl.u32 s1, $0x5  }
0xe: {  	[dreg:$0x9] =	wrdreg s26;
	s0 =	smax.u32 s0, $0x1;
	s22 =	sshll.u32 s1, $0xA  }
0xf: {  	s6 =	sshll.u32 s1, $0xF;
	s1 =	sshll.u32 s1, $0xC;
	[dreg:$0xc] =	wrdreg s0  }
0x10: {  	s2 =	sadd.s32 s22, s2;
	s1 =	sadd.s32 s5, s1;
	[dreg:$0x4] =	wrdreg s6  }
0x11: {  	s24 =	sadd.s32 $0x8000, s6;
	s28 =	sadd.s32 $0x10000, s6;
	[dreg:$0x7] =	wrdreg s1  }
.Ltmp0:
0x12: {  	s29 =	sadd.s32 $0x18000, s6;
	[dreg:$0x5] =	wrdreg s24;
	(pc) =	sbr.rel .LBB2_1-.Ltmp0, $4  }
0x13: {  	s6 =	simm.s32 $0x7C00;
	s22 =	simm.s32 $0x9400;
	[dreg:$0xa] =	wrdreg s28  }
0x14: {  	s2 =	sadd.s32 $0x400, s2;
	s25 =	sshrl.u32 s24, $0x3;
	[dreg:$0xb] =	wrdreg s29  }
0x15: {  	[dreg:$0x6] =	wrdreg s2;
	s1 =	sadd.s32 s5, s25;
	s5 =	simm.s32 $0x7800  }
0x16: {  	s2 =	simm.s32 $0x0;
	[dreg:$0x8] =	wrdreg s1;
	s1 =	simm.s32 $0x6C00  }
.LBB2_20:
0x17: {  	s0 =	simm.s32 $0x3  }
0x18: {  	_ =	swait.ge [sflag:s0], $0x8000  }
0x19: {  	[sflag:s0] =	ssyncset.done $0x0  }
0x1a: {  	[sflag:s0] =	ssyncadd.s32 $0xFFFF8000  }
0x1b: {  	_ =	swait.ge [sflag:s18], $0x8000  }
0x1c: {  	s2 =	rddreg [dreg:$0xd]  }
0x1d: {  	s29 =	rddreg [dreg:$0xc];
	s2 =	sadd.s32 $0x1, s2  }
0x1e: {  	p0 =	sne.s32 s2, s29  }
.Ltmp1:
0x1f: {  	_ = 	snop;
	(pc) =	sbr.rel @!p0 .LBB2_21-.Ltmp1, $3  }
0x20: {  	_ =	sdelay $0x1  }
0x21: {  	[sflag:s18] =	ssyncset.done $0x0  }
0x22: {  	s7 =	simm.s32 $0x2000;
	s30 =	simm.s32 $0x2400;
	[sflag:s18] =	ssyncadd.s32 $0xFFFF8000  }
.LBB2_1:
0x23: {  	[dreg:$0xd] =	wrdreg s2  }
0x24: {  	s25 =	simm.s32 $0x0;
	s0 =	rddreg [dreg:$0x6]  }
0x25: {  	[tilespmem:s7], [sflag:$0x5] =	stream.linear.gather [hbm4b:s0+s25], $0x8000, $0x38;
	[tilespmem:$0x1A000] =	vst v63  }
0x26: {  	s26 =	rddreg [dreg:$0x7]  }
0x27: {  	[hbm4b:s26+s25] =	stream.linear.scatter [tilespmem:s8], [sflag:$0x3], $0x8000, $0x38;
	[tilespmem:$0x1A000] =	vst v63  }
0x28: {  	s28 =	rddreg [dreg:$0x8];
	s29 =	simm.s32 $0x12000  }
0x29: {  	[hbm4b:s28+s25] =	stream.linear.scatter [tilespmem:s29], [sflag:$0x4], $0x8000, $0x38;
	[tilespmem:$0x1A000] =	vst v63  }
0x2a: {  	s23 =	simm.s32 $0x80;
	s24 =	simm.s32 $0x400;
	s8 =	rddreg [dreg:$0x0]  }
0x2b: {  	[tilespmem:s25], [sflag:$0x1] =	stream.strided.gather [hbm4b:s8+s23], $0x1000, s24, s23, $0x38;
	[tilespmem:$0x1A000] =	vst v63  }
0x2c: {  	s26 =	simm.s32 $0x1000;
	s28 =	simm.s32 $0x5;
	s25 =	rddreg [dreg:$0x9]  }
0x2d: {  	[tilespmem:s26], [sflag:$0x2] =	stream.strided.gather [hbm4b:s25+s23], $0x1000, s24, s23, $0x38;
	[tilespmem:$0x1A000] =	vst v63  }
0x2e: {  	_ =	swait.ge [sflag:s28], $0x8000  }
0x2f: {  	s29 =	simm.s32 $0x0;
	[sflag:s28] =	ssyncset.done $0x0  }
0x30: {  	[dreg:$0xe] =	wrdreg s29;
	[sflag:s28] =	ssyncadd.s32 $0xFFFF8000  }
.LBB2_2:
0x31: {  	s0 =	simm.s32 $0x1  }
0x32: {  	_ =	swait.ge [sflag:s0], $0x1000  }
0x33: {  	[sflag:s0] =	ssyncset.done $0x0  }
0x34: {  	s29 =	simm.s32 $0x3;
	[sflag:s0] =	ssyncadd.s32 $0xFFFFF000  }
0x35: {  	s23 =	simm.s32 $0xFFFFFFFC;
	p0 =	por $0x0, $0x0;
	_ =	swait.ge [sflag:s29], $0x8000  }
0x36: {  	s24 =	simm.s32 $0x0;
	s25 =	simm.s32 $0x0;
	[sflag:s29] =	ssyncset.done $0x0  }
0x37: {  	s26 =	simm.s32 $0x0;
	s8 =	simm.s32 $0x2000;
	[sflag:s29] =	ssyncadd.s32 $0xFFFF8000  }
.LBB2_3:
0x38: {  	v0 =	vld [tilespmem:s24+$0x0];
	_ =	sdelay $0x7  }
0x39: {  	v1 =	vld.idx.msk [tilespmem:v0+s8+$0x0], $0xffff  }
0x3a: {  	v2 =	vld.idx.msk [tilespmem:v0+s30+$0x0], $0xffff  }
0x3b: {  	v3 =	vld.idx.msk [tilespmem:v0+s9+$0x0], $0xffff  }
0x3c: {  	v4 =	vld.idx.msk [tilespmem:v0+s10+$0x0], $0xffff  }
0x3d: {  	s28 =	sand.u32 $0x7C00, s26;
	v5 =	vld.idx.msk [tilespmem:v0+s13+$0x0], $0xffff  }
0x3e: {  	s28 =	sadd.s32 $0xA000, s28;
	v6 =	vld.idx.msk [tilespmem:v0+s20+$0x0], $0xffff;
	s30 =	sand.u32 $0x40, s25  }
0x3f: {  	s29 =	simm.s32 $0x1;
	v7 =	vld.idx.msk [tilespmem:v0+s19+$0x0], $0xffff;
	s2 =	sor.u32 s30, s28  }
0x40: {  	s29 =	simm.s32 @!p0 $0x0;
	v0 =	vld.idx.msk [tilespmem:v0+s17+$0x0], $0xffff;
	[tilespmem:s2+$0x0] =	vst v1  }
0x41: {  	s29 =	sshll.u32 s29, $0x6;
	[tilespmem:s2+$0x80] =	vst v2  }
0x42: {  	s29 =	sadd.s32 s29, s26;
	[tilespmem:s2+$0x100] =	vst v3  }
0x43: {  	s0 =	sor.u32 $0x200, s29;
	[tilespmem:s2+$0x180] =	vst v4  }
0x44: {  	s7 =	sor.u32 $0x280, s29;
	[tilespmem:s0+$0xA000] =	vst v5  }
0x45: {  	s0 =	sor.u32 $0x300, s29;
	[tilespmem:s7+$0xA000] =	vst v6  }
0x46: {  	s2 =	sor.u32 $0x380, s29;
	s7 =	sand.u32 $0xF80, s25;
	[tilespmem:s0+$0xA000] =	vst v7;
	s0 =	sor.u32 $0x10, s30  }
0x47: {  	[tilespmem:s2+$0xA000] =	vst v0;
	s2 =	sor.u32 s0, s7  }
0x48: {  	v0 =	vld [tilespmem:s2+$0x0];
	_ =	sdelay $0x7  }
0x49: {  	s9 =	simm.s32 $0x2400;
	v1 =	vld.idx.msk [tilespmem:v0+s8+$0x0], $0xffff  }
0x4a: {  	s10 =	simm.s32 $0x2800;
	v2 =	vld.idx.msk [tilespmem:v0+s9+$0x0], $0xffff  }
0x4b: {  	v3 =	vld.idx.msk [tilespmem:v0+s10+$0x0], $0xffff  }
0x4c: {  	v5 =	vld.idx.msk [tilespmem:v0+s13+$0x0], $0xffff  }
0x4d: {  	s10 =	simm.s32 $0x2C00;
	v6 =	vld.idx.msk [tilespmem:v0+s20+$0x0], $0xffff  }
0x4e: {  	v4 =	vld.idx.msk [tilespmem:v0+s10+$0x0], $0xffff  }
0x4f: {  	s0 =	sor.u32 s0, s28;
	v7 =	vld.idx.msk [tilespmem:v0+s19+$0x0], $0xffff  }
0x50: {  	v0 =	vld.idx.msk [tilespmem:v0+s17+$0x0], $0xffff;
	[tilespmem:s0+$0x0] =	vst v1  }
0x51: {  	[tilespmem:s0+$0x80] =	vst v2  }
0x52: {  	s2 =	sadd.s32 $0x10, s29;
	[tilespmem:s0+$0x100] =	vst v3  }
0x53: {  	[tilespmem:s0+$0x180] =	vst v4;
	s0 =	sor.u32 $0x200, s2  }
0x54: {  	[tilespmem:s0+$0xA000] =	vst v5;
	s0 =	sor.u32 $0x280, s2  }
0x55: {  	[tilespmem:s0+$0xA000] =	vst v6;
	s0 =	sor.u32 $0x300, s2  }
0x56: {  	[tilespmem:s0+$0xA000] =	vst v7;
	s0 =	sor.u32 $0x380, s2;
	s2 =	sor.u32 $0x20, s30  }
0x57: {  	[tilespmem:s0+$0xA000] =	vst v0;
	s0 =	sor.u32 s2, s7  }
0x58: {  	v0 =	vld [tilespmem:s0+$0x0];
	_ =	sdelay $0x7  }
0x59: {  	v1 =	vld.idx.msk [tilespmem:v0+s8+$0x0], $0xffff  }
0x5a: {  	v2 =	vld.idx.msk [tilespmem:v0+s9+$0x0], $0xffff  }
0x5b: {  	v4 =	vld.idx.msk [tilespmem:v0+s10+$0x0], $0xffff  }
0x5c: {  	v5 =	vld.idx.msk [tilespmem:v0+s13+$0x0], $0xffff  }
0x5d: {  	s9 =	simm.s32 $0x2800;
	v6 =	vld.idx.msk [tilespmem:v0+s20+$0x0], $0xffff  }
0x5e: {  	v3 =	vld.idx.msk [tilespmem:v0+s9+$0x0], $0xffff  }
0x5f: {  	s0 =	sor.u32 s2, s28;
	v7 =	vld.idx.msk [tilespmem:v0+s19+$0x0], $0xffff  }
0x60: {  	v0 =	vld.idx.msk [tilespmem:v0+s17+$0x0], $0xffff;
	[tilespmem:s0+$0x0] =	vst v1  }
0x61: {  	[tilespmem:s0+$0x80] =	vst v2  }
0x62: {  	s2 =	sadd.s32 $0x20, s29;
	[tilespmem:s0+$0x180] =	vst v4  }
0x63: {  	[tilespmem:s0+$0x100] =	vst v3;
	s0 =	sor.u32 $0x200, s2  }
0x64: {  	[tilespmem:s0+$0xA000] =	vst v5;
	s0 =	sor.u32 $0x280, s2  }
0x65: {  	[tilespmem:s0+$0xA000] =	vst v6;
	s0 =	sor.u32 $0x300, s2  }
0x66: {  	[tilespmem:s0+$0xA000] =	vst v7;
	s0 =	sor.u32 $0x380, s2;
	s2 =	sor.u32 $0x30, s30  }
0x67: {  	[tilespmem:s0+$0xA000] =	vst v0;
	s7 =	sor.u32 s2, s7  }
0x68: {  	v0 =	vld [tilespmem:s7+$0x0];
	_ =	sdelay $0x7  }
0x69: {  	s30 =	simm.s32 $0x2400;
	v1 =	vld.idx.msk [tilespmem:v0+s8+$0x0], $0xffff  }
0x6a: {  	v2 =	vld.idx.msk [tilespmem:v0+s30+$0x0], $0xffff  }
0x6b: {  	v3 =	vld.idx.msk [tilespmem:v0+s9+$0x0], $0xffff  }
0x6c: {  	v4 =	vld.idx.msk [tilespmem:v0+s10+$0x0], $0xffff  }
0x6d: {  	v5 =	vld.idx.msk [tilespmem:v0+s13+$0x0], $0xffff  }
0x6e: {  	v6 =	vld.idx.msk [tilespmem:v0+s20+$0x0], $0xffff  }
0x6f: {  	s28 =	sor.u32 s2, s28;
	v7 =	vld.idx.msk [tilespmem:v0+s19+$0x0], $0xffff  }
0x70: {  	v0 =	vld.idx.msk [tilespmem:v0+s17+$0x0], $0xffff;
	[tilespmem:s28+$0x0] =	vst v1  }
0x71: {  	s23 =	sadd.s32 $0x4, s23;
	[tilespmem:s28+$0x80] =	vst v2  }
0x72: {  	p1 =	slt.u32 s23, $0xFC;
	s2 =	sadd.s32 $0x30, s29;
	[tilespmem:s28+$0x100] =	vst v3  }
.Ltmp2:
0x73: {  	s29 =	sor.u32 $0x200, s2;
	[tilespmem:s28+$0x180] =	vst v4;
	(pc) =	sbr.rel @p1 .LBB2_3-.Ltmp2, $4  }
0x74: {  	s7 =	sor.u32 $0x280, s2;
	[tilespmem:s29+$0xA000] =	vst v5  }
0x75: {  	s28 =	sor.u32 $0x300, s2;
	[tilespmem:s7+$0xA000] =	vst v6  }
0x76: {  	s24 =	sadd.s32 $0x40, s24;
	s29 =	sor.u32 $0x380, s2;
	[tilespmem:s28+$0xA000] =	vst v7  }
0x77: {  	p0 =	por !p0, !p0;
	s26 =	sadd.s32 $0x200, s26;
	s25 =	sadd.s32 $0x40, s25;
	[tilespmem:s29+$0xA000] =	vst v0  }
0x78: {  	s0 =	rddreg [dreg:$0xe]  }
0x79: {  	s28 =	rddreg [dreg:$0x4]  }
0x7a: {  	s29 =	rddreg [dreg:$0x2];
	s2 =	smul.u32 $0x7D0000, s0  }
0x7b: {  	s23 =	simm.s32 $0x0;
	s30 =	simm.s32 $0xA000;
	s24 =	simm.s32 $0xFFFFFFFC  }
0x7c: {  	p0 =	por $0x0, $0x0;
	s25 =	simm.s32 $0x1000;
	s0 =	sadd.s32 s28, s2  }
0x7d: {  	s26 =	simm.s32 $0x0;
	s9 =	simm.s32 $0x4000;
	s0 =	sshrl.u32 s0, $0x3  }
0x7e: {  	s10 =	simm.s32 $0x4400;
	[dreg:$0x10] =	wrdreg s2;
	s0 =	sadd.s32 s29, s0  }
0x7f: {  	[hbm4b:s0+s23] =	stream.linear.scatter [tilespmem:s30], [sflag:$0x3], $0x8000, $0x38;
	[tilespmem:$0x1A000] =	vst v63  }
0x80: {  	s13 =	simm.s32 $0x4800;
	s17 =	simm.s32 $0x4C00;
	_ =	swait.ge [sflag:s18], $0x8000  }
0x81: {  	s19 =	simm.s32 $0x5000;
	s20 =	simm.s32 $0x5400;
	[sflag:s18] =	ssyncset.done $0x0  }
0x82: {  	s8 =	simm.s32 $0x5800;
	[sflag:s18] =	ssyncadd.s32 $0xFFFF8000;
	s18 =	simm.s32 $0x5C00  }
.LBB2_5:
0x83: {  	v0 =	vld [tilespmem:s25+$0x0];
	_ =	sdelay $0x7  }
0x84: {  	v1 =	vld.idx.msk [tilespmem:v0+s9+$0x0], $0xffff  }
0x85: {  	v2 =	vld.idx.msk [tilespmem:v0+s10+$0x0], $0xffff  }
0x86: {  	v3 =	vld.idx.msk [tilespmem:v0+s13+$0x0], $0xffff  }
0x87: {  	v4 =	vld.idx.msk [tilespmem:v0+s17+$0x0], $0xffff  }
0x88: {  	s0 =	sand.u32 $0x7C00, s26;
	v5 =	vld.idx.msk [tilespmem:v0+s19+$0x0], $0xffff  }
0x89: {  	s30 =	sand.u32 $0x40, s23;
	s28 =	sadd.s32 $0x12000, s0;
	v6 =	vld.idx.msk [tilespmem:v0+s20+$0x0], $0xffff  }
0x8a: {  	s0 =	simm.s32 $0x1;
	s2 =	sor.u32 s30, s28;
	v7 =	vld.idx.msk [tilespmem:v0+s8+$0x0], $0xffff  }
0x8b: {  	s0 =	simm.s32 @!p0 $0x0;
	v0 =	vld.idx.msk [tilespmem:v0+s18+$0x0], $0xffff;
	[tilespmem:s2+$0x0] =	vst v1  }
0x8c: {  	s0 =	sshll.u32 s0, $0x6;
	[tilespmem:s2+$0x80] =	vst v2  }
0x8d: {  	s29 =	sadd.s32 s0, s26;
	[tilespmem:s2+$0x100] =	vst v3  }
0x8e: {  	s0 =	sor.u32 $0x200, s29;
	[tilespmem:s2+$0x180] =	vst v4  }
0x8f: {  	s2 =	sor.u32 $0x280, s29;
	[tilespmem:s0+$0x12000] =	vst v5  }
0x90: {  	s7 =	sor.u32 $0x300, s29;
	[tilespmem:s2+$0x12000] =	vst v6;
	s2 =	sand.u32 $0xF80, s23  }
0x91: {  	s0 =	sor.u32 $0x380, s29;
	[tilespmem:s7+$0x12000] =	vst v7;
	s7 =	sor.u32 $0x10, s30;
	s2 =	sor.u32 $0x1000, s2  }
0x92: {  	[tilespmem:s0+$0x12000] =	vst v0;
	s0 =	sor.u32 s7, s2  }
0x93: {  	v0 =	vld [tilespmem:s0+$0x0];
	_ =	sdelay $0x7  }
0x94: {  	v1 =	vld.idx.msk [tilespmem:v0+s9+$0x0], $0xffff  }
0x95: {  	v2 =	vld.idx.msk [tilespmem:v0+s10+$0x0], $0xffff  }
0x96: {  	v3 =	vld.idx.msk [tilespmem:v0+s13+$0x0], $0xffff  }
0x97: {  	v4 =	vld.idx.msk [tilespmem:v0+s17+$0x0], $0xffff  }
0x98: {  	v5 =	vld.idx.msk [tilespmem:v0+s19+$0x0], $0xffff  }
0x99: {  	v6 =	vld.idx.msk [tilespmem:v0+s20+$0x0], $0xffff  }
0x9a: {  	s0 =	sor.u32 s7, s28;
	v7 =	vld.idx.msk [tilespmem:v0+s8+$0x0], $0xffff  }
0x9b: {  	v0 =	vld.idx.msk [tilespmem:v0+s18+$0x0], $0xffff;
	[tilespmem:s0+$0x0] =	vst v1  }
0x9c: {  	[tilespmem:s0+$0x80] =	vst v2  }
0x9d: {  	s7 =	sadd.s32 $0x10, s29;
	[tilespmem:s0+$0x100] =	vst v3  }
0x9e: {  	[tilespmem:s0+$0x180] =	vst v4;
	s0 =	sor.u32 $0x200, s7  }
0x9f: {  	[tilespmem:s0+$0x12000] =	vst v5;
	s0 =	sor.u32 $0x280, s7  }
0xa0: {  	[tilespmem:s0+$0x12000] =	vst v6;
	s0 =	sor.u32 $0x300, s7  }
0xa1: {  	[tilespmem:s0+$0x12000] =	vst v7;
	s0 =	sor.u32 $0x380, s7;
	s7 =	sor.u32 $0x20, s30  }
0xa2: {  	[tilespmem:s0+$0x12000] =	vst v0;
	s0 =	sor.u32 s7, s2  }
0xa3: {  	v0 =	vld [tilespmem:s0+$0x0];
	_ =	sdelay $0x7  }
0xa4: {  	v1 =	vld.idx.msk [tilespmem:v0+s9+$0x0], $0xffff  }
0xa5: {  	v2 =	vld.idx.msk [tilespmem:v0+s10+$0x0], $0xffff  }
0xa6: {  	v3 =	vld.idx.msk [tilespmem:v0+s13+$0x0], $0xffff  }
0xa7: {  	v4 =	vld.idx.msk [tilespmem:v0+s17+$0x0], $0xffff  }
0xa8: {  	v5 =	vld.idx.msk [tilespmem:v0+s19+$0x0], $0xffff  }
0xa9: {  	v6 =	vld.idx.msk [tilespmem:v0+s20+$0x0], $0xffff  }
0xaa: {  	s0 =	sor.u32 s7, s28;
	v7 =	vld.idx.msk [tilespmem:v0+s8+$0x0], $0xffff  }
0xab: {  	v0 =	vld.idx.msk [tilespmem:v0+s18+$0x0], $0xffff;
	[tilespmem:s0+$0x0] =	vst v1  }
0xac: {  	[tilespmem:s0+$0x80] =	vst v2  }
0xad: {  	s7 =	sadd.s32 $0x20, s29;
	[tilespmem:s0+$0x100] =	vst v3  }
0xae: {  	[tilespmem:s0+$0x180] =	vst v4;
	s0 =	sor.u32 $0x200, s7  }
0xaf: {  	[tilespmem:s0+$0x12000] =	vst v5;
	s0 =	sor.u32 $0x280, s7  }
0xb0: {  	[tilespmem:s0+$0x12000] =	vst v6;
	s0 =	sor.u32 $0x300, s7  }
0xb1: {  	s30 =	sor.u32 $0x30, s30;
	s7 =	sor.u32 $0x380, s7;
	[tilespmem:s0+$0x12000] =	vst v7  }
0xb2: {  	s2 =	sor.u32 s30, s2;
	[tilespmem:s7+$0x12000] =	vst v0  }
0xb3: {  	v0 =	vld [tilespmem:s2+$0x0];
	_ =	sdelay $0x7  }
0xb4: {  	v1 =	vld.idx.msk [tilespmem:v0+s9+$0x0], $0xffff  }
0xb5: {  	v2 =	vld.idx.msk [tilespmem:v0+s10+$0x0], $0xffff  }
0xb6: {  	v3 =	vld.idx.msk [tilespmem:v0+s13+$0x0], $0xffff  }
0xb7: {  	v4 =	vld.idx.msk [tilespmem:v0+s17+$0x0], $0xffff  }
0xb8: {  	v5 =	vld.idx.msk [tilespmem:v0+s19+$0x0], $0xffff  }
0xb9: {  	v6 =	vld.idx.msk [tilespmem:v0+s20+$0x0], $0xffff  }
0xba: {  	s28 =	sor.u32 s30, s28;
	v7 =	vld.idx.msk [tilespmem:v0+s8+$0x0], $0xffff  }
0xbb: {  	v0 =	vld.idx.msk [tilespmem:v0+s18+$0x0], $0xffff;
	[tilespmem:s28+$0x0] =	vst v1  }
0xbc: {  	s24 =	sadd.s32 $0x4, s24;
	[tilespmem:s28+$0x80] =	vst v2  }
0xbd: {  	p1 =	slt.u32 s24, $0xFC;
	s30 =	sadd.s32 $0x30, s29;
	[tilespmem:s28+$0x100] =	vst v3  }
.Ltmp3:
0xbe: {  	s7 =	sor.u32 $0x200, s30;
	[tilespmem:s28+$0x180] =	vst v4;
	(pc) =	sbr.rel @p1 .LBB2_5-.Ltmp3, $4  }
0xbf: {  	s28 =	sor.u32 $0x280, s30;
	[tilespmem:s7+$0x12000] =	vst v5  }
0xc0: {  	s29 =	sor.u32 $0x300, s30;
	[tilespmem:s28+$0x12000] =	vst v6  }
0xc1: {  	s25 =	sadd.s32 $0x40, s25;
	s30 =	sor.u32 $0x380, s30;
	[tilespmem:s29+$0x12000] =	vst v7  }
0xc2: {  	p0 =	por !p0, !p0;
	s26 =	sadd.s32 $0x200, s26;
	s23 =	sadd.s32 $0x40, s23;
	[tilespmem:s30+$0x12000] =	vst v0  }
0xc3: {  	s0 =	rddreg [dreg:$0x5]  }
0xc4: {  	s2 =	rddreg [dreg:$0x10]  }
0xc5: {  	s28 =	rddreg [dreg:$0x2];
	s0 =	sadd.s32 s0, s2  }
0xc6: {  	s23 =	simm.s32 $0x0;
	s29 =	simm.s32 $0x12000;
	s0 =	sshrl.u32 s0, $0x3  }
0xc7: {  	s30 =	simm.s32 $0x3;
	s24 =	simm.s32 $0xFFFFFFFC;
	s0 =	sadd.s32 s28, s0  }
0xc8: {  	[hbm4b:s0+s23] =	stream.linear.scatter [tilespmem:s29], [sflag:$0x4], $0x8000, $0x38;
	[tilespmem:$0x1A000] =	vst v63  }
0xc9: {  	p0 =	por $0x0, $0x0;
	s25 =	simm.s32 $0x0;
	_ =	swait.ge [sflag:s30], $0x8000  }
0xca: {  	s26 =	simm.s32 $0x0;
	s8 =	simm.s32 $0x6000;
	[sflag:s30] =	ssyncset.done $0x0  }
0xcb: {  	s9 =	simm.s32 $0x6400;
	s10 =	simm.s32 $0x6800;
	[sflag:s30] =	ssyncadd.s32 $0xFFFF8000  }
.LBB2_7:
0xcc: {  	v0 =	vld [tilespmem:s23+$0x0];
	_ =	sdelay $0x7  }
0xcd: {  	v1 =	vld.idx.msk [tilespmem:v0+s8+$0x0], $0xffff  }
0xce: {  	v2 =	vld.idx.msk [tilespmem:v0+s9+$0x0], $0xffff  }
0xcf: {  	v3 =	vld.idx.msk [tilespmem:v0+s10+$0x0], $0xffff  }
0xd0: {  	v4 =	vld.idx.msk [tilespmem:v0+s1+$0x0], $0xffff  }
0xd1: {  	s0 =	sand.u32 $0x7C00, s26;
	v5 =	vld.idx.msk [tilespmem:v0+s4+$0x0], $0xffff  }
0xd2: {  	s30 =	sand.u32 $0x40, s25;
	s28 =	sadd.s32 $0xA000, s0;
	v6 =	vld.idx.msk [tilespmem:v0+s21+$0x0], $0xffff  }
0xd3: {  	s0 =	simm.s32 $0x1;
	s2 =	sor.u32 s30, s28;
	v7 =	vld.idx.msk [tilespmem:v0+s5+$0x0], $0xffff  }
0xd4: {  	s0 =	simm.s32 @!p0 $0x0;
	v0 =	vld.idx.msk [tilespmem:v0+s6+$0x0], $0xffff;
	[tilespmem:s2+$0x0] =	vst v1  }
0xd5: {  	s0 =	sshll.u32 s0, $0x6;
	[tilespmem:s2+$0x80] =	vst v2  }
0xd6: {  	s29 =	sadd.s32 s0, s26;
	[tilespmem:s2+$0x100] =	vst v3  }
0xd7: {  	s0 =	sor.u32 $0x200, s29;
	[tilespmem:s2+$0x180] =	vst v4  }
0xd8: {  	s19 =	sor.u32 $0x280, s29;
	[tilespmem:s0+$0xA000] =	vst v5  }
0xd9: {  	s20 =	sor.u32 $0x300, s29;
	[tilespmem:s19+$0xA000] =	vst v6  }
0xda: {  	s7 =	sand.u32 $0xF80, s25;
	s13 =	sor.u32 $0x10, s30;
	s2 =	sor.u32 $0x380, s29;
	[tilespmem:s20+$0xA000] =	vst v7  }
0xdb: {  	s17 =	sor.u32 s13, s7;
	[tilespmem:s2+$0xA000] =	vst v0  }
0xdc: {  	v0 =	vld [tilespmem:s17+$0x0];
	_ =	sdelay $0x7  }
0xdd: {  	v1 =	vld.idx.msk [tilespmem:v0+s8+$0x0], $0xffff  }
0xde: {  	v2 =	vld.idx.msk [tilespmem:v0+s9+$0x0], $0xffff  }
0xdf: {  	v3 =	vld.idx.msk [tilespmem:v0+s10+$0x0], $0xffff  }
0xe0: {  	v4 =	vld.idx.msk [tilespmem:v0+s1+$0x0], $0xffff  }
0xe1: {  	v5 =	vld.idx.msk [tilespmem:v0+s4+$0x0], $0xffff  }
0xe2: {  	v6 =	vld.idx.msk [tilespmem:v0+s21+$0x0], $0xffff  }
0xe3: {  	s18 =	sor.u32 s13, s28;
	v7 =	vld.idx.msk [tilespmem:v0+s5+$0x0], $0xffff  }
0xe4: {  	v0 =	vld.idx.msk [tilespmem:v0+s6+$0x0], $0xffff;
	[tilespmem:s18+$0x0] =	vst v1  }
0xe5: {  	[tilespmem:s18+$0x80] =	vst v2  }
0xe6: {  	s19 =	sadd.s32 $0x10, s29;
	[tilespmem:s18+$0x100] =	vst v3  }
0xe7: {  	s20 =	sor.u32 $0x200, s19;
	[tilespmem:s18+$0x180] =	vst v4  }
0xe8: {  	s13 =	sor.u32 $0x280, s19;
	[tilespmem:s20+$0xA000] =	vst v5  }
0xe9: {  	s17 =	sor.u32 $0x300, s19;
	[tilespmem:s13+$0xA000] =	vst v6  }
0xea: {  	s18 =	sor.u32 $0x380, s19;
	s19 =	sor.u32 $0x20, s30;
	[tilespmem:s17+$0xA000] =	vst v7  }
0xeb: {  	s20 =	sor.u32 s19, s7;
	[tilespmem:s18+$0xA000] =	vst v0  }
0xec: {  	v0 =	vld [tilespmem:s20+$0x0];
	_ =	sdelay $0x7  }
0xed: {  	v1 =	vld.idx.msk [tilespmem:v0+s8+$0x0], $0xffff  }
0xee: {  	v2 =	vld.idx.msk [tilespmem:v0+s9+$0x0], $0xffff  }
0xef: {  	v3 =	vld.idx.msk [tilespmem:v0+s10+$0x0], $0xffff  }
0xf0: {  	v4 =	vld.idx.msk [tilespmem:v0+s1+$0x0], $0xffff  }
0xf1: {  	v5 =	vld.idx.msk [tilespmem:v0+s4+$0x0], $0xffff  }
0xf2: {  	v6 =	vld.idx.msk [tilespmem:v0+s21+$0x0], $0xffff  }
0xf3: {  	s13 =	sor.u32 s19, s28;
	v7 =	vld.idx.msk [tilespmem:v0+s5+$0x0], $0xffff  }
0xf4: {  	v0 =	vld.idx.msk [tilespmem:v0+s6+$0x0], $0xffff;
	[tilespmem:s13+$0x0] =	vst v1  }
0xf5: {  	[tilespmem:s13+$0x80] =	vst v2  }
0xf6: {  	s17 =	sadd.s32 $0x20, s29;
	[tilespmem:s13+$0x100] =	vst v3  }
0xf7: {  	s18 =	sor.u32 $0x200, s17;
	[tilespmem:s13+$0x180] =	vst v4  }
0xf8: {  	s19 =	sor.u32 $0x280, s17;
	[tilespmem:s18+$0xA000] =	vst v5  }
0xf9: {  	s20 =	sor.u32 $0x300, s17;
	[tilespmem:s19+$0xA000] =	vst v6  }
0xfa: {  	s2 =	sor.u32 $0x380, s17;
	s13 =	sor.u32 $0x30, s30;
	[tilespmem:s20+$0xA000] =	vst v7  }
0xfb: {  	s17 =	sor.u32 s13, s7;
	[tilespmem:s2+$0xA000] =	vst v0  }
0xfc: {  	v0 =	vld [tilespmem:s17+$0x0];
	_ =	sdelay $0x7  }
0xfd: {  	v1 =	vld.idx.msk [tilespmem:v0+s8+$0x0], $0xffff  }
0xfe: {  	v2 =	vld.idx.msk [tilespmem:v0+s9+$0x0], $0xffff  }
0xff: {  	v3 =	vld.idx.msk [tilespmem:v0+s10+$0x0], $0xffff  }
0x100: {  	v4 =	vld.idx.msk [tilespmem:v0+s1+$0x0], $0xffff  }
0x101: {  	v5 =	vld.idx.msk [tilespmem:v0+s4+$0x0], $0xffff  }
0x102: {  	v6 =	vld.idx.msk [tilespmem:v0+s21+$0x0], $0xffff  }
0x103: {  	s18 =	sor.u32 s13, s28;
	v7 =	vld.idx.msk [tilespmem:v0+s5+$0x0], $0xffff  }
0x104: {  	v0 =	vld.idx.msk [tilespmem:v0+s6+$0x0], $0xffff;
	[tilespmem:s18+$0x0] =	vst v1  }
0x105: {  	s24 =	sadd.s32 $0x4, s24;
	[tilespmem:s18+$0x80] =	vst v2  }
0x106: {  	p1 =	slt.u32 s24, $0xFC;
	s19 =	sadd.s32 $0x30, s29;
	[tilespmem:s18+$0x100] =	vst v3  }
.Ltmp4:
0x107: {  	s20 =	sor.u32 $0x200, s19;
	[tilespmem:s18+$0x180] =	vst v4;
	(pc) =	sbr.rel @p1 .LBB2_7-.Ltmp4, $4  }
0x108: {  	s28 =	sor.u32 $0x280, s19;
	[tilespmem:s20+$0xA000] =	vst v5  }
0x109: {  	s29 =	sor.u32 $0x300, s19;
	[tilespmem:s28+$0xA000] =	vst v6  }
0x10a: {  	s25 =	sadd.s32 $0x40, s25;
	s30 =	sor.u32 $0x380, s19;
	[tilespmem:s29+$0xA000] =	vst v7  }
0x10b: {  	s23 =	sadd.s32 $0x40, s23;
	p0 =	por !p0, !p0;
	s26 =	sadd.s32 $0x200, s26;
	[tilespmem:s30+$0xA000] =	vst v0  }
0x10c: {  	s0 =	rddreg [dreg:$0xa]  }
0x10d: {  	s4 =	rddreg [dreg:$0x10]  }
0x10e: {  	s0 =	sadd.s32 s0, s4  }
0x10f: {  	s2 =	rddreg [dreg:$0x2];
	s23 =	simm.s32 $0x0;
	s0 =	sshrl.u32 s0, $0x3  }
0x110: {  	s1 =	simm.s32 $0xA000;
	s30 =	simm.s32 $0x4;
	s0 =	sadd.s32 s2, s0  }
0x111: {  	[hbm4b:s0+s23] =	stream.linear.scatter [tilespmem:s1], [sflag:$0x3], $0x8000, $0x38;
	[tilespmem:$0x1A000] =	vst v63  }
0x112: {  	_ =	swait.ge [sflag:s30], $0x8000  }
0x113: {  	s24 =	simm.s32 $0xFFFFFFFC;
	p0 =	por $0x0, $0x0;
	[sflag:s30] =	ssyncset.done $0x0  }
0x114: {  	s25 =	simm.s32 $0x1000;
	s26 =	simm.s32 $0x0;
	[sflag:s30] =	ssyncadd.s32 $0xFFFF8000  }
.LBB2_9:
0x115: {  	v0 =	vld [tilespmem:s25+$0x0];
	_ =	sdelay $0x7  }
0x116: {  	v1 =	vld.idx.msk [tilespmem:v0+s11+$0x0], $0xffff  }
0x117: {  	v2 =	vld.idx.msk [tilespmem:v0+s12+$0x0], $0xffff  }
0x118: {  	v3 =	vld.idx.msk [tilespmem:v0+s15+$0x0], $0xffff  }
0x119: {  	v4 =	vld.idx.msk [tilespmem:v0+s16+$0x0], $0xffff  }
0x11a: {  	s0 =	sand.u32 $0x7C00, s26;
	v5 =	vld.idx.msk [tilespmem:v0+s3+$0x0], $0xffff  }
0x11b: {  	s30 =	sand.u32 $0x40, s23;
	s28 =	sadd.s32 $0x12000, s0;
	v6 =	vld.idx.msk [tilespmem:v0+s22+$0x0], $0xffff  }
0x11c: {  	s0 =	simm.s32 $0x1;
	s2 =	sor.u32 s30, s28;
	v7 =	vld.idx.msk [tilespmem:v0+s31+$0x0], $0xffff  }
0x11d: {  	s0 =	simm.s32 @!p0 $0x0;
	v0 =	vld.idx.msk [tilespmem:v0+s14+$0x0], $0xffff;
	[tilespmem:s2+$0x0] =	vst v1  }
0x11e: {  	s0 =	sshll.u32 s0, $0x6;
	[tilespmem:s2+$0x80] =	vst v2  }
0x11f: {  	s29 =	sadd.s32 s0, s26;
	[tilespmem:s2+$0x100] =	vst v3  }
0x120: {  	s0 =	sor.u32 $0x200, s29;
	[tilespmem:s2+$0x180] =	vst v4  }
0x121: {  	s2 =	sor.u32 $0x280, s29;
	[tilespmem:s0+$0x12000] =	vst v5  }
0x122: {  	s6 =	sand.u32 $0xF80, s23;
	s5 =	sor.u32 $0x300, s29;
	[tilespmem:s2+$0x12000] =	vst v6  }
0x123: {  	s7 =	sor.u32 $0x10, s30;
	s8 =	sor.u32 $0x380, s29;
	s2 =	sor.u32 $0x1000, s6;
	[tilespmem:s5+$0x12000] =	vst v7  }
0x124: {  	s9 =	sor.u32 s7, s2;
	[tilespmem:s8+$0x12000] =	vst v0  }
0x125: {  	v0 =	vld [tilespmem:s9+$0x0];
	_ =	sdelay $0x7  }
0x126: {  	v1 =	vld.idx.msk [tilespmem:v0+s11+$0x0], $0xffff  }
0x127: {  	v2 =	vld.idx.msk [tilespmem:v0+s12+$0x0], $0xffff  }
0x128: {  	v3 =	vld.idx.msk [tilespmem:v0+s15+$0x0], $0xffff  }
0x129: {  	v4 =	vld.idx.msk [tilespmem:v0+s16+$0x0], $0xffff  }
0x12a: {  	v5 =	vld.idx.msk [tilespmem:v0+s3+$0x0], $0xffff  }
0x12b: {  	v6 =	vld.idx.msk [tilespmem:v0+s22+$0x0], $0xffff  }
0x12c: {  	s10 =	sor.u32 s7, s28;
	v7 =	vld.idx.msk [tilespmem:v0+s31+$0x0], $0xffff  }
0x12d: {  	v0 =	vld.idx.msk [tilespmem:v0+s14+$0x0], $0xffff;
	[tilespmem:s10+$0x0] =	vst v1  }
0x12e: {  	[tilespmem:s10+$0x80] =	vst v2  }
0x12f: {  	s13 =	sadd.s32 $0x10, s29;
	[tilespmem:s10+$0x100] =	vst v3  }
0x130: {  	s17 =	sor.u32 $0x200, s13;
	[tilespmem:s10+$0x180] =	vst v4  }
0x131: {  	s18 =	sor.u32 $0x280, s13;
	[tilespmem:s17+$0x12000] =	vst v5  }
0x132: {  	s19 =	sor.u32 $0x300, s13;
	[tilespmem:s18+$0x12000] =	vst v6  }
0x133: {  	s21 =	sor.u32 $0x20, s30;
	s20 =	sor.u32 $0x380, s13;
	[tilespmem:s19+$0x12000] =	vst v7  }
0x134: {  	s1 =	sor.u32 s21, s2;
	[tilespmem:s20+$0x12000] =	vst v0  }
0x135: {  	v0 =	vld [tilespmem:s1+$0x0];
	_ =	sdelay $0x7  }
0x136: {  	v1 =	vld.idx.msk [tilespmem:v0+s11+$0x0], $0xffff  }
0x137: {  	v2 =	vld.idx.msk [tilespmem:v0+s12+$0x0], $0xffff  }
0x138: {  	v3 =	vld.idx.msk [tilespmem:v0+s15+$0x0], $0xffff  }
0x139: {  	v4 =	vld.idx.msk [tilespmem:v0+s16+$0x0], $0xffff  }
0x13a: {  	v5 =	vld.idx.msk [tilespmem:v0+s3+$0x0], $0xffff  }
0x13b: {  	v6 =	vld.idx.msk [tilespmem:v0+s22+$0x0], $0xffff  }
0x13c: {  	s5 =	sor.u32 s21, s28;
	v7 =	vld.idx.msk [tilespmem:v0+s31+$0x0], $0xffff  }
0x13d: {  	v0 =	vld.idx.msk [tilespmem:v0+s14+$0x0], $0xffff;
	[tilespmem:s5+$0x0] =	vst v1  }
0x13e: {  	[tilespmem:s5+$0x80] =	vst v2  }
0x13f: {  	s6 =	sadd.s32 $0x20, s29;
	[tilespmem:s5+$0x100] =	vst v3  }
0x140: {  	s8 =	sor.u32 $0x200, s6;
	[tilespmem:s5+$0x180] =	vst v4  }
0x141: {  	s9 =	sor.u32 $0x280, s6;
	[tilespmem:s8+$0x12000] =	vst v5  }
0x142: {  	s10 =	sor.u32 $0x300, s6;
	[tilespmem:s9+$0x12000] =	vst v6  }
0x143: {  	s13 =	sor.u32 $0x380, s6;
	s17 =	sor.u32 $0x30, s30;
	[tilespmem:s10+$0x12000] =	vst v7  }
0x144: {  	s18 =	sor.u32 s17, s2;
	[tilespmem:s13+$0x12000] =	vst v0  }
0x145: {  	v0 =	vld [tilespmem:s18+$0x0];
	_ =	sdelay $0x7  }
0x146: {  	v1 =	vld.idx.msk [tilespmem:v0+s11+$0x0], $0xffff  }
0x147: {  	v2 =	vld.idx.msk [tilespmem:v0+s12+$0x0], $0xffff  }
0x148: {  	v3 =	vld.idx.msk [tilespmem:v0+s15+$0x0], $0xffff  }
0x149: {  	v4 =	vld.idx.msk [tilespmem:v0+s16+$0x0], $0xffff  }
0x14a: {  	v5 =	vld.idx.msk [tilespmem:v0+s3+$0x0], $0xffff  }
0x14b: {  	v6 =	vld.idx.msk [tilespmem:v0+s22+$0x0], $0xffff  }
0x14c: {  	s19 =	sor.u32 s17, s28;
	v7 =	vld.idx.msk [tilespmem:v0+s31+$0x0], $0xffff  }
0x14d: {  	v0 =	vld.idx.msk [tilespmem:v0+s14+$0x0], $0xffff;
	[tilespmem:s19+$0x0] =	vst v1  }
0x14e: {  	s24 =	sadd.s32 $0x4, s24;
	[tilespmem:s19+$0x80] =	vst v2  }
0x14f: {  	p1 =	slt.u32 s24, $0xFC;
	s20 =	sadd.s32 $0x30, s29;
	[tilespmem:s19+$0x100] =	vst v3  }
.Ltmp5:
0x150: {  	s21 =	sor.u32 $0x200, s20;
	[tilespmem:s19+$0x180] =	vst v4;
	(pc) =	sbr.rel @p1 .LBB2_9-.Ltmp5, $4  }
0x151: {  	s28 =	sor.u32 $0x280, s20;
	[tilespmem:s21+$0x12000] =	vst v5  }
0x152: {  	s29 =	sor.u32 $0x300, s20;
	[tilespmem:s28+$0x12000] =	vst v6  }
0x153: {  	s23 =	sadd.s32 $0x40, s23;
	s30 =	sor.u32 $0x380, s20;
	[tilespmem:s29+$0x12000] =	vst v7  }
0x154: {  	s25 =	sadd.s32 $0x40, s25;
	p0 =	por !p0, !p0;
	s26 =	sadd.s32 $0x200, s26;
	[tilespmem:s30+$0x12000] =	vst v0  }
0x155: {  	s0 =	rddreg [dreg:$0xb]  }
0x156: {  	s2 =	rddreg [dreg:$0x2];
	s26 =	simm.s32 $0x0;
	s0 =	sadd.s32 s0, s4  }
0x157: {  	s7 =	simm.s32 $0x12000;
	s28 =	rddreg [dreg:$0xe];
	s0 =	sshrl.u32 s0, $0x3  }
0x158: {  	s1 =	sshll.u32 s28, $0x1;
	p0 =	seq.s32 s28, $0x9;
	s0 =	sadd.s32 s2, s0  }
0x159: {  	[hbm4b:s0+s26] =	stream.linear.scatter [tilespmem:s7], [sflag:$0x4], $0x8000, $0x38;
	[tilespmem:$0x1A000] =	vst v63  }
0x15a: {  	s29 =	simm.s32 $0x2;
	s30 =	simm.s32 $0x3;
	s0 =	sadd.s32 @!p0 $0x2, s1  }
0x15b: {  	p1 =	por $0x0, $0x0;
	[dreg:$0xf] =	wrdreg s1;
	s2 =	sshll.u32 @!p0 s0, $0x4  }
0x15c: {  	s7 =	rddreg [dreg:$0x0];
	s0 =	sshll.u32 @!p0 s0, $0x9;
	s2 =	sand.u32 @!p0 $0x60, s2  }
0x15d: {  	s23 =	simm.s32 @!p0 $0x0;
	s0 =	sand.u32 @!p0 $0x7000, s0;
	s2 =	sadd.s32 @!p0 s7, s2  }
0x15e: {  	s7 =	simm.s32 @!p0 $0x400;
	s0 =	sadd.s32 @!p0 s0, s2;
	s2 =	simm.s32 @!p0 $0x80  }
0x15f: {  	[tilespmem:s23], [sflag:$0x1] =	stream.strided.gather @!p0 [hbm4b:s0+s2], $0x1000, s7, s2, $0x38;
	[tilespmem:$0x1A000] =	vst v63  }
0x160: {  	s24 =	simm.s32 $0x0;
	s25 =	simm.s32 $0x0;
	_ =	swait.ge [sflag:s29], $0x1000  }
0x161: {  	s8 =	simm.s32 $0x2000;
	s9 =	simm.s32 $0x2400;
	[sflag:s29] =	ssyncset.done $0x0  }
0x162: {  	s10 =	simm.s32 $0x2800;
	s13 =	simm.s32 $0x2C00;
	[sflag:s29] =	ssyncadd.s32 $0xFFFFF000  }
0x163: {  	s20 =	simm.s32 $0x3000;
	s19 =	simm.s32 $0x3400;
	_ =	swait.ge [sflag:s30], $0x8000  }
0x164: {  	s17 =	simm.s32 $0x3800;
	s18 =	simm.s32 $0x3C00;
	[sflag:s30] =	ssyncset.done $0x0  }
0x165: {  	s26 =	simm.s32 $0x0;
	s23 =	simm.s32 $0xFFFFFFFC;
	[sflag:s30] =	ssyncadd.s32 $0xFFFF8000  }
.LBB2_11:
0x166: {  	v0 =	vld [tilespmem:s24+$0x0];
	_ =	sdelay $0x7  }
0x167: {  	v1 =	vld.idx.msk [tilespmem:v0+s8+$0x0], $0xffff  }
0x168: {  	v2 =	vld.idx.msk [tilespmem:v0+s9+$0x0], $0xffff  }
0x169: {  	v3 =	vld.idx.msk [tilespmem:v0+s10+$0x0], $0xffff  }
0x16a: {  	v4 =	vld.idx.msk [tilespmem:v0+s13+$0x0], $0xffff  }
0x16b: {  	s0 =	sand.u32 $0x7C00, s26;
	v5 =	vld.idx.msk [tilespmem:v0+s20+$0x0], $0xffff  }
0x16c: {  	s30 =	sand.u32 $0x40, s25;
	s28 =	sadd.s32 $0xA000, s0;
	v6 =	vld.idx.msk [tilespmem:v0+s19+$0x0], $0xffff  }
0x16d: {  	s0 =	simm.s32 $0x1;
	s2 =	sor.u32 s30, s28;
	v7 =	vld.idx.msk [tilespmem:v0+s17+$0x0], $0xffff  }
0x16e: {  	s0 =	simm.s32 @!p1 $0x0;
	v0 =	vld.idx.msk [tilespmem:v0+s18+$0x0], $0xffff;
	[tilespmem:s2+$0x0] =	vst v1  }
0x16f: {  	s0 =	sshll.u32 s0, $0x6;
	[tilespmem:s2+$0x80] =	vst v2  }
0x170: {  	s29 =	sadd.s32 s0, s26;
	[tilespmem:s2+$0x100] =	vst v3  }
0x171: {  	s0 =	sor.u32 $0x200, s29;
	[tilespmem:s2+$0x180] =	vst v4  }
0x172: {  	s1 =	sor.u32 $0x280, s29;
	[tilespmem:s0+$0xA000] =	vst v5  }
0x173: {  	s2 =	sor.u32 $0x300, s29;
	[tilespmem:s1+$0xA000] =	vst v6  }
0x174: {  	s7 =	sand.u32 $0xF80, s25;
	s6 =	sor.u32 $0x10, s30;
	s5 =	sor.u32 $0x380, s29;
	[tilespmem:s2+$0xA000] =	vst v7  }
0x175: {  	s11 =	sor.u32 s6, s7;
	[tilespmem:s5+$0xA000] =	vst v0  }
0x176: {  	v0 =	vld [tilespmem:s11+$0x0];
	_ =	sdelay $0x7  }
0x177: {  	s9 =	simm.s32 $0x2400;
	v1 =	vld.idx.msk [tilespmem:v0+s8+$0x0], $0xffff  }
0x178: {  	v2 =	vld.idx.msk [tilespmem:v0+s9+$0x0], $0xffff  }
0x179: {  	v3 =	vld.idx.msk [tilespmem:v0+s10+$0x0], $0xffff  }
0x17a: {  	v4 =	vld.idx.msk [tilespmem:v0+s13+$0x0], $0xffff  }
0x17b: {  	v5 =	vld.idx.msk [tilespmem:v0+s20+$0x0], $0xffff  }
0x17c: {  	v6 =	vld.idx.msk [tilespmem:v0+s19+$0x0], $0xffff  }
0x17d: {  	s21 =	sor.u32 s6, s28;
	v7 =	vld.idx.msk [tilespmem:v0+s17+$0x0], $0xffff  }
0x17e: {  	v0 =	vld.idx.msk [tilespmem:v0+s18+$0x0], $0xffff;
	[tilespmem:s21+$0x0] =	vst v1  }
0x17f: {  	[tilespmem:s21+$0x80] =	vst v2  }
0x180: {  	s1 =	sadd.s32 $0x10, s29;
	[tilespmem:s21+$0x100] =	vst v3  }
0x181: {  	s5 =	sor.u32 $0x200, s1;
	[tilespmem:s21+$0x180] =	vst v4  }
0x182: {  	s6 =	sor.u32 $0x280, s1;
	[tilespmem:s5+$0xA000] =	vst v5  }
0x183: {  	s11 =	sor.u32 $0x300, s1;
	[tilespmem:s6+$0xA000] =	vst v6  }
0x184: {  	s21 =	sor.u32 $0x380, s1;
	s1 =	sor.u32 $0x20, s30;
	[tilespmem:s11+$0xA000] =	vst v7  }
0x185: {  	s5 =	sor.u32 s1, s7;
	[tilespmem:s21+$0xA000] =	vst v0  }
0x186: {  	v0 =	vld [tilespmem:s5+$0x0];
	_ =	sdelay $0x7  }
0x187: {  	v1 =	vld.idx.msk [tilespmem:v0+s8+$0x0], $0xffff  }
0x188: {  	v2 =	vld.idx.msk [tilespmem:v0+s9+$0x0], $0xffff  }
0x189: {  	v3 =	vld.idx.msk [tilespmem:v0+s10+$0x0], $0xffff  }
0x18a: {  	v4 =	vld.idx.msk [tilespmem:v0+s13+$0x0], $0xffff  }
0x18b: {  	v5 =	vld.idx.msk [tilespmem:v0+s20+$0x0], $0xffff  }
0x18c: {  	v6 =	vld.idx.msk [tilespmem:v0+s19+$0x0], $0xffff  }
0x18d: {  	s6 =	sor.u32 s1, s28;
	v7 =	vld.idx.msk [tilespmem:v0+s17+$0x0], $0xffff  }
0x18e: {  	v0 =	vld.idx.msk [tilespmem:v0+s18+$0x0], $0xffff;
	[tilespmem:s6+$0x0] =	vst v1  }
0x18f: {  	[tilespmem:s6+$0x80] =	vst v2  }
0x190: {  	s9 =	sadd.s32 $0x20, s29;
	[tilespmem:s6+$0x100] =	vst v3  }
0x191: {  	s11 =	sor.u32 $0x200, s9;
	[tilespmem:s6+$0x180] =	vst v4  }
0x192: {  	s21 =	sor.u32 $0x280, s9;
	[tilespmem:s11+$0xA000] =	vst v5  }
0x193: {  	s1 =	sor.u32 $0x300, s9;
	[tilespmem:s21+$0xA000] =	vst v6  }
0x194: {  	s5 =	sor.u32 $0x30, s30;
	s2 =	sor.u32 $0x380, s9;
	[tilespmem:s1+$0xA000] =	vst v7  }
0x195: {  	s6 =	sor.u32 s5, s7;
	[tilespmem:s2+$0xA000] =	vst v0  }
0x196: {  	v0 =	vld [tilespmem:s6+$0x0];
	_ =	sdelay $0x7  }
0x197: {  	s9 =	simm.s32 $0x2400;
	v1 =	vld.idx.msk [tilespmem:v0+s8+$0x0], $0xffff  }
0x198: {  	v2 =	vld.idx.msk [tilespmem:v0+s9+$0x0], $0xffff  }
0x199: {  	v3 =	vld.idx.msk [tilespmem:v0+s10+$0x0], $0xffff  }
0x19a: {  	v4 =	vld.idx.msk [tilespmem:v0+s13+$0x0], $0xffff  }
0x19b: {  	v5 =	vld.idx.msk [tilespmem:v0+s20+$0x0], $0xffff  }
0x19c: {  	v6 =	vld.idx.msk [tilespmem:v0+s19+$0x0], $0xffff  }
0x19d: {  	s7 =	sor.u32 s5, s28;
	v7 =	vld.idx.msk [tilespmem:v0+s17+$0x0], $0xffff  }
0x19e: {  	v0 =	vld.idx.msk [tilespmem:v0+s18+$0x0], $0xffff;
	[tilespmem:s7+$0x0] =	vst v1  }
0x19f: {  	s23 =	sadd.s32 $0x4, s23;
	[tilespmem:s7+$0x80] =	vst v2  }
0x1a0: {  	p2 =	slt.u32 s23, $0xFC;
	s11 =	sadd.s32 $0x30, s29;
	[tilespmem:s7+$0x100] =	vst v3  }
.Ltmp6:
0x1a1: {  	s21 =	sor.u32 $0x200, s11;
	[tilespmem:s7+$0x180] =	vst v4;
	(pc) =	sbr.rel @p2 .LBB2_11-.Ltmp6, $4  }
0x1a2: {  	s28 =	sor.u32 $0x280, s11;
	[tilespmem:s21+$0xA000] =	vst v5  }
0x1a3: {  	s29 =	sor.u32 $0x300, s11;
	[tilespmem:s28+$0xA000] =	vst v6  }
0x1a4: {  	s25 =	sadd.s32 $0x40, s25;
	s30 =	sor.u32 $0x380, s11;
	[tilespmem:s29+$0xA000] =	vst v7  }
0x1a5: {  	s24 =	sadd.s32 $0x40, s24;
	p1 =	por !p1, !p1;
	s26 =	sadd.s32 $0x200, s26;
	[tilespmem:s30+$0xA000] =	vst v0  }
0x1a6: {  	s0 =	rddreg [dreg:$0x4]  }
0x1a7: {  	s4 =	sadd.s32 $0x3E8000, s4;
	s2 =	rddreg [dreg:$0x2]  }
0x1a8: {  	s23 =	simm.s32 $0x0;
	s1 =	simm.s32 $0xA000;
	s30 =	simm.s32 $0x4  }
0x1a9: {  	s24 =	simm.s32 $0xFFFFFFFC;
	p1 =	por $0x0, $0x0;
	s0 =	sadd.s32 s0, s4  }
0x1aa: {  	s25 =	simm.s32 $0x1000;
	s26 =	simm.s32 $0x0;
	s0 =	sshrl.u32 s0, $0x3  }
0x1ab: {  	s9 =	simm.s32 $0x4000;
	s10 =	simm.s32 $0x4400;
	s0 =	sadd.s32 s2, s0  }
0x1ac: {  	[hbm4b:s0+s23] =	stream.linear.scatter [tilespmem:s1], [sflag:$0x3], $0x8000, $0x38;
	[tilespmem:$0x1A000] =	vst v63  }
0x1ad: {  	s13 =	simm.s32 $0x4800;
	s17 =	simm.s32 $0x4C00;
	_ =	swait.ge [sflag:s30], $0x8000  }
0x1ae: {  	s19 =	simm.s32 $0x5000;
	s20 =	simm.s32 $0x5400;
	[sflag:s30] =	ssyncset.done $0x0  }
0x1af: {  	s8 =	simm.s32 $0x5800;
	s18 =	simm.s32 $0x5C00;
	[sflag:s30] =	ssyncadd.s32 $0xFFFF8000  }
.LBB2_13:
0x1b0: {  	v0 =	vld [tilespmem:s25+$0x0];
	_ =	sdelay $0x7  }
0x1b1: {  	v1 =	vld.idx.msk [tilespmem:v0+s9+$0x0], $0xffff  }
0x1b2: {  	v2 =	vld.idx.msk [tilespmem:v0+s10+$0x0], $0xffff  }
0x1b3: {  	v3 =	vld.idx.msk [tilespmem:v0+s13+$0x0], $0xffff  }
0x1b4: {  	v4 =	vld.idx.msk [tilespmem:v0+s17+$0x0], $0xffff  }
0x1b5: {  	s0 =	sand.u32 $0x7C00, s26;
	v5 =	vld.idx.msk [tilespmem:v0+s19+$0x0], $0xffff  }
0x1b6: {  	s30 =	sand.u32 $0x40, s23;
	s28 =	sadd.s32 $0x12000, s0;
	v6 =	vld.idx.msk [tilespmem:v0+s20+$0x0], $0xffff  }
0x1b7: {  	s0 =	simm.s32 $0x1;
	s2 =	sor.u32 s30, s28;
	v7 =	vld.idx.msk [tilespmem:v0+s8+$0x0], $0xffff  }
0x1b8: {  	s0 =	simm.s32 @!p1 $0x0;
	v0 =	vld.idx.msk [tilespmem:v0+s18+$0x0], $0xffff;
	[tilespmem:s2+$0x0] =	vst v1  }
0x1b9: {  	s0 =	sshll.u32 s0, $0x6;
	[tilespmem:s2+$0x80] =	vst v2  }
0x1ba: {  	s29 =	sadd.s32 s0, s26;
	[tilespmem:s2+$0x100] =	vst v3  }
0x1bb: {  	s0 =	sor.u32 $0x200, s29;
	[tilespmem:s2+$0x180] =	vst v4  }
0x1bc: {  	s11 =	sor.u32 $0x280, s29;
	[tilespmem:s0+$0x12000] =	vst v5  }
0x1bd: {  	s1 =	sand.u32 $0xF80, s23;
	s21 =	sor.u32 $0x300, s29;
	[tilespmem:s11+$0x12000] =	vst v6  }
0x1be: {  	s7 =	sor.u32 $0x10, s30;
	s5 =	sor.u32 $0x380, s29;
	s2 =	sor.u32 $0x1000, s1;
	[tilespmem:s21+$0x12000] =	vst v7  }
0x1bf: {  	s6 =	sor.u32 s7, s2;
	[tilespmem:s5+$0x12000] =	vst v0  }
0x1c0: {  	v0 =	vld [tilespmem:s6+$0x0];
	_ =	sdelay $0x7  }
0x1c1: {  	v1 =	vld.idx.msk [tilespmem:v0+s9+$0x0], $0xffff  }
0x1c2: {  	v2 =	vld.idx.msk [tilespmem:v0+s10+$0x0], $0xffff  }
0x1c3: {  	v3 =	vld.idx.msk [tilespmem:v0+s13+$0x0], $0xffff  }
0x1c4: {  	v4 =	vld.idx.msk [tilespmem:v0+s17+$0x0], $0xffff  }
0x1c5: {  	v5 =	vld.idx.msk [tilespmem:v0+s19+$0x0], $0xffff  }
0x1c6: {  	v6 =	vld.idx.msk [tilespmem:v0+s20+$0x0], $0xffff  }
0x1c7: {  	s11 =	sor.u32 s7, s28;
	v7 =	vld.idx.msk [tilespmem:v0+s8+$0x0], $0xffff  }
0x1c8: {  	v0 =	vld.idx.msk [tilespmem:v0+s18+$0x0], $0xffff;
	[tilespmem:s11+$0x0] =	vst v1  }
0x1c9: {  	[tilespmem:s11+$0x80] =	vst v2  }
0x1ca: {  	s21 =	sadd.s32 $0x10, s29;
	[tilespmem:s11+$0x100] =	vst v3  }
0x1cb: {  	s1 =	sor.u32 $0x200, s21;
	[tilespmem:s11+$0x180] =	vst v4  }
0x1cc: {  	s5 =	sor.u32 $0x280, s21;
	[tilespmem:s1+$0x12000] =	vst v5  }
0x1cd: {  	s6 =	sor.u32 $0x300, s21;
	[tilespmem:s5+$0x12000] =	vst v6  }
0x1ce: {  	s7 =	sor.u32 $0x380, s21;
	s11 =	sor.u32 $0x20, s30;
	[tilespmem:s6+$0x12000] =	vst v7  }
0x1cf: {  	s21 =	sor.u32 s11, s2;
	[tilespmem:s7+$0x12000] =	vst v0  }
0x1d0: {  	v0 =	vld [tilespmem:s21+$0x0];
	_ =	sdelay $0x7  }
0x1d1: {  	v1 =	vld.idx.msk [tilespmem:v0+s9+$0x0], $0xffff  }
0x1d2: {  	v2 =	vld.idx.msk [tilespmem:v0+s10+$0x0], $0xffff  }
0x1d3: {  	v3 =	vld.idx.msk [tilespmem:v0+s13+$0x0], $0xffff  }
0x1d4: {  	v4 =	vld.idx.msk [tilespmem:v0+s17+$0x0], $0xffff  }
0x1d5: {  	v5 =	vld.idx.msk [tilespmem:v0+s19+$0x0], $0xffff  }
0x1d6: {  	v6 =	vld.idx.msk [tilespmem:v0+s20+$0x0], $0xffff  }
0x1d7: {  	s1 =	sor.u32 s11, s28;
	v7 =	vld.idx.msk [tilespmem:v0+s8+$0x0], $0xffff  }
0x1d8: {  	v0 =	vld.idx.msk [tilespmem:v0+s18+$0x0], $0xffff;
	[tilespmem:s1+$0x0] =	vst v1  }
0x1d9: {  	[tilespmem:s1+$0x80] =	vst v2  }
0x1da: {  	s5 =	sadd.s32 $0x20, s29;
	[tilespmem:s1+$0x100] =	vst v3  }
0x1db: {  	s6 =	sor.u32 $0x200, s5;
	[tilespmem:s1+$0x180] =	vst v4  }
0x1dc: {  	s11 =	sor.u32 $0x280, s5;
	[tilespmem:s6+$0x12000] =	vst v5  }
0x1dd: {  	s21 =	sor.u32 $0x300, s5;
	[tilespmem:s11+$0x12000] =	vst v6  }
0x1de: {  	s1 =	sor.u32 $0x380, s5;
	s5 =	sor.u32 $0x30, s30;
	[tilespmem:s21+$0x12000] =	vst v7  }
0x1df: {  	s6 =	sor.u32 s5, s2;
	[tilespmem:s1+$0x12000] =	vst v0  }
0x1e0: {  	v0 =	vld [tilespmem:s6+$0x0];
	_ =	sdelay $0x7  }
0x1e1: {  	v1 =	vld.idx.msk [tilespmem:v0+s9+$0x0], $0xffff  }
0x1e2: {  	v2 =	vld.idx.msk [tilespmem:v0+s10+$0x0], $0xffff  }
0x1e3: {  	v3 =	vld.idx.msk [tilespmem:v0+s13+$0x0], $0xffff  }
0x1e4: {  	v4 =	vld.idx.msk [tilespmem:v0+s17+$0x0], $0xffff  }
0x1e5: {  	v5 =	vld.idx.msk [tilespmem:v0+s19+$0x0], $0xffff  }
0x1e6: {  	v6 =	vld.idx.msk [tilespmem:v0+s20+$0x0], $0xffff  }
0x1e7: {  	s7 =	sor.u32 s5, s28;
	v7 =	vld.idx.msk [tilespmem:v0+s8+$0x0], $0xffff  }
0x1e8: {  	v0 =	vld.idx.msk [tilespmem:v0+s18+$0x0], $0xffff;
	[tilespmem:s7+$0x0] =	vst v1  }
0x1e9: {  	s24 =	sadd.s32 $0x4, s24;
	[tilespmem:s7+$0x80] =	vst v2  }
0x1ea: {  	p2 =	slt.u32 s24, $0xFC;
	s11 =	sadd.s32 $0x30, s29;
	[tilespmem:s7+$0x100] =	vst v3  }
.Ltmp7:
0x1eb: {  	s21 =	sor.u32 $0x200, s11;
	[tilespmem:s7+$0x180] =	vst v4;
	(pc) =	sbr.rel @p2 .LBB2_13-.Ltmp7, $4  }
0x1ec: {  	s28 =	sor.u32 $0x280, s11;
	[tilespmem:s21+$0x12000] =	vst v5  }
0x1ed: {  	s29 =	sor.u32 $0x300, s11;
	[tilespmem:s28+$0x12000] =	vst v6  }
0x1ee: {  	s23 =	sadd.s32 $0x40, s23;
	s30 =	sor.u32 $0x380, s11;
	[tilespmem:s29+$0x12000] =	vst v7  }
0x1ef: {  	s25 =	sadd.s32 $0x40, s25;
	p1 =	por !p1, !p1;
	s26 =	sadd.s32 $0x200, s26;
	[tilespmem:s30+$0x12000] =	vst v0  }
0x1f0: {  	s0 =	rddreg [dreg:$0x5]  }
0x1f1: {  	[dreg:$0x11] =	wrdreg s4  }
0x1f2: {  	s2 =	rddreg [dreg:$0x2]  }
0x1f3: {  	s23 =	simm.s32 $0x0;
	s29 =	simm.s32 $0x12000;
	s30 =	simm.s32 $0x3  }
0x1f4: {  	s24 =	simm.s32 $0xFFFFFFFC;
	p1 =	por $0x0, $0x0;
	s25 =	simm.s32 $0x0  }
0x1f5: {  	s26 =	simm.s32 $0x0;
	s9 =	simm.s32 $0x2800;
	s10 =	simm.s32 $0x2C00  }
0x1f6: {  	s13 =	simm.s32 $0x3000;
	s20 =	simm.s32 $0x3400;
	s0 =	sadd.s32 s0, s4  }
0x1f7: {  	s19 =	simm.s32 $0x3800;
	s17 =	simm.s32 $0x3C00;
	s0 =	sshrl.u32 s0, $0x3  }
0x1f8: {  	s8 =	simm.s32 $0x6000;
	s18 =	simm.s32 $0x6400;
	s0 =	sadd.s32 s2, s0  }
0x1f9: {  	[hbm4b:s0+s23] =	stream.linear.scatter [tilespmem:s29], [sflag:$0x4], $0x8000, $0x38;
	[tilespmem:$0x1A000] =	vst v63  }
0x1fa: {  	s1 =	simm.s32 $0x6800;
	s21 =	simm.s32 $0x7000;
	_ =	swait.ge [sflag:s30], $0x8000  }
0x1fb: {  	s5 =	simm.s32 $0x7400;
	s6 =	simm.s32 $0x7800;
	[sflag:s30] =	ssyncset.done $0x0  }
0x1fc: {  	s11 =	simm.s32 $0x7C00;
	s4 =	simm.s32 $0x6C00;
	[sflag:s30] =	ssyncadd.s32 $0xFFFF8000  }
.LBB2_15:
0x1fd: {  	v0 =	vld [tilespmem:s23+$0x0];
	_ =	sdelay $0x7  }
0x1fe: {  	v1 =	vld.idx.msk [tilespmem:v0+s8+$0x0], $0xffff  }
0x1ff: {  	v2 =	vld.idx.msk [tilespmem:v0+s18+$0x0], $0xffff  }
0x200: {  	v3 =	vld.idx.msk [tilespmem:v0+s1+$0x0], $0xffff  }
0x201: {  	v4 =	vld.idx.msk [tilespmem:v0+s4+$0x0], $0xffff  }
0x202: {  	s0 =	sand.u32 $0x7C00, s26;
	v5 =	vld.idx.msk [tilespmem:v0+s21+$0x0], $0xffff  }
0x203: {  	s30 =	sand.u32 $0x40, s25;
	s28 =	sadd.s32 $0xA000, s0;
	v6 =	vld.idx.msk [tilespmem:v0+s5+$0x0], $0xffff  }
0x204: {  	s0 =	simm.s32 $0x1;
	s2 =	sor.u32 s30, s28;
	v7 =	vld.idx.msk [tilespmem:v0+s6+$0x0], $0xffff  }
0x205: {  	s0 =	simm.s32 @!p1 $0x0;
	v0 =	vld.idx.msk [tilespmem:v0+s11+$0x0], $0xffff;
	[tilespmem:s2+$0x0] =	vst v1  }
0x206: {  	s0 =	sshll.u32 s0, $0x6;
	[tilespmem:s2+$0x80] =	vst v2  }
0x207: {  	s29 =	sadd.s32 s0, s26;
	[tilespmem:s2+$0x100] =	vst v3  }
0x208: {  	s0 =	sor.u32 $0x200, s29;
	[tilespmem:s2+$0x180] =	vst v4  }
0x209: {  	s2 =	sor.u32 $0x280, s29;
	[tilespmem:s0+$0xA000] =	vst v5  }
0x20a: {  	s7 =	sor.u32 $0x300, s29;
	[tilespmem:s2+$0xA000] =	vst v6  }
0x20b: {  	s0 =	sor.u32 $0x380, s29;
	s2 =	sor.u32 $0x10, s30;
	[tilespmem:s7+$0xA000] =	vst v7;
	s7 =	sand.u32 $0xF80, s25  }
0x20c: {  	[tilespmem:s0+$0xA000] =	vst v0;
	s0 =	sor.u32 s2, s7  }
0x20d: {  	v0 =	vld [tilespmem:s0+$0x0];
	_ =	sdelay $0x7  }
0x20e: {  	v1 =	vld.idx.msk [tilespmem:v0+s8+$0x0], $0xffff  }
0x20f: {  	v2 =	vld.idx.msk [tilespmem:v0+s18+$0x0], $0xffff  }
0x210: {  	v3 =	vld.idx.msk [tilespmem:v0+s1+$0x0], $0xffff  }
0x211: {  	v4 =	vld.idx.msk [tilespmem:v0+s4+$0x0], $0xffff  }
0x212: {  	v5 =	vld.idx.msk [tilespmem:v0+s21+$0x0], $0xffff  }
0x213: {  	v6 =	vld.idx.msk [tilespmem:v0+s5+$0x0], $0xffff  }
0x214: {  	s0 =	sor.u32 s2, s28;
	v7 =	vld.idx.msk [tilespmem:v0+s6+$0x0], $0xffff  }
0x215: {  	v0 =	vld.idx.msk [tilespmem:v0+s11+$0x0], $0xffff;
	[tilespmem:s0+$0x0] =	vst v1  }
0x216: {  	[tilespmem:s0+$0x80] =	vst v2  }
0x217: {  	s2 =	sadd.s32 $0x10, s29;
	[tilespmem:s0+$0x100] =	vst v3  }
0x218: {  	[tilespmem:s0+$0x180] =	vst v4;
	s0 =	sor.u32 $0x200, s2  }
0x219: {  	[tilespmem:s0+$0xA000] =	vst v5;
	s0 =	sor.u32 $0x280, s2  }
0x21a: {  	[tilespmem:s0+$0xA000] =	vst v6;
	s0 =	sor.u32 $0x300, s2  }
0x21b: {  	[tilespmem:s0+$0xA000] =	vst v7;
	s0 =	sor.u32 $0x380, s2;
	s2 =	sor.u32 $0x20, s30  }
0x21c: {  	[tilespmem:s0+$0xA000] =	vst v0;
	s0 =	sor.u32 s2, s7  }
0x21d: {  	v0 =	vld [tilespmem:s0+$0x0];
	_ =	sdelay $0x7  }
0x21e: {  	v1 =	vld.idx.msk [tilespmem:v0+s8+$0x0], $0xffff  }
0x21f: {  	v2 =	vld.idx.msk [tilespmem:v0+s18+$0x0], $0xffff  }
0x220: {  	v3 =	vld.idx.msk [tilespmem:v0+s1+$0x0], $0xffff  }
0x221: {  	v4 =	vld.idx.msk [tilespmem:v0+s4+$0x0], $0xffff  }
0x222: {  	v5 =	vld.idx.msk [tilespmem:v0+s21+$0x0], $0xffff  }
0x223: {  	v6 =	vld.idx.msk [tilespmem:v0+s5+$0x0], $0xffff  }
0x224: {  	s0 =	sor.u32 s2, s28;
	v7 =	vld.idx.msk [tilespmem:v0+s6+$0x0], $0xffff  }
0x225: {  	v0 =	vld.idx.msk [tilespmem:v0+s11+$0x0], $0xffff;
	[tilespmem:s0+$0x0] =	vst v1  }
0x226: {  	[tilespmem:s0+$0x80] =	vst v2  }
0x227: {  	s2 =	sadd.s32 $0x20, s29;
	[tilespmem:s0+$0x100] =	vst v3  }
0x228: {  	[tilespmem:s0+$0x180] =	vst v4;
	s0 =	sor.u32 $0x200, s2  }
0x229: {  	[tilespmem:s0+$0xA000] =	vst v5;
	s0 =	sor.u32 $0x280, s2  }
0x22a: {  	[tilespmem:s0+$0xA000] =	vst v6;
	s0 =	sor.u32 $0x300, s2  }
0x22b: {  	s30 =	sor.u32 $0x30, s30;
	s2 =	sor.u32 $0x380, s2;
	[tilespmem:s0+$0xA000] =	vst v7  }
0x22c: {  	s7 =	sor.u32 s30, s7;
	[tilespmem:s2+$0xA000] =	vst v0  }
0x22d: {  	v0 =	vld [tilespmem:s7+$0x0];
	_ =	sdelay $0x7  }
0x22e: {  	v1 =	vld.idx.msk [tilespmem:v0+s8+$0x0], $0xffff  }
0x22f: {  	v2 =	vld.idx.msk [tilespmem:v0+s18+$0x0], $0xffff  }
0x230: {  	v3 =	vld.idx.msk [tilespmem:v0+s1+$0x0], $0xffff  }
0x231: {  	v4 =	vld.idx.msk [tilespmem:v0+s4+$0x0], $0xffff  }
0x232: {  	v5 =	vld.idx.msk [tilespmem:v0+s21+$0x0], $0xffff  }
0x233: {  	v6 =	vld.idx.msk [tilespmem:v0+s5+$0x0], $0xffff  }
0x234: {  	s28 =	sor.u32 s30, s28;
	v7 =	vld.idx.msk [tilespmem:v0+s6+$0x0], $0xffff  }
0x235: {  	v0 =	vld.idx.msk [tilespmem:v0+s11+$0x0], $0xffff;
	[tilespmem:s28+$0x0] =	vst v1  }
0x236: {  	s24 =	sadd.s32 $0x4, s24;
	[tilespmem:s28+$0x80] =	vst v2  }
0x237: {  	p2 =	slt.u32 s24, $0xFC;
	s30 =	sadd.s32 $0x30, s29;
	[tilespmem:s28+$0x100] =	vst v3  }
.Ltmp8:
0x238: {  	s7 =	sor.u32 $0x200, s30;
	[tilespmem:s28+$0x180] =	vst v4;
	(pc) =	sbr.rel @p2 .LBB2_15-.Ltmp8, $4  }
0x239: {  	s28 =	sor.u32 $0x280, s30;
	[tilespmem:s7+$0xA000] =	vst v5  }
0x23a: {  	s29 =	sor.u32 $0x300, s30;
	[tilespmem:s28+$0xA000] =	vst v6  }
0x23b: {  	s23 =	sadd.s32 $0x40, s23;
	s30 =	sor.u32 $0x380, s30;
	[tilespmem:s29+$0xA000] =	vst v7  }
0x23c: {  	p1 =	por !p1, !p1;
	s26 =	sadd.s32 $0x200, s26;
	s25 =	sadd.s32 $0x40, s25;
	[tilespmem:s30+$0xA000] =	vst v0  }
0x23d: {  	s0 =	rddreg [dreg:$0xa]  }
0x23e: {  	s1 =	rddreg [dreg:$0x11]  }
0x23f: {  	s0 =	sadd.s32 s0, s1  }
0x240: {  	s2 =	rddreg [dreg:$0x2];
	s23 =	simm.s32 $0x0;
	s0 =	sshrl.u32 s0, $0x3  }
0x241: {  	s8 =	simm.s32 $0xA000;
	s18 =	simm.s32 $0x4;
	s0 =	sadd.s32 s2, s0  }
0x242: {  	[hbm4b:s0+s23] =	stream.linear.scatter [tilespmem:s8], [sflag:$0x3], $0x8000, $0x38;
	[tilespmem:$0x1A000] =	vst v63  }
0x243: {  	s24 =	simm.s32 $0xFFFFFFFC;
	_ =	swait.ge [sflag:s18], $0x8000  }
0x244: {  	p1 =	por $0x0, $0x0;
	s25 =	simm.s32 $0x1000;
	[sflag:s18] =	ssyncset.done $0x0  }
0x245: {  	s26 =	simm.s32 $0x0;
	s11 =	simm.s32 $0x8000;
	[sflag:s18] =	ssyncadd.s32 $0xFFFF8000  }
.LBB2_17:
0x246: {  	v0 =	vld [tilespmem:s25+$0x0];
	_ =	sdelay $0x7  }
0x247: {  	v1 =	vld.idx.msk [tilespmem:v0+s11+$0x0], $0xffff  }
0x248: {  	v2 =	vld.idx.msk [tilespmem:v0+s12+$0x0], $0xffff  }
0x249: {  	v3 =	vld.idx.msk [tilespmem:v0+s15+$0x0], $0xffff  }
0x24a: {  	v4 =	vld.idx.msk [tilespmem:v0+s16+$0x0], $0xffff  }
0x24b: {  	s0 =	sand.u32 $0x7C00, s26;
	v5 =	vld.idx.msk [tilespmem:v0+s3+$0x0], $0xffff  }
0x24c: {  	s30 =	sand.u32 $0x40, s23;
	s28 =	sadd.s32 $0x12000, s0;
	v6 =	vld.idx.msk [tilespmem:v0+s22+$0x0], $0xffff  }
0x24d: {  	s0 =	simm.s32 $0x1;
	s2 =	sor.u32 s30, s28;
	v7 =	vld.idx.msk [tilespmem:v0+s31+$0x0], $0xffff  }
0x24e: {  	s0 =	simm.s32 @!p1 $0x0;
	v0 =	vld.idx.msk [tilespmem:v0+s14+$0x0], $0xffff;
	[tilespmem:s2+$0x0] =	vst v1  }
0x24f: {  	s0 =	sshll.u32 s0, $0x6;
	[tilespmem:s2+$0x80] =	vst v2  }
0x250: {  	s29 =	sadd.s32 s0, s26;
	[tilespmem:s2+$0x100] =	vst v3  }
0x251: {  	s0 =	sor.u32 $0x200, s29;
	[tilespmem:s2+$0x180] =	vst v4  }
0x252: {  	s21 =	sor.u32 $0x280, s29;
	[tilespmem:s0+$0x12000] =	vst v5  }
0x253: {  	s4 =	sand.u32 $0xF80, s23;
	s2 =	sor.u32 $0x300, s29;
	[tilespmem:s21+$0x12000] =	vst v6  }
0x254: {  	s7 =	sor.u32 $0x10, s30;
	s5 =	sor.u32 $0x380, s29;
	[tilespmem:s2+$0x12000] =	vst v7;
	s2 =	sor.u32 $0x1000, s4  }
0x255: {  	[tilespmem:s5+$0x12000] =	vst v0;
	s6 =	sor.u32 s7, s2  }
0x256: {  	v0 =	vld [tilespmem:s6+$0x0];
	_ =	sdelay $0x7  }
0x257: {  	v1 =	vld.idx.msk [tilespmem:v0+s11+$0x0], $0xffff  }
0x258: {  	v2 =	vld.idx.msk [tilespmem:v0+s12+$0x0], $0xffff  }
0x259: {  	v3 =	vld.idx.msk [tilespmem:v0+s15+$0x0], $0xffff  }
0x25a: {  	v4 =	vld.idx.msk [tilespmem:v0+s16+$0x0], $0xffff  }
0x25b: {  	v5 =	vld.idx.msk [tilespmem:v0+s3+$0x0], $0xffff  }
0x25c: {  	v6 =	vld.idx.msk [tilespmem:v0+s22+$0x0], $0xffff  }
0x25d: {  	s21 =	sor.u32 s7, s28;
	v7 =	vld.idx.msk [tilespmem:v0+s31+$0x0], $0xffff  }
0x25e: {  	v0 =	vld.idx.msk [tilespmem:v0+s14+$0x0], $0xffff;
	[tilespmem:s21+$0x0] =	vst v1  }
0x25f: {  	[tilespmem:s21+$0x80] =	vst v2  }
0x260: {  	s4 =	sadd.s32 $0x10, s29;
	[tilespmem:s21+$0x100] =	vst v3  }
0x261: {  	s5 =	sor.u32 $0x200, s4;
	[tilespmem:s21+$0x180] =	vst v4  }
0x262: {  	s6 =	sor.u32 $0x280, s4;
	[tilespmem:s5+$0x12000] =	vst v5  }
0x263: {  	s21 =	sor.u32 $0x300, s4;
	[tilespmem:s6+$0x12000] =	vst v6  }
0x264: {  	s4 =	sor.u32 $0x380, s4;
	s5 =	sor.u32 $0x20, s30;
	[tilespmem:s21+$0x12000] =	vst v7  }
0x265: {  	s6 =	sor.u32 s5, s2;
	[tilespmem:s4+$0x12000] =	vst v0  }
0x266: {  	v0 =	vld [tilespmem:s6+$0x0];
	_ =	sdelay $0x7  }
0x267: {  	v1 =	vld.idx.msk [tilespmem:v0+s11+$0x0], $0xffff  }
0x268: {  	v2 =	vld.idx.msk [tilespmem:v0+s12+$0x0], $0xffff  }
0x269: {  	v3 =	vld.idx.msk [tilespmem:v0+s15+$0x0], $0xffff  }
0x26a: {  	v4 =	vld.idx.msk [tilespmem:v0+s16+$0x0], $0xffff  }
0x26b: {  	v5 =	vld.idx.msk [tilespmem:v0+s3+$0x0], $0xffff  }
0x26c: {  	v6 =	vld.idx.msk [tilespmem:v0+s22+$0x0], $0xffff  }
0x26d: {  	s7 =	sor.u32 s5, s28;
	v7 =	vld.idx.msk [tilespmem:v0+s31+$0x0], $0xffff  }
0x26e: {  	v0 =	vld.idx.msk [tilespmem:v0+s14+$0x0], $0xffff;
	[tilespmem:s7+$0x0] =	vst v1  }
0x26f: {  	[tilespmem:s7+$0x80] =	vst v2  }
0x270: {  	s21 =	sadd.s32 $0x20, s29;
	[tilespmem:s7+$0x100] =	vst v3  }
0x271: {  	s4 =	sor.u32 $0x200, s21;
	[tilespmem:s7+$0x180] =	vst v4  }
0x272: {  	s5 =	sor.u32 $0x280, s21;
	[tilespmem:s4+$0x12000] =	vst v5  }
0x273: {  	s6 =	sor.u32 $0x300, s21;
	[tilespmem:s5+$0x12000] =	vst v6  }
0x274: {  	s21 =	sor.u32 $0x380, s21;
	s4 =	sor.u32 $0x30, s30;
	[tilespmem:s6+$0x12000] =	vst v7  }
0x275: {  	s5 =	sor.u32 s4, s2;
	[tilespmem:s21+$0x12000] =	vst v0  }
0x276: {  	v0 =	vld [tilespmem:s5+$0x0];
	_ =	sdelay $0x7  }
0x277: {  	v1 =	vld.idx.msk [tilespmem:v0+s11+$0x0], $0xffff  }
0x278: {  	v2 =	vld.idx.msk [tilespmem:v0+s12+$0x0], $0xffff  }
0x279: {  	v3 =	vld.idx.msk [tilespmem:v0+s15+$0x0], $0xffff  }
0x27a: {  	v4 =	vld.idx.msk [tilespmem:v0+s16+$0x0], $0xffff  }
0x27b: {  	v5 =	vld.idx.msk [tilespmem:v0+s3+$0x0], $0xffff  }
0x27c: {  	v6 =	vld.idx.msk [tilespmem:v0+s22+$0x0], $0xffff  }
0x27d: {  	s6 =	sor.u32 s4, s28;
	v7 =	vld.idx.msk [tilespmem:v0+s31+$0x0], $0xffff  }
0x27e: {  	v0 =	vld.idx.msk [tilespmem:v0+s14+$0x0], $0xffff;
	[tilespmem:s6+$0x0] =	vst v1  }
0x27f: {  	s24 =	sadd.s32 $0x4, s24;
	[tilespmem:s6+$0x80] =	vst v2  }
0x280: {  	p2 =	slt.u32 s24, $0xFC;
	s7 =	sadd.s32 $0x30, s29;
	[tilespmem:s6+$0x100] =	vst v3  }
.Ltmp9:
0x281: {  	s21 =	sor.u32 $0x200, s7;
	[tilespmem:s6+$0x180] =	vst v4;
	(pc) =	sbr.rel @p2 .LBB2_17-.Ltmp9, $4  }
0x282: {  	s28 =	sor.u32 $0x280, s7;
	[tilespmem:s21+$0x12000] =	vst v5  }
0x283: {  	s29 =	sor.u32 $0x300, s7;
	[tilespmem:s28+$0x12000] =	vst v6  }
0x284: {  	s23 =	sadd.s32 $0x40, s23;
	s30 =	sor.u32 $0x380, s7;
	[tilespmem:s29+$0x12000] =	vst v7  }
0x285: {  	s25 =	sadd.s32 $0x40, s25;
	p1 =	por !p1, !p1;
	s26 =	sadd.s32 $0x200, s26;
	[tilespmem:s30+$0x12000] =	vst v0  }
0x286: {  	s0 =	rddreg [dreg:$0xb]  }
.Ltmp10:
0x287: {  	s2 =	rddreg [dreg:$0x2];
	s30 =	simm.s32 $0x0;
	(pc) =	sbr.rel @p0 .LBB2_20-.Ltmp10, $4  }
0x288: {  	s7 =	simm.s32 $0x12000;
	s4 =	simm.s32 $0x7000;
	s0 =	sadd.s32 s0, s1  }
0x289: {  	s21 =	simm.s32 $0x7400;
	s5 =	simm.s32 $0x7800;
	s0 =	sshrl.u32 s0, $0x3  }
0x28a: {  	s6 =	simm.s32 $0x7C00;
	s1 =	simm.s32 $0x6C00;
	s0 =	sadd.s32 s2, s0  }
0x28b: {  	[hbm4b:s0+s30] =	stream.linear.scatter [tilespmem:s7], [sflag:$0x4], $0x8000, $0x38;
	[tilespmem:$0x1A000] =	vst v63  }
0x28c: {  	s0 =	rddreg [dreg:$0xf]  }
0x28d: {  	s0 =	sadd.s32 $0x3, s0  }
0x28e: {  	s7 =	rddreg [dreg:$0x0];
	s26 =	simm.s32 $0x80;
	s2 =	sshll.u32 s0, $0x4  }
0x28f: {  	s28 =	simm.s32 $0x400;
	s0 =	sshll.u32 s0, $0x9;
	s2 =	sand.u32 $0x70, s2  }
.Ltmp11:
0x290: {  	s0 =	sand.u32 $0x7000, s0;
	s2 =	sadd.s32 s7, s2;
	(pc) =	sbr.rel .LBB2_2-.Ltmp11, $4  }
0x291: {  	s8 =	simm.s32 $0x1000;
	s29 =	rddreg [dreg:$0xe];
	s0 =	sadd.s32 s0, s2  }
0x292: {  	[tilespmem:s8], [sflag:$0x2] =	stream.strided.gather [hbm4b:s0+s26], $0x1000, s28, s26, $0x38;
	[tilespmem:$0x1A000] =	vst v63  }
0x293: {  	s0 =	sadd.s32 $0x1, s29  }
0x294: {  	s30 =	simm.s32 $0x2400;
	[dreg:$0xe] =	wrdreg s0  }
.LBB2_21:
0x295: {  	_ =	sfence.sel $0x180000  }
0x296: {  	[bflag:$0x0] =	sbarrier.arrive $0xFFFF  }
0x297: {  	_ =	strace $0x90000047  }
0x298: {  	s0 =	stileid.u32;
	[bflag:$0x2] =	sbarrier.arrive $0xFFFF  }
0x299: {  	p0 =	sne.s32 s0, $0x0;
	s0 =	rddreg [dreg:$0x3]  }
0x29a: {  	s0 =	sadd.s32 @!p0 $0x100000, s0  }
0x29b: {  	[sflag:s0] =	ssyncadd.tile.s32 @!p0 $0x1;
	_ =	shalt  }
.Lfunc_end2:
_tile_overlayer_lowered:
.L_overlay_start_2:
0x29c: {  	(tag) =	ssettag $0x2  }
0x29d: {  	s0 =	rddreg [dreg:$0x0];
	s2 =	stileid.u32  }
0x29e: {  	s1 =	rddreg [dreg:$0x1];
	p0 =	sne.s32 s2, $0x0  }
0x29f: {  	s3 =	rddreg [dreg:$0x2];
	[bflag:$0x3] =	sbarrier.arrive $0xFFFF;
	s2 =	simm.s32 @!p0 $0x1C06  }
0x2a0: {  	[timem:s3], [sflag:s2] =	dma.local @!p0 [hbm:s0], s1  }
0x2a1: {  	s0 =	simm.s32 @!p0 $0x6  }
0x2a2: {  	_ =	swait.ge @!p0 [sflag:s0], s1  }
0x2a3: {  	s1 =	ssub.s32 @!p0 $0x0, s1;
	[sflag:s0] =	ssyncset.done @!p0 $0x0  }
0x2a4: {  	[sflag:s0] =	ssyncadd.s32 @!p0 s1  }
0x2a5: {  	[bflag:$0x3] =	sbarrier.arrive $0xFFFF  }
0x2a6: {  	_ =	shalt  }

</sc_bundles>
